<compile_context>
chip_gen: v7x
topology: tpu7x:2x2x1
jax: 0.10.2.dev20260603
libtpu: 0.0.44.dev20260713+nightly
codegen_flags: <defaults>
</compile_context>

<pallas_src>
import functools

import jax
import jax.numpy as jnp
from jax import lax
from jax.experimental import pallas as pl
from jax.experimental.pallas import tpu as pltpu
from jax.experimental.pallas import tpu_sc as plsc

L = 16


@functools.cache
def _make_gather(B: int, H: int, V: int, D: int):
    info = plsc.get_sparse_core_info()
    nc, ns = info.num_cores, info.num_subcores
    nw = nc * ns
    nb = B // nw
    nbt = nb // 128
    dt, di = D // 8, 8
    assert nb * nw == B and nbt * 128 == nb
    mesh = plsc.VectorSubcoreMesh(core_axis_name="c", subcore_axis_name="s")

    @functools.partial(
        pl.kernel,
        mesh=mesh,
        out_type=jax.ShapeDtypeStruct((H, dt, B // 128, di, 128), jnp.float32),
        compiler_params=pltpu.CompilerParams(
            use_tc_tiling_on_sc=False, needs_layout_passes=False,
            disable_bounds_checks=True),
        scratch_types=[
            pltpu.VMEM((V * D * 8,), jnp.float32),
            pltpu.VMEM((nb * H,), jnp.int32),
            pltpu.VMEM((2, dt, nbt, di, 128), jnp.float32),
            pltpu.SemaphoreType.DMA((2,)),
        ],
    )
    def gather_kernel(tab8_hbm, idx_hbm, out_hbm, tab8_v, idx_v, stg_v, ssem):
        cid = lax.axis_index("c")
        sid = lax.axis_index("s")
        wid = sid * nc + cid

        pltpu.sync_copy(tab8_hbm, tab8_v)
        pltpu.sync_copy(idx_hbm.at[pl.ds(wid * nb * H, nb * H)], idx_v)

        iota = lax.iota(jnp.int32, L)
        iota8 = lax.rem(iota, jnp.full((L,), 8, jnp.int32))
        iota_h = iota * H

        def store_dst(h):
            return out_hbm.at[h, :, pl.ds(wid * nbt, nbt)]

        def start_store(p, h):
            pltpu.async_copy(stg_v.at[p], store_dst(h), ssem.at[p])

        def wait_store(p, h):
            pltpu.make_async_copy(stg_v.at[p], store_dst(h),
                                  ssem.at[p]).wait()

        def produce(p, h):
            @plsc.parallel_loop(0, nbt * (128 // L), 1, unroll=4)
            def _(c):
                btl = lax.shift_right_logical(c, 3)
                g = lax.bitwise_and(c, 7)
                t0 = btl * 128 + g * L
                idxvals = plsc.load_gather(idx_v, [iota_h + (t0 * H + h)])
                base = idxvals * (D * 8) + iota8
                for d in range(D):
                    vals = plsc.load_gather(tab8_v, [base + d * 8])
                    stg_v[p, d // di, btl, d % di, pl.ds(g * L, L)] = vals

        def block(j, carry):
            for p in range(2):
                h = 2 * j + p

                @pl.when(j > 0)
                def _():
                    wait_store(p, h - 2)

                produce(p, h)
                start_store(p, h)
            return carry

        lax.fori_loop(0, H // 2, block, 0)
        wait_store(0, H - 2)
        wait_store(1, H - 1)

    return gather_kernel


def kernel(inputs, table):
    batch, hist = inputs.shape
    rows, dim = table.shape
    flat_idx = inputs.reshape(batch * hist)
    table_8 = jnp.tile(table.reshape(rows * dim, 1), (1, 8)).reshape(-1)
    out5 = _make_gather(batch, hist, rows, dim)(table_8, flat_idx)
    out = jnp.transpose(out5, (2, 4, 0, 1, 3))
    return out.reshape(batch, hist, dim)

# --- scband reference (transcript-rebuilt; emitter-appended) ---
"""Pipeline reference for scband-operator-model-6476810682585 (READ-ONLY COPY).

The authoritative reference and input builder live on the scoring server;
editing this copy changes nothing except your own understanding.
"""

import jax, jax.numpy as jnp
import numpy as np

VOCAB = 256  # unique operator names
TABLE_ROWS = VOCAB + 1  # StringLookup reserves index 0 for OOV (num_oov_indices=1)
EMBED_DIM = 32
BATCH = 16384
HIST = 50


def setup_inputs(seed: int = 0) -> dict:
    key = jax.random.key(seed)
    k1, k2 = jax.random.split(key)
    # StringLookup maps each string to an integer id in [0, VOCAB+1);
    # we model the post-lookup integer ids directly (0 == OOV bucket).
    inputs = jax.random.randint(k1, (BATCH, HIST), 0, TABLE_ROWS, dtype=jnp.int32)
    # Embedding table: Embedding(len(vocab)+1, 32), uniform init like keras default
    table = jax.random.uniform(k2, (TABLE_ROWS, EMBED_DIM), dtype=jnp.float32, minval=-0.05, maxval=0.05)
    return {"inputs": inputs, "table": table}


def reference(inputs, table):
    # StringLookup -> integer ids (precomputed in setup_inputs), then Embedding gather
    return jnp.take(table, inputs, axis=0)

if __name__ == "__main__":
    import jax
    _d = setup_inputs()
    print(jax.jit(kernel)(*tuple(_d.values())))

</pallas_src>

<mosaic_0001>
#map = affine_map<(d0, d1) -> (0)>
#map1 = affine_map<(d0, d1) -> (0, 0, 0, 0, 0)>
module attributes {stable_mosaic.version = 14 : i64} {
  func.func @gather_kernel(%arg0: i32, %arg1: i32, %arg2: memref<65792xf32, #tpu.memory_space<hbm>>, %arg3: memref<819200xi32, #tpu.memory_space<hbm>>, %arg4: memref<50x4x128x8x128xf32, #tpu.memory_space<hbm>>, %arg5: memref<65792xf32, #tpu.memory_space<vmem>>, %arg6: memref<25600xi32, #tpu.memory_space<vmem>>, %arg7: memref<2x4x4x8x128xf32, #tpu.memory_space<vmem>>, %arg8: memref<2x!tpu.dma_semaphore, #tpu.memory_space<semaphore_mem>>) attributes {dimension_semantics = [#tpu.dimension_semantics<core_parallel>, #tpu.dimension_semantics<subcore_parallel>], iteration_bounds = array<i64: 2, 16>, scalar_prefetch = 0 : i64, scratch_operands = 4 : i64, tpu.core_type = #tpu.core_type<sc_vector_subcore>, window_params = [{transform_indices = #map}, {transform_indices = #map}, {transform_indices = #map1}]} {
    %mul3A = arith.constant 2 : i32
    %mul3A_0 = arith.muli %arg1, %mul3A : i32
    %add3A = arith.addi %mul3A_0, %arg0 : i32
    "tpu.region"() ({
      %run_scoped3A = tpu.sem_alloc : memref<!tpu.dma_semaphore, #tpu.memory_space<semaphore_mem>>
      tpu.enqueue_dma source(%arg2 : memref<65792xf32, #tpu.memory_space<hbm>>) target(%arg5 : memref<65792xf32, #tpu.memory_space<vmem>>) target_semaphore(%run_scoped3A : memref<!tpu.dma_semaphore, #tpu.memory_space<semaphore_mem>>)
      tpu.wait_dma2 semaphore(%run_scoped3A : memref<!tpu.dma_semaphore, #tpu.memory_space<semaphore_mem>>) src(%arg2 : memref<65792xf32, #tpu.memory_space<hbm>>) dst(%arg5 : memref<65792xf32, #tpu.memory_space<vmem>>)
      tpu.yield
    }) : () -> ()
    %mul3A_1 = arith.constant 512 : i32
    %mul3A_2 = arith.muli %add3A, %mul3A_1 : i32
    %mul3A_3 = arith.constant 50 : i32
    %mul3A_4 = arith.muli %mul3A_2, %mul3A_3 : i32
    "tpu.region"() ({
      %run_scoped3A = tpu.sem_alloc : memref<!tpu.dma_semaphore, #tpu.memory_space<semaphore_mem>>
      %dma_start3A = tpu.memref_slice %arg3[%mul3A_4] : memref<819200xi32, #tpu.memory_space<hbm>> -> memref<25600xi32, #tpu.memory_space<hbm>>
      %dma_start3A_71 = tpu.memref_slice %arg3[%mul3A_4] : memref<819200xi32, #tpu.memory_space<hbm>> -> memref<25600xi32, #tpu.memory_space<hbm>>
      tpu.enqueue_dma source(%dma_start3A_71 : memref<25600xi32, #tpu.memory_space<hbm>>) target(%arg6 : memref<25600xi32, #tpu.memory_space<vmem>>) target_semaphore(%run_scoped3A : memref<!tpu.dma_semaphore, #tpu.memory_space<semaphore_mem>>)
      %dma_wait3A_72 = tpu.memref_slice %arg3[%mul3A_4] : memref<819200xi32, #tpu.memory_space<hbm>> -> memref<25600xi32, #tpu.memory_space<hbm>>
      %dma_wait3A_73 = tpu.memref_slice %arg3[%mul3A_4] : memref<819200xi32, #tpu.memory_space<hbm>> -> memref<25600xi32, #tpu.memory_space<hbm>>
      tpu.wait_dma2 semaphore(%run_scoped3A : memref<!tpu.dma_semaphore, #tpu.memory_space<semaphore_mem>>) src(%dma_wait3A_73 : memref<25600xi32, #tpu.memory_space<hbm>>) dst(%arg6 : memref<25600xi32, #tpu.memory_space<vmem>>)
      tpu.yield
    }) : () -> ()
    %iota3A = tpu.iota {dimensions = array<i32: 0>} : vector<16xi32>
    %broadcast_in_dim3A = arith.constant 8 : i32
    %broadcast_in_dim3A_5 = vector.broadcast %broadcast_in_dim3A : i32 to vector<16xi32>
    %rem3A = arith.remsi %iota3A, %broadcast_in_dim3A_5 : vector<16xi32>
    %mul3A_6 = arith.constant 50 : i32
    %mul3A_7 = vector.broadcast %mul3A_6 : i32 to vector<16xi32>
    %mul3A_8 = arith.muli %iota3A, %mul3A_7 : vector<16xi32>
    %scan3A = arith.constant 0 : i32
    %scan3A_9 = arith.constant 0 : i32
    %scan3A_10 = arith.constant 25 : i32
    %scan3A_11 = arith.addi %scan3A_9, %scan3A_10 : i32
    %scan3A_12 = arith.constant 1 : i32
    scf.for %scan3A_71 = %scan3A_9 to %scan3A_11 step %scan3A_12  : i32 {
      %mul3A_72 = arith.constant 2 : i32
      %mul3A_73 = arith.muli %mul3A_72, %scan3A_71 : i32
      %add3A_74 = arith.constant 0 : i32
      %add3A_75 = arith.addi %mul3A_73, %add3A_74 : i32
      %gt3A = arith.constant 0 : i32
      %gt3A_76 = arith.cmpi sgt, %scan3A_71, %gt3A : i32
      %convert_element_type3A = arith.extui %gt3A_76 : i1 to i32
      %cond3A = arith.constant 0 : i32
      %cond3A_77 = arith.cmpi ne, %convert_element_type3A, %cond3A : i32
      scf.if %cond3A_77 {
        %sub3A = arith.constant 2 : i32
        %sub3A_147 = arith.subi %add3A_75, %sub3A : i32
        %mul3A_148 = arith.constant 4 : i32
        %mul3A_149 = arith.muli %add3A, %mul3A_148 : i32
        %dma_wait3A_150 = arith.constant 0 : i32
        %dma_wait3A_151 = arith.constant 0 : i32
        %dma_wait3A_152 = arith.constant 0 : i32
        %dma_wait3A_153 = arith.constant 0 : i32
        %dma_wait3A_154 = arith.constant 0 : i32
        %dma_wait3A_155 = arith.constant 0 : i32
        %dma_wait3A_156 = tpu.memref_slice %arg7[%dma_wait3A_150, %dma_wait3A_152, %dma_wait3A_153, %dma_wait3A_154, %dma_wait3A_155] : memref<2x4x4x8x128xf32, #tpu.memory_space<vmem>> -> memref<1x4x4x8x128xf32, #tpu.memory_space<vmem>>
        %dma_wait3A_157 = tpu.memref_squeeze %dma_wait3A_156 : memref<1x4x4x8x128xf32, #tpu.memory_space<vmem>> -> memref<4x4x8x128xf32, #tpu.memory_space<vmem>>
        %dma_wait3A_158 = arith.constant 0 : i32
        %dma_wait3A_159 = arith.constant 0 : i32
        %dma_wait3A_160 = arith.constant 0 : i32
        %dma_wait3A_161 = tpu.memref_slice %arg4[%sub3A_147, %dma_wait3A_158, %mul3A_149, %dma_wait3A_159, %dma_wait3A_160] : memref<50x4x128x8x128xf32, #tpu.memory_space<hbm>> -> memref<1x4x4x8x128xf32, #tpu.memory_space<hbm>>
        %dma_wait3A_162 = tpu.memref_squeeze %dma_wait3A_161 : memref<1x4x4x8x128xf32, #tpu.memory_space<hbm>> -> memref<4x4x8x128xf32, #tpu.memory_space<hbm>>
        %dma_wait3A_163 = tpu.memref_slice %arg8[%dma_wait3A_151] : memref<2x!tpu.dma_semaphore, #tpu.memory_space<semaphore_mem>> -> memref<1x!tpu.dma_semaphore, #tpu.memory_space<semaphore_mem>>
        %dma_wait3A_164 = tpu.memref_squeeze %dma_wait3A_163 : memref<1x!tpu.dma_semaphore, #tpu.memory_space<semaphore_mem>> -> memref<!tpu.dma_semaphore, #tpu.memory_space<semaphore_mem>>
        %dma_wait3A_165 = arith.constant 0 : i32
        %dma_wait3A_166 = arith.constant 0 : i32
        %dma_wait3A_167 = arith.constant 0 : i32
        %dma_wait3A_168 = tpu.memref_slice %arg4[%sub3A_147, %dma_wait3A_165, %mul3A_149, %dma_wait3A_166, %dma_wait3A_167] : memref<50x4x128x8x128xf32, #tpu.memory_space<hbm>> -> memref<1x4x4x8x128xf32, #tpu.memory_space<hbm>>
        %dma_wait3A_169 = tpu.memref_squeeze %dma_wait3A_168 : memref<1x4x4x8x128xf32, #tpu.memory_space<hbm>> -> memref<4x4x8x128xf32, #tpu.memory_space<hbm>>
        %dma_wait3A_170 = arith.constant 0 : i32
        %dma_wait3A_171 = arith.constant 0 : i32
        %dma_wait3A_172 = arith.constant 0 : i32
        %dma_wait3A_173 = arith.constant 0 : i32
        %dma_wait3A_174 = tpu.memref_slice %arg7[%dma_wait3A_150, %dma_wait3A_170, %dma_wait3A_171, %dma_wait3A_172, %dma_wait3A_173] : memref<2x4x4x8x128xf32, #tpu.memory_space<vmem>> -> memref<1x4x4x8x128xf32, #tpu.memory_space<vmem>>
        %dma_wait3A_175 = tpu.memref_squeeze %dma_wait3A_174 : memref<1x4x4x8x128xf32, #tpu.memory_space<vmem>> -> memref<4x4x8x128xf32, #tpu.memory_space<vmem>>
        tpu.wait_dma2 semaphore(%dma_wait3A_164 : memref<!tpu.dma_semaphore, #tpu.memory_space<semaphore_mem>>) src(%dma_wait3A_175 : memref<4x4x8x128xf32, #tpu.memory_space<vmem>>) dst(%dma_wait3A_169 : memref<4x4x8x128xf32, #tpu.memory_space<hbm>>)
      } else {
      }
      %parallel_loop3A = arith.constant 0 : i32
      %parallel_loop3A_78 = arith.constant 32 : i32
      %parallel_loop3A_79 = arith.constant 1 : i32
      scf.for %parallel_loop3A_147 = %parallel_loop3A to %parallel_loop3A_78 step %parallel_loop3A_79  : i32 {
        %parallel_loop3A_148 = arith.constant 3 : i32
        %parallel_loop3A_149 = arith.shrui %parallel_loop3A_147, %parallel_loop3A_148 : i32
        %parallel_loop3A_150 = arith.constant 7 : i32
        %parallel_loop3A_151 = arith.andi %parallel_loop3A_147, %parallel_loop3A_150 : i32
        %parallel_loop3A_152 = arith.constant 128 : i32
        %parallel_loop3A_153 = arith.muli %parallel_loop3A_149, %parallel_loop3A_152 : i32
        %parallel_loop3A_154 = arith.constant 16 : i32
        %parallel_loop3A_155 = arith.muli %parallel_loop3A_151, %parallel_loop3A_154 : i32
        %parallel_loop3A_156 = arith.addi %parallel_loop3A_153, %parallel_loop3A_155 : i32
        %parallel_loop3A_157 = arith.constant 50 : i32
        %parallel_loop3A_158 = arith.muli %parallel_loop3A_156, %parallel_loop3A_157 : i32
        %parallel_loop3A_159 = arith.addi %parallel_loop3A_158, %add3A_75 : i32
        %parallel_loop3A_160 = vector.broadcast %parallel_loop3A_159 : i32 to vector<16xi32>
        %parallel_loop3A_161 = arith.addi %mul3A_8, %parallel_loop3A_160 : vector<16xi32>
        %parallel_loop3A_162 = tpu.vector_load_idx %arg6[%parallel_loop3A_161] : memref<25600xi32, #tpu.memory_space<vmem>>[vector<16xi32>], vector<16xi32>,
        %parallel_loop3A_163 = arith.constant 256 : i32
        %parallel_loop3A_164 = vector.broadcast %parallel_loop3A_163 : i32 to vector<16xi32>
        %parallel_loop3A_165 = arith.muli %parallel_loop3A_162, %parallel_loop3A_164 : vector<16xi32>
        %parallel_loop3A_166 = arith.addi %parallel_loop3A_165, %rem3A : vector<16xi32>
        %parallel_loop3A_167 = arith.constant 0 : i32
        %parallel_loop3A_168 = vector.broadcast %parallel_loop3A_167 : i32 to vector<16xi32>
        %parallel_loop3A_169 = arith.addi %parallel_loop3A_166, %parallel_loop3A_168 : vector<16xi32>
        %parallel_loop3A_170 = tpu.vector_load_idx %arg5[%parallel_loop3A_169] : memref<65792xf32, #tpu.memory_space<vmem>>[vector<16xi32>], vector<16xf32>,
        %parallel_loop3A_171 = arith.constant 16 : i32
        %parallel_loop3A_172 = arith.muli %parallel_loop3A_151, %parallel_loop3A_171 : i32
        %parallel_loop3A_173 = arith.constant 0 : i32
        %parallel_loop3A_174 = arith.constant 0 : i32
        %parallel_loop3A_175 = arith.constant 0 : i32
        %parallel_loop3A_176 = arith.index_cast %parallel_loop3A_173 : i32 to index
        %parallel_loop3A_177 = arith.index_cast %parallel_loop3A_174 : i32 to index
        %parallel_loop3A_178 = arith.index_cast %parallel_loop3A_149 : i32 to index
        %parallel_loop3A_179 = arith.index_cast %parallel_loop3A_175 : i32 to index
        %parallel_loop3A_180 = arith.index_cast %parallel_loop3A_172 : i32 to index
        %parallel_loop3A_181 = tpu.vector_load %arg7[%parallel_loop3A_176, %parallel_loop3A_177, %parallel_loop3A_178, %parallel_loop3A_179, %parallel_loop3A_180] {strides = array<i32>} : memref<2x4x4x8x128xf32, #tpu.memory_space<vmem>>, vector<16xf32>,
        tpu.vector_store %arg7[%parallel_loop3A_176, %parallel_loop3A_177, %parallel_loop3A_178, %parallel_loop3A_179, %parallel_loop3A_180], %parallel_loop3A_170 {strides = array<i32>} : memref<2x4x4x8x128xf32, #tpu.memory_space<vmem>>, vector<16xf32>,
        %parallel_loop3A_182 = arith.constant 8 : i32
        %parallel_loop3A_183 = vector.broadcast %parallel_loop3A_182 : i32 to vector<16xi32>
        %parallel_loop3A_184 = arith.addi %parallel_loop3A_166, %parallel_loop3A_183 : vector<16xi32>
        %parallel_loop3A_185 = tpu.vector_load_idx %arg5[%parallel_loop3A_184] : memref<65792xf32, #tpu.memory_space<vmem>>[vector<16xi32>], vector<16xf32>,
        %parallel_loop3A_186 = arith.constant 16 : i32
        %parallel_loop3A_187 = arith.muli %parallel_loop3A_151, %parallel_loop3A_186 : i32
        %parallel_loop3A_188 = arith.constant 0 : i32
        %parallel_loop3A_189 = arith.constant 0 : i32
        %parallel_loop3A_190 = arith.constant 1 : i32
        %parallel_loop3A_191 = arith.index_cast %parallel_loop3A_188 : i32 to index
        %parallel_loop3A_192 = arith.index_cast %parallel_loop3A_189 : i32 to index
        %parallel_loop3A_193 = arith.index_cast %parallel_loop3A_149 : i32 to index
        %parallel_loop3A_194 = arith.index_cast %parallel_loop3A_190 : i32 to index
        %parallel_loop3A_195 = arith.index_cast %parallel_loop3A_187 : i32 to index
        %parallel_loop3A_196 = tpu.vector_load %arg7[%parallel_loop3A_191, %parallel_loop3A_192, %parallel_loop3A_193, %parallel_loop3A_194, %parallel_loop3A_195] {strides = array<i32>} : memref<2x4x4x8x128xf32, #tpu.memory_space<vmem>>, vector<16xf32>,
        tpu.vector_store %arg7[%parallel_loop3A_191, %parallel_loop3A_192, %parallel_loop3A_193, %parallel_loop3A_194, %parallel_loop3A_195], %parallel_loop3A_185 {strides = array<i32>} : memref<2x4x4x8x128xf32, #tpu.memory_space<vmem>>, vector<16xf32>,
        %parallel_loop3A_197 = arith.constant 16 : i32
        %parallel_loop3A_198 = vector.broadcast %parallel_loop3A_197 : i32 to vector<16xi32>
        %parallel_loop3A_199 = arith.addi %parallel_loop3A_166, %parallel_loop3A_198 : vector<16xi32>
        %parallel_loop3A_200 = tpu.vector_load_idx %arg5[%parallel_loop3A_199] : memref<65792xf32, #tpu.memory_space<vmem>>[vector<16xi32>], vector<16xf32>,
        %parallel_loop3A_201 = arith.constant 16 : i32
        %parallel_loop3A_202 = arith.muli %parallel_loop3A_151, %parallel_loop3A_201 : i32
        %parallel_loop3A_203 = arith.constant 0 : i32
        %parallel_loop3A_204 = arith.constant 0 : i32
        %parallel_loop3A_205 = arith.constant 2 : i32
        %parallel_loop3A_206 = arith.index_cast %parallel_loop3A_203 : i32 to index
        %parallel_loop3A_207 = arith.index_cast %parallel_loop3A_204 : i32 to index
        %parallel_loop3A_208 = arith.index_cast %parallel_loop3A_149 : i32 to index
        %parallel_loop3A_209 = arith.index_cast %parallel_loop3A_205 : i32 to index
        %parallel_loop3A_210 = arith.index_cast %parallel_loop3A_202 : i32 to index
        %parallel_loop3A_211 = tpu.vector_load %arg7[%parallel_loop3A_206, %parallel_loop3A_207, %parallel_loop3A_208, %parallel_loop3A_209, %parallel_loop3A_210] {strides = array<i32>} : memref<2x4x4x8x128xf32, #tpu.memory_space<vmem>>, vector<16xf32>,
        tpu.vector_store %arg7[%parallel_loop3A_206, %parallel_loop3A_207, %parallel_loop3A_208, %parallel_loop3A_209, %parallel_loop3A_210], %parallel_loop3A_200 {strides = array<i32>} : memref<2x4x4x8x128xf32, #tpu.memory_space<vmem>>, vector<16xf32>,
        %parallel_loop3A_212 = arith.constant 24 : i32
        %parallel_loop3A_213 = vector.broadcast %parallel_loop3A_212 : i32 to vector<16xi32>
        %parallel_loop3A_214 = arith.addi %parallel_loop3A_166, %parallel_loop3A_213 : vector<16xi32>
        %parallel_loop3A_215 = tpu.vector_load_idx %arg5[%parallel_loop3A_214] : memref<65792xf32, #tpu.memory_space<vmem>>[vector<16xi32>], vector<16xf32>,
        %parallel_loop3A_216 = arith.constant 16 : i32
        %parallel_loop3A_217 = arith.muli %parallel_loop3A_151, %parallel_loop3A_216 : i32
        %parallel_loop3A_218 = arith.constant 0 : i32
        %parallel_loop3A_219 = arith.constant 0 : i32
        %parallel_loop3A_220 = arith.constant 3 : i32
        %parallel_loop3A_221 = arith.index_cast %parallel_loop3A_218 : i32 to index
        %parallel_loop3A_222 = arith.index_cast %parallel_loop3A_219 : i32 to index
        %parallel_loop3A_223 = arith.index_cast %parallel_loop3A_149 : i32 to index
        %parallel_loop3A_224 = arith.index_cast %parallel_loop3A_220 : i32 to index
        %parallel_loop3A_225 = arith.index_cast %parallel_loop3A_217 : i32 to index
        %parallel_loop3A_226 = tpu.vector_load %arg7[%parallel_loop3A_221, %parallel_loop3A_222, %parallel_loop3A_223, %parallel_loop3A_224, %parallel_loop3A_225] {strides = array<i32>} : memref<2x4x4x8x128xf32, #tpu.memory_space<vmem>>, vector<16xf32>,
        tpu.vector_store %arg7[%parallel_loop3A_221, %parallel_loop3A_222, %parallel_loop3A_223, %parallel_loop3A_224, %parallel_loop3A_225], %parallel_loop3A_215 {strides = array<i32>} : memref<2x4x4x8x128xf32, #tpu.memory_space<vmem>>, vector<16xf32>,
        %parallel_loop3A_227 = arith.constant 32 : i32
        %parallel_loop3A_228 = vector.broadcast %parallel_loop3A_227 : i32 to vector<16xi32>
        %parallel_loop3A_229 = arith.addi %parallel_loop3A_166, %parallel_loop3A_228 : vector<16xi32>
        %parallel_loop3A_230 = tpu.vector_load_idx %arg5[%parallel_loop3A_229] : memref<65792xf32, #tpu.memory_space<vmem>>[vector<16xi32>], vector<16xf32>,
        %parallel_loop3A_231 = arith.constant 16 : i32
        %parallel_loop3A_232 = arith.muli %parallel_loop3A_151, %parallel_loop3A_231 : i32
        %parallel_loop3A_233 = arith.constant 0 : i32
        %parallel_loop3A_234 = arith.constant 0 : i32
        %parallel_loop3A_235 = arith.constant 4 : i32
        %parallel_loop3A_236 = arith.index_cast %parallel_loop3A_233 : i32 to index
        %parallel_loop3A_237 = arith.index_cast %parallel_loop3A_234 : i32 to index
        %parallel_loop3A_238 = arith.index_cast %parallel_loop3A_149 : i32 to index
        %parallel_loop3A_239 = arith.index_cast %parallel_loop3A_235 : i32 to index
        %parallel_loop3A_240 = arith.index_cast %parallel_loop3A_232 : i32 to index
        %parallel_loop3A_241 = tpu.vector_load %arg7[%parallel_loop3A_236, %parallel_loop3A_237, %parallel_loop3A_238, %parallel_loop3A_239, %parallel_loop3A_240] {strides = array<i32>} : memref<2x4x4x8x128xf32, #tpu.memory_space<vmem>>, vector<16xf32>,
        tpu.vector_store %arg7[%parallel_loop3A_236, %parallel_loop3A_237, %parallel_loop3A_238, %parallel_loop3A_239, %parallel_loop3A_240], %parallel_loop3A_230 {strides = array<i32>} : memref<2x4x4x8x128xf32, #tpu.memory_space<vmem>>, vector<16xf32>,
        %parallel_loop3A_242 = arith.constant 40 : i32
        %parallel_loop3A_243 = vector.broadcast %parallel_loop3A_242 : i32 to vector<16xi32>
        %parallel_loop3A_244 = arith.addi %parallel_loop3A_166, %parallel_loop3A_243 : vector<16xi32>
        %parallel_loop3A_245 = tpu.vector_load_idx %arg5[%parallel_loop3A_244] : memref<65792xf32, #tpu.memory_space<vmem>>[vector<16xi32>], vector<16xf32>,
        %parallel_loop3A_246 = arith.constant 16 : i32
        %parallel_loop3A_247 = arith.muli %parallel_loop3A_151, %parallel_loop3A_246 : i32
        %parallel_loop3A_248 = arith.constant 0 : i32
        %parallel_loop3A_249 = arith.constant 0 : i32
        %parallel_loop3A_250 = arith.constant 5 : i32
        %parallel_loop3A_251 = arith.index_cast %parallel_loop3A_248 : i32 to index
        %parallel_loop3A_252 = arith.index_cast %parallel_loop3A_249 : i32 to index
        %parallel_loop3A_253 = arith.index_cast %parallel_loop3A_149 : i32 to index
        %parallel_loop3A_254 = arith.index_cast %parallel_loop3A_250 : i32 to index
        %parallel_loop3A_255 = arith.index_cast %parallel_loop3A_247 : i32 to index
        %parallel_loop3A_256 = tpu.vector_load %arg7[%parallel_loop3A_251, %parallel_loop3A_252, %parallel_loop3A_253, %parallel_loop3A_254, %parallel_loop3A_255] {strides = array<i32>} : memref<2x4x4x8x128xf32, #tpu.memory_space<vmem>>, vector<16xf32>,
        tpu.vector_store %arg7[%parallel_loop3A_251, %parallel_loop3A_252, %parallel_loop3A_253, %parallel_loop3A_254, %parallel_loop3A_255], %parallel_loop3A_245 {strides = array<i32>} : memref<2x4x4x8x128xf32, #tpu.memory_space<vmem>>, vector<16xf32>,
        %parallel_loop3A_257 = arith.constant 48 : i32
        %parallel_loop3A_258 = vector.broadcast %parallel_loop3A_257 : i32 to vector<16xi32>
        %parallel_loop3A_259 = arith.addi %parallel_loop3A_166, %parallel_loop3A_258 : vector<16xi32>
        %parallel_loop3A_260 = tpu.vector_load_idx %arg5[%parallel_loop3A_259] : memref<65792xf32, #tpu.memory_space<vmem>>[vector<16xi32>], vector<16xf32>,
        %parallel_loop3A_261 = arith.constant 16 : i32
        %parallel_loop3A_262 = arith.muli %parallel_loop3A_151, %parallel_loop3A_261 : i32
        %parallel_loop3A_263 = arith.constant 0 : i32
        %parallel_loop3A_264 = arith.constant 0 : i32
        %parallel_loop3A_265 = arith.constant 6 : i32
        %parallel_loop3A_266 = arith.index_cast %parallel_loop3A_263 : i32 to index
        %parallel_loop3A_267 = arith.index_cast %parallel_loop3A_264 : i32 to index
        %parallel_loop3A_268 = arith.index_cast %parallel_loop3A_149 : i32 to index
        %parallel_loop3A_269 = arith.index_cast %parallel_loop3A_265 : i32 to index
        %parallel_loop3A_270 = arith.index_cast %parallel_loop3A_262 : i32 to index
        %parallel_loop3A_271 = tpu.vector_load %arg7[%parallel_loop3A_266, %parallel_loop3A_267, %parallel_loop3A_268, %parallel_loop3A_269, %parallel_loop3A_270] {strides = array<i32>} : memref<2x4x4x8x128xf32, #tpu.memory_space<vmem>>, vector<16xf32>,
        tpu.vector_store %arg7[%parallel_loop3A_266, %parallel_loop3A_267, %parallel_loop3A_268, %parallel_loop3A_269, %parallel_loop3A_270], %parallel_loop3A_260 {strides = array<i32>} : memref<2x4x4x8x128xf32, #tpu.memory_space<vmem>>, vector<16xf32>,
        %parallel_loop3A_272 = arith.constant 56 : i32
        %parallel_loop3A_273 = vector.broadcast %parallel_loop3A_272 : i32 to vector<16xi32>
        %parallel_loop3A_274 = arith.addi %parallel_loop3A_166, %parallel_loop3A_273 : vector<16xi32>
        %parallel_loop3A_275 = tpu.vector_load_idx %arg5[%parallel_loop3A_274] : memref<65792xf32, #tpu.memory_space<vmem>>[vector<16xi32>], vector<16xf32>,
        %parallel_loop3A_276 = arith.constant 16 : i32
        %parallel_loop3A_277 = arith.muli %parallel_loop3A_151, %parallel_loop3A_276 : i32
        %parallel_loop3A_278 = arith.constant 0 : i32
        %parallel_loop3A_279 = arith.constant 0 : i32
        %parallel_loop3A_280 = arith.constant 7 : i32
        %parallel_loop3A_281 = arith.index_cast %parallel_loop3A_278 : i32 to index
        %parallel_loop3A_282 = arith.index_cast %parallel_loop3A_279 : i32 to index
        %parallel_loop3A_283 = arith.index_cast %parallel_loop3A_149 : i32 to index
        %parallel_loop3A_284 = arith.index_cast %parallel_loop3A_280 : i32 to index
        %parallel_loop3A_285 = arith.index_cast %parallel_loop3A_277 : i32 to index
        %parallel_loop3A_286 = tpu.vector_load %arg7[%parallel_loop3A_281, %parallel_loop3A_282, %parallel_loop3A_283, %parallel_loop3A_284, %parallel_loop3A_285] {strides = array<i32>} : memref<2x4x4x8x128xf32, #tpu.memory_space<vmem>>, vector<16xf32>,
        tpu.vector_store %arg7[%parallel_loop3A_281, %parallel_loop3A_282, %parallel_loop3A_283, %parallel_loop3A_284, %parallel_loop3A_285], %parallel_loop3A_275 {strides = array<i32>} : memref<2x4x4x8x128xf32, #tpu.memory_space<vmem>>, vector<16xf32>,
        %parallel_loop3A_287 = arith.constant 64 : i32
        %parallel_loop3A_288 = vector.broadcast %parallel_loop3A_287 : i32 to vector<16xi32>
        %parallel_loop3A_289 = arith.addi %parallel_loop3A_166, %parallel_loop3A_288 : vector<16xi32>
        %parallel_loop3A_290 = tpu.vector_load_idx %arg5[%parallel_loop3A_289] : memref<65792xf32, #tpu.memory_space<vmem>>[vector<16xi32>], vector<16xf32>,
        %parallel_loop3A_291 = arith.constant 16 : i32
        %parallel_loop3A_292 = arith.muli %parallel_loop3A_151, %parallel_loop3A_291 : i32
        %parallel_loop3A_293 = arith.constant 0 : i32
        %parallel_loop3A_294 = arith.constant 1 : i32
        %parallel_loop3A_295 = arith.constant 0 : i32
        %parallel_loop3A_296 = arith.index_cast %parallel_loop3A_293 : i32 to index
        %parallel_loop3A_297 = arith.index_cast %parallel_loop3A_294 : i32 to index
        %parallel_loop3A_298 = arith.index_cast %parallel_loop3A_149 : i32 to index
        %parallel_loop3A_299 = arith.index_cast %parallel_loop3A_295 : i32 to index
        %parallel_loop3A_300 = arith.index_cast %parallel_loop3A_292 : i32 to index
        %parallel_loop3A_301 = tpu.vector_load %arg7[%parallel_loop3A_296, %parallel_loop3A_297, %parallel_loop3A_298, %parallel_loop3A_299, %parallel_loop3A_300] {strides = array<i32>} : memref<2x4x4x8x128xf32, #tpu.memory_space<vmem>>, vector<16xf32>,
        tpu.vector_store %arg7[%parallel_loop3A_296, %parallel_loop3A_297, %parallel_loop3A_298, %parallel_loop3A_299, %parallel_loop3A_300], %parallel_loop3A_290 {strides = array<i32>} : memref<2x4x4x8x128xf32, #tpu.memory_space<vmem>>, vector<16xf32>,
        %parallel_loop3A_302 = arith.constant 72 : i32
        %parallel_loop3A_303 = vector.broadcast %parallel_loop3A_302 : i32 to vector<16xi32>
        %parallel_loop3A_304 = arith.addi %parallel_loop3A_166, %parallel_loop3A_303 : vector<16xi32>
        %parallel_loop3A_305 = tpu.vector_load_idx %arg5[%parallel_loop3A_304] : memref<65792xf32, #tpu.memory_space<vmem>>[vector<16xi32>], vector<16xf32>,
        %parallel_loop3A_306 = arith.constant 16 : i32
        %parallel_loop3A_307 = arith.muli %parallel_loop3A_151, %parallel_loop3A_306 : i32
        %parallel_loop3A_308 = arith.constant 0 : i32
        %parallel_loop3A_309 = arith.constant 1 : i32
        %parallel_loop3A_310 = arith.constant 1 : i32
        %parallel_loop3A_311 = arith.index_cast %parallel_loop3A_308 : i32 to index
        %parallel_loop3A_312 = arith.index_cast %parallel_loop3A_309 : i32 to index
        %parallel_loop3A_313 = arith.index_cast %parallel_loop3A_149 : i32 to index
        %parallel_loop3A_314 = arith.index_cast %parallel_loop3A_310 : i32 to index
        %parallel_loop3A_315 = arith.index_cast %parallel_loop3A_307 : i32 to index
        %parallel_loop3A_316 = tpu.vector_load %arg7[%parallel_loop3A_311, %parallel_loop3A_312, %parallel_loop3A_313, %parallel_loop3A_314, %parallel_loop3A_315] {strides = array<i32>} : memref<2x4x4x8x128xf32, #tpu.memory_space<vmem>>, vector<16xf32>,
        tpu.vector_store %arg7[%parallel_loop3A_311, %parallel_loop3A_312, %parallel_loop3A_313, %parallel_loop3A_314, %parallel_loop3A_315], %parallel_loop3A_305 {strides = array<i32>} : memref<2x4x4x8x128xf32, #tpu.memory_space<vmem>>, vector<16xf32>,
        %parallel_loop3A_317 = arith.constant 80 : i32
        %parallel_loop3A_318 = vector.broadcast %parallel_loop3A_317 : i32 to vector<16xi32>
        %parallel_loop3A_319 = arith.addi %parallel_loop3A_166, %parallel_loop3A_318 : vector<16xi32>
        %parallel_loop3A_320 = tpu.vector_load_idx %arg5[%parallel_loop3A_319] : memref<65792xf32, #tpu.memory_space<vmem>>[vector<16xi32>], vector<16xf32>,
        %parallel_loop3A_321 = arith.constant 16 : i32
        %parallel_loop3A_322 = arith.muli %parallel_loop3A_151, %parallel_loop3A_321 : i32
        %parallel_loop3A_323 = arith.constant 0 : i32
        %parallel_loop3A_324 = arith.constant 1 : i32
        %parallel_loop3A_325 = arith.constant 2 : i32
        %parallel_loop3A_326 = arith.index_cast %parallel_loop3A_323 : i32 to index
        %parallel_loop3A_327 = arith.index_cast %parallel_loop3A_324 : i32 to index
        %parallel_loop3A_328 = arith.index_cast %parallel_loop3A_149 : i32 to index
        %parallel_loop3A_329 = arith.index_cast %parallel_loop3A_325 : i32 to index
        %parallel_loop3A_330 = arith.index_cast %parallel_loop3A_322 : i32 to index
        %parallel_loop3A_331 = tpu.vector_load %arg7[%parallel_loop3A_326, %parallel_loop3A_327, %parallel_loop3A_328, %parallel_loop3A_329, %parallel_loop3A_330] {strides = array<i32>} : memref<2x4x4x8x128xf32, #tpu.memory_space<vmem>>, vector<16xf32>,
        tpu.vector_store %arg7[%parallel_loop3A_326, %parallel_loop3A_327, %parallel_loop3A_328, %parallel_loop3A_329, %parallel_loop3A_330], %parallel_loop3A_320 {strides = array<i32>} : memref<2x4x4x8x128xf32, #tpu.memory_space<vmem>>, vector<16xf32>,
        %parallel_loop3A_332 = arith.constant 88 : i32
        %parallel_loop3A_333 = vector.broadcast %parallel_loop3A_332 : i32 to vector<16xi32>
        %parallel_loop3A_334 = arith.addi %parallel_loop3A_166, %parallel_loop3A_333 : vector<16xi32>
        %parallel_loop3A_335 = tpu.vector_load_idx %arg5[%parallel_loop3A_334] : memref<65792xf32, #tpu.memory_space<vmem>>[vector<16xi32>], vector<16xf32>,
        %parallel_loop3A_336 = arith.constant 16 : i32
        %parallel_loop3A_337 = arith.muli %parallel_loop3A_151, %parallel_loop3A_336 : i32
        %parallel_loop3A_338 = arith.constant 0 : i32
        %parallel_loop3A_339 = arith.constant 1 : i32
        %parallel_loop3A_340 = arith.constant 3 : i32
        %parallel_loop3A_341 = arith.index_cast %parallel_loop3A_338 : i32 to index
        %parallel_loop3A_342 = arith.index_cast %parallel_loop3A_339 : i32 to index
        %parallel_loop3A_343 = arith.index_cast %parallel_loop3A_149 : i32 to index
        %parallel_loop3A_344 = arith.index_cast %parallel_loop3A_340 : i32 to index
        %parallel_loop3A_345 = arith.index_cast %parallel_loop3A_337 : i32 to index
        %parallel_loop3A_346 = tpu.vector_load %arg7[%parallel_loop3A_341, %parallel_loop3A_342, %parallel_loop3A_343, %parallel_loop3A_344, %parallel_loop3A_345] {strides = array<i32>} : memref<2x4x4x8x128xf32, #tpu.memory_space<vmem>>, vector<16xf32>,
        tpu.vector_store %arg7[%parallel_loop3A_341, %parallel_loop3A_342, %parallel_loop3A_343, %parallel_loop3A_344, %parallel_loop3A_345], %parallel_loop3A_335 {strides = array<i32>} : memref<2x4x4x8x128xf32, #tpu.memory_space<vmem>>, vector<16xf32>,
        %parallel_loop3A_347 = arith.constant 96 : i32
        %parallel_loop3A_348 = vector.broadcast %parallel_loop3A_347 : i32 to vector<16xi32>
        %parallel_loop3A_349 = arith.addi %parallel_loop3A_166, %parallel_loop3A_348 : vector<16xi32>
        %parallel_loop3A_350 = tpu.vector_load_idx %arg5[%parallel_loop3A_349] : memref<65792xf32, #tpu.memory_space<vmem>>[vector<16xi32>], vector<16xf32>,
        %parallel_loop3A_351 = arith.constant 16 : i32
        %parallel_loop3A_352 = arith.muli %parallel_loop3A_151, %parallel_loop3A_351 : i32
        %parallel_loop3A_353 = arith.constant 0 : i32
        %parallel_loop3A_354 = arith.constant 1 : i32
        %parallel_loop3A_355 = arith.constant 4 : i32
        %parallel_loop3A_356 = arith.index_cast %parallel_loop3A_353 : i32 to index
        %parallel_loop3A_357 = arith.index_cast %parallel_loop3A_354 : i32 to index
        %parallel_loop3A_358 = arith.index_cast %parallel_loop3A_149 : i32 to index
        %parallel_loop3A_359 = arith.index_cast %parallel_loop3A_355 : i32 to index
        %parallel_loop3A_360 = arith.index_cast %parallel_loop3A_352 : i32 to index
        %parallel_loop3A_361 = tpu.vector_load %arg7[%parallel_loop3A_356, %parallel_loop3A_357, %parallel_loop3A_358, %parallel_loop3A_359, %parallel_loop3A_360] {strides = array<i32>} : memref<2x4x4x8x128xf32, #tpu.memory_space<vmem>>, vector<16xf32>,
        tpu.vector_store %arg7[%parallel_loop3A_356, %parallel_loop3A_357, %parallel_loop3A_358, %parallel_loop3A_359, %parallel_loop3A_360], %parallel_loop3A_350 {strides = array<i32>} : memref<2x4x4x8x128xf32, #tpu.memory_space<vmem>>, vector<16xf32>,
        %parallel_loop3A_362 = arith.constant 104 : i32
        %parallel_loop3A_363 = vector.broadcast %parallel_loop3A_362 : i32 to vector<16xi32>
        %parallel_loop3A_364 = arith.addi %parallel_loop3A_166, %parallel_loop3A_363 : vector<16xi32>
        %parallel_loop3A_365 = tpu.vector_load_idx %arg5[%parallel_loop3A_364] : memref<65792xf32, #tpu.memory_space<vmem>>[vector<16xi32>], vector<16xf32>,
        %parallel_loop3A_366 = arith.constant 16 : i32
        %parallel_loop3A_367 = arith.muli %parallel_loop3A_151, %parallel_loop3A_366 : i32
        %parallel_loop3A_368 = arith.constant 0 : i32
        %parallel_loop3A_369 = arith.constant 1 : i32
        %parallel_loop3A_370 = arith.constant 5 : i32
        %parallel_loop3A_371 = arith.index_cast %parallel_loop3A_368 : i32 to index
        %parallel_loop3A_372 = arith.index_cast %parallel_loop3A_369 : i32 to index
        %parallel_loop3A_373 = arith.index_cast %parallel_loop3A_149 : i32 to index
        %parallel_loop3A_374 = arith.index_cast %parallel_loop3A_370 : i32 to index
        %parallel_loop3A_375 = arith.index_cast %parallel_loop3A_367 : i32 to index
        %parallel_loop3A_376 = tpu.vector_load %arg7[%parallel_loop3A_371, %parallel_loop3A_372, %parallel_loop3A_373, %parallel_loop3A_374, %parallel_loop3A_375] {strides = array<i32>} : memref<2x4x4x8x128xf32, #tpu.memory_space<vmem>>, vector<16xf32>,
        tpu.vector_store %arg7[%parallel_loop3A_371, %parallel_loop3A_372, %parallel_loop3A_373, %parallel_loop3A_374, %parallel_loop3A_375], %parallel_loop3A_365 {strides = array<i32>} : memref<2x4x4x8x128xf32, #tpu.memory_space<vmem>>, vector<16xf32>,
        %parallel_loop3A_377 = arith.constant 112 : i32
        %parallel_loop3A_378 = vector.broadcast %parallel_loop3A_377 : i32 to vector<16xi32>
        %parallel_loop3A_379 = arith.addi %parallel_loop3A_166, %parallel_loop3A_378 : vector<16xi32>
        %parallel_loop3A_380 = tpu.vector_load_idx %arg5[%parallel_loop3A_379] : memref<65792xf32, #tpu.memory_space<vmem>>[vector<16xi32>], vector<16xf32>,
        %parallel_loop3A_381 = arith.constant 16 : i32
        %parallel_loop3A_382 = arith.muli %parallel_loop3A_151, %parallel_loop3A_381 : i32
        %parallel_loop3A_383 = arith.constant 0 : i32
        %parallel_loop3A_384 = arith.constant 1 : i32
        %parallel_loop3A_385 = arith.constant 6 : i32
        %parallel_loop3A_386 = arith.index_cast %parallel_loop3A_383 : i32 to index
        %parallel_loop3A_387 = arith.index_cast %parallel_loop3A_384 : i32 to index
        %parallel_loop3A_388 = arith.index_cast %parallel_loop3A_149 : i32 to index
        %parallel_loop3A_389 = arith.index_cast %parallel_loop3A_385 : i32 to index
        %parallel_loop3A_390 = arith.index_cast %parallel_loop3A_382 : i32 to index
        %parallel_loop3A_391 = tpu.vector_load %arg7[%parallel_loop3A_386, %parallel_loop3A_387, %parallel_loop3A_388, %parallel_loop3A_389, %parallel_loop3A_390] {strides = array<i32>} : memref<2x4x4x8x128xf32, #tpu.memory_space<vmem>>, vector<16xf32>,
        tpu.vector_store %arg7[%parallel_loop3A_386, %parallel_loop3A_387, %parallel_loop3A_388, %parallel_loop3A_389, %parallel_loop3A_390], %parallel_loop3A_380 {strides = array<i32>} : memref<2x4x4x8x128xf32, #tpu.memory_space<vmem>>, vector<16xf32>,
        %parallel_loop3A_392 = arith.constant 120 : i32
        %parallel_loop3A_393 = vector.broadcast %parallel_loop3A_392 : i32 to vector<16xi32>
        %parallel_loop3A_394 = arith.addi %parallel_loop3A_166, %parallel_loop3A_393 : vector<16xi32>
        %parallel_loop3A_395 = tpu.vector_load_idx %arg5[%parallel_loop3A_394] : memref<65792xf32, #tpu.memory_space<vmem>>[vector<16xi32>], vector<16xf32>,
        %parallel_loop3A_396 = arith.constant 16 : i32
        %parallel_loop3A_397 = arith.muli %parallel_loop3A_151, %parallel_loop3A_396 : i32
        %parallel_loop3A_398 = arith.constant 0 : i32
        %parallel_loop3A_399 = arith.constant 1 : i32
        %parallel_loop3A_400 = arith.constant 7 : i32
        %parallel_loop3A_401 = arith.index_cast %parallel_loop3A_398 : i32 to index
        %parallel_loop3A_402 = arith.index_cast %parallel_loop3A_399 : i32 to index
        %parallel_loop3A_403 = arith.index_cast %parallel_loop3A_149 : i32 to index
        %parallel_loop3A_404 = arith.index_cast %parallel_loop3A_400 : i32 to index
        %parallel_loop3A_405 = arith.index_cast %parallel_loop3A_397 : i32 to index
        %parallel_loop3A_406 = tpu.vector_load %arg7[%parallel_loop3A_401, %parallel_loop3A_402, %parallel_loop3A_403, %parallel_loop3A_404, %parallel_loop3A_405] {strides = array<i32>} : memref<2x4x4x8x128xf32, #tpu.memory_space<vmem>>, vector<16xf32>,
        tpu.vector_store %arg7[%parallel_loop3A_401, %parallel_loop3A_402, %parallel_loop3A_403, %parallel_loop3A_404, %parallel_loop3A_405], %parallel_loop3A_395 {strides = array<i32>} : memref<2x4x4x8x128xf32, #tpu.memory_space<vmem>>, vector<16xf32>,
        %parallel_loop3A_407 = arith.constant 128 : i32
        %parallel_loop3A_408 = vector.broadcast %parallel_loop3A_407 : i32 to vector<16xi32>
        %parallel_loop3A_409 = arith.addi %parallel_loop3A_166, %parallel_loop3A_408 : vector<16xi32>
        %parallel_loop3A_410 = tpu.vector_load_idx %arg5[%parallel_loop3A_409] : memref<65792xf32, #tpu.memory_space<vmem>>[vector<16xi32>], vector<16xf32>,
        %parallel_loop3A_411 = arith.constant 16 : i32
        %parallel_loop3A_412 = arith.muli %parallel_loop3A_151, %parallel_loop3A_411 : i32
        %parallel_loop3A_413 = arith.constant 0 : i32
        %parallel_loop3A_414 = arith.constant 2 : i32
        %parallel_loop3A_415 = arith.constant 0 : i32
        %parallel_loop3A_416 = arith.index_cast %parallel_loop3A_413 : i32 to index
        %parallel_loop3A_417 = arith.index_cast %parallel_loop3A_414 : i32 to index
        %parallel_loop3A_418 = arith.index_cast %parallel_loop3A_149 : i32 to index
        %parallel_loop3A_419 = arith.index_cast %parallel_loop3A_415 : i32 to index
        %parallel_loop3A_420 = arith.index_cast %parallel_loop3A_412 : i32 to index
        %parallel_loop3A_421 = tpu.vector_load %arg7[%parallel_loop3A_416, %parallel_loop3A_417, %parallel_loop3A_418, %parallel_loop3A_419, %parallel_loop3A_420] {strides = array<i32>} : memref<2x4x4x8x128xf32, #tpu.memory_space<vmem>>, vector<16xf32>,
        tpu.vector_store %arg7[%parallel_loop3A_416, %parallel_loop3A_417, %parallel_loop3A_418, %parallel_loop3A_419, %parallel_loop3A_420], %parallel_loop3A_410 {strides = array<i32>} : memref<2x4x4x8x128xf32, #tpu.memory_space<vmem>>, vector<16xf32>,
        %parallel_loop3A_422 = arith.constant 136 : i32
        %parallel_loop3A_423 = vector.broadcast %parallel_loop3A_422 : i32 to vector<16xi32>
        %parallel_loop3A_424 = arith.addi %parallel_loop3A_166, %parallel_loop3A_423 : vector<16xi32>
        %parallel_loop3A_425 = tpu.vector_load_idx %arg5[%parallel_loop3A_424] : memref<65792xf32, #tpu.memory_space<vmem>>[vector<16xi32>], vector<16xf32>,
        %parallel_loop3A_426 = arith.constant 16 : i32
        %parallel_loop3A_427 = arith.muli %parallel_loop3A_151, %parallel_loop3A_426 : i32
        %parallel_loop3A_428 = arith.constant 0 : i32
        %parallel_loop3A_429 = arith.constant 2 : i32
        %parallel_loop3A_430 = arith.constant 1 : i32
        %parallel_loop3A_431 = arith.index_cast %parallel_loop3A_428 : i32 to index
        %parallel_loop3A_432 = arith.index_cast %parallel_loop3A_429 : i32 to index
        %parallel_loop3A_433 = arith.index_cast %parallel_loop3A_149 : i32 to index
        %parallel_loop3A_434 = arith.index_cast %parallel_loop3A_430 : i32 to index
        %parallel_loop3A_435 = arith.index_cast %parallel_loop3A_427 : i32 to index
        %parallel_loop3A_436 = tpu.vector_load %arg7[%parallel_loop3A_431, %parallel_loop3A_432, %parallel_loop3A_433, %parallel_loop3A_434, %parallel_loop3A_435] {strides = array<i32>} : memref<2x4x4x8x128xf32, #tpu.memory_space<vmem>>, vector<16xf32>,
        tpu.vector_store %arg7[%parallel_loop3A_431, %parallel_loop3A_432, %parallel_loop3A_433, %parallel_loop3A_434, %parallel_loop3A_435], %parallel_loop3A_425 {strides = array<i32>} : memref<2x4x4x8x128xf32, #tpu.memory_space<vmem>>, vector<16xf32>,
        %parallel_loop3A_437 = arith.constant 144 : i32
        %parallel_loop3A_438 = vector.broadcast %parallel_loop3A_437 : i32 to vector<16xi32>
        %parallel_loop3A_439 = arith.addi %parallel_loop3A_166, %parallel_loop3A_438 : vector<16xi32>
        %parallel_loop3A_440 = tpu.vector_load_idx %arg5[%parallel_loop3A_439] : memref<65792xf32, #tpu.memory_space<vmem>>[vector<16xi32>], vector<16xf32>,
        %parallel_loop3A_441 = arith.constant 16 : i32
        %parallel_loop3A_442 = arith.muli %parallel_loop3A_151, %parallel_loop3A_441 : i32
        %parallel_loop3A_443 = arith.constant 0 : i32
        %parallel_loop3A_444 = arith.constant 2 : i32
        %parallel_loop3A_445 = arith.constant 2 : i32
        %parallel_loop3A_446 = arith.index_cast %parallel_loop3A_443 : i32 to index
        %parallel_loop3A_447 = arith.index_cast %parallel_loop3A_444 : i32 to index
        %parallel_loop3A_448 = arith.index_cast %parallel_loop3A_149 : i32 to index
        %parallel_loop3A_449 = arith.index_cast %parallel_loop3A_445 : i32 to index
        %parallel_loop3A_450 = arith.index_cast %parallel_loop3A_442 : i32 to index
        %parallel_loop3A_451 = tpu.vector_load %arg7[%parallel_loop3A_446, %parallel_loop3A_447, %parallel_loop3A_448, %parallel_loop3A_449, %parallel_loop3A_450] {strides = array<i32>} : memref<2x4x4x8x128xf32, #tpu.memory_space<vmem>>, vector<16xf32>,
        tpu.vector_store %arg7[%parallel_loop3A_446, %parallel_loop3A_447, %parallel_loop3A_448, %parallel_loop3A_449, %parallel_loop3A_450], %parallel_loop3A_440 {strides = array<i32>} : memref<2x4x4x8x128xf32, #tpu.memory_space<vmem>>, vector<16xf32>,
        %parallel_loop3A_452 = arith.constant 152 : i32
        %parallel_loop3A_453 = vector.broadcast %parallel_loop3A_452 : i32 to vector<16xi32>
        %parallel_loop3A_454 = arith.addi %parallel_loop3A_166, %parallel_loop3A_453 : vector<16xi32>
        %parallel_loop3A_455 = tpu.vector_load_idx %arg5[%parallel_loop3A_454] : memref<65792xf32, #tpu.memory_space<vmem>>[vector<16xi32>], vector<16xf32>,
        %parallel_loop3A_456 = arith.constant 16 : i32
        %parallel_loop3A_457 = arith.muli %parallel_loop3A_151, %parallel_loop3A_456 : i32
        %parallel_loop3A_458 = arith.constant 0 : i32
        %parallel_loop3A_459 = arith.constant 2 : i32
        %parallel_loop3A_460 = arith.constant 3 : i32
        %parallel_loop3A_461 = arith.index_cast %parallel_loop3A_458 : i32 to index
        %parallel_loop3A_462 = arith.index_cast %parallel_loop3A_459 : i32 to index
        %parallel_loop3A_463 = arith.index_cast %parallel_loop3A_149 : i32 to index
        %parallel_loop3A_464 = arith.index_cast %parallel_loop3A_460 : i32 to index
        %parallel_loop3A_465 = arith.index_cast %parallel_loop3A_457 : i32 to index
        %parallel_loop3A_466 = tpu.vector_load %arg7[%parallel_loop3A_461, %parallel_loop3A_462, %parallel_loop3A_463, %parallel_loop3A_464, %parallel_loop3A_465] {strides = array<i32>} : memref<2x4x4x8x128xf32, #tpu.memory_space<vmem>>, vector<16xf32>,
        tpu.vector_store %arg7[%parallel_loop3A_461, %parallel_loop3A_462, %parallel_loop3A_463, %parallel_loop3A_464, %parallel_loop3A_465], %parallel_loop3A_455 {strides = array<i32>} : memref<2x4x4x8x128xf32, #tpu.memory_space<vmem>>, vector<16xf32>,
        %parallel_loop3A_467 = arith.constant 160 : i32
        %parallel_loop3A_468 = vector.broadcast %parallel_loop3A_467 : i32 to vector<16xi32>
        %parallel_loop3A_469 = arith.addi %parallel_loop3A_166, %parallel_loop3A_468 : vector<16xi32>
        %parallel_loop3A_470 = tpu.vector_load_idx %arg5[%parallel_loop3A_469] : memref<65792xf32, #tpu.memory_space<vmem>>[vector<16xi32>], vector<16xf32>,
        %parallel_loop3A_471 = arith.constant 16 : i32
        %parallel_loop3A_472 = arith.muli %parallel_loop3A_151, %parallel_loop3A_471 : i32
        %parallel_loop3A_473 = arith.constant 0 : i32
        %parallel_loop3A_474 = arith.constant 2 : i32
        %parallel_loop3A_475 = arith.constant 4 : i32
        %parallel_loop3A_476 = arith.index_cast %parallel_loop3A_473 : i32 to index
        %parallel_loop3A_477 = arith.index_cast %parallel_loop3A_474 : i32 to index
        %parallel_loop3A_478 = arith.index_cast %parallel_loop3A_149 : i32 to index
        %parallel_loop3A_479 = arith.index_cast %parallel_loop3A_475 : i32 to index
        %parallel_loop3A_480 = arith.index_cast %parallel_loop3A_472 : i32 to index
        %parallel_loop3A_481 = tpu.vector_load %arg7[%parallel_loop3A_476, %parallel_loop3A_477, %parallel_loop3A_478, %parallel_loop3A_479, %parallel_loop3A_480] {strides = array<i32>} : memref<2x4x4x8x128xf32, #tpu.memory_space<vmem>>, vector<16xf32>,
        tpu.vector_store %arg7[%parallel_loop3A_476, %parallel_loop3A_477, %parallel_loop3A_478, %parallel_loop3A_479, %parallel_loop3A_480], %parallel_loop3A_470 {strides = array<i32>} : memref<2x4x4x8x128xf32, #tpu.memory_space<vmem>>, vector<16xf32>,
        %parallel_loop3A_482 = arith.constant 168 : i32
        %parallel_loop3A_483 = vector.broadcast %parallel_loop3A_482 : i32 to vector<16xi32>
        %parallel_loop3A_484 = arith.addi %parallel_loop3A_166, %parallel_loop3A_483 : vector<16xi32>
        %parallel_loop3A_485 = tpu.vector_load_idx %arg5[%parallel_loop3A_484] : memref<65792xf32, #tpu.memory_space<vmem>>[vector<16xi32>], vector<16xf32>,
        %parallel_loop3A_486 = arith.constant 16 : i32
        %parallel_loop3A_487 = arith.muli %parallel_loop3A_151, %parallel_loop3A_486 : i32
        %parallel_loop3A_488 = arith.constant 0 : i32
        %parallel_loop3A_489 = arith.constant 2 : i32
        %parallel_loop3A_490 = arith.constant 5 : i32
        %parallel_loop3A_491 = arith.index_cast %parallel_loop3A_488 : i32 to index
        %parallel_loop3A_492 = arith.index_cast %parallel_loop3A_489 : i32 to index
        %parallel_loop3A_493 = arith.index_cast %parallel_loop3A_149 : i32 to index
        %parallel_loop3A_494 = arith.index_cast %parallel_loop3A_490 : i32 to index
        %parallel_loop3A_495 = arith.index_cast %parallel_loop3A_487 : i32 to index
        %parallel_loop3A_496 = tpu.vector_load %arg7[%parallel_loop3A_491, %parallel_loop3A_492, %parallel_loop3A_493, %parallel_loop3A_494, %parallel_loop3A_495] {strides = array<i32>} : memref<2x4x4x8x128xf32, #tpu.memory_space<vmem>>, vector<16xf32>,
        tpu.vector_store %arg7[%parallel_loop3A_491, %parallel_loop3A_492, %parallel_loop3A_493, %parallel_loop3A_494, %parallel_loop3A_495], %parallel_loop3A_485 {strides = array<i32>} : memref<2x4x4x8x128xf32, #tpu.memory_space<vmem>>, vector<16xf32>,
        %parallel_loop3A_497 = arith.constant 176 : i32
        %parallel_loop3A_498 = vector.broadcast %parallel_loop3A_497 : i32 to vector<16xi32>
        %parallel_loop3A_499 = arith.addi %parallel_loop3A_166, %parallel_loop3A_498 : vector<16xi32>
        %parallel_loop3A_500 = tpu.vector_load_idx %arg5[%parallel_loop3A_499] : memref<65792xf32, #tpu.memory_space<vmem>>[vector<16xi32>], vector<16xf32>,
        %parallel_loop3A_501 = arith.constant 16 : i32
        %parallel_loop3A_502 = arith.muli %parallel_loop3A_151, %parallel_loop3A_501 : i32
        %parallel_loop3A_503 = arith.constant 0 : i32
        %parallel_loop3A_504 = arith.constant 2 : i32
        %parallel_loop3A_505 = arith.constant 6 : i32
        %parallel_loop3A_506 = arith.index_cast %parallel_loop3A_503 : i32 to index
        %parallel_loop3A_507 = arith.index_cast %parallel_loop3A_504 : i32 to index
        %parallel_loop3A_508 = arith.index_cast %parallel_loop3A_149 : i32 to index
        %parallel_loop3A_509 = arith.index_cast %parallel_loop3A_505 : i32 to index
        %parallel_loop3A_510 = arith.index_cast %parallel_loop3A_502 : i32 to index
        %parallel_loop3A_511 = tpu.vector_load %arg7[%parallel_loop3A_506, %parallel_loop3A_507, %parallel_loop3A_508, %parallel_loop3A_509, %parallel_loop3A_510] {strides = array<i32>} : memref<2x4x4x8x128xf32, #tpu.memory_space<vmem>>, vector<16xf32>,
        tpu.vector_store %arg7[%parallel_loop3A_506, %parallel_loop3A_507, %parallel_loop3A_508, %parallel_loop3A_509, %parallel_loop3A_510], %parallel_loop3A_500 {strides = array<i32>} : memref<2x4x4x8x128xf32, #tpu.memory_space<vmem>>, vector<16xf32>,
        %parallel_loop3A_512 = arith.constant 184 : i32
        %parallel_loop3A_513 = vector.broadcast %parallel_loop3A_512 : i32 to vector<16xi32>
        %parallel_loop3A_514 = arith.addi %parallel_loop3A_166, %parallel_loop3A_513 : vector<16xi32>
        %parallel_loop3A_515 = tpu.vector_load_idx %arg5[%parallel_loop3A_514] : memref<65792xf32, #tpu.memory_space<vmem>>[vector<16xi32>], vector<16xf32>,
        %parallel_loop3A_516 = arith.constant 16 : i32
        %parallel_loop3A_517 = arith.muli %parallel_loop3A_151, %parallel_loop3A_516 : i32
        %parallel_loop3A_518 = arith.constant 0 : i32
        %parallel_loop3A_519 = arith.constant 2 : i32
        %parallel_loop3A_520 = arith.constant 7 : i32
        %parallel_loop3A_521 = arith.index_cast %parallel_loop3A_518 : i32 to index
        %parallel_loop3A_522 = arith.index_cast %parallel_loop3A_519 : i32 to index
        %parallel_loop3A_523 = arith.index_cast %parallel_loop3A_149 : i32 to index
        %parallel_loop3A_524 = arith.index_cast %parallel_loop3A_520 : i32 to index
        %parallel_loop3A_525 = arith.index_cast %parallel_loop3A_517 : i32 to index
        %parallel_loop3A_526 = tpu.vector_load %arg7[%parallel_loop3A_521, %parallel_loop3A_522, %parallel_loop3A_523, %parallel_loop3A_524, %parallel_loop3A_525] {strides = array<i32>} : memref<2x4x4x8x128xf32, #tpu.memory_space<vmem>>, vector<16xf32>,
        tpu.vector_store %arg7[%parallel_loop3A_521, %parallel_loop3A_522, %parallel_loop3A_523, %parallel_loop3A_524, %parallel_loop3A_525], %parallel_loop3A_515 {strides = array<i32>} : memref<2x4x4x8x128xf32, #tpu.memory_space<vmem>>, vector<16xf32>,
        %parallel_loop3A_527 = arith.constant 192 : i32
        %parallel_loop3A_528 = vector.broadcast %parallel_loop3A_527 : i32 to vector<16xi32>
        %parallel_loop3A_529 = arith.addi %parallel_loop3A_166, %parallel_loop3A_528 : vector<16xi32>
        %parallel_loop3A_530 = tpu.vector_load_idx %arg5[%parallel_loop3A_529] : memref<65792xf32, #tpu.memory_space<vmem>>[vector<16xi32>], vector<16xf32>,
        %parallel_loop3A_531 = arith.constant 16 : i32
        %parallel_loop3A_532 = arith.muli %parallel_loop3A_151, %parallel_loop3A_531 : i32
        %parallel_loop3A_533 = arith.constant 0 : i32
        %parallel_loop3A_534 = arith.constant 3 : i32
        %parallel_loop3A_535 = arith.constant 0 : i32
        %parallel_loop3A_536 = arith.index_cast %parallel_loop3A_533 : i32 to index
        %parallel_loop3A_537 = arith.index_cast %parallel_loop3A_534 : i32 to index
        %parallel_loop3A_538 = arith.index_cast %parallel_loop3A_149 : i32 to index
        %parallel_loop3A_539 = arith.index_cast %parallel_loop3A_535 : i32 to index
        %parallel_loop3A_540 = arith.index_cast %parallel_loop3A_532 : i32 to index
        %parallel_loop3A_541 = tpu.vector_load %arg7[%parallel_loop3A_536, %parallel_loop3A_537, %parallel_loop3A_538, %parallel_loop3A_539, %parallel_loop3A_540] {strides = array<i32>} : memref<2x4x4x8x128xf32, #tpu.memory_space<vmem>>, vector<16xf32>,
        tpu.vector_store %arg7[%parallel_loop3A_536, %parallel_loop3A_537, %parallel_loop3A_538, %parallel_loop3A_539, %parallel_loop3A_540], %parallel_loop3A_530 {strides = array<i32>} : memref<2x4x4x8x128xf32, #tpu.memory_space<vmem>>, vector<16xf32>,
        %parallel_loop3A_542 = arith.constant 200 : i32
        %parallel_loop3A_543 = vector.broadcast %parallel_loop3A_542 : i32 to vector<16xi32>
        %parallel_loop3A_544 = arith.addi %parallel_loop3A_166, %parallel_loop3A_543 : vector<16xi32>
        %parallel_loop3A_545 = tpu.vector_load_idx %arg5[%parallel_loop3A_544] : memref<65792xf32, #tpu.memory_space<vmem>>[vector<16xi32>], vector<16xf32>,
        %parallel_loop3A_546 = arith.constant 16 : i32
        %parallel_loop3A_547 = arith.muli %parallel_loop3A_151, %parallel_loop3A_546 : i32
        %parallel_loop3A_548 = arith.constant 0 : i32
        %parallel_loop3A_549 = arith.constant 3 : i32
        %parallel_loop3A_550 = arith.constant 1 : i32
        %parallel_loop3A_551 = arith.index_cast %parallel_loop3A_548 : i32 to index
        %parallel_loop3A_552 = arith.index_cast %parallel_loop3A_549 : i32 to index
        %parallel_loop3A_553 = arith.index_cast %parallel_loop3A_149 : i32 to index
        %parallel_loop3A_554 = arith.index_cast %parallel_loop3A_550 : i32 to index
        %parallel_loop3A_555 = arith.index_cast %parallel_loop3A_547 : i32 to index
        %parallel_loop3A_556 = tpu.vector_load %arg7[%parallel_loop3A_551, %parallel_loop3A_552, %parallel_loop3A_553, %parallel_loop3A_554, %parallel_loop3A_555] {strides = array<i32>} : memref<2x4x4x8x128xf32, #tpu.memory_space<vmem>>, vector<16xf32>,
        tpu.vector_store %arg7[%parallel_loop3A_551, %parallel_loop3A_552, %parallel_loop3A_553, %parallel_loop3A_554, %parallel_loop3A_555], %parallel_loop3A_545 {strides = array<i32>} : memref<2x4x4x8x128xf32, #tpu.memory_space<vmem>>, vector<16xf32>,
        %parallel_loop3A_557 = arith.constant 208 : i32
        %parallel_loop3A_558 = vector.broadcast %parallel_loop3A_557 : i32 to vector<16xi32>
        %parallel_loop3A_559 = arith.addi %parallel_loop3A_166, %parallel_loop3A_558 : vector<16xi32>
        %parallel_loop3A_560 = tpu.vector_load_idx %arg5[%parallel_loop3A_559] : memref<65792xf32, #tpu.memory_space<vmem>>[vector<16xi32>], vector<16xf32>,
        %parallel_loop3A_561 = arith.constant 16 : i32
        %parallel_loop3A_562 = arith.muli %parallel_loop3A_151, %parallel_loop3A_561 : i32
        %parallel_loop3A_563 = arith.constant 0 : i32
        %parallel_loop3A_564 = arith.constant 3 : i32
        %parallel_loop3A_565 = arith.constant 2 : i32
        %parallel_loop3A_566 = arith.index_cast %parallel_loop3A_563 : i32 to index
        %parallel_loop3A_567 = arith.index_cast %parallel_loop3A_564 : i32 to index
        %parallel_loop3A_568 = arith.index_cast %parallel_loop3A_149 : i32 to index
        %parallel_loop3A_569 = arith.index_cast %parallel_loop3A_565 : i32 to index
        %parallel_loop3A_570 = arith.index_cast %parallel_loop3A_562 : i32 to index
        %parallel_loop3A_571 = tpu.vector_load %arg7[%parallel_loop3A_566, %parallel_loop3A_567, %parallel_loop3A_568, %parallel_loop3A_569, %parallel_loop3A_570] {strides = array<i32>} : memref<2x4x4x8x128xf32, #tpu.memory_space<vmem>>, vector<16xf32>,
        tpu.vector_store %arg7[%parallel_loop3A_566, %parallel_loop3A_567, %parallel_loop3A_568, %parallel_loop3A_569, %parallel_loop3A_570], %parallel_loop3A_560 {strides = array<i32>} : memref<2x4x4x8x128xf32, #tpu.memory_space<vmem>>, vector<16xf32>,
        %parallel_loop3A_572 = arith.constant 216 : i32
        %parallel_loop3A_573 = vector.broadcast %parallel_loop3A_572 : i32 to vector<16xi32>
        %parallel_loop3A_574 = arith.addi %parallel_loop3A_166, %parallel_loop3A_573 : vector<16xi32>
        %parallel_loop3A_575 = tpu.vector_load_idx %arg5[%parallel_loop3A_574] : memref<65792xf32, #tpu.memory_space<vmem>>[vector<16xi32>], vector<16xf32>,
        %parallel_loop3A_576 = arith.constant 16 : i32
        %parallel_loop3A_577 = arith.muli %parallel_loop3A_151, %parallel_loop3A_576 : i32
        %parallel_loop3A_578 = arith.constant 0 : i32
        %parallel_loop3A_579 = arith.constant 3 : i32
        %parallel_loop3A_580 = arith.constant 3 : i32
        %parallel_loop3A_581 = arith.index_cast %parallel_loop3A_578 : i32 to index
        %parallel_loop3A_582 = arith.index_cast %parallel_loop3A_579 : i32 to index
        %parallel_loop3A_583 = arith.index_cast %parallel_loop3A_149 : i32 to index
        %parallel_loop3A_584 = arith.index_cast %parallel_loop3A_580 : i32 to index
        %parallel_loop3A_585 = arith.index_cast %parallel_loop3A_577 : i32 to index
        %parallel_loop3A_586 = tpu.vector_load %arg7[%parallel_loop3A_581, %parallel_loop3A_582, %parallel_loop3A_583, %parallel_loop3A_584, %parallel_loop3A_585] {strides = array<i32>} : memref<2x4x4x8x128xf32, #tpu.memory_space<vmem>>, vector<16xf32>,
        tpu.vector_store %arg7[%parallel_loop3A_581, %parallel_loop3A_582, %parallel_loop3A_583, %parallel_loop3A_584, %parallel_loop3A_585], %parallel_loop3A_575 {strides = array<i32>} : memref<2x4x4x8x128xf32, #tpu.memory_space<vmem>>, vector<16xf32>,
        %parallel_loop3A_587 = arith.constant 224 : i32
        %parallel_loop3A_588 = vector.broadcast %parallel_loop3A_587 : i32 to vector<16xi32>
        %parallel_loop3A_589 = arith.addi %parallel_loop3A_166, %parallel_loop3A_588 : vector<16xi32>
        %parallel_loop3A_590 = tpu.vector_load_idx %arg5[%parallel_loop3A_589] : memref<65792xf32, #tpu.memory_space<vmem>>[vector<16xi32>], vector<16xf32>,
        %parallel_loop3A_591 = arith.constant 16 : i32
        %parallel_loop3A_592 = arith.muli %parallel_loop3A_151, %parallel_loop3A_591 : i32
        %parallel_loop3A_593 = arith.constant 0 : i32
        %parallel_loop3A_594 = arith.constant 3 : i32
        %parallel_loop3A_595 = arith.constant 4 : i32
        %parallel_loop3A_596 = arith.index_cast %parallel_loop3A_593 : i32 to index
        %parallel_loop3A_597 = arith.index_cast %parallel_loop3A_594 : i32 to index
        %parallel_loop3A_598 = arith.index_cast %parallel_loop3A_149 : i32 to index
        %parallel_loop3A_599 = arith.index_cast %parallel_loop3A_595 : i32 to index
        %parallel_loop3A_600 = arith.index_cast %parallel_loop3A_592 : i32 to index
        %parallel_loop3A_601 = tpu.vector_load %arg7[%parallel_loop3A_596, %parallel_loop3A_597, %parallel_loop3A_598, %parallel_loop3A_599, %parallel_loop3A_600] {strides = array<i32>} : memref<2x4x4x8x128xf32, #tpu.memory_space<vmem>>, vector<16xf32>,
        tpu.vector_store %arg7[%parallel_loop3A_596, %parallel_loop3A_597, %parallel_loop3A_598, %parallel_loop3A_599, %parallel_loop3A_600], %parallel_loop3A_590 {strides = array<i32>} : memref<2x4x4x8x128xf32, #tpu.memory_space<vmem>>, vector<16xf32>,
        %parallel_loop3A_602 = arith.constant 232 : i32
        %parallel_loop3A_603 = vector.broadcast %parallel_loop3A_602 : i32 to vector<16xi32>
        %parallel_loop3A_604 = arith.addi %parallel_loop3A_166, %parallel_loop3A_603 : vector<16xi32>
        %parallel_loop3A_605 = tpu.vector_load_idx %arg5[%parallel_loop3A_604] : memref<65792xf32, #tpu.memory_space<vmem>>[vector<16xi32>], vector<16xf32>,
        %parallel_loop3A_606 = arith.constant 16 : i32
        %parallel_loop3A_607 = arith.muli %parallel_loop3A_151, %parallel_loop3A_606 : i32
        %parallel_loop3A_608 = arith.constant 0 : i32
        %parallel_loop3A_609 = arith.constant 3 : i32
        %parallel_loop3A_610 = arith.constant 5 : i32
        %parallel_loop3A_611 = arith.index_cast %parallel_loop3A_608 : i32 to index
        %parallel_loop3A_612 = arith.index_cast %parallel_loop3A_609 : i32 to index
        %parallel_loop3A_613 = arith.index_cast %parallel_loop3A_149 : i32 to index
        %parallel_loop3A_614 = arith.index_cast %parallel_loop3A_610 : i32 to index
        %parallel_loop3A_615 = arith.index_cast %parallel_loop3A_607 : i32 to index
        %parallel_loop3A_616 = tpu.vector_load %arg7[%parallel_loop3A_611, %parallel_loop3A_612, %parallel_loop3A_613, %parallel_loop3A_614, %parallel_loop3A_615] {strides = array<i32>} : memref<2x4x4x8x128xf32, #tpu.memory_space<vmem>>, vector<16xf32>,
        tpu.vector_store %arg7[%parallel_loop3A_611, %parallel_loop3A_612, %parallel_loop3A_613, %parallel_loop3A_614, %parallel_loop3A_615], %parallel_loop3A_605 {strides = array<i32>} : memref<2x4x4x8x128xf32, #tpu.memory_space<vmem>>, vector<16xf32>,
        %parallel_loop3A_617 = arith.constant 240 : i32
        %parallel_loop3A_618 = vector.broadcast %parallel_loop3A_617 : i32 to vector<16xi32>
        %parallel_loop3A_619 = arith.addi %parallel_loop3A_166, %parallel_loop3A_618 : vector<16xi32>
        %parallel_loop3A_620 = tpu.vector_load_idx %arg5[%parallel_loop3A_619] : memref<65792xf32, #tpu.memory_space<vmem>>[vector<16xi32>], vector<16xf32>,
        %parallel_loop3A_621 = arith.constant 16 : i32
        %parallel_loop3A_622 = arith.muli %parallel_loop3A_151, %parallel_loop3A_621 : i32
        %parallel_loop3A_623 = arith.constant 0 : i32
        %parallel_loop3A_624 = arith.constant 3 : i32
        %parallel_loop3A_625 = arith.constant 6 : i32
        %parallel_loop3A_626 = arith.index_cast %parallel_loop3A_623 : i32 to index
        %parallel_loop3A_627 = arith.index_cast %parallel_loop3A_624 : i32 to index
        %parallel_loop3A_628 = arith.index_cast %parallel_loop3A_149 : i32 to index
        %parallel_loop3A_629 = arith.index_cast %parallel_loop3A_625 : i32 to index
        %parallel_loop3A_630 = arith.index_cast %parallel_loop3A_622 : i32 to index
        %parallel_loop3A_631 = tpu.vector_load %arg7[%parallel_loop3A_626, %parallel_loop3A_627, %parallel_loop3A_628, %parallel_loop3A_629, %parallel_loop3A_630] {strides = array<i32>} : memref<2x4x4x8x128xf32, #tpu.memory_space<vmem>>, vector<16xf32>,
        tpu.vector_store %arg7[%parallel_loop3A_626, %parallel_loop3A_627, %parallel_loop3A_628, %parallel_loop3A_629, %parallel_loop3A_630], %parallel_loop3A_620 {strides = array<i32>} : memref<2x4x4x8x128xf32, #tpu.memory_space<vmem>>, vector<16xf32>,
        %parallel_loop3A_632 = arith.constant 248 : i32
        %parallel_loop3A_633 = vector.broadcast %parallel_loop3A_632 : i32 to vector<16xi32>
        %parallel_loop3A_634 = arith.addi %parallel_loop3A_166, %parallel_loop3A_633 : vector<16xi32>
        %parallel_loop3A_635 = tpu.vector_load_idx %arg5[%parallel_loop3A_634] : memref<65792xf32, #tpu.memory_space<vmem>>[vector<16xi32>], vector<16xf32>,
        %parallel_loop3A_636 = arith.constant 16 : i32
        %parallel_loop3A_637 = arith.muli %parallel_loop3A_151, %parallel_loop3A_636 : i32
        %parallel_loop3A_638 = arith.constant 0 : i32
        %parallel_loop3A_639 = arith.constant 3 : i32
        %parallel_loop3A_640 = arith.constant 7 : i32
        %parallel_loop3A_641 = arith.index_cast %parallel_loop3A_638 : i32 to index
        %parallel_loop3A_642 = arith.index_cast %parallel_loop3A_639 : i32 to index
        %parallel_loop3A_643 = arith.index_cast %parallel_loop3A_149 : i32 to index
        %parallel_loop3A_644 = arith.index_cast %parallel_loop3A_640 : i32 to index
        %parallel_loop3A_645 = arith.index_cast %parallel_loop3A_637 : i32 to index
        %parallel_loop3A_646 = tpu.vector_load %arg7[%parallel_loop3A_641, %parallel_loop3A_642, %parallel_loop3A_643, %parallel_loop3A_644, %parallel_loop3A_645] {strides = array<i32>} : memref<2x4x4x8x128xf32, #tpu.memory_space<vmem>>, vector<16xf32>,
        tpu.vector_store %arg7[%parallel_loop3A_641, %parallel_loop3A_642, %parallel_loop3A_643, %parallel_loop3A_644, %parallel_loop3A_645], %parallel_loop3A_635 {strides = array<i32>} : memref<2x4x4x8x128xf32, #tpu.memory_space<vmem>>, vector<16xf32>,
      } {sc.loop_unroll_factor = 4 : i64, sc.parallel_access}
      %mul3A_80 = arith.constant 4 : i32
      %mul3A_81 = arith.muli %add3A, %mul3A_80 : i32
      %dma_start3A = arith.constant 0 : i32
      %dma_start3A_82 = arith.constant 0 : i32
      %dma_start3A_83 = arith.constant 0 : i32
      %dma_start3A_84 = arith.constant 0 : i32
      %dma_start3A_85 = arith.constant 0 : i32
      %dma_start3A_86 = arith.constant 0 : i32
      %dma_start3A_87 = tpu.memref_slice %arg7[%dma_start3A, %dma_start3A_83, %dma_start3A_84, %dma_start3A_85, %dma_start3A_86] : memref<2x4x4x8x128xf32, #tpu.memory_space<vmem>> -> memref<1x4x4x8x128xf32, #tpu.memory_space<vmem>>
      %dma_start3A_88 = tpu.memref_squeeze %dma_start3A_87 : memref<1x4x4x8x128xf32, #tpu.memory_space<vmem>> -> memref<4x4x8x128xf32, #tpu.memory_space<vmem>>
      %dma_start3A_89 = arith.constant 0 : i32
      %dma_start3A_90 = arith.constant 0 : i32
      %dma_start3A_91 = arith.constant 0 : i32
      %dma_start3A_92 = tpu.memref_slice %arg4[%add3A_75, %dma_start3A_89, %mul3A_81, %dma_start3A_90, %dma_start3A_91] : memref<50x4x128x8x128xf32, #tpu.memory_space<hbm>> -> memref<1x4x4x8x128xf32, #tpu.memory_space<hbm>>
      %dma_start3A_93 = tpu.memref_squeeze %dma_start3A_92 : memref<1x4x4x8x128xf32, #tpu.memory_space<hbm>> -> memref<4x4x8x128xf32, #tpu.memory_space<hbm>>
      %dma_start3A_94 = tpu.memref_slice %arg8[%dma_start3A_82] : memref<2x!tpu.dma_semaphore, #tpu.memory_space<semaphore_mem>> -> memref<1x!tpu.dma_semaphore, #tpu.memory_space<semaphore_mem>>
      %dma_start3A_95 = tpu.memref_squeeze %dma_start3A_94 : memref<1x!tpu.dma_semaphore, #tpu.memory_space<semaphore_mem>> -> memref<!tpu.dma_semaphore, #tpu.memory_space<semaphore_mem>>
      %dma_start3A_96 = arith.constant 0 : i32
      %dma_start3A_97 = arith.constant 0 : i32
      %dma_start3A_98 = arith.constant 0 : i32
      %dma_start3A_99 = tpu.memref_slice %arg4[%add3A_75, %dma_start3A_96, %mul3A_81, %dma_start3A_97, %dma_start3A_98] : memref<50x4x128x8x128xf32, #tpu.memory_space<hbm>> -> memref<1x4x4x8x128xf32, #tpu.memory_space<hbm>>
      %dma_start3A_100 = tpu.memref_squeeze %dma_start3A_99 : memref<1x4x4x8x128xf32, #tpu.memory_space<hbm>> -> memref<4x4x8x128xf32, #tpu.memory_space<hbm>>
      %dma_start3A_101 = arith.constant 0 : i32
      %dma_start3A_102 = arith.constant 0 : i32
      %dma_start3A_103 = arith.constant 0 : i32
      %dma_start3A_104 = arith.constant 0 : i32
      %dma_start3A_105 = tpu.memref_slice %arg7[%dma_start3A, %dma_start3A_101, %dma_start3A_102, %dma_start3A_103, %dma_start3A_104] : memref<2x4x4x8x128xf32, #tpu.memory_space<vmem>> -> memref<1x4x4x8x128xf32, #tpu.memory_space<vmem>>
      %dma_start3A_106 = tpu.memref_squeeze %dma_start3A_105 : memref<1x4x4x8x128xf32, #tpu.memory_space<vmem>> -> memref<4x4x8x128xf32, #tpu.memory_space<vmem>>
      tpu.enqueue_dma source(%dma_start3A_106 : memref<4x4x8x128xf32, #tpu.memory_space<vmem>>) target(%dma_start3A_100 : memref<4x4x8x128xf32, #tpu.memory_space<hbm>>) target_semaphore(%dma_start3A_95 : memref<!tpu.dma_semaphore, #tpu.memory_space<semaphore_mem>>)
      %mul3A_107 = arith.constant 2 : i32
      %mul3A_108 = arith.muli %mul3A_107, %scan3A_71 : i32
      %add3A_109 = arith.constant 1 : i32
      %add3A_110 = arith.addi %mul3A_108, %add3A_109 : i32
      %gt3A_111 = arith.constant 0 : i32
      %gt3A_112 = arith.cmpi sgt, %scan3A_71, %gt3A_111 : i32
      %convert_element_type3A_113 = arith.extui %gt3A_112 : i1 to i32
      %cond3A_114 = arith.constant 0 : i32
      %cond3A_115 = arith.cmpi ne, %convert_element_type3A_113, %cond3A_114 : i32
      scf.if %cond3A_115 {
        %sub3A = arith.constant 2 : i32
        %sub3A_147 = arith.subi %add3A_110, %sub3A : i32
        %mul3A_148 = arith.constant 4 : i32
        %mul3A_149 = arith.muli %add3A, %mul3A_148 : i32
        %dma_wait3A_150 = arith.constant 1 : i32
        %dma_wait3A_151 = arith.constant 1 : i32
        %dma_wait3A_152 = arith.constant 0 : i32
        %dma_wait3A_153 = arith.constant 0 : i32
        %dma_wait3A_154 = arith.constant 0 : i32
        %dma_wait3A_155 = arith.constant 0 : i32
        %dma_wait3A_156 = tpu.memref_slice %arg7[%dma_wait3A_150, %dma_wait3A_152, %dma_wait3A_153, %dma_wait3A_154, %dma_wait3A_155] : memref<2x4x4x8x128xf32, #tpu.memory_space<vmem>> -> memref<1x4x4x8x128xf32, #tpu.memory_space<vmem>>
        %dma_wait3A_157 = tpu.memref_squeeze %dma_wait3A_156 : memref<1x4x4x8x128xf32, #tpu.memory_space<vmem>> -> memref<4x4x8x128xf32, #tpu.memory_space<vmem>>
        %dma_wait3A_158 = arith.constant 0 : i32
        %dma_wait3A_159 = arith.constant 0 : i32
        %dma_wait3A_160 = arith.constant 0 : i32
        %dma_wait3A_161 = tpu.memref_slice %arg4[%sub3A_147, %dma_wait3A_158, %mul3A_149, %dma_wait3A_159, %dma_wait3A_160] : memref<50x4x128x8x128xf32, #tpu.memory_space<hbm>> -> memref<1x4x4x8x128xf32, #tpu.memory_space<hbm>>
        %dma_wait3A_162 = tpu.memref_squeeze %dma_wait3A_161 : memref<1x4x4x8x128xf32, #tpu.memory_space<hbm>> -> memref<4x4x8x128xf32, #tpu.memory_space<hbm>>
        %dma_wait3A_163 = tpu.memref_slice %arg8[%dma_wait3A_151] : memref<2x!tpu.dma_semaphore, #tpu.memory_space<semaphore_mem>> -> memref<1x!tpu.dma_semaphore, #tpu.memory_space<semaphore_mem>>
        %dma_wait3A_164 = tpu.memref_squeeze %dma_wait3A_163 : memref<1x!tpu.dma_semaphore, #tpu.memory_space<semaphore_mem>> -> memref<!tpu.dma_semaphore, #tpu.memory_space<semaphore_mem>>
        %dma_wait3A_165 = arith.constant 0 : i32
        %dma_wait3A_166 = arith.constant 0 : i32
        %dma_wait3A_167 = arith.constant 0 : i32
        %dma_wait3A_168 = tpu.memref_slice %arg4[%sub3A_147, %dma_wait3A_165, %mul3A_149, %dma_wait3A_166, %dma_wait3A_167] : memref<50x4x128x8x128xf32, #tpu.memory_space<hbm>> -> memref<1x4x4x8x128xf32, #tpu.memory_space<hbm>>
        %dma_wait3A_169 = tpu.memref_squeeze %dma_wait3A_168 : memref<1x4x4x8x128xf32, #tpu.memory_space<hbm>> -> memref<4x4x8x128xf32, #tpu.memory_space<hbm>>
        %dma_wait3A_170 = arith.constant 0 : i32
        %dma_wait3A_171 = arith.constant 0 : i32
        %dma_wait3A_172 = arith.constant 0 : i32
        %dma_wait3A_173 = arith.constant 0 : i32
        %dma_wait3A_174 = tpu.memref_slice %arg7[%dma_wait3A_150, %dma_wait3A_170, %dma_wait3A_171, %dma_wait3A_172, %dma_wait3A_173] : memref<2x4x4x8x128xf32, #tpu.memory_space<vmem>> -> memref<1x4x4x8x128xf32, #tpu.memory_space<vmem>>
        %dma_wait3A_175 = tpu.memref_squeeze %dma_wait3A_174 : memref<1x4x4x8x128xf32, #tpu.memory_space<vmem>> -> memref<4x4x8x128xf32, #tpu.memory_space<vmem>>
        tpu.wait_dma2 semaphore(%dma_wait3A_164 : memref<!tpu.dma_semaphore, #tpu.memory_space<semaphore_mem>>) src(%dma_wait3A_175 : memref<4x4x8x128xf32, #tpu.memory_space<vmem>>) dst(%dma_wait3A_169 : memref<4x4x8x128xf32, #tpu.memory_space<hbm>>)
      } else {
      }
      %parallel_loop3A_116 = arith.constant 0 : i32
      %parallel_loop3A_117 = arith.constant 32 : i32
      %parallel_loop3A_118 = arith.constant 1 : i32
      scf.for %parallel_loop3A_147 = %parallel_loop3A_116 to %parallel_loop3A_117 step %parallel_loop3A_118  : i32 {
        %parallel_loop3A_148 = arith.constant 3 : i32
        %parallel_loop3A_149 = arith.shrui %parallel_loop3A_147, %parallel_loop3A_148 : i32
        %parallel_loop3A_150 = arith.constant 7 : i32
        %parallel_loop3A_151 = arith.andi %parallel_loop3A_147, %parallel_loop3A_150 : i32
        %parallel_loop3A_152 = arith.constant 128 : i32
        %parallel_loop3A_153 = arith.muli %parallel_loop3A_149, %parallel_loop3A_152 : i32
        %parallel_loop3A_154 = arith.constant 16 : i32
        %parallel_loop3A_155 = arith.muli %parallel_loop3A_151, %parallel_loop3A_154 : i32
        %parallel_loop3A_156 = arith.addi %parallel_loop3A_153, %parallel_loop3A_155 : i32
        %parallel_loop3A_157 = arith.constant 50 : i32
        %parallel_loop3A_158 = arith.muli %parallel_loop3A_156, %parallel_loop3A_157 : i32
        %parallel_loop3A_159 = arith.addi %parallel_loop3A_158, %add3A_110 : i32
        %parallel_loop3A_160 = vector.broadcast %parallel_loop3A_159 : i32 to vector<16xi32>
        %parallel_loop3A_161 = arith.addi %mul3A_8, %parallel_loop3A_160 : vector<16xi32>
        %parallel_loop3A_162 = tpu.vector_load_idx %arg6[%parallel_loop3A_161] : memref<25600xi32, #tpu.memory_space<vmem>>[vector<16xi32>], vector<16xi32>,
        %parallel_loop3A_163 = arith.constant 256 : i32
        %parallel_loop3A_164 = vector.broadcast %parallel_loop3A_163 : i32 to vector<16xi32>
        %parallel_loop3A_165 = arith.muli %parallel_loop3A_162, %parallel_loop3A_164 : vector<16xi32>
        %parallel_loop3A_166 = arith.addi %parallel_loop3A_165, %rem3A : vector<16xi32>
        %parallel_loop3A_167 = arith.constant 0 : i32
        %parallel_loop3A_168 = vector.broadcast %parallel_loop3A_167 : i32 to vector<16xi32>
        %parallel_loop3A_169 = arith.addi %parallel_loop3A_166, %parallel_loop3A_168 : vector<16xi32>
        %parallel_loop3A_170 = tpu.vector_load_idx %arg5[%parallel_loop3A_169] : memref<65792xf32, #tpu.memory_space<vmem>>[vector<16xi32>], vector<16xf32>,
        %parallel_loop3A_171 = arith.constant 16 : i32
        %parallel_loop3A_172 = arith.muli %parallel_loop3A_151, %parallel_loop3A_171 : i32
        %parallel_loop3A_173 = arith.constant 1 : i32
        %parallel_loop3A_174 = arith.constant 0 : i32
        %parallel_loop3A_175 = arith.constant 0 : i32
        %parallel_loop3A_176 = arith.index_cast %parallel_loop3A_173 : i32 to index
        %parallel_loop3A_177 = arith.index_cast %parallel_loop3A_174 : i32 to index
        %parallel_loop3A_178 = arith.index_cast %parallel_loop3A_149 : i32 to index
        %parallel_loop3A_179 = arith.index_cast %parallel_loop3A_175 : i32 to index
        %parallel_loop3A_180 = arith.index_cast %parallel_loop3A_172 : i32 to index
        %parallel_loop3A_181 = tpu.vector_load %arg7[%parallel_loop3A_176, %parallel_loop3A_177, %parallel_loop3A_178, %parallel_loop3A_179, %parallel_loop3A_180] {strides = array<i32>} : memref<2x4x4x8x128xf32, #tpu.memory_space<vmem>>, vector<16xf32>,
        tpu.vector_store %arg7[%parallel_loop3A_176, %parallel_loop3A_177, %parallel_loop3A_178, %parallel_loop3A_179, %parallel_loop3A_180], %parallel_loop3A_170 {strides = array<i32>} : memref<2x4x4x8x128xf32, #tpu.memory_space<vmem>>, vector<16xf32>,
        %parallel_loop3A_182 = arith.constant 8 : i32
        %parallel_loop3A_183 = vector.broadcast %parallel_loop3A_182 : i32 to vector<16xi32>
        %parallel_loop3A_184 = arith.addi %parallel_loop3A_166, %parallel_loop3A_183 : vector<16xi32>
        %parallel_loop3A_185 = tpu.vector_load_idx %arg5[%parallel_loop3A_184] : memref<65792xf32, #tpu.memory_space<vmem>>[vector<16xi32>], vector<16xf32>,
        %parallel_loop3A_186 = arith.constant 16 : i32
        %parallel_loop3A_187 = arith.muli %parallel_loop3A_151, %parallel_loop3A_186 : i32
        %parallel_loop3A_188 = arith.constant 1 : i32
        %parallel_loop3A_189 = arith.constant 0 : i32
        %parallel_loop3A_190 = arith.constant 1 : i32
        %parallel_loop3A_191 = arith.index_cast %parallel_loop3A_188 : i32 to index
        %parallel_loop3A_192 = arith.index_cast %parallel_loop3A_189 : i32 to index
        %parallel_loop3A_193 = arith.index_cast %parallel_loop3A_149 : i32 to index
        %parallel_loop3A_194 = arith.index_cast %parallel_loop3A_190 : i32 to index
        %parallel_loop3A_195 = arith.index_cast %parallel_loop3A_187 : i32 to index
        %parallel_loop3A_196 = tpu.vector_load %arg7[%parallel_loop3A_191, %parallel_loop3A_192, %parallel_loop3A_193, %parallel_loop3A_194, %parallel_loop3A_195] {strides = array<i32>} : memref<2x4x4x8x128xf32, #tpu.memory_space<vmem>>, vector<16xf32>,
        tpu.vector_store %arg7[%parallel_loop3A_191, %parallel_loop3A_192, %parallel_loop3A_193, %parallel_loop3A_194, %parallel_loop3A_195], %parallel_loop3A_185 {strides = array<i32>} : memref<2x4x4x8x128xf32, #tpu.memory_space<vmem>>, vector<16xf32>,
        %parallel_loop3A_197 = arith.constant 16 : i32
        %parallel_loop3A_198 = vector.broadcast %parallel_loop3A_197 : i32 to vector<16xi32>
        %parallel_loop3A_199 = arith.addi %parallel_loop3A_166, %parallel_loop3A_198 : vector<16xi32>
        %parallel_loop3A_200 = tpu.vector_load_idx %arg5[%parallel_loop3A_199] : memref<65792xf32, #tpu.memory_space<vmem>>[vector<16xi32>], vector<16xf32>,
        %parallel_loop3A_201 = arith.constant 16 : i32
        %parallel_loop3A_202 = arith.muli %parallel_loop3A_151, %parallel_loop3A_201 : i32
        %parallel_loop3A_203 = arith.constant 1 : i32
        %parallel_loop3A_204 = arith.constant 0 : i32
        %parallel_loop3A_205 = arith.constant 2 : i32
        %parallel_loop3A_206 = arith.index_cast %parallel_loop3A_203 : i32 to index
        %parallel_loop3A_207 = arith.index_cast %parallel_loop3A_204 : i32 to index
        %parallel_loop3A_208 = arith.index_cast %parallel_loop3A_149 : i32 to index
        %parallel_loop3A_209 = arith.index_cast %parallel_loop3A_205 : i32 to index
        %parallel_loop3A_210 = arith.index_cast %parallel_loop3A_202 : i32 to index
        %parallel_loop3A_211 = tpu.vector_load %arg7[%parallel_loop3A_206, %parallel_loop3A_207, %parallel_loop3A_208, %parallel_loop3A_209, %parallel_loop3A_210] {strides = array<i32>} : memref<2x4x4x8x128xf32, #tpu.memory_space<vmem>>, vector<16xf32>,
        tpu.vector_store %arg7[%parallel_loop3A_206, %parallel_loop3A_207, %parallel_loop3A_208, %parallel_loop3A_209, %parallel_loop3A_210], %parallel_loop3A_200 {strides = array<i32>} : memref<2x4x4x8x128xf32, #tpu.memory_space<vmem>>, vector<16xf32>,
        %parallel_loop3A_212 = arith.constant 24 : i32
        %parallel_loop3A_213 = vector.broadcast %parallel_loop3A_212 : i32 to vector<16xi32>
        %parallel_loop3A_214 = arith.addi %parallel_loop3A_166, %parallel_loop3A_213 : vector<16xi32>
        %parallel_loop3A_215 = tpu.vector_load_idx %arg5[%parallel_loop3A_214] : memref<65792xf32, #tpu.memory_space<vmem>>[vector<16xi32>], vector<16xf32>,
        %parallel_loop3A_216 = arith.constant 16 : i32
        %parallel_loop3A_217 = arith.muli %parallel_loop3A_151, %parallel_loop3A_216 : i32
        %parallel_loop3A_218 = arith.constant 1 : i32
        %parallel_loop3A_219 = arith.constant 0 : i32
        %parallel_loop3A_220 = arith.constant 3 : i32
        %parallel_loop3A_221 = arith.index_cast %parallel_loop3A_218 : i32 to index
        %parallel_loop3A_222 = arith.index_cast %parallel_loop3A_219 : i32 to index
        %parallel_loop3A_223 = arith.index_cast %parallel_loop3A_149 : i32 to index
        %parallel_loop3A_224 = arith.index_cast %parallel_loop3A_220 : i32 to index
        %parallel_loop3A_225 = arith.index_cast %parallel_loop3A_217 : i32 to index
        %parallel_loop3A_226 = tpu.vector_load %arg7[%parallel_loop3A_221, %parallel_loop3A_222, %parallel_loop3A_223, %parallel_loop3A_224, %parallel_loop3A_225] {strides = array<i32>} : memref<2x4x4x8x128xf32, #tpu.memory_space<vmem>>, vector<16xf32>,
        tpu.vector_store %arg7[%parallel_loop3A_221, %parallel_loop3A_222, %parallel_loop3A_223, %parallel_loop3A_224, %parallel_loop3A_225], %parallel_loop3A_215 {strides = array<i32>} : memref<2x4x4x8x128xf32, #tpu.memory_space<vmem>>, vector<16xf32>,
        %parallel_loop3A_227 = arith.constant 32 : i32
        %parallel_loop3A_228 = vector.broadcast %parallel_loop3A_227 : i32 to vector<16xi32>
        %parallel_loop3A_229 = arith.addi %parallel_loop3A_166, %parallel_loop3A_228 : vector<16xi32>
        %parallel_loop3A_230 = tpu.vector_load_idx %arg5[%parallel_loop3A_229] : memref<65792xf32, #tpu.memory_space<vmem>>[vector<16xi32>], vector<16xf32>,
        %parallel_loop3A_231 = arith.constant 16 : i32
        %parallel_loop3A_232 = arith.muli %parallel_loop3A_151, %parallel_loop3A_231 : i32
        %parallel_loop3A_233 = arith.constant 1 : i32
        %parallel_loop3A_234 = arith.constant 0 : i32
        %parallel_loop3A_235 = arith.constant 4 : i32
        %parallel_loop3A_236 = arith.index_cast %parallel_loop3A_233 : i32 to index
        %parallel_loop3A_237 = arith.index_cast %parallel_loop3A_234 : i32 to index
        %parallel_loop3A_238 = arith.index_cast %parallel_loop3A_149 : i32 to index
        %parallel_loop3A_239 = arith.index_cast %parallel_loop3A_235 : i32 to index
        %parallel_loop3A_240 = arith.index_cast %parallel_loop3A_232 : i32 to index
        %parallel_loop3A_241 = tpu.vector_load %arg7[%parallel_loop3A_236, %parallel_loop3A_237, %parallel_loop3A_238, %parallel_loop3A_239, %parallel_loop3A_240] {strides = array<i32>} : memref<2x4x4x8x128xf32, #tpu.memory_space<vmem>>, vector<16xf32>,
        tpu.vector_store %arg7[%parallel_loop3A_236, %parallel_loop3A_237, %parallel_loop3A_238, %parallel_loop3A_239, %parallel_loop3A_240], %parallel_loop3A_230 {strides = array<i32>} : memref<2x4x4x8x128xf32, #tpu.memory_space<vmem>>, vector<16xf32>,
        %parallel_loop3A_242 = arith.constant 40 : i32
        %parallel_loop3A_243 = vector.broadcast %parallel_loop3A_242 : i32 to vector<16xi32>
        %parallel_loop3A_244 = arith.addi %parallel_loop3A_166, %parallel_loop3A_243 : vector<16xi32>
        %parallel_loop3A_245 = tpu.vector_load_idx %arg5[%parallel_loop3A_244] : memref<65792xf32, #tpu.memory_space<vmem>>[vector<16xi32>], vector<16xf32>,
        %parallel_loop3A_246 = arith.constant 16 : i32
        %parallel_loop3A_247 = arith.muli %parallel_loop3A_151, %parallel_loop3A_246 : i32
        %parallel_loop3A_248 = arith.constant 1 : i32
        %parallel_loop3A_249 = arith.constant 0 : i32
        %parallel_loop3A_250 = arith.constant 5 : i32
        %parallel_loop3A_251 = arith.index_cast %parallel_loop3A_248 : i32 to index
        %parallel_loop3A_252 = arith.index_cast %parallel_loop3A_249 : i32 to index
        %parallel_loop3A_253 = arith.index_cast %parallel_loop3A_149 : i32 to index
        %parallel_loop3A_254 = arith.index_cast %parallel_loop3A_250 : i32 to index
        %parallel_loop3A_255 = arith.index_cast %parallel_loop3A_247 : i32 to index
        %parallel_loop3A_256 = tpu.vector_load %arg7[%parallel_loop3A_251, %parallel_loop3A_252, %parallel_loop3A_253, %parallel_loop3A_254, %parallel_loop3A_255] {strides = array<i32>} : memref<2x4x4x8x128xf32, #tpu.memory_space<vmem>>, vector<16xf32>,
        tpu.vector_store %arg7[%parallel_loop3A_251, %parallel_loop3A_252, %parallel_loop3A_253, %parallel_loop3A_254, %parallel_loop3A_255], %parallel_loop3A_245 {strides = array<i32>} : memref<2x4x4x8x128xf32, #tpu.memory_space<vmem>>, vector<16xf32>,
        %parallel_loop3A_257 = arith.constant 48 : i32
        %parallel_loop3A_258 = vector.broadcast %parallel_loop3A_257 : i32 to vector<16xi32>
        %parallel_loop3A_259 = arith.addi %parallel_loop3A_166, %parallel_loop3A_258 : vector<16xi32>
        %parallel_loop3A_260 = tpu.vector_load_idx %arg5[%parallel_loop3A_259] : memref<65792xf32, #tpu.memory_space<vmem>>[vector<16xi32>], vector<16xf32>,
        %parallel_loop3A_261 = arith.constant 16 : i32
        %parallel_loop3A_262 = arith.muli %parallel_loop3A_151, %parallel_loop3A_261 : i32
        %parallel_loop3A_263 = arith.constant 1 : i32
        %parallel_loop3A_264 = arith.constant 0 : i32
        %parallel_loop3A_265 = arith.constant 6 : i32
        %parallel_loop3A_266 = arith.index_cast %parallel_loop3A_263 : i32 to index
        %parallel_loop3A_267 = arith.index_cast %parallel_loop3A_264 : i32 to index
        %parallel_loop3A_268 = arith.index_cast %parallel_loop3A_149 : i32 to index
        %parallel_loop3A_269 = arith.index_cast %parallel_loop3A_265 : i32 to index
        %parallel_loop3A_270 = arith.index_cast %parallel_loop3A_262 : i32 to index
        %parallel_loop3A_271 = tpu.vector_load %arg7[%parallel_loop3A_266, %parallel_loop3A_267, %parallel_loop3A_268, %parallel_loop3A_269, %parallel_loop3A_270] {strides = array<i32>} : memref<2x4x4x8x128xf32, #tpu.memory_space<vmem>>, vector<16xf32>,
        tpu.vector_store %arg7[%parallel_loop3A_266, %parallel_loop3A_267, %parallel_loop3A_268, %parallel_loop3A_269, %parallel_loop3A_270], %parallel_loop3A_260 {strides = array<i32>} : memref<2x4x4x8x128xf32, #tpu.memory_space<vmem>>, vector<16xf32>,
        %parallel_loop3A_272 = arith.constant 56 : i32
        %parallel_loop3A_273 = vector.broadcast %parallel_loop3A_272 : i32 to vector<16xi32>
        %parallel_loop3A_274 = arith.addi %parallel_loop3A_166, %parallel_loop3A_273 : vector<16xi32>
        %parallel_loop3A_275 = tpu.vector_load_idx %arg5[%parallel_loop3A_274] : memref<65792xf32, #tpu.memory_space<vmem>>[vector<16xi32>], vector<16xf32>,
        %parallel_loop3A_276 = arith.constant 16 : i32
        %parallel_loop3A_277 = arith.muli %parallel_loop3A_151, %parallel_loop3A_276 : i32
        %parallel_loop3A_278 = arith.constant 1 : i32
        %parallel_loop3A_279 = arith.constant 0 : i32
        %parallel_loop3A_280 = arith.constant 7 : i32
        %parallel_loop3A_281 = arith.index_cast %parallel_loop3A_278 : i32 to index
        %parallel_loop3A_282 = arith.index_cast %parallel_loop3A_279 : i32 to index
        %parallel_loop3A_283 = arith.index_cast %parallel_loop3A_149 : i32 to index
        %parallel_loop3A_284 = arith.index_cast %parallel_loop3A_280 : i32 to index
        %parallel_loop3A_285 = arith.index_cast %parallel_loop3A_277 : i32 to index
        %parallel_loop3A_286 = tpu.vector_load %arg7[%parallel_loop3A_281, %parallel_loop3A_282, %parallel_loop3A_283, %parallel_loop3A_284, %parallel_loop3A_285] {strides = array<i32>} : memref<2x4x4x8x128xf32, #tpu.memory_space<vmem>>, vector<16xf32>,
        tpu.vector_store %arg7[%parallel_loop3A_281, %parallel_loop3A_282, %parallel_loop3A_283, %parallel_loop3A_284, %parallel_loop3A_285], %parallel_loop3A_275 {strides = array<i32>} : memref<2x4x4x8x128xf32, #tpu.memory_space<vmem>>, vector<16xf32>,
        %parallel_loop3A_287 = arith.constant 64 : i32
        %parallel_loop3A_288 = vector.broadcast %parallel_loop3A_287 : i32 to vector<16xi32>
        %parallel_loop3A_289 = arith.addi %parallel_loop3A_166, %parallel_loop3A_288 : vector<16xi32>
        %parallel_loop3A_290 = tpu.vector_load_idx %arg5[%parallel_loop3A_289] : memref<65792xf32, #tpu.memory_space<vmem>>[vector<16xi32>], vector<16xf32>,
        %parallel_loop3A_291 = arith.constant 16 : i32
        %parallel_loop3A_292 = arith.muli %parallel_loop3A_151, %parallel_loop3A_291 : i32
        %parallel_loop3A_293 = arith.constant 1 : i32
        %parallel_loop3A_294 = arith.constant 1 : i32
        %parallel_loop3A_295 = arith.constant 0 : i32
        %parallel_loop3A_296 = arith.index_cast %parallel_loop3A_293 : i32 to index
        %parallel_loop3A_297 = arith.index_cast %parallel_loop3A_294 : i32 to index
        %parallel_loop3A_298 = arith.index_cast %parallel_loop3A_149 : i32 to index
        %parallel_loop3A_299 = arith.index_cast %parallel_loop3A_295 : i32 to index
        %parallel_loop3A_300 = arith.index_cast %parallel_loop3A_292 : i32 to index
        %parallel_loop3A_301 = tpu.vector_load %arg7[%parallel_loop3A_296, %parallel_loop3A_297, %parallel_loop3A_298, %parallel_loop3A_299, %parallel_loop3A_300] {strides = array<i32>} : memref<2x4x4x8x128xf32, #tpu.memory_space<vmem>>, vector<16xf32>,
        tpu.vector_store %arg7[%parallel_loop3A_296, %parallel_loop3A_297, %parallel_loop3A_298, %parallel_loop3A_299, %parallel_loop3A_300], %parallel_loop3A_290 {strides = array<i32>} : memref<2x4x4x8x128xf32, #tpu.memory_space<vmem>>, vector<16xf32>,
        %parallel_loop3A_302 = arith.constant 72 : i32
        %parallel_loop3A_303 = vector.broadcast %parallel_loop3A_302 : i32 to vector<16xi32>
        %parallel_loop3A_304 = arith.addi %parallel_loop3A_166, %parallel_loop3A_303 : vector<16xi32>
        %parallel_loop3A_305 = tpu.vector_load_idx %arg5[%parallel_loop3A_304] : memref<65792xf32, #tpu.memory_space<vmem>>[vector<16xi32>], vector<16xf32>,
        %parallel_loop3A_306 = arith.constant 16 : i32
        %parallel_loop3A_307 = arith.muli %parallel_loop3A_151, %parallel_loop3A_306 : i32
        %parallel_loop3A_308 = arith.constant 1 : i32
        %parallel_loop3A_309 = arith.constant 1 : i32
        %parallel_loop3A_310 = arith.constant 1 : i32
        %parallel_loop3A_311 = arith.index_cast %parallel_loop3A_308 : i32 to index
        %parallel_loop3A_312 = arith.index_cast %parallel_loop3A_309 : i32 to index
        %parallel_loop3A_313 = arith.index_cast %parallel_loop3A_149 : i32 to index
        %parallel_loop3A_314 = arith.index_cast %parallel_loop3A_310 : i32 to index
        %parallel_loop3A_315 = arith.index_cast %parallel_loop3A_307 : i32 to index
        %parallel_loop3A_316 = tpu.vector_load %arg7[%parallel_loop3A_311, %parallel_loop3A_312, %parallel_loop3A_313, %parallel_loop3A_314, %parallel_loop3A_315] {strides = array<i32>} : memref<2x4x4x8x128xf32, #tpu.memory_space<vmem>>, vector<16xf32>,
        tpu.vector_store %arg7[%parallel_loop3A_311, %parallel_loop3A_312, %parallel_loop3A_313, %parallel_loop3A_314, %parallel_loop3A_315], %parallel_loop3A_305 {strides = array<i32>} : memref<2x4x4x8x128xf32, #tpu.memory_space<vmem>>, vector<16xf32>,
        %parallel_loop3A_317 = arith.constant 80 : i32
        %parallel_loop3A_318 = vector.broadcast %parallel_loop3A_317 : i32 to vector<16xi32>
        %parallel_loop3A_319 = arith.addi %parallel_loop3A_166, %parallel_loop3A_318 : vector<16xi32>
        %parallel_loop3A_320 = tpu.vector_load_idx %arg5[%parallel_loop3A_319] : memref<65792xf32, #tpu.memory_space<vmem>>[vector<16xi32>], vector<16xf32>,
        %parallel_loop3A_321 = arith.constant 16 : i32
        %parallel_loop3A_322 = arith.muli %parallel_loop3A_151, %parallel_loop3A_321 : i32
        %parallel_loop3A_323 = arith.constant 1 : i32
        %parallel_loop3A_324 = arith.constant 1 : i32
        %parallel_loop3A_325 = arith.constant 2 : i32
        %parallel_loop3A_326 = arith.index_cast %parallel_loop3A_323 : i32 to index
        %parallel_loop3A_327 = arith.index_cast %parallel_loop3A_324 : i32 to index
        %parallel_loop3A_328 = arith.index_cast %parallel_loop3A_149 : i32 to index
        %parallel_loop3A_329 = arith.index_cast %parallel_loop3A_325 : i32 to index
        %parallel_loop3A_330 = arith.index_cast %parallel_loop3A_322 : i32 to index
        %parallel_loop3A_331 = tpu.vector_load %arg7[%parallel_loop3A_326, %parallel_loop3A_327, %parallel_loop3A_328, %parallel_loop3A_329, %parallel_loop3A_330] {strides = array<i32>} : memref<2x4x4x8x128xf32, #tpu.memory_space<vmem>>, vector<16xf32>,
        tpu.vector_store %arg7[%parallel_loop3A_326, %parallel_loop3A_327, %parallel_loop3A_328, %parallel_loop3A_329, %parallel_loop3A_330], %parallel_loop3A_320 {strides = array<i32>} : memref<2x4x4x8x128xf32, #tpu.memory_space<vmem>>, vector<16xf32>,
        %parallel_loop3A_332 = arith.constant 88 : i32
        %parallel_loop3A_333 = vector.broadcast %parallel_loop3A_332 : i32 to vector<16xi32>
        %parallel_loop3A_334 = arith.addi %parallel_loop3A_166, %parallel_loop3A_333 : vector<16xi32>
        %parallel_loop3A_335 = tpu.vector_load_idx %arg5[%parallel_loop3A_334] : memref<65792xf32, #tpu.memory_space<vmem>>[vector<16xi32>], vector<16xf32>,
        %parallel_loop3A_336 = arith.constant 16 : i32
        %parallel_loop3A_337 = arith.muli %parallel_loop3A_151, %parallel_loop3A_336 : i32
        %parallel_loop3A_338 = arith.constant 1 : i32
        %parallel_loop3A_339 = arith.constant 1 : i32
        %parallel_loop3A_340 = arith.constant 3 : i32
        %parallel_loop3A_341 = arith.index_cast %parallel_loop3A_338 : i32 to index
        %parallel_loop3A_342 = arith.index_cast %parallel_loop3A_339 : i32 to index
        %parallel_loop3A_343 = arith.index_cast %parallel_loop3A_149 : i32 to index
        %parallel_loop3A_344 = arith.index_cast %parallel_loop3A_340 : i32 to index
        %parallel_loop3A_345 = arith.index_cast %parallel_loop3A_337 : i32 to index
        %parallel_loop3A_346 = tpu.vector_load %arg7[%parallel_loop3A_341, %parallel_loop3A_342, %parallel_loop3A_343, %parallel_loop3A_344, %parallel_loop3A_345] {strides = array<i32>} : memref<2x4x4x8x128xf32, #tpu.memory_space<vmem>>, vector<16xf32>,
        tpu.vector_store %arg7[%parallel_loop3A_341, %parallel_loop3A_342, %parallel_loop3A_343, %parallel_loop3A_344, %parallel_loop3A_345], %parallel_loop3A_335 {strides = array<i32>} : memref<2x4x4x8x128xf32, #tpu.memory_space<vmem>>, vector<16xf32>,
        %parallel_loop3A_347 = arith.constant 96 : i32
        %parallel_loop3A_348 = vector.broadcast %parallel_loop3A_347 : i32 to vector<16xi32>
        %parallel_loop3A_349 = arith.addi %parallel_loop3A_166, %parallel_loop3A_348 : vector<16xi32>
        %parallel_loop3A_350 = tpu.vector_load_idx %arg5[%parallel_loop3A_349] : memref<65792xf32, #tpu.memory_space<vmem>>[vector<16xi32>], vector<16xf32>,
        %parallel_loop3A_351 = arith.constant 16 : i32
        %parallel_loop3A_352 = arith.muli %parallel_loop3A_151, %parallel_loop3A_351 : i32
        %parallel_loop3A_353 = arith.constant 1 : i32
        %parallel_loop3A_354 = arith.constant 1 : i32
        %parallel_loop3A_355 = arith.constant 4 : i32
        %parallel_loop3A_356 = arith.index_cast %parallel_loop3A_353 : i32 to index
        %parallel_loop3A_357 = arith.index_cast %parallel_loop3A_354 : i32 to index
        %parallel_loop3A_358 = arith.index_cast %parallel_loop3A_149 : i32 to index
        %parallel_loop3A_359 = arith.index_cast %parallel_loop3A_355 : i32 to index
        %parallel_loop3A_360 = arith.index_cast %parallel_loop3A_352 : i32 to index
        %parallel_loop3A_361 = tpu.vector_load %arg7[%parallel_loop3A_356, %parallel_loop3A_357, %parallel_loop3A_358, %parallel_loop3A_359, %parallel_loop3A_360] {strides = array<i32>} : memref<2x4x4x8x128xf32, #tpu.memory_space<vmem>>, vector<16xf32>,
        tpu.vector_store %arg7[%parallel_loop3A_356, %parallel_loop3A_357, %parallel_loop3A_358, %parallel_loop3A_359, %parallel_loop3A_360], %parallel_loop3A_350 {strides = array<i32>} : memref<2x4x4x8x128xf32, #tpu.memory_space<vmem>>, vector<16xf32>,
        %parallel_loop3A_362 = arith.constant 104 : i32
        %parallel_loop3A_363 = vector.broadcast %parallel_loop3A_362 : i32 to vector<16xi32>
        %parallel_loop3A_364 = arith.addi %parallel_loop3A_166, %parallel_loop3A_363 : vector<16xi32>
        %parallel_loop3A_365 = tpu.vector_load_idx %arg5[%parallel_loop3A_364] : memref<65792xf32, #tpu.memory_space<vmem>>[vector<16xi32>], vector<16xf32>,
        %parallel_loop3A_366 = arith.constant 16 : i32
        %parallel_loop3A_367 = arith.muli %parallel_loop3A_151, %parallel_loop3A_366 : i32
        %parallel_loop3A_368 = arith.constant 1 : i32
        %parallel_loop3A_369 = arith.constant 1 : i32
        %parallel_loop3A_370 = arith.constant 5 : i32
        %parallel_loop3A_371 = arith.index_cast %parallel_loop3A_368 : i32 to index
        %parallel_loop3A_372 = arith.index_cast %parallel_loop3A_369 : i32 to index
        %parallel_loop3A_373 = arith.index_cast %parallel_loop3A_149 : i32 to index
        %parallel_loop3A_374 = arith.index_cast %parallel_loop3A_370 : i32 to index
        %parallel_loop3A_375 = arith.index_cast %parallel_loop3A_367 : i32 to index
        %parallel_loop3A_376 = tpu.vector_load %arg7[%parallel_loop3A_371, %parallel_loop3A_372, %parallel_loop3A_373, %parallel_loop3A_374, %parallel_loop3A_375] {strides = array<i32>} : memref<2x4x4x8x128xf32, #tpu.memory_space<vmem>>, vector<16xf32>,
        tpu.vector_store %arg7[%parallel_loop3A_371, %parallel_loop3A_372, %parallel_loop3A_373, %parallel_loop3A_374, %parallel_loop3A_375], %parallel_loop3A_365 {strides = array<i32>} : memref<2x4x4x8x128xf32, #tpu.memory_space<vmem>>, vector<16xf32>,
        %parallel_loop3A_377 = arith.constant 112 : i32
        %parallel_loop3A_378 = vector.broadcast %parallel_loop3A_377 : i32 to vector<16xi32>
        %parallel_loop3A_379 = arith.addi %parallel_loop3A_166, %parallel_loop3A_378 : vector<16xi32>
        %parallel_loop3A_380 = tpu.vector_load_idx %arg5[%parallel_loop3A_379] : memref<65792xf32, #tpu.memory_space<vmem>>[vector<16xi32>], vector<16xf32>,
        %parallel_loop3A_381 = arith.constant 16 : i32
        %parallel_loop3A_382 = arith.muli %parallel_loop3A_151, %parallel_loop3A_381 : i32
        %parallel_loop3A_383 = arith.constant 1 : i32
        %parallel_loop3A_384 = arith.constant 1 : i32
        %parallel_loop3A_385 = arith.constant 6 : i32
        %parallel_loop3A_386 = arith.index_cast %parallel_loop3A_383 : i32 to index
        %parallel_loop3A_387 = arith.index_cast %parallel_loop3A_384 : i32 to index
        %parallel_loop3A_388 = arith.index_cast %parallel_loop3A_149 : i32 to index
        %parallel_loop3A_389 = arith.index_cast %parallel_loop3A_385 : i32 to index
        %parallel_loop3A_390 = arith.index_cast %parallel_loop3A_382 : i32 to index
        %parallel_loop3A_391 = tpu.vector_load %arg7[%parallel_loop3A_386, %parallel_loop3A_387, %parallel_loop3A_388, %parallel_loop3A_389, %parallel_loop3A_390] {strides = array<i32>} : memref<2x4x4x8x128xf32, #tpu.memory_space<vmem>>, vector<16xf32>,
        tpu.vector_store %arg7[%parallel_loop3A_386, %parallel_loop3A_387, %parallel_loop3A_388, %parallel_loop3A_389, %parallel_loop3A_390], %parallel_loop3A_380 {strides = array<i32>} : memref<2x4x4x8x128xf32, #tpu.memory_space<vmem>>, vector<16xf32>,
        %parallel_loop3A_392 = arith.constant 120 : i32
        %parallel_loop3A_393 = vector.broadcast %parallel_loop3A_392 : i32 to vector<16xi32>
        %parallel_loop3A_394 = arith.addi %parallel_loop3A_166, %parallel_loop3A_393 : vector<16xi32>
        %parallel_loop3A_395 = tpu.vector_load_idx %arg5[%parallel_loop3A_394] : memref<65792xf32, #tpu.memory_space<vmem>>[vector<16xi32>], vector<16xf32>,
        %parallel_loop3A_396 = arith.constant 16 : i32
        %parallel_loop3A_397 = arith.muli %parallel_loop3A_151, %parallel_loop3A_396 : i32
        %parallel_loop3A_398 = arith.constant 1 : i32
        %parallel_loop3A_399 = arith.constant 1 : i32
        %parallel_loop3A_400 = arith.constant 7 : i32
        %parallel_loop3A_401 = arith.index_cast %parallel_loop3A_398 : i32 to index
        %parallel_loop3A_402 = arith.index_cast %parallel_loop3A_399 : i32 to index
        %parallel_loop3A_403 = arith.index_cast %parallel_loop3A_149 : i32 to index
        %parallel_loop3A_404 = arith.index_cast %parallel_loop3A_400 : i32 to index
        %parallel_loop3A_405 = arith.index_cast %parallel_loop3A_397 : i32 to index
        %parallel_loop3A_406 = tpu.vector_load %arg7[%parallel_loop3A_401, %parallel_loop3A_402, %parallel_loop3A_403, %parallel_loop3A_404, %parallel_loop3A_405] {strides = array<i32>} : memref<2x4x4x8x128xf32, #tpu.memory_space<vmem>>, vector<16xf32>,
        tpu.vector_store %arg7[%parallel_loop3A_401, %parallel_loop3A_402, %parallel_loop3A_403, %parallel_loop3A_404, %parallel_loop3A_405], %parallel_loop3A_395 {strides = array<i32>} : memref<2x4x4x8x128xf32, #tpu.memory_space<vmem>>, vector<16xf32>,
        %parallel_loop3A_407 = arith.constant 128 : i32
        %parallel_loop3A_408 = vector.broadcast %parallel_loop3A_407 : i32 to vector<16xi32>
        %parallel_loop3A_409 = arith.addi %parallel_loop3A_166, %parallel_loop3A_408 : vector<16xi32>
        %parallel_loop3A_410 = tpu.vector_load_idx %arg5[%parallel_loop3A_409] : memref<65792xf32, #tpu.memory_space<vmem>>[vector<16xi32>], vector<16xf32>,
        %parallel_loop3A_411 = arith.constant 16 : i32
        %parallel_loop3A_412 = arith.muli %parallel_loop3A_151, %parallel_loop3A_411 : i32
        %parallel_loop3A_413 = arith.constant 1 : i32
        %parallel_loop3A_414 = arith.constant 2 : i32
        %parallel_loop3A_415 = arith.constant 0 : i32
        %parallel_loop3A_416 = arith.index_cast %parallel_loop3A_413 : i32 to index
        %parallel_loop3A_417 = arith.index_cast %parallel_loop3A_414 : i32 to index
        %parallel_loop3A_418 = arith.index_cast %parallel_loop3A_149 : i32 to index
        %parallel_loop3A_419 = arith.index_cast %parallel_loop3A_415 : i32 to index
        %parallel_loop3A_420 = arith.index_cast %parallel_loop3A_412 : i32 to index
        %parallel_loop3A_421 = tpu.vector_load %arg7[%parallel_loop3A_416, %parallel_loop3A_417, %parallel_loop3A_418, %parallel_loop3A_419, %parallel_loop3A_420] {strides = array<i32>} : memref<2x4x4x8x128xf32, #tpu.memory_space<vmem>>, vector<16xf32>,
        tpu.vector_store %arg7[%parallel_loop3A_416, %parallel_loop3A_417, %parallel_loop3A_418, %parallel_loop3A_419, %parallel_loop3A_420], %parallel_loop3A_410 {strides = array<i32>} : memref<2x4x4x8x128xf32, #tpu.memory_space<vmem>>, vector<16xf32>,
        %parallel_loop3A_422 = arith.constant 136 : i32
        %parallel_loop3A_423 = vector.broadcast %parallel_loop3A_422 : i32 to vector<16xi32>
        %parallel_loop3A_424 = arith.addi %parallel_loop3A_166, %parallel_loop3A_423 : vector<16xi32>
        %parallel_loop3A_425 = tpu.vector_load_idx %arg5[%parallel_loop3A_424] : memref<65792xf32, #tpu.memory_space<vmem>>[vector<16xi32>], vector<16xf32>,
        %parallel_loop3A_426 = arith.constant 16 : i32
        %parallel_loop3A_427 = arith.muli %parallel_loop3A_151, %parallel_loop3A_426 : i32
        %parallel_loop3A_428 = arith.constant 1 : i32
        %parallel_loop3A_429 = arith.constant 2 : i32
        %parallel_loop3A_430 = arith.constant 1 : i32
        %parallel_loop3A_431 = arith.index_cast %parallel_loop3A_428 : i32 to index
        %parallel_loop3A_432 = arith.index_cast %parallel_loop3A_429 : i32 to index
        %parallel_loop3A_433 = arith.index_cast %parallel_loop3A_149 : i32 to index
        %parallel_loop3A_434 = arith.index_cast %parallel_loop3A_430 : i32 to index
        %parallel_loop3A_435 = arith.index_cast %parallel_loop3A_427 : i32 to index
        %parallel_loop3A_436 = tpu.vector_load %arg7[%parallel_loop3A_431, %parallel_loop3A_432, %parallel_loop3A_433, %parallel_loop3A_434, %parallel_loop3A_435] {strides = array<i32>} : memref<2x4x4x8x128xf32, #tpu.memory_space<vmem>>, vector<16xf32>,
        tpu.vector_store %arg7[%parallel_loop3A_431, %parallel_loop3A_432, %parallel_loop3A_433, %parallel_loop3A_434, %parallel_loop3A_435], %parallel_loop3A_425 {strides = array<i32>} : memref<2x4x4x8x128xf32, #tpu.memory_space<vmem>>, vector<16xf32>,
        %parallel_loop3A_437 = arith.constant 144 : i32
        %parallel_loop3A_438 = vector.broadcast %parallel_loop3A_437 : i32 to vector<16xi32>
        %parallel_loop3A_439 = arith.addi %parallel_loop3A_166, %parallel_loop3A_438 : vector<16xi32>
        %parallel_loop3A_440 = tpu.vector_load_idx %arg5[%parallel_loop3A_439] : memref<65792xf32, #tpu.memory_space<vmem>>[vector<16xi32>], vector<16xf32>,
        %parallel_loop3A_441 = arith.constant 16 : i32
        %parallel_loop3A_442 = arith.muli %parallel_loop3A_151, %parallel_loop3A_441 : i32
        %parallel_loop3A_443 = arith.constant 1 : i32
        %parallel_loop3A_444 = arith.constant 2 : i32
        %parallel_loop3A_445 = arith.constant 2 : i32
        %parallel_loop3A_446 = arith.index_cast %parallel_loop3A_443 : i32 to index
        %parallel_loop3A_447 = arith.index_cast %parallel_loop3A_444 : i32 to index
        %parallel_loop3A_448 = arith.index_cast %parallel_loop3A_149 : i32 to index
        %parallel_loop3A_449 = arith.index_cast %parallel_loop3A_445 : i32 to index
        %parallel_loop3A_450 = arith.index_cast %parallel_loop3A_442 : i32 to index
        %parallel_loop3A_451 = tpu.vector_load %arg7[%parallel_loop3A_446, %parallel_loop3A_447, %parallel_loop3A_448, %parallel_loop3A_449, %parallel_loop3A_450] {strides = array<i32>} : memref<2x4x4x8x128xf32, #tpu.memory_space<vmem>>, vector<16xf32>,
        tpu.vector_store %arg7[%parallel_loop3A_446, %parallel_loop3A_447, %parallel_loop3A_448, %parallel_loop3A_449, %parallel_loop3A_450], %parallel_loop3A_440 {strides = array<i32>} : memref<2x4x4x8x128xf32, #tpu.memory_space<vmem>>, vector<16xf32>,
        %parallel_loop3A_452 = arith.constant 152 : i32
        %parallel_loop3A_453 = vector.broadcast %parallel_loop3A_452 : i32 to vector<16xi32>
        %parallel_loop3A_454 = arith.addi %parallel_loop3A_166, %parallel_loop3A_453 : vector<16xi32>
        %parallel_loop3A_455 = tpu.vector_load_idx %arg5[%parallel_loop3A_454] : memref<65792xf32, #tpu.memory_space<vmem>>[vector<16xi32>], vector<16xf32>,
        %parallel_loop3A_456 = arith.constant 16 : i32
        %parallel_loop3A_457 = arith.muli %parallel_loop3A_151, %parallel_loop3A_456 : i32
        %parallel_loop3A_458 = arith.constant 1 : i32
        %parallel_loop3A_459 = arith.constant 2 : i32
        %parallel_loop3A_460 = arith.constant 3 : i32
        %parallel_loop3A_461 = arith.index_cast %parallel_loop3A_458 : i32 to index
        %parallel_loop3A_462 = arith.index_cast %parallel_loop3A_459 : i32 to index
        %parallel_loop3A_463 = arith.index_cast %parallel_loop3A_149 : i32 to index
        %parallel_loop3A_464 = arith.index_cast %parallel_loop3A_460 : i32 to index
        %parallel_loop3A_465 = arith.index_cast %parallel_loop3A_457 : i32 to index
        %parallel_loop3A_466 = tpu.vector_load %arg7[%parallel_loop3A_461, %parallel_loop3A_462, %parallel_loop3A_463, %parallel_loop3A_464, %parallel_loop3A_465] {strides = array<i32>} : memref<2x4x4x8x128xf32, #tpu.memory_space<vmem>>, vector<16xf32>,
        tpu.vector_store %arg7[%parallel_loop3A_461, %parallel_loop3A_462, %parallel_loop3A_463, %parallel_loop3A_464, %parallel_loop3A_465], %parallel_loop3A_455 {strides = array<i32>} : memref<2x4x4x8x128xf32, #tpu.memory_space<vmem>>, vector<16xf32>,
        %parallel_loop3A_467 = arith.constant 160 : i32
        %parallel_loop3A_468 = vector.broadcast %parallel_loop3A_467 : i32 to vector<16xi32>
        %parallel_loop3A_469 = arith.addi %parallel_loop3A_166, %parallel_loop3A_468 : vector<16xi32>
        %parallel_loop3A_470 = tpu.vector_load_idx %arg5[%parallel_loop3A_469] : memref<65792xf32, #tpu.memory_space<vmem>>[vector<16xi32>], vector<16xf32>,
        %parallel_loop3A_471 = arith.constant 16 : i32
        %parallel_loop3A_472 = arith.muli %parallel_loop3A_151, %parallel_loop3A_471 : i32
        %parallel_loop3A_473 = arith.constant 1 : i32
        %parallel_loop3A_474 = arith.constant 2 : i32
        %parallel_loop3A_475 = arith.constant 4 : i32
        %parallel_loop3A_476 = arith.index_cast %parallel_loop3A_473 : i32 to index
        %parallel_loop3A_477 = arith.index_cast %parallel_loop3A_474 : i32 to index
        %parallel_loop3A_478 = arith.index_cast %parallel_loop3A_149 : i32 to index
        %parallel_loop3A_479 = arith.index_cast %parallel_loop3A_475 : i32 to index
        %parallel_loop3A_480 = arith.index_cast %parallel_loop3A_472 : i32 to index
        %parallel_loop3A_481 = tpu.vector_load %arg7[%parallel_loop3A_476, %parallel_loop3A_477, %parallel_loop3A_478, %parallel_loop3A_479, %parallel_loop3A_480] {strides = array<i32>} : memref<2x4x4x8x128xf32, #tpu.memory_space<vmem>>, vector<16xf32>,
        tpu.vector_store %arg7[%parallel_loop3A_476, %parallel_loop3A_477, %parallel_loop3A_478, %parallel_loop3A_479, %parallel_loop3A_480], %parallel_loop3A_470 {strides = array<i32>} : memref<2x4x4x8x128xf32, #tpu.memory_space<vmem>>, vector<16xf32>,
        %parallel_loop3A_482 = arith.constant 168 : i32
        %parallel_loop3A_483 = vector.broadcast %parallel_loop3A_482 : i32 to vector<16xi32>
        %parallel_loop3A_484 = arith.addi %parallel_loop3A_166, %parallel_loop3A_483 : vector<16xi32>
        %parallel_loop3A_485 = tpu.vector_load_idx %arg5[%parallel_loop3A_484] : memref<65792xf32, #tpu.memory_space<vmem>>[vector<16xi32>], vector<16xf32>,
        %parallel_loop3A_486 = arith.constant 16 : i32
        %parallel_loop3A_487 = arith.muli %parallel_loop3A_151, %parallel_loop3A_486 : i32
        %parallel_loop3A_488 = arith.constant 1 : i32
        %parallel_loop3A_489 = arith.constant 2 : i32
        %parallel_loop3A_490 = arith.constant 5 : i32
        %parallel_loop3A_491 = arith.index_cast %parallel_loop3A_488 : i32 to index
        %parallel_loop3A_492 = arith.index_cast %parallel_loop3A_489 : i32 to index
        %parallel_loop3A_493 = arith.index_cast %parallel_loop3A_149 : i32 to index
        %parallel_loop3A_494 = arith.index_cast %parallel_loop3A_490 : i32 to index
        %parallel_loop3A_495 = arith.index_cast %parallel_loop3A_487 : i32 to index
        %parallel_loop3A_496 = tpu.vector_load %arg7[%parallel_loop3A_491, %parallel_loop3A_492, %parallel_loop3A_493, %parallel_loop3A_494, %parallel_loop3A_495] {strides = array<i32>} : memref<2x4x4x8x128xf32, #tpu.memory_space<vmem>>, vector<16xf32>,
        tpu.vector_store %arg7[%parallel_loop3A_491, %parallel_loop3A_492, %parallel_loop3A_493, %parallel_loop3A_494, %parallel_loop3A_495], %parallel_loop3A_485 {strides = array<i32>} : memref<2x4x4x8x128xf32, #tpu.memory_space<vmem>>, vector<16xf32>,
        %parallel_loop3A_497 = arith.constant 176 : i32
        %parallel_loop3A_498 = vector.broadcast %parallel_loop3A_497 : i32 to vector<16xi32>
        %parallel_loop3A_499 = arith.addi %parallel_loop3A_166, %parallel_loop3A_498 : vector<16xi32>
        %parallel_loop3A_500 = tpu.vector_load_idx %arg5[%parallel_loop3A_499] : memref<65792xf32, #tpu.memory_space<vmem>>[vector<16xi32>], vector<16xf32>,
        %parallel_loop3A_501 = arith.constant 16 : i32
        %parallel_loop3A_502 = arith.muli %parallel_loop3A_151, %parallel_loop3A_501 : i32
        %parallel_loop3A_503 = arith.constant 1 : i32
        %parallel_loop3A_504 = arith.constant 2 : i32
        %parallel_loop3A_505 = arith.constant 6 : i32
        %parallel_loop3A_506 = arith.index_cast %parallel_loop3A_503 : i32 to index
        %parallel_loop3A_507 = arith.index_cast %parallel_loop3A_504 : i32 to index
        %parallel_loop3A_508 = arith.index_cast %parallel_loop3A_149 : i32 to index
        %parallel_loop3A_509 = arith.index_cast %parallel_loop3A_505 : i32 to index
        %parallel_loop3A_510 = arith.index_cast %parallel_loop3A_502 : i32 to index
        %parallel_loop3A_511 = tpu.vector_load %arg7[%parallel_loop3A_506, %parallel_loop3A_507, %parallel_loop3A_508, %parallel_loop3A_509, %parallel_loop3A_510] {strides = array<i32>} : memref<2x4x4x8x128xf32, #tpu.memory_space<vmem>>, vector<16xf32>,
        tpu.vector_store %arg7[%parallel_loop3A_506, %parallel_loop3A_507, %parallel_loop3A_508, %parallel_loop3A_509, %parallel_loop3A_510], %parallel_loop3A_500 {strides = array<i32>} : memref<2x4x4x8x128xf32, #tpu.memory_space<vmem>>, vector<16xf32>,
        %parallel_loop3A_512 = arith.constant 184 : i32
        %parallel_loop3A_513 = vector.broadcast %parallel_loop3A_512 : i32 to vector<16xi32>
        %parallel_loop3A_514 = arith.addi %parallel_loop3A_166, %parallel_loop3A_513 : vector<16xi32>
        %parallel_loop3A_515 = tpu.vector_load_idx %arg5[%parallel_loop3A_514] : memref<65792xf32, #tpu.memory_space<vmem>>[vector<16xi32>], vector<16xf32>,
        %parallel_loop3A_516 = arith.constant 16 : i32
        %parallel_loop3A_517 = arith.muli %parallel_loop3A_151, %parallel_loop3A_516 : i32
        %parallel_loop3A_518 = arith.constant 1 : i32
        %parallel_loop3A_519 = arith.constant 2 : i32
        %parallel_loop3A_520 = arith.constant 7 : i32
        %parallel_loop3A_521 = arith.index_cast %parallel_loop3A_518 : i32 to index
        %parallel_loop3A_522 = arith.index_cast %parallel_loop3A_519 : i32 to index
        %parallel_loop3A_523 = arith.index_cast %parallel_loop3A_149 : i32 to index
        %parallel_loop3A_524 = arith.index_cast %parallel_loop3A_520 : i32 to index
        %parallel_loop3A_525 = arith.index_cast %parallel_loop3A_517 : i32 to index
        %parallel_loop3A_526 = tpu.vector_load %arg7[%parallel_loop3A_521, %parallel_loop3A_522, %parallel_loop3A_523, %parallel_loop3A_524, %parallel_loop3A_525] {strides = array<i32>} : memref<2x4x4x8x128xf32, #tpu.memory_space<vmem>>, vector<16xf32>,
        tpu.vector_store %arg7[%parallel_loop3A_521, %parallel_loop3A_522, %parallel_loop3A_523, %parallel_loop3A_524, %parallel_loop3A_525], %parallel_loop3A_515 {strides = array<i32>} : memref<2x4x4x8x128xf32, #tpu.memory_space<vmem>>, vector<16xf32>,
        %parallel_loop3A_527 = arith.constant 192 : i32
        %parallel_loop3A_528 = vector.broadcast %parallel_loop3A_527 : i32 to vector<16xi32>
        %parallel_loop3A_529 = arith.addi %parallel_loop3A_166, %parallel_loop3A_528 : vector<16xi32>
        %parallel_loop3A_530 = tpu.vector_load_idx %arg5[%parallel_loop3A_529] : memref<65792xf32, #tpu.memory_space<vmem>>[vector<16xi32>], vector<16xf32>,
        %parallel_loop3A_531 = arith.constant 16 : i32
        %parallel_loop3A_532 = arith.muli %parallel_loop3A_151, %parallel_loop3A_531 : i32
        %parallel_loop3A_533 = arith.constant 1 : i32
        %parallel_loop3A_534 = arith.constant 3 : i32
        %parallel_loop3A_535 = arith.constant 0 : i32
        %parallel_loop3A_536 = arith.index_cast %parallel_loop3A_533 : i32 to index
        %parallel_loop3A_537 = arith.index_cast %parallel_loop3A_534 : i32 to index
        %parallel_loop3A_538 = arith.index_cast %parallel_loop3A_149 : i32 to index
        %parallel_loop3A_539 = arith.index_cast %parallel_loop3A_535 : i32 to index
        %parallel_loop3A_540 = arith.index_cast %parallel_loop3A_532 : i32 to index
        %parallel_loop3A_541 = tpu.vector_load %arg7[%parallel_loop3A_536, %parallel_loop3A_537, %parallel_loop3A_538, %parallel_loop3A_539, %parallel_loop3A_540] {strides = array<i32>} : memref<2x4x4x8x128xf32, #tpu.memory_space<vmem>>, vector<16xf32>,
        tpu.vector_store %arg7[%parallel_loop3A_536, %parallel_loop3A_537, %parallel_loop3A_538, %parallel_loop3A_539, %parallel_loop3A_540], %parallel_loop3A_530 {strides = array<i32>} : memref<2x4x4x8x128xf32, #tpu.memory_space<vmem>>, vector<16xf32>,
        %parallel_loop3A_542 = arith.constant 200 : i32
        %parallel_loop3A_543 = vector.broadcast %parallel_loop3A_542 : i32 to vector<16xi32>
        %parallel_loop3A_544 = arith.addi %parallel_loop3A_166, %parallel_loop3A_543 : vector<16xi32>
        %parallel_loop3A_545 = tpu.vector_load_idx %arg5[%parallel_loop3A_544] : memref<65792xf32, #tpu.memory_space<vmem>>[vector<16xi32>], vector<16xf32>,
        %parallel_loop3A_546 = arith.constant 16 : i32
        %parallel_loop3A_547 = arith.muli %parallel_loop3A_151, %parallel_loop3A_546 : i32
        %parallel_loop3A_548 = arith.constant 1 : i32
        %parallel_loop3A_549 = arith.constant 3 : i32
        %parallel_loop3A_550 = arith.constant 1 : i32
        %parallel_loop3A_551 = arith.index_cast %parallel_loop3A_548 : i32 to index
        %parallel_loop3A_552 = arith.index_cast %parallel_loop3A_549 : i32 to index
        %parallel_loop3A_553 = arith.index_cast %parallel_loop3A_149 : i32 to index
        %parallel_loop3A_554 = arith.index_cast %parallel_loop3A_550 : i32 to index
        %parallel_loop3A_555 = arith.index_cast %parallel_loop3A_547 : i32 to index
        %parallel_loop3A_556 = tpu.vector_load %arg7[%parallel_loop3A_551, %parallel_loop3A_552, %parallel_loop3A_553, %parallel_loop3A_554, %parallel_loop3A_555] {strides = array<i32>} : memref<2x4x4x8x128xf32, #tpu.memory_space<vmem>>, vector<16xf32>,
        tpu.vector_store %arg7[%parallel_loop3A_551, %parallel_loop3A_552, %parallel_loop3A_553, %parallel_loop3A_554, %parallel_loop3A_555], %parallel_loop3A_545 {strides = array<i32>} : memref<2x4x4x8x128xf32, #tpu.memory_space<vmem>>, vector<16xf32>,
        %parallel_loop3A_557 = arith.constant 208 : i32
        %parallel_loop3A_558 = vector.broadcast %parallel_loop3A_557 : i32 to vector<16xi32>
        %parallel_loop3A_559 = arith.addi %parallel_loop3A_166, %parallel_loop3A_558 : vector<16xi32>
        %parallel_loop3A_560 = tpu.vector_load_idx %arg5[%parallel_loop3A_559] : memref<65792xf32, #tpu.memory_space<vmem>>[vector<16xi32>], vector<16xf32>,
        %parallel_loop3A_561 = arith.constant 16 : i32
        %parallel_loop3A_562 = arith.muli %parallel_loop3A_151, %parallel_loop3A_561 : i32
        %parallel_loop3A_563 = arith.constant 1 : i32
        %parallel_loop3A_564 = arith.constant 3 : i32
        %parallel_loop3A_565 = arith.constant 2 : i32
        %parallel_loop3A_566 = arith.index_cast %parallel_loop3A_563 : i32 to index
        %parallel_loop3A_567 = arith.index_cast %parallel_loop3A_564 : i32 to index
        %parallel_loop3A_568 = arith.index_cast %parallel_loop3A_149 : i32 to index
        %parallel_loop3A_569 = arith.index_cast %parallel_loop3A_565 : i32 to index
        %parallel_loop3A_570 = arith.index_cast %parallel_loop3A_562 : i32 to index
        %parallel_loop3A_571 = tpu.vector_load %arg7[%parallel_loop3A_566, %parallel_loop3A_567, %parallel_loop3A_568, %parallel_loop3A_569, %parallel_loop3A_570] {strides = array<i32>} : memref<2x4x4x8x128xf32, #tpu.memory_space<vmem>>, vector<16xf32>,
        tpu.vector_store %arg7[%parallel_loop3A_566, %parallel_loop3A_567, %parallel_loop3A_568, %parallel_loop3A_569, %parallel_loop3A_570], %parallel_loop3A_560 {strides = array<i32>} : memref<2x4x4x8x128xf32, #tpu.memory_space<vmem>>, vector<16xf32>,
        %parallel_loop3A_572 = arith.constant 216 : i32
        %parallel_loop3A_573 = vector.broadcast %parallel_loop3A_572 : i32 to vector<16xi32>
        %parallel_loop3A_574 = arith.addi %parallel_loop3A_166, %parallel_loop3A_573 : vector<16xi32>
        %parallel_loop3A_575 = tpu.vector_load_idx %arg5[%parallel_loop3A_574] : memref<65792xf32, #tpu.memory_space<vmem>>[vector<16xi32>], vector<16xf32>,
        %parallel_loop3A_576 = arith.constant 16 : i32
        %parallel_loop3A_577 = arith.muli %parallel_loop3A_151, %parallel_loop3A_576 : i32
        %parallel_loop3A_578 = arith.constant 1 : i32
        %parallel_loop3A_579 = arith.constant 3 : i32
        %parallel_loop3A_580 = arith.constant 3 : i32
        %parallel_loop3A_581 = arith.index_cast %parallel_loop3A_578 : i32 to index
        %parallel_loop3A_582 = arith.index_cast %parallel_loop3A_579 : i32 to index
        %parallel_loop3A_583 = arith.index_cast %parallel_loop3A_149 : i32 to index
        %parallel_loop3A_584 = arith.index_cast %parallel_loop3A_580 : i32 to index
        %parallel_loop3A_585 = arith.index_cast %parallel_loop3A_577 : i32 to index
        %parallel_loop3A_586 = tpu.vector_load %arg7[%parallel_loop3A_581, %parallel_loop3A_582, %parallel_loop3A_583, %parallel_loop3A_584, %parallel_loop3A_585] {strides = array<i32>} : memref<2x4x4x8x128xf32, #tpu.memory_space<vmem>>, vector<16xf32>,
        tpu.vector_store %arg7[%parallel_loop3A_581, %parallel_loop3A_582, %parallel_loop3A_583, %parallel_loop3A_584, %parallel_loop3A_585], %parallel_loop3A_575 {strides = array<i32>} : memref<2x4x4x8x128xf32, #tpu.memory_space<vmem>>, vector<16xf32>,
        %parallel_loop3A_587 = arith.constant 224 : i32
        %parallel_loop3A_588 = vector.broadcast %parallel_loop3A_587 : i32 to vector<16xi32>
        %parallel_loop3A_589 = arith.addi %parallel_loop3A_166, %parallel_loop3A_588 : vector<16xi32>
        %parallel_loop3A_590 = tpu.vector_load_idx %arg5[%parallel_loop3A_589] : memref<65792xf32, #tpu.memory_space<vmem>>[vector<16xi32>], vector<16xf32>,
        %parallel_loop3A_591 = arith.constant 16 : i32
        %parallel_loop3A_592 = arith.muli %parallel_loop3A_151, %parallel_loop3A_591 : i32
        %parallel_loop3A_593 = arith.constant 1 : i32
        %parallel_loop3A_594 = arith.constant 3 : i32
        %parallel_loop3A_595 = arith.constant 4 : i32
        %parallel_loop3A_596 = arith.index_cast %parallel_loop3A_593 : i32 to index
        %parallel_loop3A_597 = arith.index_cast %parallel_loop3A_594 : i32 to index
        %parallel_loop3A_598 = arith.index_cast %parallel_loop3A_149 : i32 to index
        %parallel_loop3A_599 = arith.index_cast %parallel_loop3A_595 : i32 to index
        %parallel_loop3A_600 = arith.index_cast %parallel_loop3A_592 : i32 to index
        %parallel_loop3A_601 = tpu.vector_load %arg7[%parallel_loop3A_596, %parallel_loop3A_597, %parallel_loop3A_598, %parallel_loop3A_599, %parallel_loop3A_600] {strides = array<i32>} : memref<2x4x4x8x128xf32, #tpu.memory_space<vmem>>, vector<16xf32>,
        tpu.vector_store %arg7[%parallel_loop3A_596, %parallel_loop3A_597, %parallel_loop3A_598, %parallel_loop3A_599, %parallel_loop3A_600], %parallel_loop3A_590 {strides = array<i32>} : memref<2x4x4x8x128xf32, #tpu.memory_space<vmem>>, vector<16xf32>,
        %parallel_loop3A_602 = arith.constant 232 : i32
        %parallel_loop3A_603 = vector.broadcast %parallel_loop3A_602 : i32 to vector<16xi32>
        %parallel_loop3A_604 = arith.addi %parallel_loop3A_166, %parallel_loop3A_603 : vector<16xi32>
        %parallel_loop3A_605 = tpu.vector_load_idx %arg5[%parallel_loop3A_604] : memref<65792xf32, #tpu.memory_space<vmem>>[vector<16xi32>], vector<16xf32>,
        %parallel_loop3A_606 = arith.constant 16 : i32
        %parallel_loop3A_607 = arith.muli %parallel_loop3A_151, %parallel_loop3A_606 : i32
        %parallel_loop3A_608 = arith.constant 1 : i32
        %parallel_loop3A_609 = arith.constant 3 : i32
        %parallel_loop3A_610 = arith.constant 5 : i32
        %parallel_loop3A_611 = arith.index_cast %parallel_loop3A_608 : i32 to index
        %parallel_loop3A_612 = arith.index_cast %parallel_loop3A_609 : i32 to index
        %parallel_loop3A_613 = arith.index_cast %parallel_loop3A_149 : i32 to index
        %parallel_loop3A_614 = arith.index_cast %parallel_loop3A_610 : i32 to index
        %parallel_loop3A_615 = arith.index_cast %parallel_loop3A_607 : i32 to index
        %parallel_loop3A_616 = tpu.vector_load %arg7[%parallel_loop3A_611, %parallel_loop3A_612, %parallel_loop3A_613, %parallel_loop3A_614, %parallel_loop3A_615] {strides = array<i32>} : memref<2x4x4x8x128xf32, #tpu.memory_space<vmem>>, vector<16xf32>,
        tpu.vector_store %arg7[%parallel_loop3A_611, %parallel_loop3A_612, %parallel_loop3A_613, %parallel_loop3A_614, %parallel_loop3A_615], %parallel_loop3A_605 {strides = array<i32>} : memref<2x4x4x8x128xf32, #tpu.memory_space<vmem>>, vector<16xf32>,
        %parallel_loop3A_617 = arith.constant 240 : i32
        %parallel_loop3A_618 = vector.broadcast %parallel_loop3A_617 : i32 to vector<16xi32>
        %parallel_loop3A_619 = arith.addi %parallel_loop3A_166, %parallel_loop3A_618 : vector<16xi32>
        %parallel_loop3A_620 = tpu.vector_load_idx %arg5[%parallel_loop3A_619] : memref<65792xf32, #tpu.memory_space<vmem>>[vector<16xi32>], vector<16xf32>,
        %parallel_loop3A_621 = arith.constant 16 : i32
        %parallel_loop3A_622 = arith.muli %parallel_loop3A_151, %parallel_loop3A_621 : i32
        %parallel_loop3A_623 = arith.constant 1 : i32
        %parallel_loop3A_624 = arith.constant 3 : i32
        %parallel_loop3A_625 = arith.constant 6 : i32
        %parallel_loop3A_626 = arith.index_cast %parallel_loop3A_623 : i32 to index
        %parallel_loop3A_627 = arith.index_cast %parallel_loop3A_624 : i32 to index
        %parallel_loop3A_628 = arith.index_cast %parallel_loop3A_149 : i32 to index
        %parallel_loop3A_629 = arith.index_cast %parallel_loop3A_625 : i32 to index
        %parallel_loop3A_630 = arith.index_cast %parallel_loop3A_622 : i32 to index
        %parallel_loop3A_631 = tpu.vector_load %arg7[%parallel_loop3A_626, %parallel_loop3A_627, %parallel_loop3A_628, %parallel_loop3A_629, %parallel_loop3A_630] {strides = array<i32>} : memref<2x4x4x8x128xf32, #tpu.memory_space<vmem>>, vector<16xf32>,
        tpu.vector_store %arg7[%parallel_loop3A_626, %parallel_loop3A_627, %parallel_loop3A_628, %parallel_loop3A_629, %parallel_loop3A_630], %parallel_loop3A_620 {strides = array<i32>} : memref<2x4x4x8x128xf32, #tpu.memory_space<vmem>>, vector<16xf32>,
        %parallel_loop3A_632 = arith.constant 248 : i32
        %parallel_loop3A_633 = vector.broadcast %parallel_loop3A_632 : i32 to vector<16xi32>
        %parallel_loop3A_634 = arith.addi %parallel_loop3A_166, %parallel_loop3A_633 : vector<16xi32>
        %parallel_loop3A_635 = tpu.vector_load_idx %arg5[%parallel_loop3A_634] : memref<65792xf32, #tpu.memory_space<vmem>>[vector<16xi32>], vector<16xf32>,
        %parallel_loop3A_636 = arith.constant 16 : i32
        %parallel_loop3A_637 = arith.muli %parallel_loop3A_151, %parallel_loop3A_636 : i32
        %parallel_loop3A_638 = arith.constant 1 : i32
        %parallel_loop3A_639 = arith.constant 3 : i32
        %parallel_loop3A_640 = arith.constant 7 : i32
        %parallel_loop3A_641 = arith.index_cast %parallel_loop3A_638 : i32 to index
        %parallel_loop3A_642 = arith.index_cast %parallel_loop3A_639 : i32 to index
        %parallel_loop3A_643 = arith.index_cast %parallel_loop3A_149 : i32 to index
        %parallel_loop3A_644 = arith.index_cast %parallel_loop3A_640 : i32 to index
        %parallel_loop3A_645 = arith.index_cast %parallel_loop3A_637 : i32 to index
        %parallel_loop3A_646 = tpu.vector_load %arg7[%parallel_loop3A_641, %parallel_loop3A_642, %parallel_loop3A_643, %parallel_loop3A_644, %parallel_loop3A_645] {strides = array<i32>} : memref<2x4x4x8x128xf32, #tpu.memory_space<vmem>>, vector<16xf32>,
        tpu.vector_store %arg7[%parallel_loop3A_641, %parallel_loop3A_642, %parallel_loop3A_643, %parallel_loop3A_644, %parallel_loop3A_645], %parallel_loop3A_635 {strides = array<i32>} : memref<2x4x4x8x128xf32, #tpu.memory_space<vmem>>, vector<16xf32>,
      } {sc.loop_unroll_factor = 4 : i64, sc.parallel_access}
      %mul3A_119 = arith.constant 4 : i32
      %mul3A_120 = arith.muli %add3A, %mul3A_119 : i32
      %dma_start3A_121 = arith.constant 1 : i32
      %dma_start3A_122 = arith.constant 1 : i32
      %dma_start3A_123 = arith.constant 0 : i32
      %dma_start3A_124 = arith.constant 0 : i32
      %dma_start3A_125 = arith.constant 0 : i32
      %dma_start3A_126 = arith.constant 0 : i32
      %dma_start3A_127 = tpu.memref_slice %arg7[%dma_start3A_121, %dma_start3A_123, %dma_start3A_124, %dma_start3A_125, %dma_start3A_126] : memref<2x4x4x8x128xf32, #tpu.memory_space<vmem>> -> memref<1x4x4x8x128xf32, #tpu.memory_space<vmem>>
      %dma_start3A_128 = tpu.memref_squeeze %dma_start3A_127 : memref<1x4x4x8x128xf32, #tpu.memory_space<vmem>> -> memref<4x4x8x128xf32, #tpu.memory_space<vmem>>
      %dma_start3A_129 = arith.constant 0 : i32
      %dma_start3A_130 = arith.constant 0 : i32
      %dma_start3A_131 = arith.constant 0 : i32
      %dma_start3A_132 = tpu.memref_slice %arg4[%add3A_110, %dma_start3A_129, %mul3A_120, %dma_start3A_130, %dma_start3A_131] : memref<50x4x128x8x128xf32, #tpu.memory_space<hbm>> -> memref<1x4x4x8x128xf32, #tpu.memory_space<hbm>>
      %dma_start3A_133 = tpu.memref_squeeze %dma_start3A_132 : memref<1x4x4x8x128xf32, #tpu.memory_space<hbm>> -> memref<4x4x8x128xf32, #tpu.memory_space<hbm>>
      %dma_start3A_134 = tpu.memref_slice %arg8[%dma_start3A_122] : memref<2x!tpu.dma_semaphore, #tpu.memory_space<semaphore_mem>> -> memref<1x!tpu.dma_semaphore, #tpu.memory_space<semaphore_mem>>
      %dma_start3A_135 = tpu.memref_squeeze %dma_start3A_134 : memref<1x!tpu.dma_semaphore, #tpu.memory_space<semaphore_mem>> -> memref<!tpu.dma_semaphore, #tpu.memory_space<semaphore_mem>>
      %dma_start3A_136 = arith.constant 0 : i32
      %dma_start3A_137 = arith.constant 0 : i32
      %dma_start3A_138 = arith.constant 0 : i32
      %dma_start3A_139 = tpu.memref_slice %arg4[%add3A_110, %dma_start3A_136, %mul3A_120, %dma_start3A_137, %dma_start3A_138] : memref<50x4x128x8x128xf32, #tpu.memory_space<hbm>> -> memref<1x4x4x8x128xf32, #tpu.memory_space<hbm>>
      %dma_start3A_140 = tpu.memref_squeeze %dma_start3A_139 : memref<1x4x4x8x128xf32, #tpu.memory_space<hbm>> -> memref<4x4x8x128xf32, #tpu.memory_space<hbm>>
      %dma_start3A_141 = arith.constant 0 : i32
      %dma_start3A_142 = arith.constant 0 : i32
      %dma_start3A_143 = arith.constant 0 : i32
      %dma_start3A_144 = arith.constant 0 : i32
      %dma_start3A_145 = tpu.memref_slice %arg7[%dma_start3A_121, %dma_start3A_141, %dma_start3A_142, %dma_start3A_143, %dma_start3A_144] : memref<2x4x4x8x128xf32, #tpu.memory_space<vmem>> -> memref<1x4x4x8x128xf32, #tpu.memory_space<vmem>>
      %dma_start3A_146 = tpu.memref_squeeze %dma_start3A_145 : memref<1x4x4x8x128xf32, #tpu.memory_space<vmem>> -> memref<4x4x8x128xf32, #tpu.memory_space<vmem>>
      tpu.enqueue_dma source(%dma_start3A_146 : memref<4x4x8x128xf32, #tpu.memory_space<vmem>>) target(%dma_start3A_140 : memref<4x4x8x128xf32, #tpu.memory_space<hbm>>) target_semaphore(%dma_start3A_135 : memref<!tpu.dma_semaphore, #tpu.memory_space<semaphore_mem>>)
    }
    %scan3A_13 = arith.constant 25 : i32
    %mul3A_14 = arith.constant 4 : i32
    %mul3A_15 = arith.muli %add3A, %mul3A_14 : i32
    %dma_wait3A = arith.constant 0 : i32
    %dma_wait3A_16 = arith.constant 48 : i32
    %dma_wait3A_17 = arith.constant 0 : i32
    %dma_wait3A_18 = arith.constant 0 : i32
    %dma_wait3A_19 = arith.constant 0 : i32
    %dma_wait3A_20 = arith.constant 0 : i32
    %dma_wait3A_21 = arith.constant 0 : i32
    %dma_wait3A_22 = tpu.memref_slice %arg7[%dma_wait3A, %dma_wait3A_18, %dma_wait3A_19, %dma_wait3A_20, %dma_wait3A_21] : memref<2x4x4x8x128xf32, #tpu.memory_space<vmem>> -> memref<1x4x4x8x128xf32, #tpu.memory_space<vmem>>
    %dma_wait3A_23 = tpu.memref_squeeze %dma_wait3A_22 : memref<1x4x4x8x128xf32, #tpu.memory_space<vmem>> -> memref<4x4x8x128xf32, #tpu.memory_space<vmem>>
    %dma_wait3A_24 = arith.constant 0 : i32
    %dma_wait3A_25 = arith.constant 0 : i32
    %dma_wait3A_26 = arith.constant 0 : i32
    %dma_wait3A_27 = tpu.memref_slice %arg4[%dma_wait3A_16, %dma_wait3A_24, %mul3A_15, %dma_wait3A_25, %dma_wait3A_26] : memref<50x4x128x8x128xf32, #tpu.memory_space<hbm>> -> memref<1x4x4x8x128xf32, #tpu.memory_space<hbm>>
    %dma_wait3A_28 = tpu.memref_squeeze %dma_wait3A_27 : memref<1x4x4x8x128xf32, #tpu.memory_space<hbm>> -> memref<4x4x8x128xf32, #tpu.memory_space<hbm>>
    %dma_wait3A_29 = tpu.memref_slice %arg8[%dma_wait3A_17] : memref<2x!tpu.dma_semaphore, #tpu.memory_space<semaphore_mem>> -> memref<1x!tpu.dma_semaphore, #tpu.memory_space<semaphore_mem>>
    %dma_wait3A_30 = tpu.memref_squeeze %dma_wait3A_29 : memref<1x!tpu.dma_semaphore, #tpu.memory_space<semaphore_mem>> -> memref<!tpu.dma_semaphore, #tpu.memory_space<semaphore_mem>>
    %dma_wait3A_31 = arith.constant 0 : i32
    %dma_wait3A_32 = arith.constant 0 : i32
    %dma_wait3A_33 = arith.constant 0 : i32
    %dma_wait3A_34 = tpu.memref_slice %arg4[%dma_wait3A_16, %dma_wait3A_31, %mul3A_15, %dma_wait3A_32, %dma_wait3A_33] : memref<50x4x128x8x128xf32, #tpu.memory_space<hbm>> -> memref<1x4x4x8x128xf32, #tpu.memory_space<hbm>>
    %dma_wait3A_35 = tpu.memref_squeeze %dma_wait3A_34 : memref<1x4x4x8x128xf32, #tpu.memory_space<hbm>> -> memref<4x4x8x128xf32, #tpu.memory_space<hbm>>
    %dma_wait3A_36 = arith.constant 0 : i32
    %dma_wait3A_37 = arith.constant 0 : i32
    %dma_wait3A_38 = arith.constant 0 : i32
    %dma_wait3A_39 = arith.constant 0 : i32
    %dma_wait3A_40 = tpu.memref_slice %arg7[%dma_wait3A, %dma_wait3A_36, %dma_wait3A_37, %dma_wait3A_38, %dma_wait3A_39] : memref<2x4x4x8x128xf32, #tpu.memory_space<vmem>> -> memref<1x4x4x8x128xf32, #tpu.memory_space<vmem>>
    %dma_wait3A_41 = tpu.memref_squeeze %dma_wait3A_40 : memref<1x4x4x8x128xf32, #tpu.memory_space<vmem>> -> memref<4x4x8x128xf32, #tpu.memory_space<vmem>>
    tpu.wait_dma2 semaphore(%dma_wait3A_30 : memref<!tpu.dma_semaphore, #tpu.memory_space<semaphore_mem>>) src(%dma_wait3A_41 : memref<4x4x8x128xf32, #tpu.memory_space<vmem>>) dst(%dma_wait3A_35 : memref<4x4x8x128xf32, #tpu.memory_space<hbm>>)
    %mul3A_42 = arith.constant 4 : i32
    %mul3A_43 = arith.muli %add3A, %mul3A_42 : i32
    %dma_wait3A_44 = arith.constant 1 : i32
    %dma_wait3A_45 = arith.constant 49 : i32
    %dma_wait3A_46 = arith.constant 1 : i32
    %dma_wait3A_47 = arith.constant 0 : i32
    %dma_wait3A_48 = arith.constant 0 : i32
    %dma_wait3A_49 = arith.constant 0 : i32
    %dma_wait3A_50 = arith.constant 0 : i32
    %dma_wait3A_51 = tpu.memref_slice %arg7[%dma_wait3A_44, %dma_wait3A_47, %dma_wait3A_48, %dma_wait3A_49, %dma_wait3A_50] : memref<2x4x4x8x128xf32, #tpu.memory_space<vmem>> -> memref<1x4x4x8x128xf32, #tpu.memory_space<vmem>>
    %dma_wait3A_52 = tpu.memref_squeeze %dma_wait3A_51 : memref<1x4x4x8x128xf32, #tpu.memory_space<vmem>> -> memref<4x4x8x128xf32, #tpu.memory_space<vmem>>
    %dma_wait3A_53 = arith.constant 0 : i32
    %dma_wait3A_54 = arith.constant 0 : i32
    %dma_wait3A_55 = arith.constant 0 : i32
    %dma_wait3A_56 = tpu.memref_slice %arg4[%dma_wait3A_45, %dma_wait3A_53, %mul3A_43, %dma_wait3A_54, %dma_wait3A_55] : memref<50x4x128x8x128xf32, #tpu.memory_space<hbm>> -> memref<1x4x4x8x128xf32, #tpu.memory_space<hbm>>
    %dma_wait3A_57 = tpu.memref_squeeze %dma_wait3A_56 : memref<1x4x4x8x128xf32, #tpu.memory_space<hbm>> -> memref<4x4x8x128xf32, #tpu.memory_space<hbm>>
    %dma_wait3A_58 = tpu.memref_slice %arg8[%dma_wait3A_46] : memref<2x!tpu.dma_semaphore, #tpu.memory_space<semaphore_mem>> -> memref<1x!tpu.dma_semaphore, #tpu.memory_space<semaphore_mem>>
    %dma_wait3A_59 = tpu.memref_squeeze %dma_wait3A_58 : memref<1x!tpu.dma_semaphore, #tpu.memory_space<semaphore_mem>> -> memref<!tpu.dma_semaphore, #tpu.memory_space<semaphore_mem>>
    %dma_wait3A_60 = arith.constant 0 : i32
    %dma_wait3A_61 = arith.constant 0 : i32
    %dma_wait3A_62 = arith.constant 0 : i32
    %dma_wait3A_63 = tpu.memref_slice %arg4[%dma_wait3A_45, %dma_wait3A_60, %mul3A_43, %dma_wait3A_61, %dma_wait3A_62] : memref<50x4x128x8x128xf32, #tpu.memory_space<hbm>> -> memref<1x4x4x8x128xf32, #tpu.memory_space<hbm>>
    %dma_wait3A_64 = tpu.memref_squeeze %dma_wait3A_63 : memref<1x4x4x8x128xf32, #tpu.memory_space<hbm>> -> memref<4x4x8x128xf32, #tpu.memory_space<hbm>>
    %dma_wait3A_65 = arith.constant 0 : i32
    %dma_wait3A_66 = arith.constant 0 : i32
    %dma_wait3A_67 = arith.constant 0 : i32
    %dma_wait3A_68 = arith.constant 0 : i32
    %dma_wait3A_69 = tpu.memref_slice %arg7[%dma_wait3A_44, %dma_wait3A_65, %dma_wait3A_66, %dma_wait3A_67, %dma_wait3A_68] : memref<2x4x4x8x128xf32, #tpu.memory_space<vmem>> -> memref<1x4x4x8x128xf32, #tpu.memory_space<vmem>>
    %dma_wait3A_70 = tpu.memref_squeeze %dma_wait3A_69 : memref<1x4x4x8x128xf32, #tpu.memory_space<vmem>> -> memref<4x4x8x128xf32, #tpu.memory_space<vmem>>
    tpu.wait_dma2 semaphore(%dma_wait3A_59 : memref<!tpu.dma_semaphore, #tpu.memory_space<semaphore_mem>>) src(%dma_wait3A_70 : memref<4x4x8x128xf32, #tpu.memory_space<vmem>>) dst(%dma_wait3A_64 : memref<4x4x8x128xf32, #tpu.memory_space<hbm>>)
    return
  }
}

</mosaic_0001>

<sc_bundles>
// kernel: kernel.3.cloned.1.call-start
scs
__scs_entry_jumppad:
0x0: {  	(pc) =	sbr.rel $0x88, $3  }
0x1: {  	(tag) =	ssettag $0x0;
	lr =	simm.s32 $0x1  }
0x2: {  	[smem:$0x3F9F] =	sst lr;
	_ =	strace $0xD0000000  }
0x3: {  	_ = 	snop  }
0x4: {  	_ = 	snop  }
0x5: {  	_ = 	snop  }
0x6: {  	_ = 	snop  }
0x7: {  	_ = 	snop  }
__scs_overlays_trampoline_lowered:
0x8: {  	[smem:$0x3FAE] =	sst s0  }
0x9: {  	[smem:$0x3FAF] =	sst s1  }
0xa: {  	[smem:$0x3FB0] =	sst s2  }
0xb: {  	[smem:$0x3FB1] =	sst s3  }
0xc: {  	[smem:$0x3FB2] =	sst s4  }
0xd: {  	[smem:$0x3FB3] =	sst s5  }
0xe: {  	[smem:$0x3FB4] =	sst s6  }
0xf: {  	[smem:$0x3FB5] =	sst s7  }
0x10: {  	[smem:$0x3FB6] =	sst s8  }
0x11: {  	[smem:$0x3FB7] =	sst s9;
	s0 =	simm.s32 @!p0 $0x0  }
0x12: {  	s1 =	sld [smem:$0x3F9D];
	s0 =	simm.s32 @p0 $0x1  }
0x13: {  	[smem:$0x3FB8] =	sst s0;
	s0 =	simm.s32 @!p1 $0x0  }
0x14: {  	s2 =	sld [smem:$0x3F9C];
	s0 =	simm.s32 @p1 $0x1  }
0x15: {  	[smem:$0x3FB9] =	sst s0;
	s0 =	simm.s32 @!p2 $0x0  }
0x16: {  	s3 =	sld [smem:$0x3FDB];
	s0 =	simm.s32 @p2 $0x1  }
0x17: {  	s4 =	simm.s32 $0x1BF5;
	[smem:$0x3FBB] =	sst s0  }
0x18: {  	s0 =	sld [smem:$0x3F9E];
	_ =	swait.ge [sflag:s4], $0x0  }
0x19: {  	s7 =	sld [smem:$0x3F9F]  }
0x1a: {  	s8 =	sadd.s32 $0xFFFFE003, lr  }
0x1b: {  	s9 =	sadd.s32 $0xFFFFFEF7, lr;
	s5 =	simm.s32 $0xFFFFFFFF;
	p2 =	slt.u32 s8, $0xFFFFF086  }
0x1c: {  	p1 =	slt.u32 s9, $0xF7A;
	s5 =	simm.s32 @!p2 $0x0  }
0x1d: {  	s5 =	simm.s32 @p1 $0x1;
	p0 =	seq.s32 s7, s2  }
0x1e: {  	s7 =	smul.u32 @!p0 $0xF7A, s2;
	p2 =	seq.s32 @!p0 s5, $0x0  }
0x1f: {  	s9 =	smul.u32 $0xF7A, s1;
	s8 =	simm.s32 @!p0 $0x1BF5;
	p2 =	por !p2, p0  }
0x20: {  	[sflag:s8] =	ssyncset.s32 @!p0 $0xFFFFF086;
	s6 =	sadd.s32 @!p0 s3, s7;
	s7 =	simm.s32 @!p0 $0x108  }
0x21: {  	s3 =	sadd.s32 s3, s9;
	s6 =	sadd.s32 @!p0 $0x88, s6;
	s7 =	simm.s32 @p2 $0x1082  }
0x22: {  	[simem:s7], [sflag:s8] =	dma.local @!p0 [hbm:s6], $0xF7A  }
0x23: {  	s9 =	sor.u32 $0xD0000000, s2;
	s6 =	simm.s32 $0x108;
	_ =	swait.ge @!p0 [sflag:s8], $0x0  }
0x24: {  	s3 =	sadd.s32 $0x88, s3;
	s6 =	simm.s32 @!p1 $0x1082;
	[sflag:s4] =	ssyncset.s32 $0xFFFFF086  }
0x25: {  	[simem:s6], [sflag:s4] =	dma.local [hbm:s3], $0xF7A  }
0x26: {  	[smem:$0x3F9F] =	sst s1;
	(tag) =	ssettag s2;
	_ =	strace s9  }
0x27: {  	s1 =	sld [smem:$0x3FAF]  }
0x28: {  	s2 =	sld [smem:$0x3FB0]  }
0x29: {  	s4 =	sld [smem:$0x3FB2]  }
0x2a: {  	p0 =	seq.s32 s5, $0x0;
	s5 =	sld [smem:$0x3FB3]  }
0x2b: {  	s6 =	sld [smem:$0x3FB4]  }
0x2c: {  	s7 =	sld [smem:$0x3FB5]  }
0x2d: {  	s3 =	simm.s32 $0x108;
	s8 =	sld [smem:$0x3FB6]  }
0x2e: {  	s3 =	simm.s32 @!p0 $0x1082;
	s9 =	sld [smem:$0x3FB7]  }
0x2f: {  	lr =	sadd.s32 s0, s3;
	s0 =	sld [smem:$0x3FAE]  }
0x30: {  	s3 =	sld [smem:$0x3FB1]  }
0x31: {  	[smem:$0x3FBA] =	sst s10  }
0x32: {  	s10 =	sld [smem:$0x3FB8];
	_ =	sdelay $0x3  }
0x33: {  	p0 =	seq.s32 s10, $0x1;
	s10 =	sld [smem:$0x3FBA];
	_ =	sdelay $0x3  }
0x34: {  	[smem:$0x3FBA] =	sst s10  }
0x35: {  	s10 =	sld [smem:$0x3FB9];
	_ =	sdelay $0x3  }
0x36: {  	p1 =	seq.s32 s10, $0x1;
	s10 =	sld [smem:$0x3FBA];
	_ =	sdelay $0x3  }
0x37: {  	[smem:$0x3FBA] =	sst s10  }
0x38: {  	s10 =	sld [smem:$0x3FBB]  }
0x39: {  	_ = 	snop;
	(pc) =	sbr.ind lr, $3  }
0x3a: {  	_ = 	snop  }
0x3b: {  	_ = 	snop  }
0x3c: {  	p2 =	seq.s32 s10, $0x1;
	s10 =	sld [smem:$0x3FBA]  }
0x3d: {  	_ =	shalt  }
0x3e: {  	_ =	shalt  }
0x3f: {  	_ =	shalt  }
0x40: {  	_ =	shalt  }
0x41: {  	_ =	shalt  }
0x42: {  	_ =	shalt  }
0x43: {  	_ =	shalt  }
0x44: {  	_ =	shalt  }
0x45: {  	_ =	shalt  }
0x46: {  	_ =	shalt  }
0x47: {  	_ =	shalt  }
0x48: {  	_ =	shalt  }
0x49: {  	_ =	shalt  }
0x4a: {  	_ =	shalt  }
0x4b: {  	_ =	shalt  }
0x4c: {  	_ =	shalt  }
0x4d: {  	_ =	shalt  }
0x4e: {  	_ =	shalt  }
0x4f: {  	_ =	shalt  }
0x50: {  	_ =	shalt  }
0x51: {  	_ =	shalt  }
0x52: {  	_ =	shalt  }
0x53: {  	_ =	shalt  }
0x54: {  	_ =	shalt  }
0x55: {  	_ =	shalt  }
0x56: {  	_ =	shalt  }
0x57: {  	_ =	shalt  }
0x58: {  	_ =	shalt  }
0x59: {  	_ =	shalt  }
0x5a: {  	_ =	shalt  }
0x5b: {  	_ =	shalt  }
0x5c: {  	_ =	shalt  }
0x5d: {  	_ =	shalt  }
0x5e: {  	_ =	shalt  }
0x5f: {  	_ =	shalt  }
0x60: {  	_ =	shalt  }
0x61: {  	_ =	shalt  }
0x62: {  	_ =	shalt  }
0x63: {  	_ =	shalt  }
0x64: {  	_ =	shalt  }
0x65: {  	_ =	shalt  }
0x66: {  	_ =	shalt  }
0x67: {  	_ =	shalt  }
0x68: {  	_ =	shalt  }
0x69: {  	_ =	shalt  }
0x6a: {  	_ =	shalt  }
0x6b: {  	_ =	shalt  }
0x6c: {  	_ =	shalt  }
0x6d: {  	_ =	shalt  }
0x6e: {  	_ =	shalt  }
0x6f: {  	_ =	shalt  }
0x70: {  	_ =	shalt  }
0x71: {  	_ =	shalt  }
0x72: {  	_ =	shalt  }
0x73: {  	_ =	shalt  }
0x74: {  	_ =	shalt  }
0x75: {  	_ =	shalt  }
0x76: {  	_ =	shalt  }
0x77: {  	_ =	shalt  }
0x78: {  	_ =	shalt  }
0x79: {  	_ =	shalt  }
0x7a: {  	_ =	shalt  }
0x7b: {  	_ =	shalt  }
0x7c: {  	_ =	shalt  }
0x7d: {  	_ =	shalt  }
0x7e: {  	_ =	shalt  }
0x7f: {  	_ =	shalt  }
0x80: {  	_ =	shalt  }
0x81: {  	_ =	shalt  }
0x82: {  	_ =	shalt  }
0x83: {  	_ =	shalt  }
0x84: {  	_ =	shalt  }
0x85: {  	_ =	shalt  }
0x86: {  	_ =	shalt  }
0x87: {  	_ =	shalt  }
.Lfunc_end0:
.L_simem_size_0:
called_computation_lowered:
.L_overlay_start_0:
0x88: {  	s2 =	sld [smem:$0x3FD9]  }
0x89: {  	s3 =	sld [smem:$0x3FFE];
	_ =	sdelay $0x1  }
0x8a: {  	s1 =	srdreg.scid  }
0x8b: {  	s0 =	sand.u32 $0x1, s1  }
0x8c: {  	s17 =	sshll.u32 s0, $0xA;
	s2 =	sadd.s32 s3, s2  }
0x8d: {  	s2 =	sadd.s32 s2, s17  }
0x8e: {  	[smem:$0x3FC6] =	sst s2  }
0x8f: {  	_ = 	snop  }
0x90: {  	s2 =	sld [smem:$0x3FD0];
	(tm) =	ssettm $0x1  }
0x91: {  	s18 =	sld [smem:$0x3FFB];
	_ =	sdelay $0x3  }
0x92: {  	_ =	strace s18  }
0x93: {  	s3 =	sld [smem:$0x3FFC];
	_ =	sdelay $0x3  }
0x94: {  	_ =	strace s3  }
0x95: {  	s3 =	sld [smem:$0x3FFD];
	_ =	sdelay $0x3  }
0x96: {  	_ =	strace s3  }
0x97: {  	_ =	strace $0x8FFFFFFF  }
0x98: {  	s19 =	sld [smem:$0x3FDB];
	_ =	sdelay $0x1  }
0x99: {  	s4 =	simm.s32 $_scs_section_size  }
0x9a: {  	s5 =	simm.s32 $_size__tile_overlayer_lowered;
	s6 =	simm.s32 $_tile_overlayer_lowered  }
0x9b: {  	s22 =	simm.s32 $0x1BFF;
	s21 =	sshll.u32 s6, $0x1;
	s3 =	sadd.s32 s4, s19  }
0x9c: {  	s7 =	simm.s32 $0x0;
	s20 =	sshll.u32 s5, $0x1;
	s5 =	sadd.s32 s21, s3  }
0x9d: {  	[timem:s7], [sflag:s22] =	dma.local [hbm:s5], s20  }
0x9e: {  	_ =	swait.ge [sflag:s22], s20  }
0x9f: {  	s4 =	ssub.s32 $0x0, s20;
	[sflag:s22] =	ssyncset.done $0x0  }
0xa0: {  	[sflag:s22] =	ssyncadd.s32 s4;
	_ =	sdelay $0x1  }
0xa1: {  	s23 =	simm.s32 $0x1B8B  }
0xa2: {  	_ =	swait.ge [sflag:s23], $0x1  }
0xa3: {  	[sflag:s23] =	ssyncset.done $0x0  }
0xa4: {  	s25 =	simm.s32 $0x1B8E;
	s24 =	sld [smem:$0x3FFE];
	[sflag:s23] =	ssyncadd.s32 $0xFFFFFFFF  }
0xa5: {  	s26 =	simm.s32 $execute0_lowered;
	[smem:$0x3FD2] =	sst s25  }
0xa6: {  	s5 =	sshll.u32 s26, $0x1;
	_ =	strace $0x80000046;
	[dreg:$0x1] =	wrdreg $0xFFFFFFFF  }
0xa7: {  	s28 =	simm.s32 $_size_execute0_lowered;
	s3 =	sadd.s32 s3, s5;
	[dreg:$0x0] =	wrdreg $0x0  }
0xa8: {  	s5 =	sshll.u32 s28, $0x1;
	[dreg:$0x2] =	wrdreg s3  }
0xa9: {  	[dreg:$0x3] =	wrdreg s5  }
0xaa: {  	[dreg:$0x4] =	wrdreg $0xC0  }
0xab: {  	_ =	task [dreg:s7], $0x5FFFF  }
0xac: {  	[dreg:$0x1] =	wrdreg $0xFFFFFFFF  }
0xad: {  	[dreg:$0x0] =	wrdreg $0x60  }
0xae: {  	[dreg:$0x2] =	wrdreg s24  }
0xaf: {  	[dreg:$0x3] =	wrdreg s2  }
0xb0: {  	[dreg:$0x4] =	wrdreg $0x9  }
0xb1: {  	_ =	task.clear_ibuf [dreg:s7], $0x5FFFF;
	_ =	strace $0x90000046  }
0xb2: {  	s29 =	simm.s32 $0x9;
	_ =	strace $0x80000048  }
0xb3: {  	_ =	swait.ge [sflag:s29], $0x1  }
0xb4: {  	[sflag:s29] =	ssyncadd.s32 $0xFFFFFFFF  }
0xb5: {  	_ =	strace $0x90000048  }
0xb6: {  	_ =	sfence  }
0xb7: {  	s30 =	sld [smem:$0x0];
	_ =	sdelay $0x2  }
0xb8: {  	s31 =	sshll.u32 s1, $0xD;
	s1 =	sshrl.u32 s1, $0x2  }
0xb9: {  	s3 =	sand.u32 $0x4000, s31;
	s1 =	sadd.s32 s1, s30  }
0xba: {  	s0 =	sor.u32 s3, s0;
	s1 =	sshll.u32 s1, $0x11  }
0xbb: {  	s0 =	sor.u32 s1, s0  }
0xbc: {  	s0 =	sadd.s32 $0x8F2B, s0  }
0xbd: {  	[sflag:s0] =	ssyncadd.remote.s32 $0x1  }
0xbe: {  	_ =	sfence.sel $0xFFFF  }
0xbf: {  	[dreg:$0x0] =	wrdreg $0xFFFFFFFF;
	(pc) =	sbr.abs _section_cstart, $3  }
0xc0: {  	[dreg:$0x1] =	wrdreg $0xFFFFFFFF  }
0xc1: {  	_ =	task.clear_ibuf [dreg:s7], $0x2FFFF;
	_ =	strace $0x9FFFFFFF  }
0xc2: {  	(tm) =	ssettm $0x7FFFFFFF  }
0xc3: {  	_ =	shalt  }
tec
execute0_lowered:
.L_overlay_start_1:
0x0: {  	(tag) =	ssettag $0x1  }
0x1: {  	v0 =	vlaneseq.u32  }
0x2: {  	v42 =	vand.u32 $0x7, v0  }
0x3: {  	v1 =	vor.u32 $0x8, v42  }
0x4: {  	v61 =	vor.u32 $0x10, v42;
	[tilespmem:$0x1FDF0] =	vst v1  }
0x5: {  	s3 =	simm.s32 $0x0;
	v62 =	vor.u32 $0x18, v42;
	[tilespmem:$0x1FE00] =	vst v61  }
0x6: {  	[smem:$0x7FF] =	sst s3;
	v63 =	vor.u32 $0x70, v42;
	[tilespmem:$0x1FE10] =	vst v62  }
0x7: {  	s0 =	rddreg [dreg:$0x0];
	v41 =	vmul.u32 $0x32, v0;
	_ =	strace $0x80000047;
	[tilespmem:$0x1FE20] =	vst v63  }
0x8: {  	[tilespmem:$0x1FE30] =	vst v42  }
0x9: {  	v40 =	vor.u32 $0x20, v42;
	[tilespmem:$0x1FE40] =	vst v41  }
0xa: {  	v29 =	vor.u32 $0x28, v42;
	[tilespmem:$0x1FE50] =	vst v40  }
0xb: {  	v37 =	vor.u32 $0x58, v42;
	[tilespmem:$0x1FE60] =	vst v29  }
0xc: {  	v48 =	vor.u32 $0x80, v42;
	[tilespmem:$0x1FE70] =	vst v37  }
0xd: {  	v47 =	vor.u32 $0x88, v42;
	[tilespmem:$0x1FE80] =	vst v48  }
0xe: {  	v51 =	vor.u32 $0xA0, v42;
	[tilespmem:$0x1FE90] =	vst v47  }
0xf: {  	v6 =	vor.u32 $0xE8, v42;
	[tilespmem:$0x1FEA0] =	vst v51  }
0x10: {  	v9 =	vor.u32 $0x90, v42;
	[tilespmem:$0x1FEB0] =	vst v6  }
0x11: {  	v17 =	vor.u32 $0x68, v42;
	[tilespmem:$0x1FEC0] =	vst v9  }
0x12: {  	v18 =	vor.u32 $0x78, v42;
	[tilespmem:$0x1FED0] =	vst v17  }
0x13: {  	v25 =	vor.u32 $0xF8, v0;
	[tilespmem:$0x1FEE0] =	vst v18  }
0x14: {  	v20 =	vor.u32 $0x98, v42;
	[tilespmem:$0x1FEF0] =	vst v25  }
0x15: {  	v24 =	vor.u32 $0xF0, v42;
	[tilespmem:$0x1FF00] =	vst v20  }
0x16: {  	v19 =	vor.u32 $0x30, v42;
	[tilespmem:$0x1FF10] =	vst v24  }
0x17: {  	v23 =	vor.u32 $0x60, v42;
	[tilespmem:$0x1FF20] =	vst v19  }
0x18: {  	v22 =	vor.u32 $0x50, v42;
	[tilespmem:$0x1FF30] =	vst v23  }
0x19: {  	v21 =	vor.u32 $0x38, v42;
	[tilespmem:$0x1FF40] =	vst v22  }
0x1a: {  	v43 =	vor.u32 $0xD0, v42;
	[tilespmem:$0x1FF50] =	vst v21  }
0x1b: {  	v30 =	vor.u32 $0xD8, v42;
	[tilespmem:$0x1FF60] =	vst v43  }
0x1c: {  	v55 =	vor.u32 $0xE0, v42;
	[tilespmem:$0x1FF70] =	vst v30  }
0x1d: {  	s1 =	srdreg.scid;
	s2 =	stileid.u32;
	v39 =	vor.u32 $0x40, v42;
	[tilespmem:$0x1FF80] =	vst v55  }
0x1e: {  	s1 =	sand.u32 $0x1, s1;
	s2 =	sshll.u32 s2, $0x1;
	v38 =	vor.u32 $0x48, v42;
	[tilespmem:$0x1FF90] =	vst v39  }
0x1f: {  	s2 =	sor.u32 s1, s2;
	s1 =	ssub.s32 $0x2, s1;
	v56 =	vor.u32 $0xC8, v42;
	[tilespmem:$0x1FFA0] =	vst v38  }
0x20: {  	s6 =	sadd.s32 $0x600, s0;
	v54 =	vor.u32 $0xB8, v42;
	s4 =	smul.u32 $0xC80, s2;
	s5 =	sshrl.u32 s1, $0x1;
	[tilespmem:$0x1FFB0] =	vst v56  }
0x21: {  	s30 =	sshll.u32 s2, $0xC;
	v62 =	vor.u32 $0xC0, v42;
	[dreg:$0x17] =	wrdreg s6;
	s1 =	ssub.s32 s1, s5;
	[tilespmem:$0x1FFD0] =	vst v54  }
0x22: {  	v61 =	vor.u32 $0xB0, v42;
	[dreg:$0x19] =	wrdreg s30;
	[tilespmem:$0x1FFE0] =	vst v62;
	s0 =	sadd.s32 s4, s0;
	s31 =	smax.u32 s1, $0x1  }
0x23: {  	v63 =	vor.u32 $0xA8, v42;
	[tilespmem:$0x1FFF0] =	vst v61;
	s0 =	sadd.s32 $0x2800, s0;
	[dreg:$0x1a] =	wrdreg s31  }
0x24: {  	s17 =	simm.s32 $0x10100;
	s2 =	simm.s32 $0x0;
	[tilespmem:$0x1FFC0] =	vst v63;
	[dreg:$0x18] =	wrdreg s0  }
.LBB2_1:
0x25: {  	[dreg:$0x1b] =	wrdreg s2  }
0x26: {  	s0 =	rddreg [dreg:$0x17];
	s1 =	simm.s32 $0x3  }
0x27: {  	[tilespmem:s3], [sflag:$0x3] =	stream.linear.gather [hbm4b:s0+s3], $0x10100, $0x38;
	[tilespmem:$0x1E500] =	vst v63  }
0x28: {  	_ =	swait.ge [sflag:s1], $0x10100  }
0x29: {  	[sflag:s1] =	ssyncset.done $0x0  }
0x2a: {  	s31 =	rddreg [dreg:$0x18];
	[sflag:s1] =	ssyncadd.s32 $0xFFFEFF00  }
0x2b: {  	[tilespmem:s17], [sflag:$0x3] =	stream.linear.gather [hbm4b:s31+s3], $0x6400, $0x38;
	[tilespmem:$0x1E500] =	vst v63  }
0x2c: {  	_ =	swait.ge [sflag:s1], $0x6400  }
0x2d: {  	[sflag:s1] =	ssyncset.done $0x0  }
0x2e: {  	s5 =	simm.s32 $0x0;
	[sflag:s1] =	ssyncadd.s32 $0xFFFF9C00  }
.LBB2_2:
0x2f: {  	s0 =	simm.s32 $0x0  }
0x30: {  	s1 =	simm.s32 $0x0;
	s25 =	sand.u32 $0x40, s0  }
0x31: {  	s8 =	sand.u32 $0xFFFFFF80, s1;
	s4 =	sor.u32 $0x30, s25  }
0x32: {  	s1 =	sor.u32 s8, s4  }
0x33: {  	s2 =	sor.u32 s25, s8;
	s1 =	smul.u32 $0x32, s1  }
0x34: {  	s15 =	sshll.u32 s5, $0x1;
	[dreg:$0x1c] =	wrdreg s5;
	s2 =	smul.u32 $0x32, s2  }
0x35: {  	p0 =	seq.s32 s5, $0x0;
	s28 =	sor.u32 $0x10, s25;
	s1 =	sadd.s32 s15, s1  }
0x36: {  	s26 =	sor.u32 $0x20, s25;
	s9 =	sor.u32 s8, s28;
	s2 =	sadd.s32 s15, s2;
	v0 =	vadd.s32 s1, v41  }
0x37: {  	s0 =	sor.u32 s8, s26;
	s5 =	smul.u32 $0x32, s9;
	v1 =	vadd.s32 s2, v41;
	s1 =	simm.s32 @!p0 $0x1  }
0x38: {  	s0 =	smul.u32 $0x32, s0;
	_ =	swait.ge @!p0 [sflag:s1], $0x4000  }
0x39: {  	s10 =	sadd.s32 s15, s5;
	[sflag:s1] =	ssyncset.done @!p0 $0x0  }
0x3a: {  	s0 =	sadd.s32 s15, s0;
	v2 =	vadd.s32 s10, v41;
	[sflag:s1] =	ssyncadd.s32 @!p0 $0xFFFFC000  }
0x3b: {  	v3 =	vadd.s32 s0, v41;
	v0 =	vld.idx.msk [tilespmem:v0+s17+$0x0], $0xffff  }
0x3c: {  	v1 =	vld.idx.msk [tilespmem:v1+s17+$0x0], $0xffff;
	_ =	sdelay $0x2  }
0x3d: {  	v2 =	vld.idx.msk [tilespmem:v2+s17+$0x0], $0xffff  }
0x3e: {  	v3 =	vld.idx.msk [tilespmem:v3+s17+$0x0], $0xffff;
	v4 =	vshll.u32 v0, $0x8  }
0x3f: {  	v35 =	vshll.u32 v1, $0x8;
	v0 =	vor.u32 v42, v4  }
0x40: {  	v28 =	vld [tilespmem:$0x1FDF0];
	v1 =	vor.u32 v42, v35;
	_ =	sdelay $0x1  }
0x41: {  	v36 =	vshll.u32 v2, $0x8  }
0x42: {  	v34 =	vshll.u32 v3, $0x8;
	v2 =	vor.u32 v42, v36  }
0x43: {  	v3 =	vor.u32 v42, v34;
	v0 =	vld.idx.msk [tilespmem:v0+s3+$0x0], $0xffff  }
0x44: {  	s11 =	simm.s32 $0x0;
	v5 =	vor.u32 v28, v4;
	v1 =	vld.idx.msk [tilespmem:v1+s3+$0x0], $0xffff  }
0x45: {  	v53 =	vmov v6;
	s23 =	sand.u32 $0x3FFFFC00, s11;
	v6 =	vor.u32 v28, v35  }
0x46: {  	s12 =	sadd.s32 $0x16500, s23  }
0x47: {  	s13 =	sor.u32 s4, s12;
	v2 =	vld.idx.msk [tilespmem:v2+s3+$0x0], $0xffff  }
0x48: {  	s14 =	sor.u32 s25, s12;
	v3 =	vld.idx.msk [tilespmem:v3+s3+$0x0], $0xffff;
	[tilespmem:s13+$0x0] =	vst v0  }
0x49: {  	[tilespmem:s14+$0x0] =	vst v1;
	v1 =	vld.idx.msk [tilespmem:v5+s3+$0x0], $0xffff  }
0x4a: {  	v5 =	vld.idx.msk [tilespmem:v6+s3+$0x0], $0xffff  }
0x4b: {  	v27 =	vld [tilespmem:$0x1FE00]  }
0x4c: {  	s16 =	sor.u32 s28, s12  }
0x4d: {  	s2 =	sor.u32 s26, s12;
	[tilespmem:s16+$0x0] =	vst v2  }
0x4e: {  	v7 =	vor.u32 v28, v36;
	[tilespmem:s2+$0x0] =	vst v3  }
0x4f: {  	v0 =	vor.u32 v28, v34;
	[tilespmem:s13+$0x80] =	vst v1  }
0x50: {  	v6 =	vor.u32 v27, v4;
	[tilespmem:s14+$0x80] =	vst v5  }
0x51: {  	v8 =	vor.u32 v27, v35;
	v26 =	vld [tilespmem:$0x1FE10];
	_ =	sdelay $0x1  }
0x52: {  	v2 =	vld.idx.msk [tilespmem:v7+s3+$0x0], $0xffff  }
0x53: {  	v0 =	vld.idx.msk [tilespmem:v0+s3+$0x0], $0xffff;
	v3 =	vor.u32 v27, v36  }
0x54: {  	v1 =	vor.u32 v27, v34;
	v5 =	vld.idx.msk [tilespmem:v6+s3+$0x0], $0xffff  }
0x55: {  	v6 =	vld.idx.msk [tilespmem:v8+s3+$0x0], $0xffff;
	v7 =	vor.u32 v26, v4  }
0x56: {  	v8 =	vor.u32 v26, v35  }
0x57: {  	[tilespmem:s16+$0x80] =	vst v2  }
0x58: {  	[tilespmem:s2+$0x80] =	vst v0;
	v2 =	vld.idx.msk [tilespmem:v3+s3+$0x0], $0xffff  }
0x59: {  	v1 =	vld.idx.msk [tilespmem:v1+s3+$0x0], $0xffff;
	v0 =	vor.u32 v26, v36;
	[tilespmem:s13+$0x100] =	vst v5  }
0x5a: {  	v3 =	vor.u32 v26, v34;
	[tilespmem:s14+$0x100] =	vst v6;
	v5 =	vld.idx.msk [tilespmem:v7+s3+$0x0], $0xffff  }
0x5b: {  	v6 =	vld.idx.msk [tilespmem:v8+s3+$0x0], $0xffff;
	v7 =	vor.u32 v40, v4  }
0x5c: {  	v8 =	vor.u32 v40, v35  }
0x5d: {  	[tilespmem:s16+$0x100] =	vst v2  }
0x5e: {  	[tilespmem:s2+$0x100] =	vst v1;
	v0 =	vld.idx.msk [tilespmem:v0+s3+$0x0], $0xffff  }
0x5f: {  	v1 =	vor.u32 v40, v36;
	v2 =	vld.idx.msk [tilespmem:v3+s3+$0x0], $0xffff;
	[tilespmem:s13+$0x180] =	vst v5  }
0x60: {  	v3 =	vor.u32 v40, v34;
	[tilespmem:s14+$0x180] =	vst v6;
	v5 =	vld.idx.msk [tilespmem:v7+s3+$0x0], $0xffff  }
0x61: {  	v6 =	vld.idx.msk [tilespmem:v8+s3+$0x0], $0xffff;
	v7 =	vor.u32 v29, v4  }
0x62: {  	v8 =	vor.u32 v29, v35  }
0x63: {  	[tilespmem:s16+$0x180] =	vst v0  }
0x64: {  	[tilespmem:s2+$0x180] =	vst v2;
	v0 =	vld.idx.msk [tilespmem:v1+s3+$0x0], $0xffff  }
0x65: {  	v1 =	vor.u32 v29, v36;
	v2 =	vld.idx.msk [tilespmem:v3+s3+$0x0], $0xffff;
	[tilespmem:s13+$0x200] =	vst v5  }
0x66: {  	v3 =	vor.u32 v29, v34;
	[tilespmem:s14+$0x200] =	vst v6;
	v5 =	vld.idx.msk [tilespmem:v7+s3+$0x0], $0xffff  }
0x67: {  	v6 =	vld.idx.msk [tilespmem:v8+s3+$0x0], $0xffff;
	v7 =	vor.u32 v19, v4  }
0x68: {  	v8 =	vor.u32 v19, v35  }
0x69: {  	[tilespmem:s16+$0x200] =	vst v0  }
0x6a: {  	[tilespmem:s2+$0x200] =	vst v2;
	v0 =	vld.idx.msk [tilespmem:v1+s3+$0x0], $0xffff  }
0x6b: {  	v1 =	vor.u32 v19, v36;
	v2 =	vld.idx.msk [tilespmem:v3+s3+$0x0], $0xffff;
	[tilespmem:s13+$0x280] =	vst v5  }
0x6c: {  	v3 =	vor.u32 v19, v34;
	[tilespmem:s14+$0x280] =	vst v6;
	v5 =	vld.idx.msk [tilespmem:v7+s3+$0x0], $0xffff  }
0x6d: {  	v6 =	vld.idx.msk [tilespmem:v8+s3+$0x0], $0xffff;
	v7 =	vor.u32 v21, v4  }
0x6e: {  	v8 =	vor.u32 v21, v35  }
0x6f: {  	[tilespmem:s16+$0x280] =	vst v0  }
0x70: {  	[tilespmem:s2+$0x280] =	vst v2;
	v0 =	vld.idx.msk [tilespmem:v1+s3+$0x0], $0xffff  }
0x71: {  	v1 =	vor.u32 v21, v36;
	v2 =	vld.idx.msk [tilespmem:v3+s3+$0x0], $0xffff;
	[tilespmem:s13+$0x300] =	vst v5  }
0x72: {  	v3 =	vor.u32 v21, v34;
	[tilespmem:s14+$0x300] =	vst v6;
	v5 =	vld.idx.msk [tilespmem:v7+s3+$0x0], $0xffff  }
0x73: {  	v6 =	vld.idx.msk [tilespmem:v8+s3+$0x0], $0xffff;
	v7 =	vor.u32 v39, v4  }
0x74: {  	v8 =	vor.u32 v39, v35  }
0x75: {  	[tilespmem:s16+$0x300] =	vst v0  }
0x76: {  	[tilespmem:s2+$0x300] =	vst v2;
	v0 =	vld.idx.msk [tilespmem:v1+s3+$0x0], $0xffff  }
0x77: {  	v1 =	vor.u32 v39, v36;
	v2 =	vld.idx.msk [tilespmem:v3+s3+$0x0], $0xffff;
	[tilespmem:s13+$0x380] =	vst v5  }
0x78: {  	v3 =	vor.u32 v39, v34;
	[tilespmem:s14+$0x380] =	vst v6;
	v5 =	vld.idx.msk [tilespmem:v7+s3+$0x0], $0xffff  }
0x79: {  	v6 =	vld.idx.msk [tilespmem:v8+s3+$0x0], $0xffff;
	v7 =	vor.u32 v38, v4  }
0x7a: {  	v8 =	vor.u32 v38, v35  }
0x7b: {  	s18 =	sadd.s32 $0x17500, s23;
	[tilespmem:s16+$0x380] =	vst v0  }
0x7c: {  	s19 =	sor.u32 s4, s18;
	[tilespmem:s2+$0x380] =	vst v2;
	v0 =	vld.idx.msk [tilespmem:v1+s3+$0x0], $0xffff  }
0x7d: {  	s20 =	sor.u32 s25, s18;
	v1 =	vor.u32 v38, v36;
	v2 =	vld.idx.msk [tilespmem:v3+s3+$0x0], $0xffff;
	[tilespmem:s19+$0x0] =	vst v5  }
0x7e: {  	v3 =	vor.u32 v38, v34;
	[tilespmem:s20+$0x0] =	vst v6;
	v5 =	vld.idx.msk [tilespmem:v7+s3+$0x0], $0xffff  }
0x7f: {  	v6 =	vld.idx.msk [tilespmem:v8+s3+$0x0], $0xffff;
	v7 =	vor.u32 v22, v4  }
0x80: {  	s21 =	sor.u32 s28, s18;
	v8 =	vor.u32 v22, v35  }
0x81: {  	s22 =	sadd.s32 $0x17580, s23;
	s0 =	sor.u32 s26, s18;
	[tilespmem:s21+$0x0] =	vst v0  }
0x82: {  	s24 =	sor.u32 s4, s22;
	[tilespmem:s0+$0x0] =	vst v2;
	v0 =	vld.idx.msk [tilespmem:v1+s3+$0x0], $0xffff  }
0x83: {  	s29 =	sor.u32 s25, s22;
	v1 =	vor.u32 v22, v36;
	v2 =	vld.idx.msk [tilespmem:v3+s3+$0x0], $0xffff;
	[tilespmem:s24+$0x0] =	vst v5  }
0x84: {  	v3 =	vor.u32 v22, v34;
	[tilespmem:s29+$0x0] =	vst v6;
	v5 =	vld.idx.msk [tilespmem:v7+s3+$0x0], $0xffff  }
0x85: {  	v6 =	vld.idx.msk [tilespmem:v8+s3+$0x0], $0xffff;
	v7 =	vor.u32 v37, v4  }
0x86: {  	s30 =	sor.u32 s28, s22;
	v8 =	vor.u32 v37, v35  }
0x87: {  	s31 =	sadd.s32 $0x17600, s23;
	s1 =	sor.u32 s26, s22;
	[tilespmem:s30+$0x0] =	vst v0  }
0x88: {  	s5 =	sor.u32 s4, s31;
	[tilespmem:s1+$0x0] =	vst v2;
	v0 =	vld.idx.msk [tilespmem:v1+s3+$0x0], $0xffff  }
0x89: {  	s6 =	sor.u32 s25, s31;
	v1 =	vor.u32 v37, v36;
	v2 =	vld.idx.msk [tilespmem:v3+s3+$0x0], $0xffff;
	[tilespmem:s5+$0x0] =	vst v5  }
0x8a: {  	v3 =	vor.u32 v37, v34;
	[tilespmem:s6+$0x0] =	vst v6;
	v5 =	vld.idx.msk [tilespmem:v7+s3+$0x0], $0xffff  }
0x8b: {  	v6 =	vld.idx.msk [tilespmem:v8+s3+$0x0], $0xffff;
	v7 =	vor.u32 v23, v4  }
0x8c: {  	s7 =	sor.u32 s28, s31;
	v8 =	vor.u32 v23, v35  }
0x8d: {  	s8 =	sadd.s32 $0x17680, s23;
	s0 =	sor.u32 s26, s31;
	[tilespmem:s7+$0x0] =	vst v0  }
0x8e: {  	s9 =	sor.u32 s4, s8;
	[tilespmem:s0+$0x0] =	vst v2;
	v0 =	vld.idx.msk [tilespmem:v1+s3+$0x0], $0xffff  }
0x8f: {  	s10 =	sor.u32 s25, s8;
	v2 =	vld.idx.msk [tilespmem:v3+s3+$0x0], $0xffff;
	[tilespmem:s9+$0x0] =	vst v5  }
0x90: {  	[tilespmem:s10+$0x0] =	vst v6;
	v5 =	vld.idx.msk [tilespmem:v7+s3+$0x0], $0xffff  }
0x91: {  	v6 =	vld.idx.msk [tilespmem:v8+s3+$0x0], $0xffff  }
0x92: {  	s11 =	sor.u32 s28, s8  }
0x93: {  	s12 =	sadd.s32 $0x17700, s23;
	s1 =	sor.u32 s26, s8;
	[tilespmem:s11+$0x0] =	vst v0  }
0x94: {  	s13 =	sor.u32 s4, s12;
	v1 =	vor.u32 v23, v36;
	[tilespmem:s1+$0x0] =	vst v2  }
0x95: {  	s14 =	sor.u32 s25, s12;
	v3 =	vor.u32 v23, v34;
	[tilespmem:s13+$0x0] =	vst v5  }
0x96: {  	v7 =	vor.u32 v17, v4;
	[tilespmem:s14+$0x0] =	vst v6  }
0x97: {  	v46 =	vld [tilespmem:$0x1FE20]  }
0x98: {  	v8 =	vor.u32 v17, v35  }
0x99: {  	v0 =	vld.idx.msk [tilespmem:v1+s3+$0x0], $0xffff  }
0x9a: {  	v1 =	vor.u32 v17, v36;
	v2 =	vld.idx.msk [tilespmem:v3+s3+$0x0], $0xffff  }
0x9b: {  	v3 =	vor.u32 v17, v34;
	v5 =	vld.idx.msk [tilespmem:v7+s3+$0x0], $0xffff  }
0x9c: {  	v7 =	vor.u32 v46, v4  }
0x9d: {  	s16 =	sor.u32 s28, s12;
	v6 =	vld.idx.msk [tilespmem:v8+s3+$0x0], $0xffff  }
0x9e: {  	s18 =	sadd.s32 $0x17780, s23;
	s0 =	sor.u32 s26, s12;
	[tilespmem:s16+$0x0] =	vst v0;
	v8 =	vor.u32 v46, v35  }
0x9f: {  	s19 =	sor.u32 s4, s18;
	[tilespmem:s0+$0x0] =	vst v2;
	v0 =	vld.idx.msk [tilespmem:v1+s3+$0x0], $0xffff  }
0xa0: {  	v2 =	vld.idx.msk [tilespmem:v3+s3+$0x0], $0xffff;
	v1 =	vor.u32 v46, v36;
	[tilespmem:s19+$0x0] =	vst v5  }
0xa1: {  	s20 =	sor.u32 s25, s18;
	v3 =	vor.u32 v46, v34;
	v5 =	vld.idx.msk [tilespmem:v7+s3+$0x0], $0xffff  }
0xa2: {  	[tilespmem:s20+$0x0] =	vst v6;
	v7 =	vor.u32 v18, v4  }
0xa3: {  	s21 =	sor.u32 s28, s18;
	v6 =	vld.idx.msk [tilespmem:v8+s3+$0x0], $0xffff  }
0xa4: {  	s22 =	sadd.s32 $0x17800, s23;
	s1 =	sor.u32 s26, s18;
	[tilespmem:s21+$0x0] =	vst v0;
	v8 =	vor.u32 v18, v35  }
0xa5: {  	s24 =	sor.u32 s4, s22;
	[tilespmem:s1+$0x0] =	vst v2;
	v0 =	vld.idx.msk [tilespmem:v1+s3+$0x0], $0xffff  }
0xa6: {  	v2 =	vor.u32 v18, v36;
	v1 =	vld.idx.msk [tilespmem:v3+s3+$0x0], $0xffff;
	[tilespmem:s24+$0x0] =	vst v5  }
0xa7: {  	s29 =	sor.u32 s25, s22;
	v5 =	vor.u32 v18, v34;
	v3 =	vld.idx.msk [tilespmem:v7+s3+$0x0], $0xffff  }
0xa8: {  	[tilespmem:s29+$0x0] =	vst v6;
	v7 =	vor.u32 v48, v4  }
0xa9: {  	s30 =	sor.u32 s28, s22;
	v6 =	vld.idx.msk [tilespmem:v8+s3+$0x0], $0xffff  }
0xaa: {  	s31 =	sadd.s32 $0x17880, s23;
	s0 =	sor.u32 s26, s22;
	[tilespmem:s30+$0x0] =	vst v0  }
0xab: {  	s7 =	sor.u32 s4, s31;
	[tilespmem:s0+$0x0] =	vst v1;
	v1 =	vor.u32 v48, v35;
	v0 =	vld.idx.msk [tilespmem:v2+s3+$0x0], $0xffff  }
0xac: {  	s9 =	simm.s32 $0x40;
	s10 =	simm.s32 $0x40;
	v2 =	vld.idx.msk [tilespmem:v5+s3+$0x0], $0xffff;
	[tilespmem:s7+$0x0] =	vst v3  }
0xad: {  	s8 =	sor.u32 s25, s31;
	s11 =	sand.u32 $0xFFFFFF80, s10;
	s29 =	sand.u32 $0x40, s9;
	v3 =	vld.idx.msk [tilespmem:v7+s3+$0x0], $0xffff  }
0xae: {  	s1 =	sor.u32 $0x30, s29;
	v5 =	vor.u32 v47, v4;
	[tilespmem:s8+$0x0] =	vst v6;
	s8 =	sor.u32 s29, s11  }
0xaf: {  	s2 =	sor.u32 s26, s31;
	s12 =	sor.u32 s11, s1;
	v6 =	vor.u32 v48, v36;
	s8 =	smul.u32 $0x32, s8  }
0xb0: {  	s6 =	sadd.s32 $0x18500, s23;
	s30 =	sor.u32 $0x10, s29;
	s5 =	smul.u32 $0x32, s12;
	v7 =	vor.u32 v48, v34;
	v1 =	vld.idx.msk [tilespmem:v1+s3+$0x0], $0xffff  }
0xb1: {  	s9 =	sor.u32 s4, s6;
	v8 =	vor.u32 v47, v35;
	s13 =	sor.u32 s11, s30;
	s16 =	sadd.s32 s15, s8;
	[tilespmem:s2+$0x0] =	vst v2  }
0xb2: {  	s5 =	sadd.s32 s15, s5;
	s7 =	sor.u32 s28, s31;
	s31 =	sor.u32 $0x20, s29;
	v2 =	vadd.s32 s16, v41;
	[tilespmem:s9+$0x0] =	vst v3  }
0xb3: {  	s14 =	smul.u32 $0x32, s13;
	[tilespmem:s7+$0x0] =	vst v0;
	s0 =	sor.u32 s11, s31;
	v3 =	vld.idx.msk [tilespmem:v5+s3+$0x0], $0xffff;
	v5 =	vadd.s32 s5, v41  }
0xb4: {  	s18 =	sor.u32 s25, s6;
	v0 =	vor.u32 v9, v4;
	s0 =	smul.u32 $0x32, s0;
	v6 =	vld.idx.msk [tilespmem:v6+s3+$0x0], $0xffff  }
0xb5: {  	v52 =	vmov v9;
	s19 =	sadd.s32 s15, s14;
	v9 =	vor.u32 v47, v36;
	v7 =	vld.idx.msk [tilespmem:v7+s3+$0x0], $0xffff;
	[tilespmem:s18+$0x0] =	vst v1  }
0xb6: {  	s20 =	sadd.s32 $0x18580, s23;
	s0 =	sadd.s32 s15, s0;
	v1 =	vld.idx.msk [tilespmem:v8+s3+$0x0], $0xffff;
	v8 =	vadd.s32 s19, v41  }
0xb7: {  	s21 =	sor.u32 s4, s20;
	v10 =	vadd.s32 s0, v41;
	v2 =	vld.idx.msk [tilespmem:v2+s17+$0x0], $0xffff  }
0xb8: {  	s22 =	sor.u32 s28, s6;
	v5 =	vld.idx.msk [tilespmem:v5+s17+$0x0], $0xffff;
	[tilespmem:s21+$0x0] =	vst v3  }
0xb9: {  	[tilespmem:s22+$0x0] =	vst v6;
	v0 =	vld.idx.msk [tilespmem:v0+s3+$0x0], $0xffff  }
0xba: {  	v6 =	vld.idx.msk [tilespmem:v9+s3+$0x0], $0xffff;
	v9 =	vor.u32 v20, v4  }
0xbb: {  	v11 =	vor.u32 v47, v34;
	v8 =	vld.idx.msk [tilespmem:v8+s17+$0x0], $0xffff  }
0xbc: {  	v12 =	vor.u32 v52, v35;
	s24 =	sadd.s32 $0x18600, s23;
	v10 =	vld.idx.msk [tilespmem:v10+s17+$0x0], $0xffff  }
0xbd: {  	v13 =	vor.u32 v52, v36;
	s10 =	sor.u32 s4, s24;
	v3 =	vshll.u32 v5, $0x8  }
0xbe: {  	s6 =	sor.u32 s26, s6;
	[tilespmem:s10+$0x0] =	vst v0;
	v0 =	vshll.u32 v2, $0x8;
	v5 =	vor.u32 v42, v3  }
0xbf: {  	s11 =	sor.u32 s25, s20;
	[tilespmem:s6+$0x0] =	vst v7;
	v7 =	vld.idx.msk [tilespmem:v9+s3+$0x0], $0xffff;
	v9 =	vor.u32 v42, v0  }
0xc0: {  	s12 =	sor.u32 s28, s20;
	v11 =	vld.idx.msk [tilespmem:v11+s3+$0x0], $0xffff;
	[tilespmem:s11+$0x0] =	vst v1;
	v1 =	vshll.u32 v8, $0x8;
	v8 =	vor.u32 v51, v4  }
0xc1: {  	[tilespmem:s12+$0x0] =	vst v6;
	v6 =	vld.idx.msk [tilespmem:v12+s3+$0x0], $0xffff;
	v12 =	vor.u32 v42, v1;
	v2 =	vshll.u32 v10, $0x8  }
0xc2: {  	s9 =	sadd.s32 $0x18680, s23;
	v10 =	vld.idx.msk [tilespmem:v13+s3+$0x0], $0xffff;
	v13 =	vor.u32 v42, v2  }
0xc3: {  	v14 =	vor.u32 v52, v34;
	s13 =	sor.u32 s4, s9;
	v5 =	vld.idx.msk [tilespmem:v5+s3+$0x0], $0xffff  }
0xc4: {  	s14 =	simm.s32 $0x200;
	v9 =	vld.idx.msk [tilespmem:v9+s3+$0x0], $0xffff;
	[tilespmem:s13+$0x0] =	vst v7;
	v7 =	vor.u32 v28, v3  }
0xc5: {  	s0 =	sand.u32 $0x3FFFFC00, s14;
	s5 =	sor.u32 s26, s20;
	v15 =	vor.u32 v28, v0;
	v8 =	vld.idx.msk [tilespmem:v8+s3+$0x0], $0xffff  }
0xc6: {  	v16 =	vor.u32 v63, v4;
	s16 =	sadd.s32 $0x16500, s0;
	s18 =	sor.u32 s25, s24;
	v12 =	vld.idx.msk [tilespmem:v12+s3+$0x0], $0xffff;
	[tilespmem:s5+$0x0] =	vst v11  }
0xc7: {  	v11 =	vor.u32 v28, v1;
	v13 =	vld.idx.msk [tilespmem:v13+s3+$0x0], $0xffff;
	s5 =	sor.u32 s1, s16;
	[tilespmem:s18+$0x0] =	vst v6  }
0xc8: {  	v31 =	vmov v17;
	s8 =	sadd.s32 $0x18700, s23;
	s6 =	sor.u32 s29, s16;
	v17 =	vor.u32 v28, v2;
	v14 =	vld.idx.msk [tilespmem:v14+s3+$0x0], $0xffff;
	[tilespmem:s5+$0x0] =	vst v5  }
0xc9: {  	s10 =	sor.u32 s4, s8;
	v5 =	vor.u32 v20, v35;
	[tilespmem:s6+$0x0] =	vst v9;
	v7 =	vld.idx.msk [tilespmem:v7+s3+$0x0], $0xffff  }
0xca: {  	s11 =	sor.u32 s30, s16;
	v9 =	vld.idx.msk [tilespmem:v15+s3+$0x0], $0xffff;
	[tilespmem:s10+$0x0] =	vst v8;
	v8 =	vor.u32 v27, v3  }
0xcb: {  	s7 =	sor.u32 s31, s16;
	v15 =	vor.u32 v27, v0;
	[tilespmem:s11+$0x0] =	vst v12;
	v12 =	vld.idx.msk [tilespmem:v16+s3+$0x0], $0xffff  }
0xcc: {  	s20 =	sor.u32 s28, s24;
	[tilespmem:s7+$0x0] =	vst v13;
	v13 =	vor.u32 v61, v4;
	v11 =	vld.idx.msk [tilespmem:v11+s3+$0x0], $0xffff  }
0xcd: {  	v6 =	vor.u32 v27, v1;
	[tilespmem:s20+$0x0] =	vst v10;
	v16 =	vld.idx.msk [tilespmem:v17+s3+$0x0], $0xffff  }
0xce: {  	s13 =	sadd.s32 $0x18780, s23;
	v17 =	vor.u32 v27, v2;
	v5 =	vld.idx.msk [tilespmem:v5+s3+$0x0], $0xffff;
	[tilespmem:s5+$0x80] =	vst v7  }
0xcf: {  	s19 =	sor.u32 s4, s13;
	v7 =	vor.u32 v20, v36;
	[tilespmem:s6+$0x80] =	vst v9;
	v8 =	vld.idx.msk [tilespmem:v8+s3+$0x0], $0xffff  }
0xd0: {  	v9 =	vld.idx.msk [tilespmem:v15+s3+$0x0], $0xffff;
	[tilespmem:s19+$0x0] =	vst v12;
	v12 =	vor.u32 v26, v3  }
0xd1: {  	v15 =	vor.u32 v26, v0;
	[tilespmem:s11+$0x80] =	vst v11;
	v11 =	vld.idx.msk [tilespmem:v13+s3+$0x0], $0xffff  }
0xd2: {  	s2 =	sor.u32 s26, s24;
	[tilespmem:s7+$0x80] =	vst v16;
	v6 =	vld.idx.msk [tilespmem:v6+s3+$0x0], $0xffff;
	v13 =	vor.u32 v54, v4  }
0xd3: {  	v10 =	vor.u32 v26, v1;
	[tilespmem:s2+$0x0] =	vst v14;
	v16 =	vld.idx.msk [tilespmem:v17+s3+$0x0], $0xffff  }
0xd4: {  	s12 =	sadd.s32 $0x18800, s23;
	v17 =	vor.u32 v26, v2;
	v7 =	vld.idx.msk [tilespmem:v7+s3+$0x0], $0xffff;
	[tilespmem:s5+$0x100] =	vst v8  }
0xd5: {  	s21 =	sor.u32 s4, s12;
	v8 =	vor.u32 v20, v34;
	[tilespmem:s6+$0x100] =	vst v9;
	v9 =	vld.idx.msk [tilespmem:v12+s3+$0x0], $0xffff  }
0xd6: {  	v12 =	vor.u32 v51, v35;
	v15 =	vld.idx.msk [tilespmem:v15+s3+$0x0], $0xffff;
	[tilespmem:s21+$0x0] =	vst v11  }
0xd7: {  	[tilespmem:s11+$0x100] =	vst v6;
	v6 =	vor.u32 v40, v3;
	v11 =	vld.idx.msk [tilespmem:v13+s3+$0x0], $0xffff  }
0xd8: {  	s22 =	sor.u32 s25, s9;
	[tilespmem:s7+$0x100] =	vst v16;
	v13 =	vor.u32 v40, v0;
	v10 =	vld.idx.msk [tilespmem:v10+s3+$0x0], $0xffff  }
0xd9: {  	s14 =	sor.u32 s28, s9;
	[tilespmem:s22+$0x0] =	vst v5;
	v16 =	vor.u32 v62, v4;
	v14 =	vld.idx.msk [tilespmem:v17+s3+$0x0], $0xffff  }
0xda: {  	v17 =	vor.u32 v40, v1;
	[tilespmem:s14+$0x0] =	vst v7;
	v5 =	vld.idx.msk [tilespmem:v8+s3+$0x0], $0xffff  }
0xdb: {  	s2 =	sadd.s32 $0x18880, s23;
	v8 =	vor.u32 v40, v2;
	[tilespmem:s5+$0x180] =	vst v9;
	v9 =	vld.idx.msk [tilespmem:v12+s3+$0x0], $0xffff  }
0xdc: {  	s24 =	sor.u32 s4, s2;
	v12 =	vor.u32 v51, v36;
	[tilespmem:s6+$0x180] =	vst v15;
	v6 =	vld.idx.msk [tilespmem:v6+s3+$0x0], $0xffff  }
0xdd: {  	v15 =	vor.u32 v51, v34;
	v13 =	vld.idx.msk [tilespmem:v13+s3+$0x0], $0xffff;
	[tilespmem:s24+$0x0] =	vst v11  }
0xde: {  	[tilespmem:s11+$0x180] =	vst v10;
	v10 =	vor.u32 v29, v3;
	v11 =	vld.idx.msk [tilespmem:v16+s3+$0x0], $0xffff  }
0xdf: {  	s9 =	sor.u32 s26, s9;
	[tilespmem:s7+$0x180] =	vst v14;
	v16 =	vor.u32 v29, v0;
	v17 =	vld.idx.msk [tilespmem:v17+s3+$0x0], $0xffff  }
0xe0: {  	s18 =	sor.u32 s25, s8;
	v7 =	vld.idx.msk [tilespmem:v8+s3+$0x0], $0xffff;
	v8 =	vor.u32 v56, v4;
	[tilespmem:s9+$0x0] =	vst v5  }
0xe1: {  	v14 =	vor.u32 v29, v1;
	v5 =	vld.idx.msk [tilespmem:v12+s3+$0x0], $0xffff;
	[tilespmem:s18+$0x0] =	vst v9  }
0xe2: {  	s10 =	sadd.s32 $0x19500, s23;
	v12 =	vor.u32 v29, v2;
	[tilespmem:s5+$0x200] =	vst v6;
	v6 =	vld.idx.msk [tilespmem:v15+s3+$0x0], $0xffff  }
0xe3: {  	s16 =	sor.u32 s4, s10;
	v15 =	vor.u32 v63, v35;
	[tilespmem:s6+$0x200] =	vst v13;
	v10 =	vld.idx.msk [tilespmem:v10+s3+$0x0], $0xffff  }
0xe4: {  	v13 =	vor.u32 v63, v36;
	v16 =	vld.idx.msk [tilespmem:v16+s3+$0x0], $0xffff;
	[tilespmem:s16+$0x0] =	vst v11  }
0xe5: {  	[tilespmem:s11+$0x200] =	vst v17;
	v11 =	vor.u32 v19, v3;
	v8 =	vld.idx.msk [tilespmem:v8+s3+$0x0], $0xffff  }
0xe6: {  	s14 =	sor.u32 s28, s8;
	v17 =	vor.u32 v19, v0;
	v14 =	vld.idx.msk [tilespmem:v14+s3+$0x0], $0xffff;
	[tilespmem:s7+$0x200] =	vst v7  }
0xe7: {  	s8 =	sor.u32 s26, s8;
	v9 =	vor.u32 v43, v4;
	v7 =	vld.idx.msk [tilespmem:v12+s3+$0x0], $0xffff;
	[tilespmem:s14+$0x0] =	vst v5  }
0xe8: {  	v12 =	vor.u32 v19, v1;
	v5 =	vld.idx.msk [tilespmem:v15+s3+$0x0], $0xffff;
	[tilespmem:s8+$0x0] =	vst v6  }
0xe9: {  	s9 =	sadd.s32 $0x19580, s23;
	v15 =	vor.u32 v19, v2;
	[tilespmem:s5+$0x280] =	vst v10;
	v10 =	vld.idx.msk [tilespmem:v13+s3+$0x0], $0xffff  }
0xea: {  	s19 =	sor.u32 s4, s9;
	v13 =	vor.u32 v63, v34;
	[tilespmem:s6+$0x280] =	vst v16;
	v11 =	vld.idx.msk [tilespmem:v11+s3+$0x0], $0xffff  }
0xeb: {  	v16 =	vor.u32 v61, v35;
	v17 =	vld.idx.msk [tilespmem:v17+s3+$0x0], $0xffff;
	[tilespmem:s19+$0x0] =	vst v8  }
0xec: {  	[tilespmem:s11+$0x280] =	vst v14;
	v8 =	vor.u32 v21, v3;
	v9 =	vld.idx.msk [tilespmem:v9+s3+$0x0], $0xffff  }
0xed: {  	s20 =	sor.u32 s25, s13;
	v14 =	vor.u32 v21, v0;
	v12 =	vld.idx.msk [tilespmem:v12+s3+$0x0], $0xffff;
	[tilespmem:s7+$0x280] =	vst v7  }
0xee: {  	s22 =	sor.u32 s28, s13;
	v7 =	vor.u32 v30, v4;
	v6 =	vld.idx.msk [tilespmem:v15+s3+$0x0], $0xffff;
	[tilespmem:s20+$0x0] =	vst v5  }
0xef: {  	v15 =	vor.u32 v21, v1;
	v5 =	vld.idx.msk [tilespmem:v13+s3+$0x0], $0xffff;
	[tilespmem:s22+$0x0] =	vst v10  }
0xf0: {  	s8 =	sadd.s32 $0x19600, s23;
	v13 =	vor.u32 v21, v2;
	[tilespmem:s5+$0x300] =	vst v11;
	v11 =	vld.idx.msk [tilespmem:v16+s3+$0x0], $0xffff  }
0xf1: {  	s21 =	sor.u32 s4, s8;
	v16 =	vor.u32 v61, v36;
	[tilespmem:s6+$0x300] =	vst v17;
	v8 =	vld.idx.msk [tilespmem:v8+s3+$0x0], $0xffff  }
0xf2: {  	v17 =	vor.u32 v61, v34;
	v14 =	vld.idx.msk [tilespmem:v14+s3+$0x0], $0xffff;
	[tilespmem:s21+$0x0] =	vst v9  }
0xf3: {  	[tilespmem:s11+$0x300] =	vst v12;
	v9 =	vor.u32 v39, v3;
	v7 =	vld.idx.msk [tilespmem:v7+s3+$0x0], $0xffff  }
0xf4: {  	s13 =	sor.u32 s26, s13;
	v12 =	vor.u32 v39, v0;
	v15 =	vld.idx.msk [tilespmem:v15+s3+$0x0], $0xffff;
	[tilespmem:s7+$0x300] =	vst v6  }
0xf5: {  	v10 =	vor.u32 v55, v4;
	v6 =	vld.idx.msk [tilespmem:v13+s3+$0x0], $0xffff;
	[tilespmem:s13+$0x0] =	vst v5;
	s13 =	sor.u32 s25, s12  }
0xf6: {  	v13 =	vor.u32 v39, v1;
	v5 =	vld.idx.msk [tilespmem:v16+s3+$0x0], $0xffff;
	[tilespmem:s13+$0x0] =	vst v11  }
0xf7: {  	v16 =	vor.u32 v39, v2;
	[tilespmem:s5+$0x380] =	vst v8;
	s5 =	sadd.s32 $0x19680, s23;
	v8 =	vld.idx.msk [tilespmem:v17+s3+$0x0], $0xffff  }
0xf8: {  	v17 =	vor.u32 v54, v35;
	[tilespmem:s6+$0x380] =	vst v14;
	v9 =	vld.idx.msk [tilespmem:v9+s3+$0x0], $0xffff;
	s24 =	sor.u32 s4, s5  }
0xf9: {  	v14 =	vor.u32 v54, v36;
	v12 =	vld.idx.msk [tilespmem:v12+s3+$0x0], $0xffff;
	[tilespmem:s24+$0x0] =	vst v7  }
0xfa: {  	[tilespmem:s11+$0x380] =	vst v15;
	v7 =	vor.u32 v38, v3;
	v10 =	vld.idx.msk [tilespmem:v10+s3+$0x0], $0xffff  }
0xfb: {  	s14 =	sor.u32 s28, s12;
	v15 =	vor.u32 v38, v0;
	v13 =	vld.idx.msk [tilespmem:v13+s3+$0x0], $0xffff;
	[tilespmem:s7+$0x380] =	vst v6  }
0xfc: {  	s16 =	sadd.s32 $0x17500, s0;
	v11 =	vor.u32 v53, v4;
	s24 =	sor.u32 s26, s12;
	v6 =	vld.idx.msk [tilespmem:v16+s3+$0x0], $0xffff;
	[tilespmem:s14+$0x0] =	vst v5  }
0xfd: {  	s18 =	sor.u32 s1, s16;
	v16 =	vor.u32 v38, v1;
	v5 =	vld.idx.msk [tilespmem:v17+s3+$0x0], $0xffff;
	[tilespmem:s24+$0x0] =	vst v8  }
0xfe: {  	s19 =	sor.u32 s29, s16;
	s6 =	sadd.s32 $0x19700, s23;
	v17 =	vor.u32 v38, v2;
	[tilespmem:s18+$0x0] =	vst v9;
	v9 =	vld.idx.msk [tilespmem:v14+s3+$0x0], $0xffff  }
0xff: {  	s20 =	sor.u32 s4, s6;
	v14 =	vor.u32 v54, v34;
	[tilespmem:s19+$0x0] =	vst v12;
	v7 =	vld.idx.msk [tilespmem:v7+s3+$0x0], $0xffff  }
0x100: {  	s21 =	sor.u32 s30, s16;
	v12 =	vor.u32 v62, v35;
	v15 =	vld.idx.msk [tilespmem:v15+s3+$0x0], $0xffff;
	[tilespmem:s20+$0x0] =	vst v10  }
0x101: {  	s22 =	sor.u32 s31, s16;
	[tilespmem:s21+$0x0] =	vst v13;
	v10 =	vor.u32 v22, v3;
	v11 =	vld.idx.msk [tilespmem:v11+s3+$0x0], $0xffff  }
0x102: {  	s12 =	sor.u32 s25, s2;
	v13 =	vor.u32 v22, v0;
	v16 =	vld.idx.msk [tilespmem:v16+s3+$0x0], $0xffff;
	[tilespmem:s22+$0x0] =	vst v6  }
0x103: {  	s13 =	sadd.s32 $0x17580, s0;
	v8 =	vor.u32 v24, v4;
	s20 =	sor.u32 s28, s2;
	v6 =	vld.idx.msk [tilespmem:v17+s3+$0x0], $0xffff;
	[tilespmem:s12+$0x0] =	vst v5  }
0x104: {  	s14 =	sor.u32 s1, s13;
	v17 =	vor.u32 v22, v1;
	v5 =	vld.idx.msk [tilespmem:v14+s3+$0x0], $0xffff;
	[tilespmem:s20+$0x0] =	vst v9  }
0x105: {  	s16 =	sor.u32 s29, s13;
	s7 =	sadd.s32 $0x19780, s23;
	v14 =	vor.u32 v22, v2;
	[tilespmem:s14+$0x0] =	vst v7;
	v7 =	vld.idx.msk [tilespmem:v12+s3+$0x0], $0xffff  }
0x106: {  	s18 =	sor.u32 s4, s7;
	v12 =	vor.u32 v62, v36;
	[tilespmem:s16+$0x0] =	vst v15;
	v10 =	vld.idx.msk [tilespmem:v10+s3+$0x0], $0xffff  }
0x107: {  	s19 =	sor.u32 s30, s13;
	v15 =	vor.u32 v62, v34;
	v13 =	vld.idx.msk [tilespmem:v13+s3+$0x0], $0xffff;
	[tilespmem:s18+$0x0] =	vst v11  }
0x108: {  	s11 =	sor.u32 s31, s13;
	[tilespmem:s19+$0x0] =	vst v16;
	v11 =	vor.u32 v37, v3;
	v8 =	vld.idx.msk [tilespmem:v8+s3+$0x0], $0xffff  }
0x109: {  	s2 =	sor.u32 s26, s2;
	v16 =	vor.u32 v37, v0;
	v17 =	vld.idx.msk [tilespmem:v17+s3+$0x0], $0xffff;
	[tilespmem:s11+$0x0] =	vst v6  }
0x10a: {  	v4 =	vor.u32 v25, v4;
	s21 =	sadd.s32 $0x17600, s0;
	s16 =	sor.u32 s25, s10;
	v6 =	vld.idx.msk [tilespmem:v14+s3+$0x0], $0xffff;
	[tilespmem:s2+$0x0] =	vst v5  }
0x10b: {  	s22 =	sor.u32 s1, s21;
	v9 =	vor.u32 v37, v1;
	v5 =	vld.idx.msk [tilespmem:v12+s3+$0x0], $0xffff;
	[tilespmem:s16+$0x0] =	vst v7  }
0x10c: {  	s24 =	sor.u32 s29, s21;
	s2 =	sadd.s32 $0x19800, s23;
	v12 =	vor.u32 v37, v2;
	[tilespmem:s22+$0x0] =	vst v10;
	v10 =	vld.idx.msk [tilespmem:v15+s3+$0x0], $0xffff  }
0x10d: {  	v14 =	vor.u32 v56, v35;
	s13 =	sor.u32 s4, s2;
	[tilespmem:s24+$0x0] =	vst v13;
	v11 =	vld.idx.msk [tilespmem:v11+s3+$0x0], $0xffff  }
0x10e: {  	s14 =	sor.u32 s30, s21;
	v13 =	vor.u32 v56, v36;
	v15 =	vld.idx.msk [tilespmem:v16+s3+$0x0], $0xffff;
	[tilespmem:s13+$0x0] =	vst v8  }
0x10f: {  	s11 =	sor.u32 s31, s21;
	[tilespmem:s14+$0x0] =	vst v17;
	v8 =	vor.u32 v23, v3;
	v4 =	vld.idx.msk [tilespmem:v4+s3+$0x0], $0xffff  }
0x110: {  	s18 =	sor.u32 s28, s10;
	v16 =	vor.u32 v23, v0;
	v9 =	vld.idx.msk [tilespmem:v9+s3+$0x0], $0xffff;
	[tilespmem:s11+$0x0] =	vst v6  }
0x111: {  	s19 =	sadd.s32 $0x17680, s0;
	s10 =	sor.u32 s26, s10;
	v6 =	vor.u32 v56, v34;
	v7 =	vld.idx.msk [tilespmem:v12+s3+$0x0], $0xffff;
	[tilespmem:s18+$0x0] =	vst v5  }
0x112: {  	s20 =	sor.u32 s1, s19;
	v12 =	vor.u32 v23, v1;
	v5 =	vld.idx.msk [tilespmem:v14+s3+$0x0], $0xffff;
	[tilespmem:s10+$0x0] =	vst v10  }
0x113: {  	s21 =	sor.u32 s29, s19;
	v14 =	vor.u32 v23, v2;
	[tilespmem:s20+$0x0] =	vst v11;
	v11 =	vld.idx.msk [tilespmem:v13+s3+$0x0], $0xffff  }
0x114: {  	s22 =	sor.u32 s30, s19;
	v13 =	vor.u32 v43, v35;
	[tilespmem:s21+$0x0] =	vst v15;
	v8 =	vld.idx.msk [tilespmem:v8+s3+$0x0], $0xffff  }
0x115: {  	s24 =	sor.u32 s31, s19;
	v15 =	vor.u32 v31, v3;
	v10 =	vld.idx.msk [tilespmem:v16+s3+$0x0], $0xffff;
	[tilespmem:s22+$0x0] =	vst v9  }
0x116: {  	s12 =	sor.u32 s25, s9;
	v16 =	vor.u32 v43, v36;
	v6 =	vld.idx.msk [tilespmem:v6+s3+$0x0], $0xffff;
	[tilespmem:s24+$0x0] =	vst v7  }
0x117: {  	s16 =	sor.u32 s28, s9;
	s13 =	sadd.s32 $0x17700, s0;
	v9 =	vor.u32 v31, v0;
	v12 =	vld.idx.msk [tilespmem:v12+s3+$0x0], $0xffff;
	[tilespmem:s12+$0x0] =	vst v5  }
0x118: {  	s14 =	sor.u32 s1, s13;
	v7 =	vor.u32 v43, v34;
	v14 =	vld.idx.msk [tilespmem:v14+s3+$0x0], $0xffff;
	[tilespmem:s16+$0x0] =	vst v11  }
0x119: {  	s18 =	sor.u32 s29, s13;
	v5 =	vor.u32 v31, v1;
	v13 =	vld.idx.msk [tilespmem:v13+s3+$0x0], $0xffff;
	[tilespmem:s14+$0x0] =	vst v8  }
0x11a: {  	s9 =	sor.u32 s26, s9;
	v8 =	vor.u32 v31, v2;
	v11 =	vld.idx.msk [tilespmem:v15+s3+$0x0], $0xffff;
	[tilespmem:s18+$0x0] =	vst v10  }
0x11b: {  	s19 =	sor.u32 s30, s13;
	v15 =	vld.idx.msk [tilespmem:v16+s3+$0x0], $0xffff;
	v10 =	vor.u32 v46, v3;
	[tilespmem:s9+$0x0] =	vst v6  }
0x11c: {  	s20 =	sor.u32 s31, s13;
	v16 =	vor.u32 v30, v35;
	v9 =	vld.idx.msk [tilespmem:v9+s3+$0x0], $0xffff;
	[tilespmem:s19+$0x0] =	vst v12  }
0x11d: {  	s21 =	sadd.s32 $0x17780, s0;
	s24 =	sor.u32 s25, s8;
	v6 =	vor.u32 v30, v36;
	v7 =	vld.idx.msk [tilespmem:v7+s3+$0x0], $0xffff;
	[tilespmem:s20+$0x0] =	vst v14  }
0x11e: {  	s22 =	sor.u32 s1, s21;
	v12 =	vor.u32 v46, v0;
	v5 =	vld.idx.msk [tilespmem:v5+s3+$0x0], $0xffff;
	[tilespmem:s24+$0x0] =	vst v13  }
0x11f: {  	s12 =	sor.u32 s28, s8;
	v14 =	vor.u32 v30, v34;
	v8 =	vld.idx.msk [tilespmem:v8+s3+$0x0], $0xffff;
	[tilespmem:s22+$0x0] =	vst v11  }
0x120: {  	s13 =	sor.u32 s29, s21;
	v11 =	vor.u32 v46, v1;
	[tilespmem:s12+$0x0] =	vst v15;
	v10 =	vld.idx.msk [tilespmem:v10+s3+$0x0], $0xffff  }
0x121: {  	s8 =	sor.u32 s26, s8;
	v13 =	vld.idx.msk [tilespmem:v16+s3+$0x0], $0xffff;
	v15 =	vor.u32 v18, v3;
	[tilespmem:s13+$0x0] =	vst v9  }
0x122: {  	s14 =	sor.u32 s30, s21;
	v6 =	vld.idx.msk [tilespmem:v6+s3+$0x0], $0xffff;
	v9 =	vor.u32 v55, v35;
	[tilespmem:s8+$0x0] =	vst v7  }
0x123: {  	s10 =	sor.u32 s31, s21;
	s16 =	sadd.s32 $0x17800, s0;
	v16 =	vor.u32 v46, v2;
	v12 =	vld.idx.msk [tilespmem:v12+s3+$0x0], $0xffff;
	[tilespmem:s14+$0x0] =	vst v5  }
0x124: {  	s18 =	sor.u32 s1, s16;
	v7 =	vor.u32 v55, v36;
	v5 =	vld.idx.msk [tilespmem:v14+s3+$0x0], $0xffff;
	[tilespmem:s10+$0x0] =	vst v8  }
0x125: {  	s19 =	sor.u32 s25, s5;
	v14 =	vor.u32 v18, v0;
	v11 =	vld.idx.msk [tilespmem:v11+s3+$0x0], $0xffff;
	[tilespmem:s18+$0x0] =	vst v10  }
0x126: {  	s20 =	sor.u32 s28, s5;
	[tilespmem:s19+$0x0] =	vst v13;
	v10 =	vor.u32 v55, v34;
	v8 =	vld.idx.msk [tilespmem:v15+s3+$0x0], $0xffff  }
0x127: {  	s21 =	sor.u32 s29, s16;
	v13 =	vor.u32 v48, v3;
	v9 =	vld.idx.msk [tilespmem:v9+s3+$0x0], $0xffff;
	[tilespmem:s20+$0x0] =	vst v6  }
0x128: {  	s5 =	sor.u32 s26, s5;
	v15 =	vld.idx.msk [tilespmem:v16+s3+$0x0], $0xffff;
	v16 =	vor.u32 v18, v1;
	[tilespmem:s21+$0x0] =	vst v12  }
0x129: {  	s9 =	sadd.s32 $0x17880, s0;
	s24 =	sor.u32 s30, s16;
	v6 =	vor.u32 v18, v2;
	v7 =	vld.idx.msk [tilespmem:v7+s3+$0x0], $0xffff;
	[tilespmem:s5+$0x0] =	vst v5  }
0x12a: {  	s22 =	sor.u32 s1, s9;
	v12 =	vor.u32 v53, v35;
	v14 =	vld.idx.msk [tilespmem:v14+s3+$0x0], $0xffff;
	[tilespmem:s24+$0x0] =	vst v11  }
0x12b: {  	s11 =	sor.u32 s25, s6;
	s18 =	simm.s32 $0x80;
	v5 =	vor.u32 v53, v36;
	v10 =	vld.idx.msk [tilespmem:v10+s3+$0x0], $0xffff;
	[tilespmem:s22+$0x0] =	vst v8  }
0x12c: {  	s8 =	sor.u32 s31, s16;
	s10 =	simm.s32 $0x80;
	s19 =	sand.u32 $0x40, s18;
	[tilespmem:s11+$0x0] =	vst v9;
	v8 =	vor.u32 v48, v0;
	v11 =	vld.idx.msk [tilespmem:v13+s3+$0x0], $0xffff  }
0x12d: {  	s12 =	sor.u32 s28, s6;
	s5 =	sand.u32 $0xFFFFFF80, s10;
	s21 =	sor.u32 $0x30, s19;
	[tilespmem:s8+$0x0] =	vst v15;
	v13 =	vld.idx.msk [tilespmem:v16+s3+$0x0], $0xffff;
	v16 =	vor.u32 v53, v34  }
0x12e: {  	s6 =	sor.u32 s26, s6;
	s14 =	sor.u32 s29, s9;
	s13 =	sor.u32 s5, s21;
	v15 =	vor.u32 v47, v3;
	[tilespmem:s12+$0x0] =	vst v7;
	v6 =	vld.idx.msk [tilespmem:v6+s3+$0x0], $0xffff  }
0x12f: {  	s10 =	smul.u32 $0x32, s13;
	v9 =	vor.u32 v48, v1;
	v12 =	vld.idx.msk [tilespmem:v12+s3+$0x0], $0xffff;
	s8 =	sadd.s32 $0x18500, s0;
	s22 =	sor.u32 s19, s5;
	[tilespmem:s14+$0x0] =	vst v14  }
0x130: {  	s16 =	sor.u32 s30, s9;
	v7 =	vor.u32 v48, v2;
	v5 =	vld.idx.msk [tilespmem:v5+s3+$0x0], $0xffff;
	s24 =	sor.u32 s1, s8;
	s11 =	smul.u32 $0x32, s22;
	[tilespmem:s6+$0x0] =	vst v10  }
0x131: {  	s9 =	sor.u32 s31, s9;
	s20 =	sor.u32 $0x10, s19;
	s10 =	sadd.s32 s15, s10;
	v14 =	vor.u32 v24, v35;
	v8 =	vld.idx.msk [tilespmem:v8+s3+$0x0], $0xffff;
	[tilespmem:s24+$0x0] =	vst v11  }
0x132: {  	s13 =	sor.u32 s5, s20;
	s22 =	sor.u32 $0x20, s19;
	s14 =	sadd.s32 s15, s11;
	v11 =	vadd.s32 s10, v41;
	[tilespmem:s16+$0x0] =	vst v13;
	v13 =	vld.idx.msk [tilespmem:v16+s3+$0x0], $0xffff  }
0x133: {  	s5 =	sor.u32 s5, s22;
	s6 =	smul.u32 $0x32, s13;
	[tilespmem:s9+$0x0] =	vst v6;
	v6 =	vadd.s32 s14, v41;
	v10 =	vld.idx.msk [tilespmem:v15+s3+$0x0], $0xffff  }
0x134: {  	s5 =	smul.u32 $0x32, s5;
	s16 =	sor.u32 s25, s7;
	v15 =	vor.u32 v52, v3;
	v9 =	vld.idx.msk [tilespmem:v9+s3+$0x0], $0xffff  }
0x135: {  	v16 =	vor.u32 v47, v0;
	s6 =	sadd.s32 s15, s6;
	v7 =	vld.idx.msk [tilespmem:v7+s3+$0x0], $0xffff;
	[tilespmem:s16+$0x0] =	vst v12  }
0x136: {  	s5 =	sadd.s32 s15, s5;
	s9 =	sadd.s32 $0x18580, s0;
	v12 =	vld.idx.msk [tilespmem:v14+s3+$0x0], $0xffff;
	v14 =	vadd.s32 s6, v41;
	[dreg:$0x4] =	wrdreg s15  }
0x137: {  	v17 =	vadd.s32 s5, v41;
	s24 =	sor.u32 s1, s9;
	v11 =	vld.idx.msk [tilespmem:v11+s17+$0x0], $0xffff  }
0x138: {  	s5 =	sadd.s32 $0x19880, s23;
	s10 =	sor.u32 s29, s8;
	v6 =	vld.idx.msk [tilespmem:v6+s17+$0x0], $0xffff;
	[tilespmem:s24+$0x0] =	vst v10;
	v10 =	vor.u32 v24, v36  }
0x139: {  	v58 =	vmov v18;
	v18 =	vor.u32 v47, v1;
	s4 =	sor.u32 s4, s5;
	[tilespmem:s10+$0x0] =	vst v8;
	v15 =	vld.idx.msk [tilespmem:v15+s3+$0x0], $0xffff  }
0x13a: {  	s11 =	sor.u32 s28, s7;
	[tilespmem:s4+$0x0] =	vst v4;
	v8 =	vor.u32 v20, v3;
	v4 =	vld.idx.msk [tilespmem:v16+s3+$0x0], $0xffff  }
0x13b: {  	s12 =	sor.u32 s30, s8;
	[tilespmem:s11+$0x0] =	vst v5;
	v16 =	vor.u32 v47, v2;
	v5 =	vld.idx.msk [tilespmem:v14+s17+$0x0], $0xffff  }
0x13c: {  	s13 =	sor.u32 s31, s8;
	s10 =	sadd.s32 $0x18600, s0;
	[tilespmem:s12+$0x0] =	vst v9;
	v9 =	vld.idx.msk [tilespmem:v17+s17+$0x0], $0xffff;
	v14 =	vor.u32 v24, v34  }
0x13d: {  	s14 =	sor.u32 s1, s10;
	v17 =	vor.u32 v52, v0;
	[tilespmem:s13+$0x0] =	vst v7;
	v33 =	vshll.u32 v11, $0x8;
	v10 =	vld.idx.msk [tilespmem:v10+s3+$0x0], $0xffff  }
0x13e: {  	s15 =	sor.u32 s26, s7;
	v7 =	vld.idx.msk [tilespmem:v18+s3+$0x0], $0xffff;
	[tilespmem:s14+$0x0] =	vst v15;
	v15 =	vshll.u32 v6, $0x8;
	v6 =	vor.u32 v42, v33  }
0x13f: {  	s16 =	sor.u32 s25, s2;
	[tilespmem:s15+$0x0] =	vst v13;
	v8 =	vld.idx.msk [tilespmem:v8+s3+$0x0], $0xffff;
	v11 =	vor.u32 v42, v15  }
0x140: {  	v45 =	vmov v20;
	s23 =	sor.u32 s29, s9;
	[tilespmem:s16+$0x0] =	vst v12;
	v13 =	vld.idx.msk [tilespmem:v16+s3+$0x0], $0xffff;
	v20 =	vshll.u32 v5, $0x8;
	v5 =	vor.u32 v51, v3  }
0x141: {  	v60 =	vmov v24;
	s24 =	sor.u32 s28, s2;
	[tilespmem:s23+$0x0] =	vst v4;
	v24 =	vshll.u32 v9, $0x8;
	v12 =	vld.idx.msk [tilespmem:v14+s3+$0x0], $0xffff;
	v4 =	vor.u32 v42, v20  }
0x142: {  	s8 =	sadd.s32 $0x18680, s0;
	s7 =	sor.u32 s30, s9;
	v9 =	vld.idx.msk [tilespmem:v17+s3+$0x0], $0xffff;
	[tilespmem:s24+$0x0] =	vst v10;
	v10 =	vor.u32 v42, v24  }
0x143: {  	s11 =	sor.u32 s1, s8;
	v14 =	vor.u32 v52, v1;
	[tilespmem:s7+$0x0] =	vst v7;
	v6 =	vld.idx.msk [tilespmem:v6+s3+$0x0], $0xffff  }
0x144: {  	s12 =	sor.u32 s31, s9;
	s13 =	simm.s32 $0x400;
	v7 =	vld.idx.msk [tilespmem:v11+s3+$0x0], $0xffff;
	[tilespmem:s11+$0x0] =	vst v8;
	v8 =	vor.u32 v28, v33  }
0x145: {  	s2 =	sor.u32 s26, s2;
	s23 =	sand.u32 $0x3FFFFC00, s13;
	[tilespmem:s12+$0x0] =	vst v13;
	v11 =	vor.u32 v28, v15;
	v5 =	vld.idx.msk [tilespmem:v5+s3+$0x0], $0xffff  }
0x146: {  	s15 =	sadd.s32 $0x16500, s23;
	s14 =	sor.u32 s29, s10;
	[tilespmem:s2+$0x0] =	vst v12;
	v12 =	vor.u32 v63, v3;
	v4 =	vld.idx.msk [tilespmem:v4+s3+$0x0], $0xffff  }
0x147: {  	s4 =	sor.u32 s21, s15;
	v13 =	vor.u32 v28, v20;
	[tilespmem:s14+$0x0] =	vst v9;
	v9 =	vld.idx.msk [tilespmem:v10+s3+$0x0], $0xffff  }
0x148: {  	s7 =	sadd.s32 $0x18700, s0;
	s2 =	sor.u32 s19, s15;
	v10 =	vld.idx.msk [tilespmem:v14+s3+$0x0], $0xffff;
	v14 =	vor.u32 v28, v24;
	[tilespmem:s4+$0x0] =	vst v6  }
0x149: {  	s16 =	sor.u32 s1, s7;
	v6 =	vor.u32 v52, v2;
	[tilespmem:s2+$0x0] =	vst v7;
	v7 =	vld.idx.msk [tilespmem:v8+s3+$0x0], $0xffff  }
0x14a: {  	s6 =	sor.u32 s20, s15;
	v8 =	vld.idx.msk [tilespmem:v11+s3+$0x0], $0xffff;
	[tilespmem:s16+$0x0] =	vst v5;
	v5 =	vor.u32 v27, v33  }
0x14b: {  	s9 =	sor.u32 s22, s15;
	[tilespmem:s6+$0x0] =	vst v4;
	v11 =	vor.u32 v27, v15;
	v4 =	vld.idx.msk [tilespmem:v12+s3+$0x0], $0xffff  }
0x14c: {  	s24 =	sor.u32 s30, s10;
	v12 =	vld.idx.msk [tilespmem:v13+s3+$0x0], $0xffff;
	[tilespmem:s9+$0x0] =	vst v9;
	v9 =	vor.u32 v61, v3  }
0x14d: {  	v13 =	vor.u32 v27, v20;
	[tilespmem:s24+$0x0] =	vst v10;
	v10 =	vld.idx.msk [tilespmem:v14+s3+$0x0], $0xffff  }
0x14e: {  	s13 =	sadd.s32 $0x18780, s0;
	v6 =	vld.idx.msk [tilespmem:v6+s3+$0x0], $0xffff;
	v14 =	vor.u32 v27, v24;
	[tilespmem:s4+$0x80] =	vst v7  }
0x14f: {  	s12 =	sor.u32 s1, s13;
	v7 =	vor.u32 v45, v0;
	[tilespmem:s2+$0x80] =	vst v8;
	v5 =	vld.idx.msk [tilespmem:v5+s3+$0x0], $0xffff  }
0x150: {  	v8 =	vor.u32 v45, v1;
	v11 =	vld.idx.msk [tilespmem:v11+s3+$0x0], $0xffff;
	[tilespmem:s12+$0x0] =	vst v4  }
0x151: {  	[tilespmem:s6+$0x80] =	vst v12;
	v4 =	vor.u32 v26, v33;
	v9 =	vld.idx.msk [tilespmem:v9+s3+$0x0], $0xffff  }
0x152: {  	s10 =	sor.u32 s31, s10;
	v12 =	vor.u32 v26, v15;
	v13 =	vld.idx.msk [tilespmem:v13+s3+$0x0], $0xffff;
	[tilespmem:s9+$0x80] =	vst v10  }
0x153: {  	[tilespmem:s10+$0x0] =	vst v6;
	v10 =	vor.u32 v54, v3;
	v6 =	vld.idx.msk [tilespmem:v14+s3+$0x0], $0xffff  }
0x154: {  	s12 =	sadd.s32 $0x18800, s0;
	v14 =	vor.u32 v26, v20;
	v7 =	vld.idx.msk [tilespmem:v7+s3+$0x0], $0xffff;
	[tilespmem:s4+$0x100] =	vst v5  }
0x155: {  	s14 =	sor.u32 s1, s12;
	v5 =	vor.u32 v26, v24;
	v8 =	vld.idx.msk [tilespmem:v8+s3+$0x0], $0xffff;
	[tilespmem:s2+$0x100] =	vst v11  }
0x156: {  	v11 =	vor.u32 v45, v2;
	v4 =	vld.idx.msk [tilespmem:v4+s3+$0x0], $0xffff;
	[tilespmem:s14+$0x0] =	vst v9  }
0x157: {  	v9 =	vor.u32 v51, v0;
	v12 =	vld.idx.msk [tilespmem:v12+s3+$0x0], $0xffff;
	[tilespmem:s6+$0x100] =	vst v13  }
0x158: {  	s15 =	sor.u32 s29, s8;
	v13 =	vor.u32 v40, v33;
	v10 =	vld.idx.msk [tilespmem:v10+s3+$0x0], $0xffff;
	[tilespmem:s9+$0x100] =	vst v6  }
0x159: {  	s16 =	sor.u32 s30, s8;
	v6 =	vor.u32 v40, v15;
	v14 =	vld.idx.msk [tilespmem:v14+s3+$0x0], $0xffff;
	[tilespmem:s15+$0x0] =	vst v7  }
0x15a: {  	v7 =	vor.u32 v62, v3;
	v5 =	vld.idx.msk [tilespmem:v5+s3+$0x0], $0xffff;
	[tilespmem:s16+$0x0] =	vst v8  }
0x15b: {  	s11 =	sadd.s32 $0x18880, s0;
	v8 =	vor.u32 v40, v20;
	v11 =	vld.idx.msk [tilespmem:v11+s3+$0x0], $0xffff;
	[tilespmem:s4+$0x180] =	vst v4  }
0x15c: {  	s24 =	sor.u32 s1, s11;
	v4 =	vor.u32 v40, v24;
	v9 =	vld.idx.msk [tilespmem:v9+s3+$0x0], $0xffff;
	[tilespmem:s2+$0x180] =	vst v12  }
0x15d: {  	v12 =	vor.u32 v51, v1;
	v13 =	vld.idx.msk [tilespmem:v13+s3+$0x0], $0xffff;
	[tilespmem:s24+$0x0] =	vst v10  }
0x15e: {  	v10 =	vor.u32 v51, v2;
	v6 =	vld.idx.msk [tilespmem:v6+s3+$0x0], $0xffff;
	[tilespmem:s6+$0x180] =	vst v14  }
0x15f: {  	s8 =	sor.u32 s31, s8;
	v14 =	vor.u32 v29, v33;
	v7 =	vld.idx.msk [tilespmem:v7+s3+$0x0], $0xffff;
	[tilespmem:s9+$0x180] =	vst v5  }
0x160: {  	s14 =	sor.u32 s29, s7;
	v5 =	vld.idx.msk [tilespmem:v8+s3+$0x0], $0xffff;
	v8 =	vor.u32 v56, v3;
	[tilespmem:s8+$0x0] =	vst v11  }
0x161: {  	v11 =	vor.u32 v29, v15;
	v4 =	vld.idx.msk [tilespmem:v4+s3+$0x0], $0xffff;
	[tilespmem:s14+$0x0] =	vst v9  }
0x162: {  	s10 =	sadd.s32 $0x19500, s0;
	v9 =	vor.u32 v63, v0;
	v12 =	vld.idx.msk [tilespmem:v12+s3+$0x0], $0xffff;
	[tilespmem:s4+$0x200] =	vst v13  }
0x163: {  	s15 =	sor.u32 s1, s10;
	v13 =	vor.u32 v29, v20;
	v10 =	vld.idx.msk [tilespmem:v10+s3+$0x0], $0xffff;
	[tilespmem:s2+$0x200] =	vst v6  }
0x164: {  	v6 =	vor.u32 v63, v1;
	v14 =	vld.idx.msk [tilespmem:v14+s3+$0x0], $0xffff;
	[tilespmem:s15+$0x0] =	vst v7  }
0x165: {  	v7 =	vor.u32 v29, v24;
	[tilespmem:s6+$0x200] =	vst v5;
	v5 =	vld.idx.msk [tilespmem:v8+s3+$0x0], $0xffff  }
0x166: {  	s16 =	sor.u32 s30, s7;
	v8 =	vld.idx.msk [tilespmem:v11+s3+$0x0], $0xffff;
	[tilespmem:s9+$0x200] =	vst v4;
	v4 =	vor.u32 v43, v3  }
0x167: {  	s7 =	sor.u32 s31, s7;
	v11 =	vor.u32 v19, v33;
	[tilespmem:s16+$0x0] =	vst v12;
	v9 =	vld.idx.msk [tilespmem:v9+s3+$0x0], $0xffff  }
0x168: {  	s8 =	sadd.s32 $0x19580, s0;
	v12 =	vor.u32 v19, v15;
	v13 =	vld.idx.msk [tilespmem:v13+s3+$0x0], $0xffff;
	[tilespmem:s7+$0x0] =	vst v10  }
0x169: {  	s24 =	sor.u32 s1, s8;
	v10 =	vor.u32 v19, v20;
	[tilespmem:s4+$0x280] =	vst v14;
	v6 =	vld.idx.msk [tilespmem:v6+s3+$0x0], $0xffff  }
0x16a: {  	v14 =	vor.u32 v63, v2;
	v7 =	vld.idx.msk [tilespmem:v7+s3+$0x0], $0xffff;
	[tilespmem:s24+$0x0] =	vst v5  }
0x16b: {  	s14 =	sor.u32 s29, s13;
	v5 =	vor.u32 v19, v24;
	[tilespmem:s2+$0x280] =	vst v8;
	v4 =	vld.idx.msk [tilespmem:v4+s3+$0x0], $0xffff  }
0x16c: {  	v8 =	vor.u32 v61, v0;
	v11 =	vld.idx.msk [tilespmem:v11+s3+$0x0], $0xffff;
	[tilespmem:s14+$0x0] =	vst v9  }
0x16d: {  	s15 =	sor.u32 s30, s13;
	v9 =	vld.idx.msk [tilespmem:v12+s3+$0x0], $0xffff;
	[tilespmem:s6+$0x280] =	vst v13;
	v12 =	vor.u32 v21, v33  }
0x16e: {  	s7 =	sadd.s32 $0x19600, s0;
	v13 =	vor.u32 v21, v15;
	v10 =	vld.idx.msk [tilespmem:v10+s3+$0x0], $0xffff;
	[tilespmem:s15+$0x0] =	vst v6  }
0x16f: {  	s16 =	sor.u32 s1, s7;
	[tilespmem:s9+$0x280] =	vst v7;
	v6 =	vor.u32 v30, v3;
	v7 =	vld.idx.msk [tilespmem:v14+s3+$0x0], $0xffff  }
0x170: {  	v5 =	vld.idx.msk [tilespmem:v5+s3+$0x0], $0xffff;
	[tilespmem:s16+$0x0] =	vst v4;
	v4 =	vor.u32 v21, v20  }
0x171: {  	v14 =	vor.u32 v21, v24;
	[tilespmem:s4+$0x300] =	vst v11;
	v8 =	vld.idx.msk [tilespmem:v8+s3+$0x0], $0xffff  }
0x172: {  	v11 =	vor.u32 v61, v1;
	[tilespmem:s2+$0x300] =	vst v9;
	v9 =	vld.idx.msk [tilespmem:v12+s3+$0x0], $0xffff  }
0x173: {  	s13 =	sor.u32 s31, s13;
	v12 =	vor.u32 v61, v2;
	v13 =	vld.idx.msk [tilespmem:v13+s3+$0x0], $0xffff;
	[tilespmem:s6+$0x300] =	vst v10  }
0x174: {  	v10 =	vor.u32 v39, v33;
	v6 =	vld.idx.msk [tilespmem:v6+s3+$0x0], $0xffff;
	[tilespmem:s13+$0x0] =	vst v7  }
0x175: {  	s24 =	sor.u32 s29, s12;
	v7 =	vor.u32 v39, v15;
	[tilespmem:s9+$0x300] =	vst v5;
	v4 =	vld.idx.msk [tilespmem:v4+s3+$0x0], $0xffff  }
0x176: {  	[tilespmem:s24+$0x0] =	vst v8;
	v5 =	vld.idx.msk [tilespmem:v14+s3+$0x0], $0xffff;
	v8 =	vor.u32 v55, v3  }
0x177: {  	v11 =	vld.idx.msk [tilespmem:v11+s3+$0x0], $0xffff;
	[tilespmem:s4+$0x380] =	vst v9;
	s4 =	sadd.s32 $0x19680, s0;
	v9 =	vor.u32 v39, v24  }
0x178: {  	v14 =	vor.u32 v39, v20;
	v12 =	vld.idx.msk [tilespmem:v12+s3+$0x0], $0xffff;
	[tilespmem:s2+$0x380] =	vst v13;
	s14 =	sor.u32 s1, s4  }
0x179: {  	v13 =	vor.u32 v54, v0;
	v10 =	vld.idx.msk [tilespmem:v10+s3+$0x0], $0xffff;
	[tilespmem:s14+$0x0] =	vst v6  }
0x17a: {  	v6 =	vor.u32 v54, v1;
	v7 =	vld.idx.msk [tilespmem:v7+s3+$0x0], $0xffff;
	[tilespmem:s6+$0x380] =	vst v4  }
0x17b: {  	s15 =	sor.u32 s30, s12;
	v8 =	vld.idx.msk [tilespmem:v8+s3+$0x0], $0xffff;
	[tilespmem:s9+$0x380] =	vst v5;
	v5 =	vor.u32 v38, v15  }
0x17c: {  	s16 =	sor.u32 s31, s12;
	s24 =	sadd.s32 $0x17500, s23;
	v4 =	vor.u32 v38, v33;
	[tilespmem:s15+$0x0] =	vst v11;
	v9 =	vld.idx.msk [tilespmem:v9+s3+$0x0], $0xffff  }
0x17d: {  	s12 =	sor.u32 s21, s24;
	v11 =	vor.u32 v53, v3;
	v14 =	vld.idx.msk [tilespmem:v14+s3+$0x0], $0xffff;
	[tilespmem:s16+$0x0] =	vst v12  }
0x17e: {  	s13 =	sor.u32 s19, s24;
	s2 =	sadd.s32 $0x19700, s0;
	v12 =	vor.u32 v38, v20;
	v13 =	vld.idx.msk [tilespmem:v13+s3+$0x0], $0xffff;
	[tilespmem:s12+$0x0] =	vst v10  }
0x17f: {  	s14 =	sor.u32 s1, s2;
	v10 =	vor.u32 v38, v24;
	v6 =	vld.idx.msk [tilespmem:v6+s3+$0x0], $0xffff;
	[tilespmem:s13+$0x0] =	vst v7  }
0x180: {  	s16 =	sor.u32 s22, s24;
	v7 =	vor.u32 v54, v2;
	[tilespmem:s14+$0x0] =	vst v8;
	v5 =	vld.idx.msk [tilespmem:v5+s3+$0x0], $0xffff  }
0x181: {  	s15 =	sor.u32 s20, s24;
	v4 =	vld.idx.msk [tilespmem:v4+s3+$0x0], $0xffff;
	[tilespmem:s16+$0x0] =	vst v9;
	v9 =	vor.u32 v22, v15  }
0x182: {  	s24 =	sor.u32 s29, s11;
	v8 =	vor.u32 v62, v0;
	[tilespmem:s15+$0x0] =	vst v14;
	v11 =	vld.idx.msk [tilespmem:v11+s3+$0x0], $0xffff  }
0x183: {  	s12 =	sadd.s32 $0x17580, s23;
	s13 =	sor.u32 s30, s11;
	v14 =	vor.u32 v22, v33;
	v12 =	vld.idx.msk [tilespmem:v12+s3+$0x0], $0xffff;
	[tilespmem:s24+$0x0] =	vst v13  }
0x184: {  	s15 =	sor.u32 s19, s12;
	v10 =	vld.idx.msk [tilespmem:v10+s3+$0x0], $0xffff;
	v13 =	vor.u32 v60, v3;
	[tilespmem:s13+$0x0] =	vst v6  }
0x185: {  	s6 =	sadd.s32 $0x19780, s0;
	s14 =	sor.u32 s21, s12;
	v6 =	vor.u32 v22, v20;
	v7 =	vld.idx.msk [tilespmem:v7+s3+$0x0], $0xffff;
	[tilespmem:s15+$0x0] =	vst v5  }
0x186: {  	s16 =	sor.u32 s1, s6;
	[tilespmem:s14+$0x0] =	vst v4;
	v4 =	vor.u32 v22, v24;
	v9 =	vld.idx.msk [tilespmem:v9+s3+$0x0], $0xffff  }
0x187: {  	s24 =	sor.u32 s20, s12;
	v8 =	vld.idx.msk [tilespmem:v8+s3+$0x0], $0xffff;
	v5 =	vor.u32 v62, v1;
	[tilespmem:s16+$0x0] =	vst v11  }
0x188: {  	s12 =	sor.u32 s22, s12;
	v11 =	vld.idx.msk [tilespmem:v14+s3+$0x0], $0xffff;
	v14 =	vor.u32 v62, v2;
	[tilespmem:s24+$0x0] =	vst v12  }
0x189: {  	s11 =	sor.u32 s31, s11;
	s13 =	sadd.s32 $0x17600, s23;
	v12 =	vor.u32 v37, v33;
	v13 =	vld.idx.msk [tilespmem:v13+s3+$0x0], $0xffff;
	[tilespmem:s12+$0x0] =	vst v10  }
0x18a: {  	s15 =	sor.u32 s19, s13;
	v10 =	vor.u32 v37, v15;
	v6 =	vld.idx.msk [tilespmem:v6+s3+$0x0], $0xffff;
	[tilespmem:s11+$0x0] =	vst v7  }
0x18b: {  	s12 =	sor.u32 s29, s10;
	v4 =	vld.idx.msk [tilespmem:v4+s3+$0x0], $0xffff;
	[tilespmem:s15+$0x0] =	vst v9;
	v9 =	vor.u32 v25, v35  }
0x18c: {  	s9 =	sadd.s32 $0x19800, s0;
	s14 =	sor.u32 s21, s13;
	[tilespmem:s12+$0x0] =	vst v8;
	v5 =	vld.idx.msk [tilespmem:v5+s3+$0x0], $0xffff  }
0x18d: {  	s16 =	sor.u32 s1, s9;
	[tilespmem:s14+$0x0] =	vst v11;
	v7 =	vld.idx.msk [tilespmem:v14+s3+$0x0], $0xffff  }
0x18e: {  	s24 =	sor.u32 s20, s13;
	[tilespmem:s16+$0x0] =	vst v13;
	v8 =	vld.idx.msk [tilespmem:v12+s3+$0x0], $0xffff  }
0x18f: {  	s13 =	sor.u32 s22, s13;
	[tilespmem:s24+$0x0] =	vst v6;
	v6 =	vld.idx.msk [tilespmem:v10+s3+$0x0], $0xffff  }
0x190: {  	s14 =	sor.u32 s30, s10;
	[tilespmem:s13+$0x0] =	vst v4;
	v9 =	vld.idx.msk [tilespmem:v9+s3+$0x0], $0xffff  }
0x191: {  	s10 =	sor.u32 s31, s10;
	s15 =	sadd.s32 $0x17680, s23;
	v4 =	vor.u32 v25, v36;
	[tilespmem:s14+$0x0] =	vst v5  }
0x192: {  	v3 =	vor.u32 v25, v3;
	s16 =	sor.u32 s21, s15;
	[tilespmem:s10+$0x0] =	vst v7  }
0x193: {  	s24 =	sor.u32 s19, s15;
	v5 =	vor.u32 v37, v20;
	[tilespmem:s16+$0x0] =	vst v8  }
0x194: {  	v59 =	vmov v25;
	v8 =	vor.u32 v37, v24;
	[tilespmem:s24+$0x0] =	vst v6  }
0x195: {  	v49 =	vor.u32 v59, v0;
	v6 =	vor.u32 v56, v0;
	[tilespmem:$0x1FC40] =	vst v9  }
0x196: {  	v16 =	vor.u32 v30, v0;
	v17 =	vor.u32 v23, v15;
	v7 =	vor.u32 v56, v1;
	v50 =	vld.idx.msk [tilespmem:v4+s3+$0x0], $0xffff  }
0x197: {  	v28 =	vor.u32 v55, v1;
	v26 =	vor.u32 v55, v0;
	v19 =	vor.u32 v60, v0;
	v14 =	vld.idx.msk [tilespmem:v3+s3+$0x0], $0xffff  }
0x198: {  	v13 =	vor.u32 v23, v33;
	v18 =	vld.idx.msk [tilespmem:v5+s3+$0x0], $0xffff;
	[tilespmem:$0x1FC50] =	vst v19;
	v19 =	vor.u32 v53, v2  }
0x199: {  	v21 =	vor.u32 v25, v34;
	v22 =	vor.u32 v60, v2;
	v8 =	vld.idx.msk [tilespmem:v8+s3+$0x0], $0xffff;
	[tilespmem:$0x1FC60] =	vst v19  }
0x19a: {  	s0 =	sadd.s32 $0x19880, s0;
	v38 =	vor.u32 v60, v1;
	v11 =	vor.u32 v56, v2;
	v6 =	vld.idx.msk [tilespmem:v6+s3+$0x0], $0xffff;
	[tilespmem:$0x1FC70] =	vst v22  }
0x19b: {  	s1 =	sor.u32 s1, s0;
	v12 =	vor.u32 v43, v1;
	v10 =	vor.u32 v43, v0;
	v19 =	vor.u32 v23, v20;
	v7 =	vld.idx.msk [tilespmem:v7+s3+$0x0], $0xffff  }
0x19c: {  	v25 =	vor.u32 v30, v1;
	s10 =	sor.u32 s20, s15;
	v4 =	vor.u32 v53, v0;
	v0 =	vor.u32 v23, v24;
	[tilespmem:s1+$0x0] =	vst v14  }
0x19d: {  	s12 =	sor.u32 s22, s15;
	v3 =	vor.u32 v53, v1;
	v23 =	vor.u32 v59, v1;
	v1 =	vld.idx.msk [tilespmem:v13+s3+$0x0], $0xffff;
	[tilespmem:s10+$0x0] =	vst v18  }
0x19e: {  	s13 =	sor.u32 s29, s8;
	v13 =	vld.idx.msk [tilespmem:v17+s3+$0x0], $0xffff;
	[tilespmem:s12+$0x0] =	vst v8  }
0x19f: {  	s14 =	sor.u32 s30, s8;
	v11 =	vld.idx.msk [tilespmem:v11+s3+$0x0], $0xffff;
	[tilespmem:s13+$0x0] =	vst v6  }
0x1a0: {  	s15 =	sadd.s32 $0x17700, s23;
	v18 =	vor.u32 v48, v15;
	v32 =	vld.idx.msk [tilespmem:v19+s3+$0x0], $0xffff;
	[tilespmem:s14+$0x0] =	vst v7  }
0x1a1: {  	s16 =	sor.u32 s21, s15;
	v0 =	vld.idx.msk [tilespmem:v0+s3+$0x0], $0xffff;
	[tilespmem:$0x1FC80] =	vst v18  }
0x1a2: {  	v18 =	vor.u32 v48, v20;
	[tilespmem:s16+$0x0] =	vst v1  }
0x1a3: {  	s24 =	sor.u32 s19, s15;
	v14 =	vor.u32 v31, v33;
	v1 =	vld.idx.msk [tilespmem:v10+s3+$0x0], $0xffff;
	[tilespmem:$0x1FC90] =	vst v18  }
0x1a4: {  	v35 =	vld.idx.msk [tilespmem:v12+s3+$0x0], $0xffff;
	[tilespmem:s24+$0x0] =	vst v13;
	v12 =	vor.u32 v48, v24  }
0x1a5: {  	v27 =	vor.u32 v30, v2;
	v9 =	vor.u32 v43, v2;
	[tilespmem:$0x1FCA0] =	vst v12;
	v12 =	vor.u32 v47, v15  }
0x1a6: {  	s8 =	sor.u32 s31, s8;
	v5 =	vor.u32 v55, v2;
	v22 =	vor.u32 v59, v2;
	v2 =	vor.u32 v31, v15;
	[tilespmem:$0x1FCB0] =	vst v12  }
0x1a7: {  	[tilespmem:s8+$0x0] =	vst v11;
	v11 =	vor.u32 v47, v20  }
0x1a8: {  	v36 =	vld.idx.msk [tilespmem:v14+s3+$0x0], $0xffff;
	[tilespmem:$0x1FCC0] =	vst v11;
	v11 =	vor.u32 v47, v24  }
0x1a9: {  	v44 =	vor.u32 v31, v20;
	s11 =	sor.u32 s20, s15;
	[tilespmem:$0x1FCD0] =	vst v11  }
0x1aa: {  	v11 =	vor.u32 v52, v15;
	[tilespmem:s11+$0x0] =	vst v32  }
0x1ab: {  	s1 =	sor.u32 s22, s15;
	v2 =	vld.idx.msk [tilespmem:v2+s3+$0x0], $0xffff;
	[tilespmem:$0x1FCE0] =	vst v11  }
0x1ac: {  	v17 =	vmov v30;
	v30 =	vor.u32 v31, v24;
	s12 =	sor.u32 s29, s7;
	[tilespmem:s1+$0x0] =	vst v0  }
0x1ad: {  	v9 =	vld.idx.msk [tilespmem:v9+s3+$0x0], $0xffff;
	[tilespmem:s12+$0x0] =	vst v1;
	v1 =	vor.u32 v45, v15  }
0x1ae: {  	v0 =	vld.idx.msk [tilespmem:v44+s3+$0x0], $0xffff;
	[tilespmem:$0x1FCF0] =	vst v1;
	v1 =	vor.u32 v45, v20  }
0x1af: {  	s13 =	sor.u32 s30, s7;
	[tilespmem:$0x1FD00] =	vst v1  }
0x1b0: {  	v13 =	vor.u32 v51, v15;
	[tilespmem:s13+$0x0] =	vst v35  }
0x1b1: {  	s14 =	sadd.s32 $0x17780, s23;
	v1 =	vld.idx.msk [tilespmem:v30+s3+$0x0], $0xffff;
	[tilespmem:$0x1FD10] =	vst v13;
	v13 =	vor.u32 v45, v24  }
0x1b2: {  	s15 =	sor.u32 s21, s14;
	[tilespmem:$0x1FD20] =	vst v13  }
0x1b3: {  	v13 =	vor.u32 v51, v20;
	[tilespmem:s15+$0x0] =	vst v36  }
0x1b4: {  	v16 =	vld.idx.msk [tilespmem:v16+s3+$0x0], $0xffff;
	[tilespmem:$0x1FD30] =	vst v13;
	v13 =	vor.u32 v63, v15  }
0x1b5: {  	s16 =	sor.u32 s19, s14;
	v11 =	vor.u32 v46, v33;
	[tilespmem:$0x1FD40] =	vst v13  }
0x1b6: {  	[tilespmem:s16+$0x0] =	vst v2;
	v2 =	vor.u32 v51, v24  }
0x1b7: {  	v25 =	vld.idx.msk [tilespmem:v25+s3+$0x0], $0xffff;
	[tilespmem:$0x1FD50] =	vst v2;
	v2 =	vor.u32 v63, v20  }
0x1b8: {  	v8 =	vor.u32 v46, v15;
	s7 =	sor.u32 s31, s7;
	[tilespmem:$0x1FD60] =	vst v2  }
0x1b9: {  	[tilespmem:s7+$0x0] =	vst v9;
	v9 =	vor.u32 v61, v15  }
0x1ba: {  	v2 =	vld.idx.msk [tilespmem:v11+s3+$0x0], $0xffff;
	[tilespmem:$0x1FD70] =	vst v9;
	v9 =	vor.u32 v63, v24  }
0x1bb: {  	s24 =	sor.u32 s20, s14;
	[tilespmem:$0x1FD80] =	vst v9  }
0x1bc: {  	[tilespmem:s24+$0x0] =	vst v0;
	v0 =	vor.u32 v61, v20  }
0x1bd: {  	v31 =	vor.u32 v46, v20;
	s8 =	sor.u32 s22, s14;
	v8 =	vld.idx.msk [tilespmem:v8+s3+$0x0], $0xffff;
	[tilespmem:$0x1FD90] =	vst v0  }
0x1be: {  	[tilespmem:s8+$0x0] =	vst v1;
	v1 =	vor.u32 v61, v24  }
0x1bf: {  	v34 =	vor.u32 v46, v24;
	v9 =	vld.idx.msk [tilespmem:v27+s3+$0x0], $0xffff;
	[tilespmem:$0x1FDA0] =	vst v1;
	v1 =	vor.u32 v54, v15  }
0x1c0: {  	s10 =	sor.u32 s29, s4;
	[tilespmem:$0x1FDB0] =	vst v1  }
0x1c1: {  	v11 =	vor.u32 v54, v20;
	[tilespmem:s10+$0x0] =	vst v16  }
0x1c2: {  	s11 =	sor.u32 s30, s4;
	v1 =	vld.idx.msk [tilespmem:v31+s3+$0x0], $0xffff;
	[tilespmem:$0x1FDC0] =	vst v11  }
0x1c3: {  	s12 =	sadd.s32 $0x17800, s23;
	v13 =	vor.u32 v54, v24;
	[tilespmem:s11+$0x0] =	vst v25  }
0x1c4: {  	s13 =	sor.u32 s21, s12;
	v0 =	vor.u32 v58, v33;
	v11 =	vld.idx.msk [tilespmem:v34+s3+$0x0], $0xffff;
	[tilespmem:$0x1FDD0] =	vst v13  }
0x1c5: {  	v6 =	vor.u32 v58, v15;
	[tilespmem:s13+$0x0] =	vst v2;
	v2 =	vor.u32 v62, v24  }
0x1c6: {  	s14 =	sor.u32 s19, s12;
	v16 =	vld.idx.msk [tilespmem:v26+s3+$0x0], $0xffff;
	[tilespmem:$0x1FDE0] =	vst v2  }
0x1c7: {  	v57 =	vor.u32 v52, v20;
	s15 =	sor.u32 s31, s4;
	[tilespmem:s14+$0x0] =	vst v8  }
0x1c8: {  	v39 =	vor.u32 v59, v15;
	v19 =	vor.u32 v52, v24;
	s16 =	sor.u32 s20, s12;
	v2 =	vld.idx.msk [tilespmem:v28+s3+$0x0], $0xffff;
	[tilespmem:s15+$0x0] =	vst v9  }
0x1c9: {  	s25 =	sor.u32 s25, s5;
	v7 =	vor.u32 v58, v20;
	v10 =	vor.u32 v58, v24;
	v8 =	vld.idx.msk [tilespmem:v0+s3+$0x0], $0xffff;
	[tilespmem:s16+$0x0] =	vst v1  }
0x1ca: {  	v18 =	vor.u32 v17, v20;
	v12 =	vmov v55;
	v55 =	vor.u32 v56, v20;
	s24 =	sor.u32 s22, s12;
	v9 =	vld.idx.msk [tilespmem:v6+s3+$0x0], $0xffff;
	[dreg:$0x8] =	wrdreg s25  }
0x1cb: {  	v14 =	vor.u32 v12, v15;
	v32 =	vor.u32 v17, v15;
	v17 =	vor.u32 v17, v24;
	s7 =	sor.u32 s29, s2;
	[tilespmem:s24+$0x0] =	vst v11  }
0x1cc: {  	v35 =	vor.u32 v43, v20;
	v45 =	vor.u32 v62, v15;
	v36 =	vor.u32 v43, v24;
	s8 =	sor.u32 s30, s2;
	s10 =	sadd.s32 $0x17880, s23;
	[tilespmem:s7+$0x0] =	vst v16  }
0x1cd: {  	s4 =	simm.s32 $0x8;
	v51 =	vor.u32 v56, v15;
	s24 =	sor.u32 s26, s5;
	v11 =	vor.u32 v48, v33;
	v0 =	vld.idx.msk [tilespmem:v5+s3+$0x0], $0xffff;
	s26 =	sor.u32 s21, s10;
	[tilespmem:s8+$0x0] =	vst v2  }
0x1ce: {  	v63 =	vor.u32 v62, v20;
	s12 =	sor.u32 s30, s6;
	v58 =	vor.u32 v56, v24;
	s25 =	sor.u32 s28, s5;
	s28 =	sor.u32 s19, s10;
	v6 =	vld.idx.msk [tilespmem:v7+s3+$0x0], $0xffff;
	[tilespmem:s26+$0x0] =	vst v8  }
0x1cf: {  	v27 =	vor.u32 v53, v24;
	s1 =	sor.u32 s20, s10;
	v34 =	vor.u32 v43, v15;
	s15 =	sor.u32 s30, s9;
	s30 =	sor.u32 s30, s0;
	v5 =	vld.idx.msk [tilespmem:v10+s3+$0x0], $0xffff;
	[tilespmem:s28+$0x0] =	vst v9  }
0x1d0: {  	v25 =	vor.u32 v60, v15;
	s11 =	sor.u32 s31, s9;
	v13 =	vor.u32 v53, v15;
	s13 =	sor.u32 s31, s2;
	v26 =	vor.u32 v60, v20;
	v2 =	vld.idx.msk [tilespmem:v4+s3+$0x0], $0xffff;
	[dreg:$0xd] =	wrdreg s30  }
0x1d1: {  	s2 =	sor.u32 s29, s6;
	s14 =	sor.u32 s31, s6;
	s16 =	sor.u32 s29, s0;
	v16 =	vor.u32 v12, v20;
	v12 =	vor.u32 v12, v24;
	v8 =	vor.u32 v53, v20;
	v1 =	vld.idx.msk [tilespmem:v3+s3+$0x0], $0xffff  }
0x1d2: {  	s5 =	sor.u32 s31, s0;
	s0 =	sor.u32 s22, s10;
	s8 =	sor.u32 s29, s9;
	v53 =	vor.u32 v59, v20;
	v20 =	vor.u32 v60, v24;
	v24 =	vor.u32 v59, v24;
	v3 =	vld.idx.msk [tilespmem:v11+s3+$0x0], $0xffff  }
.LBB2_3:
0x1d3: {  	v4 =	vld [tilespmem:$0x1FC80]  }
0x1d4: {  	[tilespmem:s1+$0x0] =	vst v6;
	v6 =	vld [tilespmem:$0x1FC60];
	_ =	sdelay $0x1  }
0x1d5: {  	v7 =	vmov v27  }
0x1d6: {  	[tilespmem:$0x1FC60] =	vst v7;
	v7 =	vld [tilespmem:$0x1FC90]  }
0x1d7: {  	v11 =	vld [tilespmem:$0x1FCC0]  }
0x1d8: {  	[tilespmem:$0x1FB50] =	vst v17;
	v17 =	vld [tilespmem:$0x1FCD0]  }
0x1d9: {  	[tilespmem:$0x1FA30] =	vst v55;
	v55 =	vmov v29;
	v29 =	vld [tilespmem:$0x1FEC0]  }
0x1da: {  	s4 =	sadd.s32 $0x4, s4;
	s18 =	sadd.s32 $0x40, s18;
	[tilespmem:s13+$0x0] =	vst v0;
	v9 =	vmov v22;
	v4 =	vld.idx.msk [tilespmem:v4+s3+$0x0], $0xffff  }
0x1db: {  	s7 =	sshll.u32 s4, $0x4;
	s26 =	sand.u32 $0x40, s18;
	[tilespmem:$0x1F940] =	vst v9;
	v6 =	vld.idx.msk [tilespmem:v6+s3+$0x0], $0xffff  }
0x1dc: {  	s6 =	sand.u32 $0xFFFFFF80, s7;
	s28 =	sor.u32 $0x30, s26;
	[tilespmem:s2+$0x0] =	vst v2;
	v2 =	vld [tilespmem:$0x1FC50]  }
0x1dd: {  	s7 =	sadd.s32 $0x18500, s23;
	s9 =	sor.u32 s6, s28;
	v0 =	vor.u32 v47, v33;
	[tilespmem:s0+$0x0] =	vst v5;
	v5 =	vld [tilespmem:$0x1FCA0]  }
0x1de: {  	s0 =	smul.u32 $0x32, s9;
	s9 =	sor.u32 s21, s7;
	v7 =	vld.idx.msk [tilespmem:v7+s3+$0x0], $0xffff;
	[tilespmem:s12+$0x0] =	vst v1  }
0x1df: {  	v9 =	vld [tilespmem:$0x1FCB0];
	[tilespmem:s9+$0x0] =	vst v3;
	v3 =	vmov v26  }
0x1e0: {  	v1 =	vmov v25;
	[tilespmem:$0x1F9E0] =	vst v3;
	v3 =	vld [tilespmem:$0x1FC40]  }
0x1e1: {  	[dreg:$0x6] =	wrdreg s18;
	s30 =	sor.u32 $0x10, s26;
	s29 =	sor.u32 $0x20, s26;
	[tilespmem:$0x1FC50] =	vst v1;
	v1 =	vld.idx.msk [tilespmem:v38+s3+$0x0], $0xffff  }
0x1e2: {  	s10 =	sor.u32 s26, s6;
	s1 =	sor.u32 s6, s29;
	s31 =	sor.u32 s20, s7;
	v0 =	vld.idx.msk [tilespmem:v0+s3+$0x0], $0xffff  }
0x1e3: {  	[tilespmem:$0x1FC20] =	vst v8;
	s2 =	smul.u32 $0x32, s10;
	s10 =	sor.u32 s6, s30;
	s6 =	rddreg [dreg:$0x4];
	v38 =	vld [tilespmem:$0x1FF00]  }
0x1e4: {  	s18 =	rddreg [dreg:$0x8];
	s0 =	sadd.s32 s6, s0;
	[tilespmem:s31+$0x0] =	vst v7;
	v2 =	vld.idx.msk [tilespmem:v2+s3+$0x0], $0xffff  }
0x1e5: {  	v8 =	vmov v24;
	v11 =	vld.idx.msk [tilespmem:v11+s3+$0x0], $0xffff;
	[tilespmem:s18+$0x0] =	vst v3;
	v3 =	vadd.s32 s0, v41  }
0x1e6: {  	[tilespmem:$0x1F950] =	vst v8;
	s13 =	sor.u32 s19, s7;
	s9 =	smul.u32 $0x32, s10;
	s2 =	sadd.s32 s6, s2;
	v7 =	vor.u32 v29, v33;
	v5 =	vld.idx.msk [tilespmem:v5+s3+$0x0], $0xffff  }
0x1e7: {  	s1 =	smul.u32 $0x32, s1;
	v8 =	vadd.s32 s2, v41;
	[tilespmem:s13+$0x0] =	vst v4;
	v4 =	vld.idx.msk [tilespmem:v21+s3+$0x0], $0xffff  }
0x1e8: {  	s10 =	sadd.s32 s6, s9;
	s13 =	smov.u32 s16;
	s16 =	sadd.s32 $0x18580, s23;
	v9 =	vld.idx.msk [tilespmem:v9+s3+$0x0], $0xffff  }
0x1e9: {  	s1 =	sadd.s32 s6, s1;
	v10 =	vadd.s32 s10, v41;
	s6 =	sor.u32 s21, s16;
	[tilespmem:s8+$0x0] =	vst v2;
	v2 =	vld [tilespmem:$0x1FC70]  }
0x1ea: {  	v3 =	vld.idx.msk [tilespmem:v3+s17+$0x0], $0xffff;
	[tilespmem:s6+$0x0] =	vst v0  }
0x1eb: {  	s12 =	sor.u32 s22, s7;
	[tilespmem:s15+$0x0] =	vst v1;
	v0 =	vld.idx.msk [tilespmem:v7+s3+$0x0], $0xffff  }
0x1ec: {  	[tilespmem:s12+$0x0] =	vst v5;
	v1 =	vld.idx.msk [tilespmem:v8+s17+$0x0], $0xffff;
	v7 =	vor.u32 v38, v33  }
0x1ed: {  	v17 =	vld.idx.msk [tilespmem:v17+s3+$0x0], $0xffff;
	[tilespmem:s14+$0x0] =	vst v6;
	v6 =	vmov v20  }
0x1ee: {  	s7 =	sadd.s32 $0x18600, s23;
	[tilespmem:$0x1FC70] =	vst v6;
	v6 =	vld.idx.msk [tilespmem:v10+s17+$0x0], $0xffff  }
0x1ef: {  	[tilespmem:$0x1FA80] =	vst v34;
	s10 =	sor.u32 s21, s7;
	v5 =	vadd.s32 s1, v41;
	v34 =	vshll.u32 v3, $0x8  }
0x1f0: {  	v8 =	vld [tilespmem:$0x1FCE0];
	[tilespmem:s10+$0x0] =	vst v0;
	v0 =	vor.u32 v42, v34  }
0x1f1: {  	s18 =	sor.u32 s19, s16;
	v24 =	vshll.u32 v1, $0x8;
	v1 =	vld.idx.msk [tilespmem:v7+s3+$0x0], $0xffff  }
0x1f2: {  	[tilespmem:s18+$0x0] =	vst v9;
	v2 =	vld.idx.msk [tilespmem:v2+s3+$0x0], $0xffff  }
0x1f3: {  	[tilespmem:$0x1FA20] =	vst v51;
	s31 =	sor.u32 s20, s16;
	v51 =	vshll.u32 v6, $0x8;
	v6 =	vld.idx.msk [tilespmem:v49+s3+$0x0], $0xffff  }
0x1f4: {  	s15 =	sadd.s32 $0x18680, s23;
	s0 =	sor.u32 s22, s16;
	[tilespmem:s31+$0x0] =	vst v11;
	v5 =	vld.idx.msk [tilespmem:v5+s17+$0x0], $0xffff  }
0x1f5: {  	s16 =	sor.u32 s21, s15;
	[tilespmem:s0+$0x0] =	vst v17;
	v22 =	vld.idx.msk [tilespmem:v0+s3+$0x0], $0xffff  }
0x1f6: {  	[tilespmem:s16+$0x0] =	vst v1;
	v1 =	vld [tilespmem:$0x1FFA0]  }
0x1f7: {  	[tilespmem:s11+$0x0] =	vst v2;
	v2 =	vld.idx.msk [tilespmem:v57+s3+$0x0], $0xffff  }
0x1f8: {  	[tilespmem:$0x1FC40] =	vst v6  }
0x1f9: {  	v6 =	vmov v39;
	[tilespmem:s25+$0x0] =	vst v50  }
0x1fa: {  	v8 =	vld.idx.msk [tilespmem:v8+s3+$0x0], $0xffff;
	[tilespmem:$0x1F970] =	vst v6  }
0x1fb: {  	s9 =	sor.u32 s20, s7;
	v3 =	vld.idx.msk [tilespmem:v19+s3+$0x0], $0xffff;
	[tilespmem:s24+$0x0] =	vst v4  }
0x1fc: {  	v6 =	vld.idx.msk [tilespmem:v23+s3+$0x0], $0xffff;
	[tilespmem:s9+$0x0] =	vst v2;
	v2 =	vor.u32 v1, v51  }
0x1fd: {  	v4 =	vor.u32 v42, v24;
	[tilespmem:$0x1F980] =	vst v2;
	v2 =	vld [tilespmem:$0x1FF40];
	_ =	sdelay $0x2  }
0x1fe: {  	s8 =	sor.u32 s19, s7  }
0x1ff: {  	[tilespmem:s8+$0x0] =	vst v8  }
0x200: {  	[tilespmem:$0x1FAC0] =	vst v36;
	v10 =	vshll.u32 v5, $0x8;
	v23 =	vld.idx.msk [tilespmem:v4+s3+$0x0], $0xffff;
	v4 =	vor.u32 v2, v24  }
0x201: {  	v39 =	vld [tilespmem:$0x1FEA0];
	[tilespmem:$0x1F9B0] =	vst v4;
	v4 =	vor.u32 v1, v10  }
0x202: {  	v15 =	vld [tilespmem:$0x1FDF0];
	[tilespmem:$0x1F990] =	vst v4;
	v4 =	vor.u32 v2, v51  }
0x203: {  	[tilespmem:$0x1F9C0] =	vst v4;
	v4 =	vor.u32 v37, v24  }
0x204: {  	[tilespmem:$0x1F9F0] =	vst v4;
	v4 =	vor.u32 v2, v10  }
0x205: {  	v17 =	vor.u32 v42, v10;
	[tilespmem:$0x1F9D0] =	vst v4;
	v4 =	vor.u32 v37, v51  }
0x206: {  	v5 =	vor.u32 v39, v33;
	[tilespmem:$0x1FA00] =	vst v4;
	v4 =	vor.u32 v37, v10  }
0x207: {  	s17 =	sshll.u32 s4, $0x7;
	v25 =	vor.u32 v15, v34;
	[tilespmem:$0x1FA10] =	vst v4;
	v4 =	vld [tilespmem:$0x1FF30]  }
0x208: {  	[tilespmem:$0x1FB10] =	vst v18;
	s14 =	smov.u32 s5;
	s5 =	sand.u32 $0x3FFFFC00, s17  }
0x209: {  	[tilespmem:$0x1FC00] =	vst v13;
	s12 =	rddreg [dreg:$0xd];
	v41 =	vld [tilespmem:$0x1FFC0];
	s18 =	sadd.s32 $0x16500, s5;
	v13 =	vor.u32 v42, v51  }
0x20a: {  	[tilespmem:$0x1FBC0] =	vst v12;
	[dreg:$0x8] =	wrdreg s13;
	s13 =	smov.u32 s12;
	s12 =	sor.u32 s28, s18;
	v17 =	vld.idx.msk [tilespmem:v17+s3+$0x0], $0xffff  }
0x20b: {  	s11 =	sor.u32 s22, s7;
	v26 =	vld.idx.msk [tilespmem:v5+s3+$0x0], $0xffff;
	[tilespmem:s12+$0x0] =	vst v22  }
0x20c: {  	v18 =	vor.u32 v15, v10;
	[tilespmem:s11+$0x0] =	vst v3;
	v22 =	vld.idx.msk [tilespmem:v25+s3+$0x0], $0xffff;
	v25 =	vor.u32 v4, v24  }
0x20d: {  	v30 =	vld [tilespmem:$0x1FE00];
	v12 =	vor.u32 v15, v24;
	[tilespmem:$0x1FA40] =	vst v25;
	v25 =	vor.u32 v4, v51  }
0x20e: {  	v13 =	vld.idx.msk [tilespmem:v13+s3+$0x0], $0xffff;
	[tilespmem:$0x1FA60] =	vst v25;
	v25 =	vor.u32 v4, v10  }
0x20f: {  	s7 =	sor.u32 s29, s18;
	[tilespmem:$0x1FA70] =	vst v25;
	v25 =	vld [tilespmem:$0x1FCF0]  }
0x210: {  	v46 =	vld [tilespmem:$0x1FED0];
	s8 =	sor.u32 s26, s18;
	[tilespmem:s7+$0x0] =	vst v17  }
0x211: {  	v27 =	vor.u32 v41, v33;
	v17 =	vld.idx.msk [tilespmem:v18+s3+$0x0], $0xffff;
	[tilespmem:s8+$0x0] =	vst v23  }
0x212: {  	[tilespmem:$0x1F9A0] =	vst v45;
	v12 =	vld.idx.msk [tilespmem:v12+s3+$0x0], $0xffff  }
0x213: {  	[tilespmem:$0x1FB80] =	vst v14;
	s2 =	sor.u32 s30, s18;
	v19 =	vor.u32 v30, v24;
	s24 =	sadd.s32 $0x18700, s23  }
0x214: {  	s25 =	sor.u32 s21, s24;
	[tilespmem:s2+$0x0] =	vst v13  }
0x215: {  	v45 =	vld [tilespmem:$0x1FE20];
	[tilespmem:s25+$0x0] =	vst v26  }
0x216: {  	[tilespmem:s7+$0x80] =	vst v17;
	v23 =	vld.idx.msk [tilespmem:v27+s3+$0x0], $0xffff  }
0x217: {  	v13 =	vor.u32 v30, v34;
	v26 =	vor.u32 v46, v24;
	v25 =	vld.idx.msk [tilespmem:v25+s3+$0x0], $0xffff;
	[tilespmem:s8+$0x80] =	vst v12  }
0x218: {  	[tilespmem:$0x1FAB0] =	vst v26;
	v27 =	vld.idx.msk [tilespmem:v19+s3+$0x0], $0xffff  }
0x219: {  	v26 =	vor.u32 v46, v51;
	[tilespmem:s12+$0x80] =	vst v22;
	v19 =	vld [tilespmem:$0x1FEE0]  }
0x21a: {  	s31 =	sadd.s32 $0x18780, s23;
	[tilespmem:$0x1FAE0] =	vst v26;
	v26 =	vor.u32 v46, v10  }
0x21b: {  	s9 =	sor.u32 s21, s31;
	[tilespmem:$0x1FAF0] =	vst v26  }
0x21c: {  	v26 =	vld.idx.msk [tilespmem:v13+s3+$0x0], $0xffff;
	[tilespmem:s9+$0x0] =	vst v23;
	v12 =	vor.u32 v45, v24  }
0x21d: {  	[tilespmem:$0x1FB30] =	vst v12;
	v12 =	vor.u32 v45, v51  }
0x21e: {  	v28 =	vld [tilespmem:$0x1FE10];
	[tilespmem:$0x1FB60] =	vst v12;
	v12 =	vor.u32 v19, v24  }
0x21f: {  	v14 =	vor.u32 v15, v51;
	[tilespmem:$0x1FBB0] =	vst v12;
	v12 =	vor.u32 v45, v10  }
0x220: {  	[tilespmem:$0x1FB70] =	vst v12;
	v12 =	vor.u32 v19, v51  }
0x221: {  	v18 =	vor.u32 v61, v33;
	[tilespmem:$0x1FBE0] =	vst v12;
	v12 =	vor.u32 v48, v24  }
0x222: {  	v60 =	vor.u32 v30, v10;
	[tilespmem:$0x1FC80] =	vst v12;
	v12 =	vor.u32 v19, v10  }
0x223: {  	v11 =	vor.u32 v28, v24;
	[tilespmem:$0x1FBF0] =	vst v12;
	v12 =	vor.u32 v48, v51  }
0x224: {  	v20 =	vor.u32 v30, v51;
	v14 =	vld.idx.msk [tilespmem:v14+s3+$0x0], $0xffff;
	[tilespmem:$0x1FC90] =	vst v12;
	v12 =	vor.u32 v48, v10  }
0x225: {  	v9 =	vor.u32 v28, v51;
	v7 =	vor.u32 v28, v10;
	v13 =	vld [tilespmem:$0x1FD20];
	[tilespmem:$0x1FCA0] =	vst v12;
	v12 =	vor.u32 v47, v24  }
0x226: {  	v28 =	vor.u32 v28, v34;
	v30 =	vld.idx.msk [tilespmem:v18+s3+$0x0], $0xffff;
	[tilespmem:$0x1FCB0] =	vst v12;
	v12 =	vor.u32 v47, v51  }
0x227: {  	v50 =	vor.u32 v54, v33;
	v36 =	vld.idx.msk [tilespmem:v60+s3+$0x0], $0xffff;
	[tilespmem:$0x1FCC0] =	vst v12;
	v12 =	vor.u32 v47, v10  }
0x228: {  	s1 =	sor.u32 s22, s15;
	[dreg:$0x9] =	wrdreg s14;
	[tilespmem:$0x1FCD0] =	vst v12;
	v12 =	vld [tilespmem:$0x1FD00]  }
0x229: {  	s14 =	sor.u32 s19, s15;
	s0 =	sor.u32 s20, s15;
	s15 =	sadd.s32 $0x18800, s23;
	[tilespmem:s2+$0x80] =	vst v14  }
0x22a: {  	s25 =	sor.u32 s21, s15;
	v20 =	vld.idx.msk [tilespmem:v20+s3+$0x0], $0xffff;
	[tilespmem:s12+$0x100] =	vst v26  }
0x22b: {  	v26 =	vld.idx.msk [tilespmem:v28+s3+$0x0], $0xffff;
	[tilespmem:s25+$0x0] =	vst v30  }
0x22c: {  	[tilespmem:s7+$0x100] =	vst v36;
	v28 =	vor.u32 v38, v10;
	v59 =	vld.idx.msk [tilespmem:v50+s3+$0x0], $0xffff  }
0x22d: {  	v50 =	vld.idx.msk [tilespmem:v13+s3+$0x0], $0xffff;
	v13 =	vmov v28  }
0x22e: {  	[tilespmem:$0x1FD20] =	vst v13;
	v13 =	vld [tilespmem:$0x1FD10]  }
0x22f: {  	[tilespmem:$0x1FAA0] =	vst v6  }
0x230: {  	v6 =	vmov v53;
	v30 =	vor.u32 v40, v34;
	v60 =	vld.idx.msk [tilespmem:v12+s3+$0x0], $0xffff;
	[tilespmem:s2+$0x100] =	vst v20  }
0x231: {  	[tilespmem:$0x1F960] =	vst v6;
	v9 =	vld.idx.msk [tilespmem:v9+s3+$0x0], $0xffff  }
0x232: {  	v52 =	vor.u32 v40, v51;
	[tilespmem:s12+$0x180] =	vst v26  }
0x233: {  	v7 =	vld.idx.msk [tilespmem:v7+s3+$0x0], $0xffff;
	[tilespmem:s8+$0x100] =	vst v27  }
0x234: {  	v27 =	vor.u32 v39, v24;
	v11 =	vld.idx.msk [tilespmem:v11+s3+$0x0], $0xffff;
	[tilespmem:s14+$0x0] =	vst v25  }
0x235: {  	v6 =	vor.u32 v40, v24;
	v17 =	vmov v27;
	v27 =	vld.idx.msk [tilespmem:v30+s3+$0x0], $0xffff;
	[tilespmem:s0+$0x0] =	vst v60  }
0x236: {  	v26 =	vld.idx.msk [tilespmem:v13+s3+$0x0], $0xffff;
	[tilespmem:s2+$0x180] =	vst v9  }
0x237: {  	[tilespmem:$0x1FA50] =	vst v58;
	v42 =	vor.u32 v40, v10;
	v13 =	vmov v61;
	v30 =	vld.idx.msk [tilespmem:v52+s3+$0x0], $0xffff  }
0x238: {  	[tilespmem:$0x1FA90] =	vst v35;
	v52 =	vmov v13;
	v13 =	vld [tilespmem:$0x1FD30]  }
0x239: {  	[tilespmem:s8+$0x180] =	vst v11  }
0x23a: {  	[tilespmem:$0x1FBA0] =	vst v16;
	v6 =	vld.idx.msk [tilespmem:v6+s3+$0x0], $0xffff  }
0x23b: {  	v18 =	vld [tilespmem:$0x1FF60];
	[tilespmem:s7+$0x180] =	vst v7  }
0x23c: {  	v42 =	vld.idx.msk [tilespmem:v42+s3+$0x0], $0xffff;
	[tilespmem:s1+$0x0] =	vst v50  }
0x23d: {  	s16 =	sor.u32 s19, s24;
	[tilespmem:$0x1FD10] =	vst v17  }
0x23e: {  	[tilespmem:s16+$0x0] =	vst v26  }
0x23f: {  	v44 =	vld [tilespmem:$0x1FF20];
	[tilespmem:s8+$0x200] =	vst v6;
	v12 =	vor.u32 v29, v24;
	v20 =	vor.u32 v39, v51  }
0x240: {  	[tilespmem:$0x1FCE0] =	vst v12;
	v26 =	vld.idx.msk [tilespmem:v13+s3+$0x0], $0xffff;
	v13 =	vmov v20  }
0x241: {  	v22 =	vld [tilespmem:$0x1FF70];
	[tilespmem:$0x1FD30] =	vst v13;
	v13 =	vor.u32 v18, v10  }
0x242: {  	v25 =	vor.u32 v62, v33;
	v12 =	vor.u32 v29, v10;
	[tilespmem:$0x1FAD0] =	vst v13;
	v13 =	vld [tilespmem:$0x1FD50]  }
0x243: {  	v57 =	vor.u32 v29, v51;
	v29 =	vld [tilespmem:$0x1FEB0];
	[tilespmem:$0x1FB40] =	vst v12;
	v12 =	vor.u32 v38, v24  }
0x244: {  	v16 =	vor.u32 v55, v51;
	v23 =	vld [tilespmem:$0x1FF80];
	s25 =	sadd.s32 $0x18880, s23;
	[tilespmem:$0x1FCF0] =	vst v12;
	v12 =	vor.u32 v38, v51  }
0x245: {  	v17 =	vld [tilespmem:$0x1FFB0];
	[tilespmem:$0x1FD00] =	vst v12;
	s0 =	sor.u32 s21, s25  }
0x246: {  	v21 =	vld [tilespmem:$0x1FF50];
	v14 =	vmov v62;
	v28 =	vor.u32 v55, v34;
	[tilespmem:s0+$0x0] =	vst v59  }
0x247: {  	v43 =	vor.u32 v55, v24;
	v7 =	vmov v14;
	v25 =	vld.idx.msk [tilespmem:v25+s3+$0x0], $0xffff;
	[tilespmem:s12+$0x200] =	vst v27  }
0x248: {  	v0 =	vld [tilespmem:$0x1FF90];
	v60 =	vor.u32 v14, v10;
	v59 =	vor.u32 v14, v51;
	v14 =	vor.u32 v29, v24;
	[tilespmem:s2+$0x200] =	vst v30  }
0x249: {  	[dreg:$0xb] =	wrdreg s13;
	v12 =	vor.u32 v39, v10;
	[tilespmem:$0x1FC10] =	vst v14;
	v14 =	vld.idx.msk [tilespmem:v16+s3+$0x0], $0xffff;
	v16 =	vor.u32 v23, v10  }
0x24a: {  	s13 =	sor.u32 s20, s15;
	s10 =	sor.u32 s20, s24;
	s11 =	sor.u32 s22, s24;
	v45 =	vor.u32 v17, v33;
	[tilespmem:$0x1FBD0] =	vst v16;
	v20 =	vld.idx.msk [tilespmem:v13+s3+$0x0], $0xffff;
	v13 =	vmov v12;
	v12 =	vor.u32 v22, v51  }
0x24b: {  	s24 =	sor.u32 s19, s15;
	s9 =	sor.u32 s22, s15;
	s6 =	sor.u32 s19, s25;
	v16 =	vor.u32 v29, v51;
	[tilespmem:$0x1FB20] =	vst v12;
	v12 =	vld.idx.msk [tilespmem:v28+s3+$0x0], $0xffff  }
0x24c: {  	s15 =	sor.u32 s22, s25;
	s14 =	sor.u32 s20, s25;
	s25 =	sadd.s32 $0x19500, s23;
	[tilespmem:$0x1FC30] =	vst v16  }
0x24d: {  	v15 =	vor.u32 v55, v10;
	s0 =	sor.u32 s21, s25;
	v16 =	vld [tilespmem:$0x1FD40];
	[tilespmem:$0x1FD50] =	vst v13  }
0x24e: {  	v58 =	vor.u32 v44, v24;
	v43 =	vld.idx.msk [tilespmem:v43+s3+$0x0], $0xffff;
	v13 =	vor.u32 v23, v24;
	[tilespmem:s0+$0x0] =	vst v25  }
0x24f: {  	v56 =	vor.u32 v21, v24;
	v35 =	vor.u32 v44, v51;
	[tilespmem:$0x1FB90] =	vst v13;
	v13 =	vld.idx.msk [tilespmem:v45+s3+$0x0], $0xffff  }
0x250: {  	v31 =	vor.u32 v0, v24;
	v8 =	vor.u32 v0, v10;
	v53 =	vor.u32 v21, v10;
	[tilespmem:s12+$0x280] =	vst v12;
	v12 =	vld [tilespmem:$0x1FD60]  }
0x251: {  	v3 =	vor.u32 v1, v24;
	v5 =	vor.u32 v44, v10;
	v44 =	vor.u32 v44, v34;
	[tilespmem:s7+$0x200] =	vst v42  }
0x252: {  	v37 =	vor.u32 v61, v51;
	v36 =	vor.u32 v61, v10;
	v38 =	vor.u32 v41, v24;
	v42 =	vld.idx.msk [tilespmem:v15+s3+$0x0], $0xffff  }
0x253: {  	v50 =	vor.u32 v18, v51;
	v48 =	vor.u32 v18, v24;
	v15 =	vor.u32 v18, v33;
	v18 =	vmovc v38;
	v38 =	vld [tilespmem:$0x1FEF0]  }
0x254: {  	v40 =	vor.u32 v61, v24;
	v61 =	vor.u32 v62, v24;
	v62 =	vor.u32 v54, v10;
	[tilespmem:s10+$0x0] =	vst v26;
	v45 =	vld [tilespmem:$0x1FF10]  }
0x255: {  	v11 =	vor.u32 v54, v24;
	v55 =	vor.u32 v17, v24;
	v16 =	vld.idx.msk [tilespmem:v16+s3+$0x0], $0xffff;
	[tilespmem:s8+$0x280] =	vst v43  }
0x256: {  	v6 =	vor.u32 v22, v24;
	v39 =	vor.u32 v41, v51;
	v41 =	vor.u32 v41, v10;
	[tilespmem:$0x1FD40] =	vst v18  }
0x257: {  	v9 =	vor.u32 v17, v51;
	v17 =	vor.u32 v17, v10;
	s0 =	sadd.s32 $0x19580, s23;
	v18 =	vmov v39;
	[tilespmem:s11+$0x0] =	vst v20;
	v43 =	vld.idx.msk [tilespmem:v44+s3+$0x0], $0xffff  }
0x258: {  	v27 =	vor.u32 v29, v10;
	v28 =	vor.u32 v22, v10;
	s11 =	sor.u32 s21, s0;
	[tilespmem:$0x1FD60] =	vst v18;
	v12 =	vld.idx.msk [tilespmem:v12+s3+$0x0], $0xffff  }
0x259: {  	s18 =	sor.u32 s19, s31;
	v39 =	vor.u32 v38, v24;
	v25 =	vor.u32 v45, v24;
	v20 =	vor.u32 v45, v10;
	[tilespmem:s11+$0x0] =	vst v13  }
0x25a: {  	v44 =	vld.idx.msk [tilespmem:v58+s3+$0x0], $0xffff;
	v24 =	vor.u32 v38, v10;
	v10 =	vor.u32 v21, v34;
	[tilespmem:s18+$0x0] =	vst v16  }
0x25b: {  	v13 =	vld.idx.msk [tilespmem:v15+s3+$0x0], $0xffff;
	[tilespmem:s2+$0x280] =	vst v14  }
0x25c: {  	s17 =	sor.u32 s20, s31;
	[tilespmem:s12+$0x300] =	vst v43;
	v14 =	vld.idx.msk [tilespmem:v35+s3+$0x0], $0xffff  }
0x25d: {  	v18 =	vmov v41;
	[tilespmem:s17+$0x0] =	vst v12;
	v12 =	vld [tilespmem:$0x1FD80]  }
0x25e: {  	s18 =	sadd.s32 $0x19600, s23;
	[tilespmem:$0x1FD80] =	vst v18;
	v18 =	vld [tilespmem:$0x1FD70]  }
0x25f: {  	s11 =	sor.u32 s21, s18;
	v10 =	vld.idx.msk [tilespmem:v10+s3+$0x0], $0xffff  }
0x260: {  	v49 =	vor.u32 v0, v51;
	[tilespmem:s11+$0x0] =	vst v13;
	v13 =	vor.u32 v0, v34;
	v0 =	vld [tilespmem:$0x1FD90];
	_ =	sdelay $0x5  }
0x261: {  	v58 =	vld.idx.msk [tilespmem:v18+s3+$0x0], $0xffff;
	[tilespmem:s8+$0x300] =	vst v44  }
0x262: {  	[tilespmem:s2+$0x300] =	vst v14;
	v44 =	vld.idx.msk [tilespmem:v56+s3+$0x0], $0xffff  }
0x263: {  	[tilespmem:s7+$0x280] =	vst v42;
	v56 =	vld.idx.msk [tilespmem:v0+s3+$0x0], $0xffff;
	v0 =	vmov v37  }
0x264: {  	[tilespmem:$0x1FD90] =	vst v0;
	v0 =	vld [tilespmem:$0x1FDA0]  }
0x265: {  	v16 =	vor.u32 v22, v33;
	v15 =	vld.idx.msk [tilespmem:v5+s3+$0x0], $0xffff  }
0x266: {  	v12 =	vld.idx.msk [tilespmem:v12+s3+$0x0], $0xffff;
	_ =	sdelay $0x2  }
0x267: {  	[tilespmem:$0x1FB00] =	vst v32;
	v32 =	vor.u32 v21, v51  }
0x268: {  	s31 =	sor.u32 s22, s31;
	v14 =	vld.idx.msk [tilespmem:v16+s3+$0x0], $0xffff;
	[tilespmem:s7+$0x300] =	vst v15  }
0x269: {  	v15 =	vld.idx.msk [tilespmem:v53+s3+$0x0], $0xffff;
	[tilespmem:s31+$0x0] =	vst v12  }
0x26a: {  	[tilespmem:s12+$0x380] =	vst v10;
	v10 =	vld.idx.msk [tilespmem:v0+s3+$0x0], $0xffff;
	v0 =	vmov v36  }
0x26b: {  	s1 =	sor.u32 s19, s25;
	s16 =	sor.u32 s20, s25;
	s25 =	sor.u32 s22, s25;
	v12 =	vor.u32 v23, v33;
	[tilespmem:$0x1FDA0] =	vst v0;
	v0 =	vld [tilespmem:$0x1FDB0]  }
0x26c: {  	[dreg:$0x16] =	wrdreg s25;
	v16 =	vld.idx.msk [tilespmem:v32+s3+$0x0], $0xffff  }
0x26d: {  	s10 =	sor.u32 s19, s0;
	s25 =	sor.u32 s20, s0;
	[tilespmem:s24+$0x0] =	vst v58;
	s24 =	sadd.s32 $0x19680, s23  }
0x26e: {  	[dreg:$0x15] =	wrdreg s25;
	s0 =	sor.u32 s22, s0;
	v13 =	vld.idx.msk [tilespmem:v13+s3+$0x0], $0xffff;
	[tilespmem:s8+$0x380] =	vst v44;
	s31 =	sor.u32 s21, s24  }
0x26f: {  	[dreg:$0x11] =	wrdreg s0;
	s25 =	sor.u32 s19, s18;
	s0 =	sor.u32 s22, s18;
	v31 =	vld.idx.msk [tilespmem:v31+s3+$0x0], $0xffff;
	[tilespmem:s31+$0x0] =	vst v14;
	v14 =	vor.u32 v1, v34  }
0x270: {  	[dreg:$0x12] =	wrdreg s0;
	s17 =	sor.u32 s20, s18;
	s0 =	sor.u32 s19, s24;
	v12 =	vld.idx.msk [tilespmem:v12+s3+$0x0], $0xffff  }
0x271: {  	[tilespmem:s2+$0x380] =	vst v16;
	s18 =	sor.u32 s20, s24;
	s12 =	sor.u32 s22, s24;
	s24 =	sadd.s32 $0x17500, s5  }
0x272: {  	v16 =	vld.idx.msk [tilespmem:v49+s3+$0x0], $0xffff;
	[tilespmem:s13+$0x0] =	vst v56;
	s11 =	sor.u32 s28, s24  }
0x273: {  	s13 =	sadd.s32 $0x19700, s23;
	s31 =	sor.u32 s26, s24;
	[tilespmem:s11+$0x0] =	vst v13;
	v58 =	vld.idx.msk [tilespmem:v0+s3+$0x0], $0xffff  }
0x274: {  	v0 =	vmov v11;
	[tilespmem:s31+$0x0] =	vst v31;
	v11 =	vld.idx.msk [tilespmem:v14+s3+$0x0], $0xffff;
	s31 =	sor.u32 s21, s13  }
0x275: {  	[tilespmem:s31+$0x0] =	vst v12;
	v12 =	vor.u32 v2, v34;
	v2 =	vld [tilespmem:$0x1F990]  }
0x276: {  	[tilespmem:s7+$0x380] =	vst v15  }
0x277: {  	v8 =	vld.idx.msk [tilespmem:v8+s3+$0x0], $0xffff;
	_ =	sdelay $0x1  }
0x278: {  	[tilespmem:$0x1FDB0] =	vst v0;
	v0 =	vld [tilespmem:$0x1FDC0];
	_ =	sdelay $0x1  }
0x279: {  	s2 =	sor.u32 s29, s24;
	v1 =	vld [tilespmem:$0x1F980];
	[tilespmem:s9+$0x0] =	vst v10  }
0x27a: {  	[tilespmem:s2+$0x0] =	vst v8;
	v5 =	vld.idx.msk [tilespmem:v3+s3+$0x0], $0xffff  }
0x27b: {  	v3 =	vld.idx.msk [tilespmem:v2+s3+$0x0], $0xffff  }
0x27c: {  	v2 =	vld [tilespmem:$0x1FDD0];
	_ =	sdelay $0x2  }
0x27d: {  	v10 =	vld.idx.msk [tilespmem:v0+s3+$0x0], $0xffff;
	_ =	sdelay $0x1  }
0x27e: {  	s8 =	sor.u32 s30, s24  }
0x27f: {  	[tilespmem:s8+$0x0] =	vst v16  }
0x280: {  	v1 =	vld.idx.msk [tilespmem:v1+s3+$0x0], $0xffff  }
0x281: {  	[tilespmem:s14+$0x0] =	vst v10;
	v10 =	vld.idx.msk [tilespmem:v2+s3+$0x0], $0xffff;
	v2 =	vmov v62  }
0x282: {  	[tilespmem:$0x1FDD0] =	vst v2;
	v2 =	vld [tilespmem:$0x1F9A0];
	_ =	sdelay $0x1  }
0x283: {  	v15 =	vor.u32 v29, v33;
	_ =	sdelay $0x3  }
0x284: {  	s9 =	sadd.s32 $0x17580, s5  }
0x285: {  	[dreg:$0x13] =	wrdreg s12;
	s12 =	sor.u32 s28, s9;
	v13 =	vld.idx.msk [tilespmem:v15+s3+$0x0], $0xffff;
	[tilespmem:s6+$0x0] =	vst v58  }
0x286: {  	[tilespmem:s12+$0x0] =	vst v11;
	v11 =	vld.idx.msk [tilespmem:v2+s3+$0x0], $0xffff  }
0x287: {  	v2 =	vld [tilespmem:$0x1F9B0];
	_ =	sdelay $0x5  }
0x288: {  	s11 =	sor.u32 s26, s9  }
0x289: {  	[tilespmem:s11+$0x0] =	vst v5;
	v5 =	vld.idx.msk [tilespmem:v12+s3+$0x0], $0xffff  }
0x28a: {  	v12 =	vld.idx.msk [tilespmem:v2+s3+$0x0], $0xffff  }
0x28b: {  	v2 =	vld [tilespmem:$0x1F9C0];
	_ =	sdelay $0x5  }
0x28c: {  	s8 =	sor.u32 s30, s9;
	s14 =	sadd.s32 $0x19780, s23  }
0x28d: {  	[tilespmem:s8+$0x0] =	vst v1;
	s11 =	sor.u32 s21, s14  }
0x28e: {  	[tilespmem:s11+$0x0] =	vst v13;
	v13 =	vld.idx.msk [tilespmem:v2+s3+$0x0], $0xffff  }
0x28f: {  	v2 =	vld [tilespmem:$0x1F9D0];
	_ =	sdelay $0x5  }
0x290: {  	s31 =	sor.u32 s29, s9  }
0x291: {  	[tilespmem:s31+$0x0] =	vst v3  }
0x292: {  	v3 =	vld.idx.msk [tilespmem:v2+s3+$0x0], $0xffff  }
0x293: {  	v2 =	vld [tilespmem:$0x1FDE0];
	_ =	sdelay $0x1  }
0x294: {  	v8 =	vor.u32 v45, v33;
	_ =	sdelay $0x3  }
0x295: {  	s11 =	sadd.s32 $0x17600, s5  }
0x296: {  	v8 =	vld.idx.msk [tilespmem:v8+s3+$0x0], $0xffff;
	s31 =	sor.u32 s28, s11;
	[tilespmem:s15+$0x0] =	vst v10  }
0x297: {  	[tilespmem:s31+$0x0] =	vst v5;
	v5 =	vld.idx.msk [tilespmem:v2+s3+$0x0], $0xffff;
	v2 =	vmov v60  }
0x298: {  	[tilespmem:$0x1FDE0] =	vst v2;
	v2 =	vld [tilespmem:$0x1F9F0];
	_ =	sdelay $0x5  }
0x299: {  	s8 =	sor.u32 s26, s11;
	[tilespmem:s1+$0x0] =	vst v11  }
0x29a: {  	[tilespmem:s8+$0x0] =	vst v12  }
0x29b: {  	v12 =	vld.idx.msk [tilespmem:v2+s3+$0x0], $0xffff  }
0x29c: {  	v2 =	vld [tilespmem:$0x1FA00];
	_ =	sdelay $0x1  }
0x29d: {  	v47 =	vmov v63;
	_ =	sdelay $0x3  }
0x29e: {  	s9 =	sor.u32 s30, s11  }
0x29f: {  	v11 =	vld.idx.msk [tilespmem:v47+s3+$0x0], $0xffff;
	[tilespmem:s9+$0x0] =	vst v13  }
0x2a0: {  	v13 =	vld.idx.msk [tilespmem:v2+s3+$0x0], $0xffff  }
0x2a1: {  	v2 =	vld [tilespmem:$0x1FA10];
	_ =	sdelay $0x5  }
0x2a2: {  	v37 =	vld [tilespmem:$0x1FE70];
	s1 =	sor.u32 s29, s11  }
0x2a3: {  	[tilespmem:s1+$0x0] =	vst v3  }
0x2a4: {  	v3 =	vld.idx.msk [tilespmem:v2+s3+$0x0], $0xffff  }
0x2a5: {  	v2 =	vld [tilespmem:$0x1FA20];
	_ =	sdelay $0x1  }
0x2a6: {  	v1 =	vor.u32 v37, v34;
	_ =	sdelay $0x4  }
0x2a7: {  	v1 =	vld.idx.msk [tilespmem:v1+s3+$0x0], $0xffff  }
0x2a8: {  	[tilespmem:s16+$0x0] =	vst v11;
	v11 =	vld.idx.msk [tilespmem:v2+s3+$0x0], $0xffff  }
0x2a9: {  	s11 =	sadd.s32 $0x19800, s23;
	v10 =	vor.u32 v38, v33;
	v2 =	vld [tilespmem:$0x1FA40]  }
0x2aa: {  	s31 =	sor.u32 s21, s11;
	v33 =	vmov v34  }
0x2ab: {  	[tilespmem:s31+$0x0] =	vst v8;
	v8 =	vor.u32 v4, v33  }
0x2ac: {  	s1 =	sadd.s32 $0x17680, s5  }
0x2ad: {  	s16 =	sor.u32 s28, s1  }
0x2ae: {  	s6 =	rddreg [dreg:$0x16];
	v10 =	vld.idx.msk [tilespmem:v10+s3+$0x0], $0xffff;
	[tilespmem:s16+$0x0] =	vst v1  }
0x2af: {  	s9 =	sor.u32 s26, s1;
	[tilespmem:s6+$0x0] =	vst v5  }
0x2b0: {  	v5 =	vld.idx.msk [tilespmem:v8+s3+$0x0], $0xffff;
	[tilespmem:s9+$0x0] =	vst v12  }
0x2b1: {  	v8 =	vld.idx.msk [tilespmem:v2+s3+$0x0], $0xffff  }
0x2b2: {  	v2 =	vld [tilespmem:$0x1FA50];
	_ =	sdelay $0x6  }
0x2b3: {  	v1 =	vld [tilespmem:$0x1FA30]  }
0x2b4: {  	v12 =	vld.idx.msk [tilespmem:v2+s3+$0x0], $0xffff  }
0x2b5: {  	v2 =	vld [tilespmem:$0x1FA60];
	_ =	sdelay $0x2  }
0x2b6: {  	v63 =	vor.u32 v54, v51  }
0x2b7: {  	v0 =	vmov v63  }
0x2b8: {  	[tilespmem:$0x1FDC0] =	vst v0;
	v0 =	vld [tilespmem:$0x1FE20]  }
0x2b9: {  	v30 =	vor.u32 v23, v51;
	s31 =	sor.u32 s30, s1  }
0x2ba: {  	v26 =	vor.u32 v45, v51;
	v51 =	vor.u32 v38, v51;
	v1 =	vld.idx.msk [tilespmem:v1+s3+$0x0], $0xffff;
	[tilespmem:s31+$0x0] =	vst v13  }
0x2bb: {  	s24 =	sor.u32 s20, s13;
	s7 =	sor.u32 s19, s13;
	v13 =	vld.idx.msk [tilespmem:v2+s3+$0x0], $0xffff  }
0x2bc: {  	s13 =	sor.u32 s22, s13;
	s2 =	sor.u32 s19, s14;
	s6 =	sadd.s32 $0x19880, s23;
	v2 =	vld [tilespmem:$0x1FA70]  }
0x2bd: {  	v53 =	vmovc v51;
	v51 =	vmov v55;
	v55 =	vmov v9;
	s12 =	sor.u32 s20, s14;
	s14 =	sor.u32 s22, s14;
	v9 =	vor.u32 v0, v33;
	v0 =	vld [tilespmem:$0x1FAC0];
	s21 =	sor.u32 s21, s6  }
0x2be: {  	s8 =	sor.u32 s19, s11;
	s15 =	sor.u32 s20, s11;
	s11 =	sor.u32 s22, s11;
	[tilespmem:s21+$0x0] =	vst v10;
	v10 =	vor.u32 v46, v33  }
0x2bf: {  	s23 =	smov.u32 s5;
	s16 =	sor.u32 s19, s6;
	s20 =	sor.u32 s20, s6  }
0x2c0: {  	s5 =	sor.u32 s22, s6;
	s6 =	sadd.s32 $0x17700, s23;
	s21 =	smov.u32 s28  }
0x2c1: {  	s1 =	sor.u32 s29, s1;
	s22 =	smov.u32 s29;
	s29 =	sor.u32 s21, s6  }
0x2c2: {  	[tilespmem:s29+$0x0] =	vst v5  }
0x2c3: {  	s31 =	rddreg [dreg:$0x11];
	v5 =	vld.idx.msk [tilespmem:v10+s3+$0x0], $0xffff;
	[tilespmem:s1+$0x0] =	vst v3  }
0x2c4: {  	v3 =	vld.idx.msk [tilespmem:v2+s3+$0x0], $0xffff;
	[tilespmem:s31+$0x0] =	vst v12  }
0x2c5: {  	v10 =	vld.idx.msk [tilespmem:v0+s3+$0x0], $0xffff  }
0x2c6: {  	v0 =	vld [tilespmem:$0x1FAD0];
	_ =	sdelay $0x1  }
0x2c7: {  	[dreg:$0xd] =	wrdreg s20  }
0x2c8: {  	s20 =	smov.u32 s30;
	s30 =	rddreg [dreg:$0x15]  }
0x2c9: {  	[tilespmem:s30+$0x0] =	vst v1;
	v1 =	vld [tilespmem:$0x1FA90]  }
0x2ca: {  	v36 =	vmov v0;
	v0 =	vld [tilespmem:$0x1FAE0];
	_ =	sdelay $0x5  }
0x2cb: {  	s28 =	sor.u32 s20, s6;
	v2 =	vld [tilespmem:$0x1FA80]  }
0x2cc: {  	v1 =	vld.idx.msk [tilespmem:v1+s3+$0x0], $0xffff;
	[tilespmem:s28+$0x0] =	vst v13  }
0x2cd: {  	v62 =	vmov v7;
	v7 =	vld.idx.msk [tilespmem:v0+s3+$0x0], $0xffff  }
0x2ce: {  	v0 =	vld [tilespmem:$0x1FAF0];
	_ =	sdelay $0x4  }
0x2cf: {  	[tilespmem:s10+$0x0] =	vst v11  }
0x2d0: {  	s1 =	sor.u32 s22, s6;
	v11 =	vld.idx.msk [tilespmem:v2+s3+$0x0], $0xffff  }
0x2d1: {  	[tilespmem:s1+$0x0] =	vst v3;
	v2 =	vld [tilespmem:$0x1FAB0]  }
0x2d2: {  	v3 =	vld.idx.msk [tilespmem:v0+s3+$0x0], $0xffff  }
0x2d3: {  	v0 =	vld [tilespmem:$0x1FB00];
	_ =	sdelay $0x3  }
0x2d4: {  	s19 =	smov.u32 s26  }
0x2d5: {  	s9 =	sor.u32 s19, s6  }
0x2d6: {  	[tilespmem:s9+$0x0] =	vst v8  }
0x2d7: {  	v8 =	vld.idx.msk [tilespmem:v2+s3+$0x0], $0xffff;
	[tilespmem:s25+$0x0] =	vst v11  }
0x2d8: {  	v11 =	vld.idx.msk [tilespmem:v0+s3+$0x0], $0xffff  }
0x2d9: {  	v0 =	vld [tilespmem:$0x1FB10];
	_ =	sdelay $0x6  }
0x2da: {  	[tilespmem:s17+$0x0] =	vst v1  }
0x2db: {  	v1 =	vld.idx.msk [tilespmem:v0+s3+$0x0], $0xffff  }
0x2dc: {  	v0 =	vld [tilespmem:$0x1FB20];
	_ =	sdelay $0x1  }
0x2dd: {  	v18 =	vmov v40;
	_ =	sdelay $0x2  }
0x2de: {  	[tilespmem:$0x1FD70] =	vst v18;
	v18 =	vmov v0;
	v0 =	vld [tilespmem:$0x1FB30];
	_ =	sdelay $0x4  }
0x2df: {  	s10 =	sadd.s32 $0x17780, s23  }
0x2e0: {  	s26 =	sor.u32 s19, s10  }
0x2e1: {  	s29 =	sor.u32 s21, s10;
	[tilespmem:s26+$0x0] =	vst v8  }
0x2e2: {  	[tilespmem:s29+$0x0] =	vst v5;
	v5 =	vld.idx.msk [tilespmem:v0+s3+$0x0], $0xffff  }
0x2e3: {  	v0 =	vld [tilespmem:$0x1FB50];
	_ =	sdelay $0x5  }
0x2e4: {  	s30 =	rddreg [dreg:$0x12]  }
0x2e5: {  	s28 =	sor.u32 s20, s10;
	[tilespmem:s30+$0x0] =	vst v10  }
0x2e6: {  	[tilespmem:s28+$0x0] =	vst v7;
	v7 =	vld.idx.msk [tilespmem:v0+s3+$0x0], $0xffff  }
0x2e7: {  	v0 =	vld [tilespmem:$0x1FB60];
	_ =	sdelay $0x7  }
0x2e8: {  	v2 =	vld.idx.msk [tilespmem:v0+s3+$0x0], $0xffff  }
0x2e9: {  	v0 =	vld [tilespmem:$0x1FB70];
	_ =	sdelay $0x5  }
0x2ea: {  	s1 =	sor.u32 s22, s10  }
0x2eb: {  	[tilespmem:s1+$0x0] =	vst v3  }
0x2ec: {  	v3 =	vld.idx.msk [tilespmem:v0+s3+$0x0], $0xffff  }
0x2ed: {  	v0 =	vld [tilespmem:$0x1FB80];
	_ =	sdelay $0x6  }
0x2ee: {  	[tilespmem:s0+$0x0] =	vst v11  }
0x2ef: {  	v8 =	vld.idx.msk [tilespmem:v0+s3+$0x0], $0xffff  }
0x2f0: {  	v0 =	vld [tilespmem:$0x1FB90];
	_ =	sdelay $0x4  }
0x2f1: {  	v14 =	vmov v0;
	v0 =	vld [tilespmem:$0x1FBA0];
	_ =	sdelay $0x6  }
0x2f2: {  	s31 =	sadd.s32 $0x17800, s23;
	[tilespmem:s18+$0x0] =	vst v1  }
0x2f3: {  	s10 =	sor.u32 s20, s31;
	v1 =	vld.idx.msk [tilespmem:v0+s3+$0x0], $0xffff  }
0x2f4: {  	[tilespmem:s10+$0x0] =	vst v2;
	v2 =	vld [tilespmem:$0x1FBD0];
	_ =	sdelay $0x1  }
0x2f5: {  	v42 =	vld [tilespmem:$0x1FE30]  }
0x2f6: {  	v0 =	vld [tilespmem:$0x1FBB0]  }
0x2f7: {  	v4 =	vld.idx.msk [tilespmem:v9+s3+$0x0], $0xffff  }
0x2f8: {  	v32 =	vmov v6;
	v6 =	vor.u32 v19, v33;
	v12 =	vmov v2;
	v2 =	vld [tilespmem:$0x1FBE0]  }
0x2f9: {  	v21 =	vld [tilespmem:$0x1F940]  }
0x2fa: {  	v22 =	vld [tilespmem:$0x1F950]  }
0x2fb: {  	v41 =	vld [tilespmem:$0x1FE40];
	s26 =	sor.u32 s21, s31  }
0x2fc: {  	v35 =	vmov v50;
	v50 =	vld [tilespmem:$0x1FAA0];
	s6 =	sor.u32 s19, s31;
	[tilespmem:s26+$0x0] =	vst v4  }
0x2fd: {  	v4 =	vld.idx.msk [tilespmem:v6+s3+$0x0], $0xffff;
	[tilespmem:s6+$0x0] =	vst v5  }
0x2fe: {  	v9 =	vld.idx.msk [tilespmem:v0+s3+$0x0], $0xffff  }
0x2ff: {  	v0 =	vld [tilespmem:$0x1FBC0]  }
0x300: {  	v6 =	vld.idx.msk [tilespmem:v2+s3+$0x0], $0xffff  }
0x301: {  	v2 =	vld [tilespmem:$0x1FBF0]  }
0x302: {  	v40 =	vld [tilespmem:$0x1FE50]  }
0x303: {  	[tilespmem:s24+$0x0] =	vst v1;
	v1 =	vld [tilespmem:$0x1FC10]  }
0x304: {  	v49 =	vld [tilespmem:$0x1F970]  }
0x305: {  	v23 =	vld [tilespmem:$0x1F960];
	s28 =	rddreg [dreg:$0x13]  }
0x306: {  	v34 =	vmov v48;
	v48 =	vld [tilespmem:$0x1FE80];
	[tilespmem:s28+$0x0] =	vst v7  }
0x307: {  	s1 =	sor.u32 s22, s31;
	v0 =	vld.idx.msk [tilespmem:v0+s3+$0x0], $0xffff  }
0x308: {  	[tilespmem:s1+$0x0] =	vst v3;
	v13 =	vmov v1;
	v1 =	vld [tilespmem:$0x1FC20]  }
0x309: {  	v5 =	vld.idx.msk [tilespmem:v2+s3+$0x0], $0xffff  }
0x30a: {  	v2 =	vld [tilespmem:$0x1FC00]  }
0x30b: {  	v7 =	vor.u32 v48, v33;
	v3 =	vld [tilespmem:$0x1FC30]  }
0x30c: {  	v29 =	vld [tilespmem:$0x1FE60]  }
0x30d: {  	p1 =	slt.u32 s4, $0x1C;
	v47 =	vld [tilespmem:$0x1FE90];
	s29 =	sadd.s32 $0x17880, s23  }
.Ltmp0:
0x30e: {  	v38 =	vld [tilespmem:$0x1F9E0];
	s31 =	sor.u32 s21, s29;
	(pc) =	sbr.rel @p1 .LBB2_3-.Ltmp0, $4  }
0x30f: {  	v19 =	vld [tilespmem:$0x1FB40];
	[tilespmem:s31+$0x0] =	vst v4  }
0x310: {  	s25 =	rddreg [dreg:$0xb];
	[tilespmem:s7+$0x0] =	vst v8;
	v8 =	vmov v3;
	v3 =	vld.idx.msk [tilespmem:v7+s3+$0x0], $0xffff  }
0x311: {  	v45 =	vmov v61;
	s17 =	simm.s32 $0x10100;
	s30 =	sor.u32 s19, s29;
	s18 =	rddreg [dreg:$0x6];
	v1 =	vld.idx.msk [tilespmem:v1+s3+$0x0], $0xffff  }
0x312: {  	v61 =	vmovc v52;
	v58 =	vmovc v17;
	v17 =	vmov v28;
	v63 =	vmov v59;
	v16 =	vmov v30;
	s0 =	sor.u32 s22, s29;
	s24 =	rddreg [dreg:$0x9];
	s1 =	sor.u32 s20, s29;
	v2 =	vld.idx.msk [tilespmem:v2+s3+$0x0], $0xffff;
	[tilespmem:s30+$0x0] =	vst v9  }
0x313: {  	v4 =	vor.u32 v47, v33  }
0x314: {  	s4 =	sadd.s32 $0x18500, s23  }
0x315: {  	[tilespmem:s1+$0x0] =	vst v6;
	s6 =	sor.u32 s21, s4  }
0x316: {  	[tilespmem:s6+$0x0] =	vst v3  }
0x317: {  	v31 =	vld [tilespmem:$0x1FEC0]  }
0x318: {  	v3 =	vld.idx.msk [tilespmem:v4+s3+$0x0], $0xffff  }
0x319: {  	v4 =	vld [tilespmem:$0x1FC80];
	[tilespmem:s0+$0x0] =	vst v5  }
0x31a: {  	v5 =	vld [tilespmem:$0x1FC90];
	_ =	sdelay $0x6  }
0x31b: {  	v6 =	vor.u32 v31, v33;
	v4 =	vld.idx.msk [tilespmem:v4+s3+$0x0], $0xffff  }
0x31c: {  	v5 =	vld.idx.msk [tilespmem:v5+s3+$0x0], $0xffff  }
0x31d: {  	s0 =	sadd.s32 $0x18580, s23  }
0x31e: {  	v7 =	vld [tilespmem:$0x1FCA0];
	s7 =	sor.u32 s21, s0  }
0x31f: {  	s9 =	sor.u32 s19, s4;
	[tilespmem:s7+$0x0] =	vst v3  }
0x320: {  	s10 =	sor.u32 s20, s4;
	v3 =	vld.idx.msk [tilespmem:v6+s3+$0x0], $0xffff;
	[tilespmem:s9+$0x0] =	vst v4  }
0x321: {  	v4 =	vld [tilespmem:$0x1FCB0];
	[tilespmem:s10+$0x0] =	vst v5  }
0x322: {  	v6 =	vld [tilespmem:$0x1FCC0];
	_ =	sdelay $0x3  }
0x323: {  	v7 =	vld.idx.msk [tilespmem:v7+s3+$0x0], $0xffff;
	_ =	sdelay $0x2  }
0x324: {  	v4 =	vld.idx.msk [tilespmem:v4+s3+$0x0], $0xffff  }
0x325: {  	s18 =	sor.u32 s22, s4;
	v6 =	vld.idx.msk [tilespmem:v6+s3+$0x0], $0xffff  }
0x326: {  	s26 =	sadd.s32 $0x18600, s23;
	v44 =	vld [tilespmem:$0x1FF00];
	[tilespmem:s18+$0x0] =	vst v7  }
0x327: {  	s29 =	sor.u32 s21, s26;
	v7 =	vld [tilespmem:$0x1FCD0]  }
0x328: {  	s30 =	sor.u32 s19, s0;
	[tilespmem:s29+$0x0] =	vst v3  }
0x329: {  	s7 =	sor.u32 s20, s0;
	[tilespmem:s30+$0x0] =	vst v4  }
0x32a: {  	[tilespmem:s7+$0x0] =	vst v6  }
0x32b: {  	v4 =	vld [tilespmem:$0x1FCE0]  }
0x32c: {  	v5 =	vor.u32 v44, v33;
	_ =	sdelay $0x1  }
0x32d: {  	v46 =	vld [tilespmem:$0x1FEA0]  }
0x32e: {  	v7 =	vld.idx.msk [tilespmem:v7+s3+$0x0], $0xffff;
	_ =	sdelay $0x1  }
0x32f: {  	v3 =	vld.idx.msk [tilespmem:v5+s3+$0x0], $0xffff  }
0x330: {  	v6 =	vld.idx.msk [tilespmem:v57+s3+$0x0], $0xffff  }
0x331: {  	s0 =	sor.u32 s22, s0;
	v5 =	vor.u32 v46, v33;
	v4 =	vld.idx.msk [tilespmem:v4+s3+$0x0], $0xffff  }
0x332: {  	[tilespmem:s0+$0x0] =	vst v7;
	s0 =	sadd.s32 $0x18680, s23  }
0x333: {  	v7 =	vld.idx.msk [tilespmem:v19+s3+$0x0], $0xffff;
	s9 =	sor.u32 s21, s0  }
0x334: {  	s18 =	sor.u32 s20, s26;
	[tilespmem:s9+$0x0] =	vst v3  }
0x335: {  	s10 =	sor.u32 s19, s26;
	[tilespmem:s18+$0x0] =	vst v6  }
0x336: {  	v3 =	vld.idx.msk [tilespmem:v5+s3+$0x0], $0xffff;
	[tilespmem:s10+$0x0] =	vst v4  }
0x337: {  	s1 =	sor.u32 s22, s26;
	v57 =	vld [tilespmem:$0x1FFC0]  }
0x338: {  	v5 =	vld [tilespmem:$0x1FCF0];
	[tilespmem:s1+$0x0] =	vst v7  }
0x339: {  	v6 =	vld [tilespmem:$0x1FD00]  }
0x33a: {  	v7 =	vld [tilespmem:$0x1FD20];
	_ =	sdelay $0x5  }
0x33b: {  	v5 =	vld.idx.msk [tilespmem:v5+s3+$0x0], $0xffff  }
0x33c: {  	v6 =	vld.idx.msk [tilespmem:v6+s3+$0x0], $0xffff  }
0x33d: {  	s26 =	sadd.s32 $0x18700, s23;
	v7 =	vld.idx.msk [tilespmem:v7+s3+$0x0], $0xffff  }
0x33e: {  	s29 =	sor.u32 s21, s26  }
0x33f: {  	s30 =	sor.u32 s19, s0;
	[tilespmem:s29+$0x0] =	vst v3  }
0x340: {  	s7 =	sor.u32 s20, s0;
	[tilespmem:s30+$0x0] =	vst v5  }
0x341: {  	s0 =	sor.u32 s22, s0;
	[tilespmem:s7+$0x0] =	vst v6  }
0x342: {  	v5 =	vld [tilespmem:$0x1FD10];
	[tilespmem:s0+$0x0] =	vst v7  }
0x343: {  	v6 =	vld [tilespmem:$0x1FD30]  }
0x344: {  	v4 =	vor.u32 v57, v33;
	v7 =	vld [tilespmem:$0x1FD50];
	_ =	sdelay $0x4  }
0x345: {  	v3 =	vld.idx.msk [tilespmem:v4+s3+$0x0], $0xffff  }
0x346: {  	v5 =	vld.idx.msk [tilespmem:v5+s3+$0x0], $0xffff  }
0x347: {  	v6 =	vld.idx.msk [tilespmem:v6+s3+$0x0], $0xffff  }
0x348: {  	s0 =	sadd.s32 $0x18780, s23;
	v7 =	vld.idx.msk [tilespmem:v7+s3+$0x0], $0xffff  }
0x349: {  	s9 =	sor.u32 s21, s0  }
0x34a: {  	s10 =	sor.u32 s19, s26;
	[tilespmem:s9+$0x0] =	vst v3  }
0x34b: {  	s18 =	sor.u32 s20, s26;
	[tilespmem:s10+$0x0] =	vst v5  }
0x34c: {  	s1 =	sor.u32 s22, s26;
	[tilespmem:s18+$0x0] =	vst v6  }
0x34d: {  	v5 =	vld [tilespmem:$0x1FD40];
	[tilespmem:s1+$0x0] =	vst v7  }
0x34e: {  	v6 =	vld [tilespmem:$0x1FD60]  }
0x34f: {  	v4 =	vor.u32 v61, v33;
	v7 =	vld [tilespmem:$0x1FD80];
	_ =	sdelay $0x4  }
0x350: {  	v3 =	vld.idx.msk [tilespmem:v4+s3+$0x0], $0xffff  }
0x351: {  	v5 =	vld.idx.msk [tilespmem:v5+s3+$0x0], $0xffff  }
0x352: {  	v6 =	vld.idx.msk [tilespmem:v6+s3+$0x0], $0xffff  }
0x353: {  	s26 =	sadd.s32 $0x18800, s23;
	v7 =	vld.idx.msk [tilespmem:v7+s3+$0x0], $0xffff  }
0x354: {  	s29 =	sor.u32 s21, s26  }
0x355: {  	s30 =	sor.u32 s19, s0;
	[tilespmem:s29+$0x0] =	vst v3  }
0x356: {  	s7 =	sor.u32 s20, s0;
	[tilespmem:s30+$0x0] =	vst v5  }
0x357: {  	s0 =	sor.u32 s22, s0;
	[tilespmem:s7+$0x0] =	vst v6  }
0x358: {  	v5 =	vld [tilespmem:$0x1FD70];
	[tilespmem:s0+$0x0] =	vst v7  }
0x359: {  	v6 =	vld [tilespmem:$0x1FD90]  }
0x35a: {  	v4 =	vor.u32 v54, v33;
	v7 =	vld [tilespmem:$0x1FDA0];
	_ =	sdelay $0x4  }
0x35b: {  	v3 =	vld.idx.msk [tilespmem:v4+s3+$0x0], $0xffff  }
0x35c: {  	v5 =	vld.idx.msk [tilespmem:v5+s3+$0x0], $0xffff  }
0x35d: {  	v6 =	vld.idx.msk [tilespmem:v6+s3+$0x0], $0xffff  }
0x35e: {  	s0 =	sadd.s32 $0x18880, s23;
	v7 =	vld.idx.msk [tilespmem:v7+s3+$0x0], $0xffff  }
0x35f: {  	s9 =	sor.u32 s21, s0  }
0x360: {  	s10 =	sor.u32 s19, s26;
	[tilespmem:s9+$0x0] =	vst v3  }
0x361: {  	s18 =	sor.u32 s20, s26;
	[tilespmem:s10+$0x0] =	vst v5  }
0x362: {  	s1 =	sor.u32 s22, s26;
	v56 =	vld [tilespmem:$0x1FFB0];
	[tilespmem:s18+$0x0] =	vst v6  }
0x363: {  	v5 =	vld [tilespmem:$0x1FDB0];
	[tilespmem:s1+$0x0] =	vst v7  }
0x364: {  	v6 =	vld [tilespmem:$0x1FDC0]  }
0x365: {  	v4 =	vor.u32 v62, v33;
	v7 =	vld [tilespmem:$0x1FDD0];
	_ =	sdelay $0x4  }
0x366: {  	v3 =	vld.idx.msk [tilespmem:v4+s3+$0x0], $0xffff  }
0x367: {  	v4 =	vor.u32 v56, v33;
	v5 =	vld.idx.msk [tilespmem:v5+s3+$0x0], $0xffff  }
0x368: {  	v6 =	vld.idx.msk [tilespmem:v6+s3+$0x0], $0xffff  }
0x369: {  	s26 =	sadd.s32 $0x19500, s23;
	v7 =	vld.idx.msk [tilespmem:v7+s3+$0x0], $0xffff  }
0x36a: {  	s29 =	sor.u32 s21, s26  }
0x36b: {  	s30 =	sor.u32 s19, s0;
	[tilespmem:s29+$0x0] =	vst v3  }
0x36c: {  	s7 =	sor.u32 s20, s0;
	v3 =	vld.idx.msk [tilespmem:v4+s3+$0x0], $0xffff;
	[tilespmem:s30+$0x0] =	vst v5  }
0x36d: {  	s0 =	sor.u32 s22, s0;
	v43 =	vld [tilespmem:$0x1FF60];
	[tilespmem:s7+$0x0] =	vst v6  }
0x36e: {  	v5 =	vld.idx.msk [tilespmem:v45+s3+$0x0], $0xffff;
	[tilespmem:s0+$0x0] =	vst v7  }
0x36f: {  	v7 =	vld [tilespmem:$0x1FDE0];
	_ =	sdelay $0x1  }
0x370: {  	s0 =	sadd.s32 $0x19580, s23  }
0x371: {  	s9 =	sor.u32 s21, s0  }
0x372: {  	s10 =	sor.u32 s19, s26;
	[tilespmem:s9+$0x0] =	vst v3  }
0x373: {  	v6 =	vld.idx.msk [tilespmem:v63+s3+$0x0], $0xffff;
	v4 =	vor.u32 v43, v33;
	[tilespmem:s10+$0x0] =	vst v5  }
0x374: {  	v45 =	vld [tilespmem:$0x1FF70];
	_ =	sdelay $0x1  }
0x375: {  	v7 =	vld.idx.msk [tilespmem:v7+s3+$0x0], $0xffff  }
0x376: {  	v5 =	vld.idx.msk [tilespmem:v51+s3+$0x0], $0xffff  }
0x377: {  	s18 =	sor.u32 s20, s26;
	v3 =	vld.idx.msk [tilespmem:v4+s3+$0x0], $0xffff  }
0x378: {  	[tilespmem:s18+$0x0] =	vst v6;
	v4 =	vor.u32 v45, v33  }
0x379: {  	s1 =	sor.u32 s22, s26;
	v6 =	vld.idx.msk [tilespmem:v55+s3+$0x0], $0xffff  }
0x37a: {  	s26 =	sadd.s32 $0x19600, s23;
	s30 =	sor.u32 s19, s0;
	[tilespmem:s1+$0x0] =	vst v7  }
0x37b: {  	s29 =	sor.u32 s21, s26;
	[tilespmem:s30+$0x0] =	vst v5;
	v7 =	vld.idx.msk [tilespmem:v58+s3+$0x0], $0xffff  }
0x37c: {  	v5 =	vld.idx.msk [tilespmem:v34+s3+$0x0], $0xffff;
	[tilespmem:s29+$0x0] =	vst v3  }
0x37d: {  	s7 =	sor.u32 s20, s0;
	v3 =	vld.idx.msk [tilespmem:v4+s3+$0x0], $0xffff  }
0x37e: {  	v52 =	vld [tilespmem:$0x1FF80];
	[tilespmem:s7+$0x0] =	vst v6  }
0x37f: {  	s0 =	sor.u32 s22, s0;
	[tilespmem:s13+$0x0] =	vst v0;
	v6 =	vld.idx.msk [tilespmem:v35+s3+$0x0], $0xffff  }
0x380: {  	[tilespmem:s0+$0x0] =	vst v7  }
0x381: {  	s9 =	sadd.s32 $0x19680, s23;
	[tilespmem:s2+$0x0] =	vst v2;
	s13 =	sor.u32 s19, s26;
	v0 =	vld.idx.msk [tilespmem:v36+s3+$0x0], $0xffff  }
0x382: {  	s10 =	sor.u32 s21, s9;
	[tilespmem:s13+$0x0] =	vst v5  }
0x383: {  	s18 =	sor.u32 s20, s26;
	[tilespmem:s10+$0x0] =	vst v3  }
0x384: {  	v30 =	vld [tilespmem:$0x1FEB0];
	[tilespmem:s18+$0x0] =	vst v6  }
0x385: {  	s1 =	sor.u32 s22, s26;
	[tilespmem:s12+$0x0] =	vst v1  }
0x386: {  	v4 =	vor.u32 v52, v33;
	[tilespmem:s1+$0x0] =	vst v0  }
0x387: {  	v6 =	vld [tilespmem:$0x1FC40];
	_ =	sdelay $0x3  }
0x388: {  	v2 =	vld.idx.msk [tilespmem:v4+s3+$0x0], $0xffff;
	s2 =	rddreg [dreg:$0x8]  }
0x389: {  	v1 =	vld [tilespmem:$0x1FC60];
	[tilespmem:s2+$0x0] =	vst v6  }
0x38a: {  	v6 =	vld [tilespmem:$0x1FC50]  }
0x38b: {  	v3 =	vor.u32 v30, v33;
	_ =	sdelay $0x1  }
0x38c: {  	s26 =	sadd.s32 $0x19700, s23;
	v4 =	vld.idx.msk [tilespmem:v32+s3+$0x0], $0xffff  }
0x38d: {  	s29 =	sor.u32 s21, s26;
	v5 =	vld.idx.msk [tilespmem:v18+s3+$0x0], $0xffff  }
0x38e: {  	v0 =	vld.idx.msk [tilespmem:v17+s3+$0x0], $0xffff;
	[tilespmem:s29+$0x0] =	vst v2  }
0x38f: {  	v2 =	vld.idx.msk [tilespmem:v3+s3+$0x0], $0xffff  }
0x390: {  	s30 =	sor.u32 s19, s9;
	v1 =	vld.idx.msk [tilespmem:v1+s3+$0x0], $0xffff  }
0x391: {  	[tilespmem:s30+$0x0] =	vst v4;
	v6 =	vld.idx.msk [tilespmem:v6+s3+$0x0], $0xffff  }
0x392: {  	s6 =	sor.u32 s20, s9;
	v51 =	vld [tilespmem:$0x1FF10]  }
0x393: {  	s0 =	sor.u32 s22, s9;
	v4 =	vld.idx.msk [tilespmem:v14+s3+$0x0], $0xffff;
	[tilespmem:s6+$0x0] =	vst v5  }
0x394: {  	[tilespmem:s0+$0x0] =	vst v0  }
0x395: {  	s7 =	sadd.s32 $0x19780, s23;
	[tilespmem:s14+$0x0] =	vst v1  }
0x396: {  	s9 =	sor.u32 s21, s7;
	v1 =	vld.idx.msk [tilespmem:v38+s3+$0x0], $0xffff;
	[tilespmem:s8+$0x0] =	vst v6  }
0x397: {  	s10 =	sor.u32 s19, s26;
	v6 =	vld [tilespmem:$0x1FC70];
	[tilespmem:s9+$0x0] =	vst v2  }
0x398: {  	v5 =	vld.idx.msk [tilespmem:v16+s3+$0x0], $0xffff;
	v3 =	vor.u32 v51, v33;
	[tilespmem:s10+$0x0] =	vst v4  }
0x399: {  	v55 =	vld [tilespmem:$0x1FEF0]  }
0x39a: {  	v0 =	vld.idx.msk [tilespmem:v12+s3+$0x0], $0xffff;
	_ =	sdelay $0x1  }
0x39b: {  	[tilespmem:s15+$0x0] =	vst v1;
	v1 =	vld.idx.msk [tilespmem:v21+s3+$0x0], $0xffff  }
0x39c: {  	s12 =	sor.u32 s20, s26;
	v2 =	vld.idx.msk [tilespmem:v3+s3+$0x0], $0xffff  }
0x39d: {  	s1 =	sor.u32 s22, s26;
	v4 =	vld.idx.msk [tilespmem:v13+s3+$0x0], $0xffff;
	[tilespmem:s12+$0x0] =	vst v5;
	v3 =	vor.u32 v55, v33  }
0x39e: {  	[tilespmem:s1+$0x0] =	vst v0;
	v5 =	vld.idx.msk [tilespmem:v8+s3+$0x0], $0xffff  }
0x39f: {  	s13 =	sadd.s32 $0x19800, s23;
	[tilespmem:s25+$0x0] =	vst v50;
	v0 =	vld.idx.msk [tilespmem:v27+s3+$0x0], $0xffff  }
0x3a0: {  	s14 =	sor.u32 s21, s13;
	[tilespmem:s24+$0x0] =	vst v1;
	v1 =	vld.idx.msk [tilespmem:v49+s3+$0x0], $0xffff  }
0x3a1: {  	s15 =	sor.u32 s19, s7;
	[tilespmem:s14+$0x0] =	vst v2;
	v6 =	vld.idx.msk [tilespmem:v6+s3+$0x0], $0xffff  }
0x3a2: {  	s18 =	sor.u32 s20, s7;
	[tilespmem:s15+$0x0] =	vst v4;
	v2 =	vld.idx.msk [tilespmem:v3+s3+$0x0], $0xffff  }
0x3a3: {  	s0 =	sor.u32 s22, s7;
	[tilespmem:s18+$0x0] =	vst v5;
	v3 =	vld.idx.msk [tilespmem:v25+s3+$0x0], $0xffff  }
0x3a4: {  	[tilespmem:s0+$0x0] =	vst v0;
	v4 =	vld.idx.msk [tilespmem:v26+s3+$0x0], $0xffff  }
0x3a5: {  	s23 =	sadd.s32 $0x19880, s23;
	v0 =	vld.idx.msk [tilespmem:v20+s3+$0x0], $0xffff;
	[tilespmem:s16+$0x0] =	vst v1  }
0x3a6: {  	s24 =	sor.u32 s21, s23;
	[tilespmem:s11+$0x0] =	vst v6  }
0x3a7: {  	s25 =	sor.u32 s19, s13;
	v5 =	vld.idx.msk [tilespmem:v23+s3+$0x0], $0xffff;
	[tilespmem:s24+$0x0] =	vst v2  }
0x3a8: {  	s26 =	sor.u32 s20, s13;
	v2 =	vld.idx.msk [tilespmem:v22+s3+$0x0], $0xffff;
	[tilespmem:s25+$0x0] =	vst v3  }
0x3a9: {  	s1 =	sor.u32 s22, s13;
	[tilespmem:s26+$0x0] =	vst v4;
	v3 =	vld.idx.msk [tilespmem:v39+s3+$0x0], $0xffff  }
0x3aa: {  	[tilespmem:s1+$0x0] =	vst v0;
	v0 =	vld.idx.msk [tilespmem:v53+s3+$0x0], $0xffff  }
0x3ab: {  	v1 =	vld.idx.msk [tilespmem:v24+s3+$0x0], $0xffff;
	s1 =	rddreg [dreg:$0xd]  }
0x3ac: {  	s4 =	simm.s32 $0x1000;
	s29 =	sor.u32 s19, s23;
	s8 =	simm.s32 $0x0;
	[tilespmem:s1+$0x0] =	vst v5  }
0x3ad: {  	s30 =	sor.u32 s20, s23;
	s6 =	simm.s32 $0x16500;
	s9 =	sand.u32 $0xFFFFFF80, s8;
	[tilespmem:s5+$0x0] =	vst v2  }
0x3ae: {  	s7 =	simm.s32 $0x0;
	s0 =	sor.u32 s22, s23;
	s2 =	rddreg [dreg:$0x1c];
	[tilespmem:s29+$0x0] =	vst v3  }
0x3af: {  	s24 =	sand.u32 $0x40, s7;
	s2 =	sshll.u32 s2, $0x14;
	s1 =	rddreg [dreg:$0x19];
	[tilespmem:s30+$0x0] =	vst v0  }
0x3b0: {  	s23 =	sor.u32 $0x30, s24;
	[tilespmem:s0+$0x0] =	vst v1;
	s1 =	sor.u32 s1, s2;
	s2 =	rddreg [dreg:$0x1]  }
0x3b1: {  	s10 =	sor.u32 s24, s9;
	s11 =	rddreg [dreg:$0x4];
	s1 =	sshrl.u32 s1, $0x3  }
0x3b2: {  	s0 =	sadd.s32 s2, s1;
	s1 =	sor.u32 s9, s23;
	s2 =	smul.u32 $0x32, s10  }
0x3b3: {  	s5 =	simm.s32 $0x20000;
	s14 =	sor.u32 $0x1, s11;
	s1 =	smul.u32 $0x32, s1  }
0x3b4: {  	[hbm4b:s0+s4] =	stream.strided.scatter [tilespmem:s6], [sflag:$0x1], $0x4000, s5, s4, $0x38;
	[tilespmem:$0x1E500] =	vst v63  }
0x3b5: {  	s26 =	sor.u32 $0x10, s24;
	s1 =	sadd.s32 s14, s1  }
0x3b6: {  	s25 =	sor.u32 $0x20, s24;
	s12 =	sor.u32 s9, s26;
	s2 =	sadd.s32 s14, s2;
	v0 =	vadd.s32 s1, v41  }
0x3b7: {  	s0 =	sor.u32 s9, s25;
	s4 =	smul.u32 $0x32, s12;
	v1 =	vadd.s32 s2, v41;
	s1 =	simm.s32 @!p0 $0x2  }
0x3b8: {  	s0 =	smul.u32 $0x32, s0;
	_ =	swait.ge @!p0 [sflag:s1], $0x4000  }
0x3b9: {  	s13 =	sadd.s32 s14, s4;
	[sflag:s1] =	ssyncset.done @!p0 $0x0  }
0x3ba: {  	v2 =	vadd.s32 s13, v41;
	s0 =	sadd.s32 s14, s0;
	[sflag:s1] =	ssyncadd.s32 @!p0 $0xFFFFC000  }
0x3bb: {  	v3 =	vadd.s32 s0, v41;
	v0 =	vld.idx.msk [tilespmem:v0+s17+$0x0], $0xffff  }
0x3bc: {  	v1 =	vld.idx.msk [tilespmem:v1+s17+$0x0], $0xffff;
	_ =	sdelay $0x2  }
0x3bd: {  	v2 =	vld.idx.msk [tilespmem:v2+s17+$0x0], $0xffff  }
0x3be: {  	v4 =	vld.idx.msk [tilespmem:v3+s17+$0x0], $0xffff;
	v3 =	vshll.u32 v0, $0x8  }
0x3bf: {  	v35 =	vshll.u32 v1, $0x8;
	v0 =	vor.u32 v42, v3  }
0x3c0: {  	v26 =	vld [tilespmem:$0x1FDF0];
	v1 =	vor.u32 v42, v35;
	_ =	sdelay $0x1  }
0x3c1: {  	v60 =	vshll.u32 v2, $0x8  }
0x3c2: {  	v2 =	vor.u32 v42, v60;
	v63 =	vshll.u32 v4, $0x8  }
0x3c3: {  	v4 =	vor.u32 v42, v63;
	v0 =	vld.idx.msk [tilespmem:v0+s3+$0x0], $0xffff  }
0x3c4: {  	s15 =	simm.s32 $0x0;
	v5 =	vor.u32 v26, v3;
	v1 =	vld.idx.msk [tilespmem:v1+s3+$0x0], $0xffff  }
0x3c5: {  	s4 =	sand.u32 $0x3FFFFC00, s15;
	v6 =	vor.u32 v26, v35  }
0x3c6: {  	s0 =	sadd.s32 $0x1A500, s4  }
0x3c7: {  	s16 =	sor.u32 s23, s0;
	v2 =	vld.idx.msk [tilespmem:v2+s3+$0x0], $0xffff  }
0x3c8: {  	s18 =	sor.u32 s24, s0;
	v4 =	vld.idx.msk [tilespmem:v4+s3+$0x0], $0xffff;
	[tilespmem:s16+$0x0] =	vst v0  }
0x3c9: {  	[tilespmem:s18+$0x0] =	vst v1;
	v1 =	vld.idx.msk [tilespmem:v5+s3+$0x0], $0xffff  }
0x3ca: {  	v5 =	vld.idx.msk [tilespmem:v6+s3+$0x0], $0xffff  }
0x3cb: {  	v20 =	vld [tilespmem:$0x1FE00]  }
0x3cc: {  	s19 =	sor.u32 s26, s0  }
0x3cd: {  	s20 =	sadd.s32 $0x1A580, s4;
	s0 =	sor.u32 s25, s0;
	[tilespmem:s19+$0x0] =	vst v2  }
0x3ce: {  	s21 =	sor.u32 s23, s20;
	v7 =	vor.u32 v26, v60;
	[tilespmem:s0+$0x0] =	vst v4  }
0x3cf: {  	s22 =	sor.u32 s24, s20;
	v0 =	vor.u32 v26, v63;
	[tilespmem:s21+$0x0] =	vst v1  }
0x3d0: {  	v6 =	vor.u32 v20, v3;
	[tilespmem:s22+$0x0] =	vst v5  }
0x3d1: {  	v8 =	vor.u32 v20, v35;
	v19 =	vld [tilespmem:$0x1FE10];
	_ =	sdelay $0x1  }
0x3d2: {  	v2 =	vld.idx.msk [tilespmem:v7+s3+$0x0], $0xffff  }
0x3d3: {  	v0 =	vld.idx.msk [tilespmem:v0+s3+$0x0], $0xffff;
	v4 =	vor.u32 v20, v60  }
0x3d4: {  	v1 =	vor.u32 v20, v63;
	v5 =	vld.idx.msk [tilespmem:v6+s3+$0x0], $0xffff  }
0x3d5: {  	v6 =	vld.idx.msk [tilespmem:v8+s3+$0x0], $0xffff;
	v7 =	vor.u32 v19, v3  }
0x3d6: {  	s29 =	sor.u32 s26, s20;
	v8 =	vor.u32 v19, v35  }
0x3d7: {  	s30 =	sadd.s32 $0x1A600, s4;
	s1 =	sor.u32 s25, s20;
	[tilespmem:s29+$0x0] =	vst v2  }
0x3d8: {  	s5 =	sor.u32 s23, s30;
	[tilespmem:s1+$0x0] =	vst v0;
	v2 =	vld.idx.msk [tilespmem:v4+s3+$0x0], $0xffff  }
0x3d9: {  	s6 =	sor.u32 s24, s30;
	v1 =	vld.idx.msk [tilespmem:v1+s3+$0x0], $0xffff;
	v0 =	vor.u32 v19, v60;
	[tilespmem:s5+$0x0] =	vst v5  }
0x3da: {  	v4 =	vor.u32 v19, v63;
	[tilespmem:s6+$0x0] =	vst v6;
	v5 =	vld.idx.msk [tilespmem:v7+s3+$0x0], $0xffff  }
0x3db: {  	v6 =	vld.idx.msk [tilespmem:v8+s3+$0x0], $0xffff;
	v7 =	vor.u32 v40, v3  }
0x3dc: {  	s7 =	sor.u32 s26, s30;
	v8 =	vor.u32 v40, v35  }
0x3dd: {  	s8 =	sadd.s32 $0x1A680, s4;
	s0 =	sor.u32 s25, s30;
	[tilespmem:s7+$0x0] =	vst v2  }
0x3de: {  	s9 =	sor.u32 s23, s8;
	[tilespmem:s0+$0x0] =	vst v1;
	v0 =	vld.idx.msk [tilespmem:v0+s3+$0x0], $0xffff  }
0x3df: {  	s10 =	sor.u32 s24, s8;
	v2 =	vld.idx.msk [tilespmem:v4+s3+$0x0], $0xffff;
	[tilespmem:s9+$0x0] =	vst v5  }
0x3e0: {  	[tilespmem:s10+$0x0] =	vst v6;
	v5 =	vld.idx.msk [tilespmem:v7+s3+$0x0], $0xffff  }
0x3e1: {  	v1 =	vor.u32 v40, v60;
	v6 =	vld.idx.msk [tilespmem:v8+s3+$0x0], $0xffff  }
0x3e2: {  	s11 =	sor.u32 s26, s8  }
0x3e3: {  	s12 =	sadd.s32 $0x1A700, s4;
	s1 =	sor.u32 s25, s8;
	v4 =	vor.u32 v40, v63;
	[tilespmem:s11+$0x0] =	vst v0  }
0x3e4: {  	s13 =	sor.u32 s23, s12;
	[tilespmem:s1+$0x0] =	vst v2;
	v7 =	vor.u32 v29, v3  }
0x3e5: {  	s15 =	sor.u32 s24, s12;
	v8 =	vor.u32 v29, v35;
	[tilespmem:s13+$0x0] =	vst v5  }
0x3e6: {  	v0 =	vld.idx.msk [tilespmem:v1+s3+$0x0], $0xffff;
	[tilespmem:s15+$0x0] =	vst v6  }
0x3e7: {  	v22 =	vld [tilespmem:$0x1FF20]  }
0x3e8: {  	v2 =	vld.idx.msk [tilespmem:v4+s3+$0x0], $0xffff  }
0x3e9: {  	v1 =	vor.u32 v29, v60;
	v5 =	vld.idx.msk [tilespmem:v7+s3+$0x0], $0xffff  }
0x3ea: {  	v4 =	vor.u32 v29, v63;
	v6 =	vld.idx.msk [tilespmem:v8+s3+$0x0], $0xffff  }
0x3eb: {  	s16 =	sor.u32 s26, s12  }
0x3ec: {  	s18 =	sadd.s32 $0x1A780, s4;
	s0 =	sor.u32 s25, s12;
	[tilespmem:s16+$0x0] =	vst v0;
	v7 =	vor.u32 v22, v3  }
0x3ed: {  	s19 =	sor.u32 s23, s18;
	[tilespmem:s0+$0x0] =	vst v2;
	v8 =	vor.u32 v22, v35  }
0x3ee: {  	s20 =	sor.u32 s24, s18;
	v0 =	vld.idx.msk [tilespmem:v1+s3+$0x0], $0xffff;
	[tilespmem:s19+$0x0] =	vst v5  }
0x3ef: {  	v2 =	vld.idx.msk [tilespmem:v4+s3+$0x0], $0xffff;
	[tilespmem:s20+$0x0] =	vst v6  }
0x3f0: {  	v58 =	vld [tilespmem:$0x1FF50]  }
0x3f1: {  	v5 =	vld.idx.msk [tilespmem:v7+s3+$0x0], $0xffff  }
0x3f2: {  	v1 =	vor.u32 v22, v60;
	v6 =	vld.idx.msk [tilespmem:v8+s3+$0x0], $0xffff  }
0x3f3: {  	s21 =	sor.u32 s26, s18  }
0x3f4: {  	s22 =	sadd.s32 $0x1A800, s4;
	s1 =	sor.u32 s25, s18;
	v4 =	vor.u32 v22, v63;
	[tilespmem:s21+$0x0] =	vst v0  }
0x3f5: {  	s29 =	sor.u32 s23, s22;
	[tilespmem:s1+$0x0] =	vst v2;
	v7 =	vor.u32 v58, v3  }
0x3f6: {  	s30 =	sor.u32 s24, s22;
	v8 =	vor.u32 v58, v35;
	[tilespmem:s29+$0x0] =	vst v5  }
0x3f7: {  	v0 =	vld.idx.msk [tilespmem:v1+s3+$0x0], $0xffff;
	[tilespmem:s30+$0x0] =	vst v6  }
0x3f8: {  	v39 =	vld [tilespmem:$0x1FF90]  }
0x3f9: {  	v2 =	vld.idx.msk [tilespmem:v4+s3+$0x0], $0xffff  }
0x3fa: {  	v1 =	vor.u32 v58, v60;
	v5 =	vld.idx.msk [tilespmem:v7+s3+$0x0], $0xffff  }
0x3fb: {  	v4 =	vor.u32 v58, v63;
	v6 =	vld.idx.msk [tilespmem:v8+s3+$0x0], $0xffff  }
0x3fc: {  	s5 =	sor.u32 s26, s22  }
0x3fd: {  	s6 =	sadd.s32 $0x1A880, s4;
	s0 =	sor.u32 s25, s22;
	[tilespmem:s5+$0x0] =	vst v0;
	v7 =	vor.u32 v39, v3  }
0x3fe: {  	s7 =	sor.u32 s23, s6;
	[tilespmem:s0+$0x0] =	vst v2;
	v8 =	vor.u32 v39, v35  }
0x3ff: {  	s8 =	sor.u32 s24, s6;
	v0 =	vld.idx.msk [tilespmem:v1+s3+$0x0], $0xffff;
	[tilespmem:s7+$0x0] =	vst v5  }
0x400: {  	v2 =	vld.idx.msk [tilespmem:v4+s3+$0x0], $0xffff;
	[tilespmem:s8+$0x0] =	vst v6  }
0x401: {  	v53 =	vld [tilespmem:$0x1FFA0]  }
0x402: {  	v5 =	vld.idx.msk [tilespmem:v7+s3+$0x0], $0xffff  }
0x403: {  	v6 =	vld.idx.msk [tilespmem:v8+s3+$0x0], $0xffff  }
0x404: {  	s9 =	sor.u32 s26, s6  }
0x405: {  	s10 =	sadd.s32 $0x1B500, s4;
	s1 =	sor.u32 s25, s6;
	[tilespmem:s9+$0x0] =	vst v0  }
0x406: {  	s11 =	sor.u32 s23, s10;
	v1 =	vor.u32 v39, v60;
	[tilespmem:s1+$0x0] =	vst v2  }
0x407: {  	s12 =	sor.u32 s24, s10;
	v4 =	vor.u32 v39, v63;
	[tilespmem:s11+$0x0] =	vst v5  }
0x408: {  	v7 =	vor.u32 v53, v3;
	[tilespmem:s12+$0x0] =	vst v6  }
0x409: {  	v8 =	vor.u32 v53, v35;
	v25 =	vld [tilespmem:$0x1FF40];
	_ =	sdelay $0x1  }
0x40a: {  	v0 =	vld.idx.msk [tilespmem:v1+s3+$0x0], $0xffff  }
0x40b: {  	v2 =	vld.idx.msk [tilespmem:v4+s3+$0x0], $0xffff;
	v1 =	vor.u32 v53, v60  }
0x40c: {  	v4 =	vor.u32 v53, v63;
	v5 =	vld.idx.msk [tilespmem:v7+s3+$0x0], $0xffff  }
0x40d: {  	v6 =	vld.idx.msk [tilespmem:v8+s3+$0x0], $0xffff;
	v7 =	vor.u32 v25, v3  }
0x40e: {  	s13 =	sor.u32 s26, s10;
	v8 =	vor.u32 v25, v35  }
0x40f: {  	s15 =	sadd.s32 $0x1B580, s4;
	s0 =	sor.u32 s25, s10;
	[tilespmem:s13+$0x0] =	vst v0  }
0x410: {  	s16 =	sor.u32 s23, s15;
	[tilespmem:s0+$0x0] =	vst v2;
	v0 =	vld.idx.msk [tilespmem:v1+s3+$0x0], $0xffff  }
0x411: {  	s18 =	sor.u32 s24, s15;
	v2 =	vld.idx.msk [tilespmem:v4+s3+$0x0], $0xffff;
	v1 =	vor.u32 v25, v60;
	[tilespmem:s16+$0x0] =	vst v5  }
0x412: {  	v4 =	vor.u32 v25, v63;
	[tilespmem:s18+$0x0] =	vst v6;
	v5 =	vld.idx.msk [tilespmem:v7+s3+$0x0], $0xffff  }
0x413: {  	v6 =	vld.idx.msk [tilespmem:v8+s3+$0x0], $0xffff;
	v7 =	vor.u32 v37, v3  }
0x414: {  	s19 =	sor.u32 s26, s15;
	v8 =	vor.u32 v37, v35  }
0x415: {  	s20 =	sadd.s32 $0x1B600, s4;
	s1 =	sor.u32 s25, s15;
	[tilespmem:s19+$0x0] =	vst v0  }
0x416: {  	s21 =	sor.u32 s23, s20;
	[tilespmem:s1+$0x0] =	vst v2;
	v0 =	vld.idx.msk [tilespmem:v1+s3+$0x0], $0xffff  }
0x417: {  	s22 =	sor.u32 s24, s20;
	v2 =	vld.idx.msk [tilespmem:v4+s3+$0x0], $0xffff;
	[tilespmem:s21+$0x0] =	vst v5  }
0x418: {  	[tilespmem:s22+$0x0] =	vst v6;
	v5 =	vld.idx.msk [tilespmem:v7+s3+$0x0], $0xffff  }
0x419: {  	v6 =	vld.idx.msk [tilespmem:v8+s3+$0x0], $0xffff  }
0x41a: {  	v28 =	vld [tilespmem:$0x1FF30]  }
0x41b: {  	s29 =	sor.u32 s26, s20  }
0x41c: {  	s30 =	sadd.s32 $0x1B680, s4;
	s0 =	sor.u32 s25, s20;
	[tilespmem:s29+$0x0] =	vst v0  }
0x41d: {  	s5 =	sor.u32 s23, s30;
	v1 =	vor.u32 v37, v60;
	[tilespmem:s0+$0x0] =	vst v2  }
0x41e: {  	s6 =	sor.u32 s24, s30;
	v4 =	vor.u32 v37, v63;
	[tilespmem:s5+$0x0] =	vst v5  }
0x41f: {  	v7 =	vor.u32 v28, v3;
	[tilespmem:s6+$0x0] =	vst v6  }
0x420: {  	v8 =	vor.u32 v28, v35;
	v21 =	vld [tilespmem:$0x1FED0];
	_ =	sdelay $0x1  }
0x421: {  	v0 =	vld.idx.msk [tilespmem:v1+s3+$0x0], $0xffff  }
0x422: {  	v2 =	vld.idx.msk [tilespmem:v4+s3+$0x0], $0xffff;
	v1 =	vor.u32 v28, v60  }
0x423: {  	v4 =	vor.u32 v28, v63;
	v5 =	vld.idx.msk [tilespmem:v7+s3+$0x0], $0xffff  }
0x424: {  	v6 =	vld.idx.msk [tilespmem:v8+s3+$0x0], $0xffff;
	v7 =	vor.u32 v21, v3  }
0x425: {  	s7 =	sor.u32 s26, s30;
	v8 =	vor.u32 v21, v35  }
0x426: {  	s8 =	sadd.s32 $0x1B700, s4;
	s1 =	sor.u32 s25, s30;
	[tilespmem:s7+$0x0] =	vst v0  }
0x427: {  	s9 =	sor.u32 s23, s8;
	[tilespmem:s1+$0x0] =	vst v2;
	v0 =	vld.idx.msk [tilespmem:v1+s3+$0x0], $0xffff  }
0x428: {  	s10 =	sor.u32 s24, s8;
	v2 =	vld.idx.msk [tilespmem:v4+s3+$0x0], $0xffff;
	[tilespmem:s9+$0x0] =	vst v5  }
0x429: {  	[tilespmem:s10+$0x0] =	vst v6;
	v5 =	vld.idx.msk [tilespmem:v7+s3+$0x0], $0xffff  }
0x42a: {  	v6 =	vld.idx.msk [tilespmem:v8+s3+$0x0], $0xffff  }
0x42b: {  	v49 =	vld [tilespmem:$0x1FE20]  }
0x42c: {  	s11 =	sor.u32 s26, s8  }
0x42d: {  	s12 =	sadd.s32 $0x1B780, s4;
	s0 =	sor.u32 s25, s8;
	[tilespmem:s11+$0x0] =	vst v0  }
0x42e: {  	s13 =	sor.u32 s23, s12;
	v1 =	vor.u32 v21, v60;
	[tilespmem:s0+$0x0] =	vst v2  }
0x42f: {  	s15 =	sor.u32 s24, s12;
	v4 =	vor.u32 v21, v63;
	[tilespmem:s13+$0x0] =	vst v5  }
0x430: {  	v7 =	vor.u32 v49, v3;
	[tilespmem:s15+$0x0] =	vst v6  }
0x431: {  	v8 =	vor.u32 v49, v35;
	v38 =	vld [tilespmem:$0x1FEE0];
	_ =	sdelay $0x1  }
0x432: {  	v0 =	vld.idx.msk [tilespmem:v1+s3+$0x0], $0xffff  }
0x433: {  	v2 =	vld.idx.msk [tilespmem:v4+s3+$0x0], $0xffff;
	v1 =	vor.u32 v49, v60  }
0x434: {  	v4 =	vor.u32 v49, v63;
	v5 =	vld.idx.msk [tilespmem:v7+s3+$0x0], $0xffff  }
0x435: {  	v6 =	vld.idx.msk [tilespmem:v8+s3+$0x0], $0xffff;
	v7 =	vor.u32 v38, v3  }
0x436: {  	s16 =	sor.u32 s26, s12;
	v8 =	vor.u32 v38, v35  }
0x437: {  	s18 =	sadd.s32 $0x1B800, s4;
	s1 =	sor.u32 s25, s12;
	[tilespmem:s16+$0x0] =	vst v0  }
0x438: {  	s19 =	sor.u32 s23, s18;
	[tilespmem:s1+$0x0] =	vst v2;
	v0 =	vld.idx.msk [tilespmem:v1+s3+$0x0], $0xffff  }
0x439: {  	s20 =	sor.u32 s24, s18;
	v1 =	vld.idx.msk [tilespmem:v4+s3+$0x0], $0xffff;
	[tilespmem:s19+$0x0] =	vst v5  }
0x43a: {  	v2 =	vor.u32 v38, v60;
	[tilespmem:s20+$0x0] =	vst v6;
	v4 =	vld.idx.msk [tilespmem:v7+s3+$0x0], $0xffff  }
0x43b: {  	v6 =	vld.idx.msk [tilespmem:v8+s3+$0x0], $0xffff  }
0x43c: {  	s21 =	sor.u32 s26, s18;
	v7 =	vor.u32 v48, v3  }
0x43d: {  	s22 =	sadd.s32 $0x1B880, s4;
	s0 =	sor.u32 s25, s18;
	v5 =	vor.u32 v38, v63;
	[tilespmem:s21+$0x0] =	vst v0  }
0x43e: {  	s6 =	sor.u32 s23, s22;
	[tilespmem:s0+$0x0] =	vst v1  }
0x43f: {  	s7 =	sor.u32 s24, s22;
	v1 =	vor.u32 v48, v35;
	v0 =	vld.idx.msk [tilespmem:v2+s3+$0x0], $0xffff;
	[tilespmem:s6+$0x0] =	vst v4  }
0x440: {  	s8 =	simm.s32 $0x40;
	[tilespmem:s7+$0x0] =	vst v6;
	v6 =	vor.u32 v48, v60  }
0x441: {  	s29 =	sand.u32 $0x40, s8;
	s9 =	simm.s32 $0x40;
	v4 =	vld.idx.msk [tilespmem:v7+s3+$0x0], $0xffff  }
0x442: {  	s10 =	sand.u32 $0xFFFFFF80, s9;
	s1 =	sor.u32 $0x30, s29;
	v2 =	vld.idx.msk [tilespmem:v5+s3+$0x0], $0xffff;
	v5 =	vor.u32 v47, v3  }
0x443: {  	s11 =	sor.u32 s10, s1;
	s7 =	sor.u32 s26, s22  }
0x444: {  	s12 =	sadd.s32 $0x1C500, s4;
	s13 =	sor.u32 s29, s10;
	s5 =	smul.u32 $0x32, s11;
	v7 =	vor.u32 v48, v63;
	v1 =	vld.idx.msk [tilespmem:v1+s3+$0x0], $0xffff;
	[tilespmem:s7+$0x0] =	vst v0  }
0x445: {  	s30 =	sor.u32 $0x10, s29;
	s9 =	sor.u32 s23, s12;
	s8 =	smul.u32 $0x32, s13;
	v8 =	vor.u32 v47, v35;
	v6 =	vld.idx.msk [tilespmem:v6+s3+$0x0], $0xffff  }
0x446: {  	v9 =	vor.u32 v47, v60;
	s2 =	sor.u32 s25, s22;
	s15 =	sor.u32 s10, s30;
	s5 =	sadd.s32 s14, s5;
	[tilespmem:s9+$0x0] =	vst v4  }
0x447: {  	s31 =	sor.u32 $0x20, s29;
	s16 =	smul.u32 $0x32, s15;
	s18 =	sadd.s32 s14, s8;
	v4 =	vld.idx.msk [tilespmem:v5+s3+$0x0], $0xffff;
	v5 =	vadd.s32 s5, v41  }
0x448: {  	s0 =	sor.u32 s10, s31;
	s19 =	sor.u32 s24, s12;
	[tilespmem:s2+$0x0] =	vst v2;
	v2 =	vadd.s32 s18, v41  }
0x449: {  	s20 =	sadd.s32 s14, s16;
	s0 =	smul.u32 $0x32, s0;
	v0 =	vor.u32 v31, v3;
	s7 =	sor.u32 s26, s12;
	v7 =	vld.idx.msk [tilespmem:v7+s3+$0x0], $0xffff;
	[tilespmem:s19+$0x0] =	vst v1  }
0x44a: {  	v1 =	vld.idx.msk [tilespmem:v8+s3+$0x0], $0xffff;
	v8 =	vadd.s32 s20, v41;
	[tilespmem:s7+$0x0] =	vst v6  }
0x44b: {  	s21 =	sadd.s32 $0x1C580, s4;
	s0 =	sadd.s32 s14, s0;
	v6 =	vld.idx.msk [tilespmem:v9+s3+$0x0], $0xffff  }
0x44c: {  	v10 =	vadd.s32 s0, v41;
	s22 =	sor.u32 s23, s21;
	v5 =	vld.idx.msk [tilespmem:v5+s17+$0x0], $0xffff  }
0x44d: {  	[tilespmem:s22+$0x0] =	vst v4;
	v4 =	vld.idx.msk [tilespmem:v2+s17+$0x0], $0xffff  }
0x44e: {  	v0 =	vld.idx.msk [tilespmem:v0+s3+$0x0], $0xffff  }
0x44f: {  	v9 =	vor.u32 v44, v3;
	v8 =	vld.idx.msk [tilespmem:v8+s17+$0x0], $0xffff  }
0x450: {  	v11 =	vor.u32 v47, v63  }
0x451: {  	v12 =	vor.u32 v31, v35;
	v10 =	vld.idx.msk [tilespmem:v10+s17+$0x0], $0xffff;
	s2 =	sadd.s32 $0x1C600, s4  }
0x452: {  	v13 =	vor.u32 v31, v60;
	s8 =	sor.u32 s23, s2;
	v2 =	vshll.u32 v5, $0x8  }
0x453: {  	s6 =	sor.u32 s25, s12;
	v59 =	vshll.u32 v4, $0x8;
	[tilespmem:s8+$0x0] =	vst v0;
	v4 =	vor.u32 v42, v2  }
0x454: {  	s9 =	sor.u32 s24, s21;
	[tilespmem:s6+$0x0] =	vst v7;
	v7 =	vor.u32 v42, v59;
	v0 =	vshll.u32 v8, $0x8;
	v5 =	vld.idx.msk [tilespmem:v9+s3+$0x0], $0xffff  }
0x455: {  	s10 =	sor.u32 s26, s21;
	[tilespmem:s9+$0x0] =	vst v1;
	v9 =	vld.idx.msk [tilespmem:v11+s3+$0x0], $0xffff;
	v11 =	vor.u32 v42, v0  }
0x456: {  	v1 =	vshll.u32 v10, $0x8;
	[tilespmem:s10+$0x0] =	vst v6;
	v6 =	vld.idx.msk [tilespmem:v12+s3+$0x0], $0xffff;
	v8 =	vor.u32 v46, v3  }
0x457: {  	v12 =	vor.u32 v42, v1;
	v10 =	vld.idx.msk [tilespmem:v13+s3+$0x0], $0xffff  }
0x458: {  	s6 =	sadd.s32 $0x1C680, s4;
	v4 =	vld.idx.msk [tilespmem:v4+s3+$0x0], $0xffff  }
0x459: {  	s12 =	simm.s32 $0x200;
	s11 =	sor.u32 s23, s6;
	v13 =	vor.u32 v31, v63;
	v7 =	vld.idx.msk [tilespmem:v7+s3+$0x0], $0xffff  }
0x45a: {  	s0 =	sand.u32 $0x3FFFFC00, s12;
	[tilespmem:s11+$0x0] =	vst v5;
	v5 =	vor.u32 v26, v2;
	v11 =	vld.idx.msk [tilespmem:v11+s3+$0x0], $0xffff  }
0x45b: {  	s13 =	sadd.s32 $0x1A500, s0;
	s5 =	sor.u32 s25, s21;
	v14 =	vor.u32 v26, v59;
	v8 =	vld.idx.msk [tilespmem:v8+s3+$0x0], $0xffff  }
0x45c: {  	v15 =	vor.u32 v57, v3;
	s15 =	sor.u32 s1, s13;
	v12 =	vld.idx.msk [tilespmem:v12+s3+$0x0], $0xffff;
	[tilespmem:s5+$0x0] =	vst v9  }
0x45d: {  	s16 =	sor.u32 s29, s13;
	v9 =	vor.u32 v26, v0;
	[tilespmem:s15+$0x0] =	vst v4  }
0x45e: {  	s19 =	sor.u32 s30, s13;
	v16 =	vor.u32 v26, v1;
	s8 =	sadd.s32 $0x1C700, s4;
	v13 =	vld.idx.msk [tilespmem:v13+s3+$0x0], $0xffff;
	[tilespmem:s16+$0x0] =	vst v7  }
0x45f: {  	s18 =	sor.u32 s23, s8;
	v4 =	vor.u32 v44, v35;
	v5 =	vld.idx.msk [tilespmem:v5+s3+$0x0], $0xffff;
	[tilespmem:s19+$0x0] =	vst v11  }
0x460: {  	s20 =	sor.u32 s31, s13;
	v7 =	vld.idx.msk [tilespmem:v14+s3+$0x0], $0xffff;
	[tilespmem:s18+$0x0] =	vst v8;
	v8 =	vor.u32 v20, v2  }
0x461: {  	s21 =	sor.u32 s24, s2;
	v14 =	vor.u32 v20, v59;
	v11 =	vld.idx.msk [tilespmem:v15+s3+$0x0], $0xffff;
	[tilespmem:s20+$0x0] =	vst v12  }
0x462: {  	s12 =	sor.u32 s26, s2;
	s22 =	sadd.s32 $0x1A580, s0;
	v9 =	vld.idx.msk [tilespmem:v9+s3+$0x0], $0xffff;
	v12 =	vor.u32 v61, v3;
	[tilespmem:s21+$0x0] =	vst v6  }
0x463: {  	s9 =	sor.u32 s1, s22;
	v6 =	vor.u32 v20, v0;
	[tilespmem:s12+$0x0] =	vst v10;
	v15 =	vld.idx.msk [tilespmem:v16+s3+$0x0], $0xffff  }
0x464: {  	s10 =	sor.u32 s29, s22;
	v16 =	vor.u32 v20, v1;
	v4 =	vld.idx.msk [tilespmem:v4+s3+$0x0], $0xffff;
	[tilespmem:s9+$0x0] =	vst v5;
	s9 =	sadd.s32 $0x1C780, s4  }
0x465: {  	v5 =	vor.u32 v44, v60;
	[tilespmem:s10+$0x0] =	vst v7;
	v7 =	vld.idx.msk [tilespmem:v8+s3+$0x0], $0xffff;
	s10 =	sor.u32 s23, s9  }
0x466: {  	s11 =	sor.u32 s30, s22;
	v8 =	vld.idx.msk [tilespmem:v14+s3+$0x0], $0xffff;
	[tilespmem:s10+$0x0] =	vst v11;
	v11 =	vor.u32 v19, v2  }
0x467: {  	s5 =	sor.u32 s31, s22;
	v14 =	vor.u32 v19, v59;
	[tilespmem:s11+$0x0] =	vst v9;
	v9 =	vld.idx.msk [tilespmem:v12+s3+$0x0], $0xffff  }
0x468: {  	s13 =	sadd.s32 $0x1A600, s0;
	s2 =	sor.u32 s25, s2;
	v6 =	vld.idx.msk [tilespmem:v6+s3+$0x0], $0xffff;
	[tilespmem:s5+$0x0] =	vst v15;
	v12 =	vor.u32 v54, v3  }
0x469: {  	s15 =	sor.u32 s1, s13;
	v10 =	vor.u32 v19, v0;
	[tilespmem:s2+$0x0] =	vst v13;
	v15 =	vld.idx.msk [tilespmem:v16+s3+$0x0], $0xffff  }
0x46a: {  	s16 =	sor.u32 s29, s13;
	s5 =	sadd.s32 $0x1C800, s4;
	v16 =	vor.u32 v19, v1;
	v5 =	vld.idx.msk [tilespmem:v5+s3+$0x0], $0xffff;
	[tilespmem:s15+$0x0] =	vst v7  }
0x46b: {  	s18 =	sor.u32 s23, s5;
	v7 =	vor.u32 v44, v63;
	[tilespmem:s16+$0x0] =	vst v8;
	v8 =	vld.idx.msk [tilespmem:v11+s3+$0x0], $0xffff  }
0x46c: {  	s19 =	sor.u32 s30, s13;
	v11 =	vor.u32 v46, v35;
	v14 =	vld.idx.msk [tilespmem:v14+s3+$0x0], $0xffff;
	[tilespmem:s18+$0x0] =	vst v9  }
0x46d: {  	s20 =	sor.u32 s31, s13;
	[tilespmem:s19+$0x0] =	vst v6;
	v6 =	vor.u32 v40, v2;
	v9 =	vld.idx.msk [tilespmem:v12+s3+$0x0], $0xffff  }
0x46e: {  	s21 =	sor.u32 s24, s6;
	v12 =	vor.u32 v40, v59;
	v10 =	vld.idx.msk [tilespmem:v10+s3+$0x0], $0xffff;
	[tilespmem:s20+$0x0] =	vst v15  }
0x46f: {  	s22 =	sadd.s32 $0x1A680, s0;
	[tilespmem:s21+$0x0] =	vst v4;
	s16 =	sor.u32 s26, s6;
	v15 =	vor.u32 v62, v3;
	v13 =	vld.idx.msk [tilespmem:v16+s3+$0x0], $0xffff  }
0x470: {  	s7 =	sor.u32 s1, s22;
	v16 =	vor.u32 v40, v0;
	[tilespmem:s16+$0x0] =	vst v5;
	v4 =	vld.idx.msk [tilespmem:v7+s3+$0x0], $0xffff  }
0x471: {  	s2 =	sadd.s32 $0x1C880, s4;
	s11 =	sor.u32 s29, s22;
	v7 =	vor.u32 v40, v1;
	[tilespmem:s7+$0x0] =	vst v8;
	v8 =	vld.idx.msk [tilespmem:v11+s3+$0x0], $0xffff  }
0x472: {  	s12 =	sor.u32 s23, s2;
	v11 =	vor.u32 v46, v60;
	[tilespmem:s11+$0x0] =	vst v14;
	v6 =	vld.idx.msk [tilespmem:v6+s3+$0x0], $0xffff  }
0x473: {  	s13 =	sor.u32 s30, s22;
	v14 =	vor.u32 v46, v63;
	v12 =	vld.idx.msk [tilespmem:v12+s3+$0x0], $0xffff;
	[tilespmem:s12+$0x0] =	vst v9  }
0x474: {  	s15 =	sor.u32 s31, s22;
	[tilespmem:s13+$0x0] =	vst v10;
	v9 =	vor.u32 v29, v2;
	v10 =	vld.idx.msk [tilespmem:v15+s3+$0x0], $0xffff  }
0x475: {  	s6 =	sor.u32 s25, s6;
	v15 =	vor.u32 v29, v59;
	v16 =	vld.idx.msk [tilespmem:v16+s3+$0x0], $0xffff;
	[tilespmem:s15+$0x0] =	vst v13  }
0x476: {  	s18 =	sadd.s32 $0x1A700, s0;
	s12 =	sor.u32 s24, s8;
	v5 =	vld.idx.msk [tilespmem:v7+s3+$0x0], $0xffff;
	v7 =	vor.u32 v56, v3;
	[tilespmem:s6+$0x0] =	vst v4  }
0x477: {  	s19 =	sor.u32 s1, s18;
	v13 =	vor.u32 v29, v0;
	v4 =	vld.idx.msk [tilespmem:v11+s3+$0x0], $0xffff;
	[tilespmem:s12+$0x0] =	vst v8  }
0x478: {  	s20 =	sor.u32 s29, s18;
	s6 =	sadd.s32 $0x1D500, s4;
	v11 =	vor.u32 v29, v1;
	[tilespmem:s19+$0x0] =	vst v6;
	v6 =	vld.idx.msk [tilespmem:v14+s3+$0x0], $0xffff  }
0x479: {  	s21 =	sor.u32 s23, s6;
	v14 =	vor.u32 v57, v35;
	[tilespmem:s20+$0x0] =	vst v12;
	v9 =	vld.idx.msk [tilespmem:v9+s3+$0x0], $0xffff  }
0x47a: {  	s22 =	sor.u32 s30, s18;
	v12 =	vor.u32 v57, v60;
	v15 =	vld.idx.msk [tilespmem:v15+s3+$0x0], $0xffff;
	[tilespmem:s21+$0x0] =	vst v10  }
0x47b: {  	s7 =	sor.u32 s31, s18;
	[tilespmem:s22+$0x0] =	vst v16;
	v10 =	vor.u32 v22, v2;
	v7 =	vld.idx.msk [tilespmem:v7+s3+$0x0], $0xffff  }
0x47c: {  	s13 =	sor.u32 s26, s8;
	v16 =	vor.u32 v22, v59;
	v13 =	vld.idx.msk [tilespmem:v13+s3+$0x0], $0xffff;
	[tilespmem:s7+$0x0] =	vst v5  }
0x47d: {  	s8 =	sor.u32 s25, s8;
	s15 =	sadd.s32 $0x1A780, s0;
	v8 =	vor.u32 v43, v3;
	v5 =	vld.idx.msk [tilespmem:v11+s3+$0x0], $0xffff;
	[tilespmem:s13+$0x0] =	vst v4  }
0x47e: {  	s16 =	sor.u32 s1, s15;
	v11 =	vor.u32 v22, v0;
	v4 =	vld.idx.msk [tilespmem:v14+s3+$0x0], $0xffff;
	[tilespmem:s8+$0x0] =	vst v6  }
0x47f: {  	s18 =	sor.u32 s29, s15;
	s7 =	sadd.s32 $0x1D580, s4;
	v14 =	vor.u32 v22, v1;
	[tilespmem:s16+$0x0] =	vst v9;
	v9 =	vld.idx.msk [tilespmem:v12+s3+$0x0], $0xffff  }
0x480: {  	s19 =	sor.u32 s23, s7;
	v12 =	vor.u32 v57, v63;
	[tilespmem:s18+$0x0] =	vst v15;
	v10 =	vld.idx.msk [tilespmem:v10+s3+$0x0], $0xffff  }
0x481: {  	s20 =	sor.u32 s30, s15;
	v15 =	vor.u32 v61, v35;
	v16 =	vld.idx.msk [tilespmem:v16+s3+$0x0], $0xffff;
	[tilespmem:s19+$0x0] =	vst v7  }
0x482: {  	s10 =	sor.u32 s31, s15;
	[tilespmem:s20+$0x0] =	vst v13;
	v7 =	vor.u32 v58, v2;
	v8 =	vld.idx.msk [tilespmem:v8+s3+$0x0], $0xffff  }
0x483: {  	s21 =	sor.u32 s24, s9;
	v13 =	vor.u32 v58, v59;
	v11 =	vld.idx.msk [tilespmem:v11+s3+$0x0], $0xffff;
	[tilespmem:s10+$0x0] =	vst v5  }
0x484: {  	s22 =	sadd.s32 $0x1A800, s0;
	v6 =	vor.u32 v45, v3;
	s19 =	sor.u32 s26, s9;
	v5 =	vld.idx.msk [tilespmem:v14+s3+$0x0], $0xffff;
	[tilespmem:s21+$0x0] =	vst v4  }
0x485: {  	s12 =	sor.u32 s1, s22;
	v14 =	vor.u32 v58, v0;
	v4 =	vld.idx.msk [tilespmem:v12+s3+$0x0], $0xffff;
	[tilespmem:s19+$0x0] =	vst v9  }
0x486: {  	s13 =	sor.u32 s29, s22;
	s8 =	sadd.s32 $0x1D600, s4;
	v12 =	vor.u32 v58, v1;
	[tilespmem:s12+$0x0] =	vst v10;
	v10 =	vld.idx.msk [tilespmem:v15+s3+$0x0], $0xffff  }
0x487: {  	s15 =	sor.u32 s23, s8;
	v15 =	vor.u32 v61, v60;
	[tilespmem:s13+$0x0] =	vst v16;
	v7 =	vld.idx.msk [tilespmem:v7+s3+$0x0], $0xffff  }
0x488: {  	s16 =	sor.u32 s30, s22;
	v16 =	vor.u32 v61, v63;
	v13 =	vld.idx.msk [tilespmem:v13+s3+$0x0], $0xffff;
	[tilespmem:s15+$0x0] =	vst v8  }
0x489: {  	s18 =	sor.u32 s31, s22;
	[tilespmem:s16+$0x0] =	vst v11;
	v8 =	vor.u32 v39, v2;
	v6 =	vld.idx.msk [tilespmem:v6+s3+$0x0], $0xffff  }
0x48a: {  	s9 =	sor.u32 s25, s9;
	v11 =	vor.u32 v39, v59;
	v14 =	vld.idx.msk [tilespmem:v14+s3+$0x0], $0xffff;
	[tilespmem:s18+$0x0] =	vst v5  }
0x48b: {  	s20 =	sadd.s32 $0x1A880, s0;
	v9 =	vor.u32 v52, v3;
	s15 =	sor.u32 s24, s5;
	v5 =	vld.idx.msk [tilespmem:v12+s3+$0x0], $0xffff;
	[tilespmem:s9+$0x0] =	vst v4  }
0x48c: {  	s21 =	sor.u32 s1, s20;
	v12 =	vor.u32 v39, v0;
	v4 =	vld.idx.msk [tilespmem:v15+s3+$0x0], $0xffff;
	[tilespmem:s15+$0x0] =	vst v10  }
0x48d: {  	s22 =	sor.u32 s29, s20;
	s9 =	sadd.s32 $0x1D680, s4;
	v15 =	vor.u32 v39, v1;
	[tilespmem:s21+$0x0] =	vst v7;
	v7 =	vld.idx.msk [tilespmem:v16+s3+$0x0], $0xffff  }
0x48e: {  	s12 =	sor.u32 s23, s9;
	v16 =	vor.u32 v54, v35;
	[tilespmem:s22+$0x0] =	vst v13;
	v8 =	vld.idx.msk [tilespmem:v8+s3+$0x0], $0xffff  }
0x48f: {  	s13 =	sor.u32 s30, s20;
	v13 =	vor.u32 v54, v60;
	v11 =	vld.idx.msk [tilespmem:v11+s3+$0x0], $0xffff;
	[tilespmem:s12+$0x0] =	vst v6  }
0x490: {  	s10 =	sor.u32 s31, s20;
	[tilespmem:s13+$0x0] =	vst v14;
	v6 =	vor.u32 v53, v2;
	v9 =	vld.idx.msk [tilespmem:v9+s3+$0x0], $0xffff  }
0x491: {  	s16 =	sor.u32 s26, s5;
	v14 =	vor.u32 v53, v59;
	v12 =	vld.idx.msk [tilespmem:v12+s3+$0x0], $0xffff;
	[tilespmem:s10+$0x0] =	vst v5  }
0x492: {  	s5 =	sor.u32 s25, s5;
	s18 =	sadd.s32 $0x1B500, s0;
	v10 =	vor.u32 v30, v3;
	v5 =	vld.idx.msk [tilespmem:v15+s3+$0x0], $0xffff;
	[tilespmem:s16+$0x0] =	vst v4  }
0x493: {  	s19 =	sor.u32 s1, s18;
	v15 =	vor.u32 v53, v0;
	v4 =	vld.idx.msk [tilespmem:v16+s3+$0x0], $0xffff;
	[tilespmem:s5+$0x0] =	vst v7  }
0x494: {  	s20 =	sor.u32 s29, s18;
	s10 =	sadd.s32 $0x1D700, s4;
	v16 =	vor.u32 v53, v1;
	[tilespmem:s19+$0x0] =	vst v8;
	v8 =	vld.idx.msk [tilespmem:v13+s3+$0x0], $0xffff  }
0x495: {  	s21 =	sor.u32 s23, s10;
	v13 =	vor.u32 v54, v63;
	[tilespmem:s20+$0x0] =	vst v11;
	v6 =	vld.idx.msk [tilespmem:v6+s3+$0x0], $0xffff  }
0x496: {  	s22 =	sor.u32 s30, s18;
	v11 =	vor.u32 v62, v35;
	v14 =	vld.idx.msk [tilespmem:v14+s3+$0x0], $0xffff;
	[tilespmem:s21+$0x0] =	vst v9  }
0x497: {  	s11 =	sor.u32 s31, s18;
	[tilespmem:s22+$0x0] =	vst v12;
	v9 =	vor.u32 v25, v2;
	v10 =	vld.idx.msk [tilespmem:v10+s3+$0x0], $0xffff  }
0x498: {  	s12 =	sor.u32 s24, s2;
	s13 =	sadd.s32 $0x1B580, s0;
	v12 =	vor.u32 v25, v59;
	v15 =	vld.idx.msk [tilespmem:v15+s3+$0x0], $0xffff;
	[tilespmem:s11+$0x0] =	vst v5  }
0x499: {  	s15 =	sor.u32 s1, s13;
	v5 =	vld.idx.msk [tilespmem:v16+s3+$0x0], $0xffff;
	[tilespmem:s12+$0x0] =	vst v4  }
0x49a: {  	s16 =	sor.u32 s29, s13;
	s5 =	sadd.s32 $0x1D780, s4;
	v4 =	vld.idx.msk [tilespmem:v13+s3+$0x0], $0xffff;
	[tilespmem:s15+$0x0] =	vst v6  }
0x49b: {  	s18 =	sor.u32 s23, s5;
	v13 =	vor.u32 v25, v1;
	v6 =	vld.idx.msk [tilespmem:v11+s3+$0x0], $0xffff;
	[tilespmem:s16+$0x0] =	vst v14  }
0x49c: {  	s19 =	sor.u32 s30, s13;
	v9 =	vld.idx.msk [tilespmem:v9+s3+$0x0], $0xffff;
	[tilespmem:s18+$0x0] =	vst v10  }
0x49d: {  	v11 =	vor.u32 v62, v60;
	v12 =	vld.idx.msk [tilespmem:v12+s3+$0x0], $0xffff;
	[tilespmem:s19+$0x0] =	vst v15  }
0x49e: {  	s20 =	sor.u32 s31, s13;
	v10 =	vld [tilespmem:$0x1FE70]  }
0x49f: {  	v7 =	vor.u32 v51, v3;
	s21 =	sor.u32 s26, s2;
	v15 =	vld [tilespmem:$0x1FE70];
	[tilespmem:s20+$0x0] =	vst v5  }
0x4a0: {  	v16 =	vor.u32 v25, v0;
	[tilespmem:s21+$0x0] =	vst v8;
	v5 =	vld.idx.msk [tilespmem:v13+s3+$0x0], $0xffff  }
0x4a1: {  	s2 =	sor.u32 s25, s2;
	v14 =	vor.u32 v62, v63;
	v8 =	vld [tilespmem:$0x1FE70]  }
0x4a2: {  	[tilespmem:s2+$0x0] =	vst v4;
	v4 =	vld.idx.msk [tilespmem:v11+s3+$0x0], $0xffff  }
0x4a3: {  	s22 =	sadd.s32 $0x1B600, s0;
	s18 =	sor.u32 s24, s6;
	v13 =	vor.u32 v56, v35;
	v11 =	vld [tilespmem:$0x1FE70]  }
0x4a4: {  	s12 =	sor.u32 s1, s22;
	v7 =	vld.idx.msk [tilespmem:v7+s3+$0x0], $0xffff;
	[tilespmem:s18+$0x0] =	vst v6;
	v10 =	vor.u32 v10, v2  }
0x4a5: {  	s13 =	sor.u32 s29, s22;
	v16 =	vld.idx.msk [tilespmem:v16+s3+$0x0], $0xffff;
	[tilespmem:s12+$0x0] =	vst v9;
	v15 =	vor.u32 v15, v59  }
0x4a6: {  	s11 =	sor.u32 s31, s22;
	v9 =	vld.idx.msk [tilespmem:v14+s3+$0x0], $0xffff;
	[tilespmem:s13+$0x0] =	vst v12;
	v8 =	vor.u32 v8, v0  }
0x4a7: {  	s19 =	sor.u32 s26, s6;
	s2 =	sadd.s32 $0x1D800, s4;
	[tilespmem:s11+$0x0] =	vst v5;
	v5 =	vor.u32 v56, v63  }
0x4a8: {  	s15 =	sor.u32 s23, s2;
	v11 =	vor.u32 v11, v1;
	[tilespmem:s19+$0x0] =	vst v4;
	v4 =	vld.idx.msk [tilespmem:v13+s3+$0x0], $0xffff  }
0x4a9: {  	s16 =	sor.u32 s30, s22;
	v12 =	vor.u32 v56, v60;
	[tilespmem:s15+$0x0] =	vst v7;
	v10 =	vld.idx.msk [tilespmem:v10+s3+$0x0], $0xffff  }
0x4aa: {  	s6 =	sor.u32 s25, s6;
	[tilespmem:s16+$0x0] =	vst v16;
	v7 =	vor.u32 v28, v2;
	v14 =	vld.idx.msk [tilespmem:v15+s3+$0x0], $0xffff  }
0x4ab: {  	[tilespmem:s6+$0x0] =	vst v9;
	v8 =	vld.idx.msk [tilespmem:v8+s3+$0x0], $0xffff  }
0x4ac: {  	s20 =	sadd.s32 $0x1B680, s0;
	v15 =	vor.u32 v28, v59;
	v5 =	vld.idx.msk [tilespmem:v5+s3+$0x0], $0xffff  }
0x4ad: {  	s21 =	sor.u32 s1, s20;
	v6 =	vld.idx.msk [tilespmem:v11+s3+$0x0], $0xffff;
	v11 =	vor.u32 v28, v0  }
0x4ae: {  	s18 =	sor.u32 s24, s7;
	v13 =	vor.u32 v28, v1;
	[tilespmem:s21+$0x0] =	vst v10;
	v10 =	vld.idx.msk [tilespmem:v12+s3+$0x0], $0xffff  }
0x4af: {  	s22 =	sor.u32 s29, s20;
	[tilespmem:s18+$0x0] =	vst v4;
	v12 =	vor.u32 v43, v35;
	v7 =	vld.idx.msk [tilespmem:v7+s3+$0x0], $0xffff  }
0x4b0: {  	s15 =	sor.u32 s30, s20;
	[tilespmem:s22+$0x0] =	vst v14;
	v14 =	vor.u32 v21, v2  }
0x4b1: {  	s16 =	sor.u32 s31, s20;
	v9 =	vld.idx.msk [tilespmem:v15+s3+$0x0], $0xffff;
	v15 =	vor.u32 v43, v60;
	[tilespmem:s15+$0x0] =	vst v8  }
0x4b2: {  	s19 =	sadd.s32 $0x1B700, s0;
	s21 =	sor.u32 s26, s7;
	s7 =	sor.u32 s25, s7;
	v8 =	vor.u32 v21, v59;
	v11 =	vld.idx.msk [tilespmem:v11+s3+$0x0], $0xffff;
	[tilespmem:s16+$0x0] =	vst v6  }
0x4b3: {  	s20 =	sor.u32 s1, s19;
	[tilespmem:s7+$0x0] =	vst v5;
	v6 =	vor.u32 v43, v63;
	v13 =	vld.idx.msk [tilespmem:v13+s3+$0x0], $0xffff  }
0x4b4: {  	v4 =	vor.u32 v21, v0;
	v12 =	vld.idx.msk [tilespmem:v12+s3+$0x0], $0xffff;
	[tilespmem:s20+$0x0] =	vst v7  }
0x4b5: {  	s22 =	sor.u32 s29, s19;
	[tilespmem:s21+$0x0] =	vst v10;
	v7 =	vor.u32 v21, v1;
	v10 =	vld.idx.msk [tilespmem:v14+s3+$0x0], $0xffff  }
0x4b6: {  	s12 =	sor.u32 s30, s19;
	[tilespmem:s22+$0x0] =	vst v9;
	v14 =	vld.idx.msk [tilespmem:v15+s3+$0x0], $0xffff;
	v15 =	vor.u32 v45, v35  }
0x4b7: {  	s6 =	sor.u32 s31, s19;
	v9 =	vor.u32 v49, v2;
	v8 =	vld.idx.msk [tilespmem:v8+s3+$0x0], $0xffff;
	[tilespmem:s12+$0x0] =	vst v11  }
0x4b8: {  	s13 =	sadd.s32 $0x1B780, s0;
	s16 =	sor.u32 s24, s8;
	v6 =	vld.idx.msk [tilespmem:v6+s3+$0x0], $0xffff;
	v11 =	vor.u32 v49, v59;
	[tilespmem:s6+$0x0] =	vst v13  }
0x4b9: {  	v5 =	vor.u32 v45, v60;
	s15 =	sor.u32 s1, s13;
	v4 =	vld.idx.msk [tilespmem:v4+s3+$0x0], $0xffff;
	[tilespmem:s16+$0x0] =	vst v12  }
0x4ba: {  	s18 =	sor.u32 s26, s8;
	v13 =	vor.u32 v45, v63;
	v7 =	vld.idx.msk [tilespmem:v7+s3+$0x0], $0xffff;
	[tilespmem:s15+$0x0] =	vst v10  }
0x4bb: {  	s19 =	sor.u32 s29, s13;
	v10 =	vor.u32 v49, v0;
	v12 =	vld.idx.msk [tilespmem:v15+s3+$0x0], $0xffff;
	[tilespmem:s18+$0x0] =	vst v14  }
0x4bc: {  	s20 =	sor.u32 s25, s8;
	[tilespmem:s19+$0x0] =	vst v8;
	v8 =	vor.u32 v52, v35;
	v9 =	vld.idx.msk [tilespmem:v9+s3+$0x0], $0xffff  }
0x4bd: {  	s21 =	sor.u32 s30, s13;
	v14 =	vor.u32 v38, v2;
	[tilespmem:s20+$0x0] =	vst v6;
	v11 =	vld.idx.msk [tilespmem:v11+s3+$0x0], $0xffff  }
0x4be: {  	s7 =	sor.u32 s31, s13;
	v15 =	vor.u32 v49, v1;
	v5 =	vld.idx.msk [tilespmem:v5+s3+$0x0], $0xffff;
	[tilespmem:s21+$0x0] =	vst v4  }
0x4bf: {  	s22 =	sadd.s32 $0x1B800, s0;
	s12 =	sor.u32 s24, s9;
	v6 =	vor.u32 v52, v60;
	v4 =	vld.idx.msk [tilespmem:v13+s3+$0x0], $0xffff;
	[tilespmem:s7+$0x0] =	vst v7  }
0x4c0: {  	s11 =	sor.u32 s1, s22;
	v13 =	vor.u32 v38, v59;
	v10 =	vld.idx.msk [tilespmem:v10+s3+$0x0], $0xffff;
	[tilespmem:s12+$0x0] =	vst v12  }
0x4c1: {  	s15 =	sor.u32 s29, s22;
	[tilespmem:s11+$0x0] =	vst v9;
	v9 =	vor.u32 v52, v63;
	v8 =	vld.idx.msk [tilespmem:v8+s3+$0x0], $0xffff  }
0x4c2: {  	s13 =	sor.u32 s26, s9;
	[tilespmem:s15+$0x0] =	vst v11;
	v11 =	vor.u32 v30, v35;
	v7 =	vld.idx.msk [tilespmem:v14+s3+$0x0], $0xffff  }
0x4c3: {  	s16 =	sor.u32 s25, s9;
	v12 =	vor.u32 v48, v2;
	[tilespmem:s13+$0x0] =	vst v5;
	v14 =	vld.idx.msk [tilespmem:v15+s3+$0x0], $0xffff  }
0x4c4: {  	s20 =	sor.u32 s30, s22;
	[tilespmem:s16+$0x0] =	vst v4;
	v15 =	vor.u32 v38, v0;
	v6 =	vld.idx.msk [tilespmem:v6+s3+$0x0], $0xffff  }
0x4c5: {  	s6 =	sor.u32 s31, s22;
	s18 =	sadd.s32 $0x1B880, s0;
	s22 =	sor.u32 s24, s10;
	v5 =	vor.u32 v38, v1;
	v13 =	vld.idx.msk [tilespmem:v13+s3+$0x0], $0xffff;
	[tilespmem:s20+$0x0] =	vst v10  }
0x4c6: {  	v3 =	vor.u32 v55, v3;
	s19 =	sor.u32 s1, s18;
	v9 =	vld.idx.msk [tilespmem:v9+s3+$0x0], $0xffff;
	[tilespmem:s22+$0x0] =	vst v8  }
0x4c7: {  	s28 =	simm.s32 $0x80;
	s21 =	simm.s32 $0x80;
	v4 =	vor.u32 v30, v60;
	[tilespmem:s19+$0x0] =	vst v7;
	v11 =	vld.idx.msk [tilespmem:v11+s3+$0x0], $0xffff  }
0x4c8: {  	s11 =	sor.u32 s26, s10;
	v7 =	vor.u32 v48, v59;
	s19 =	sand.u32 $0x40, s28;
	[tilespmem:s6+$0x0] =	vst v14;
	s6 =	sand.u32 $0xFFFFFF80, s21;
	v10 =	vld.idx.msk [tilespmem:v12+s3+$0x0], $0xffff  }
0x4c9: {  	s13 =	sor.u32 s29, s18;
	[tilespmem:s11+$0x0] =	vst v6;
	v12 =	vld.idx.msk [tilespmem:v15+s3+$0x0], $0xffff;
	s21 =	sor.u32 $0x30, s19;
	v15 =	vor.u32 v30, v63;
	s15 =	sor.u32 s19, s6  }
0x4ca: {  	s10 =	sor.u32 s25, s10;
	v14 =	vor.u32 v47, v2;
	[tilespmem:s13+$0x0] =	vst v13;
	v5 =	vld.idx.msk [tilespmem:v5+s3+$0x0], $0xffff;
	s12 =	sor.u32 s6, s21;
	s11 =	smul.u32 $0x32, s15  }
0x4cb: {  	v3 =	vld.idx.msk [tilespmem:v3+s3+$0x0], $0xffff;
	s7 =	sadd.s32 $0x1C500, s0;
	v13 =	vor.u32 v51, v35;
	s15 =	sor.u32 s24, s5;
	s9 =	smul.u32 $0x32, s12;
	[tilespmem:s10+$0x0] =	vst v9  }
0x4cc: {  	s8 =	sor.u32 s31, s18;
	s16 =	sor.u32 s1, s7;
	v8 =	vor.u32 v48, v0;
	v4 =	vld.idx.msk [tilespmem:v4+s3+$0x0], $0xffff;
	[tilespmem:s15+$0x0] =	vst v11  }
0x4cd: {  	v6 =	vor.u32 v48, v1;
	s20 =	sor.u32 $0x10, s19;
	s12 =	sor.u32 s30, s18;
	v7 =	vld.idx.msk [tilespmem:v7+s3+$0x0], $0xffff;
	s9 =	sadd.s32 s14, s9;
	[tilespmem:s16+$0x0] =	vst v10  }
0x4ce: {  	s22 =	sor.u32 $0x20, s19;
	s18 =	sor.u32 s6, s20;
	s13 =	sadd.s32 s14, s11;
	v10 =	vadd.s32 s9, v41;
	[tilespmem:s12+$0x0] =	vst v12;
	v12 =	vld.idx.msk [tilespmem:v15+s3+$0x0], $0xffff  }
0x4cf: {  	s6 =	sor.u32 s6, s22;
	s12 =	smul.u32 $0x32, s18;
	[tilespmem:s8+$0x0] =	vst v5;
	v5 =	vadd.s32 s13, v41;
	v9 =	vld.idx.msk [tilespmem:v14+s3+$0x0], $0xffff  }
0x4d0: {  	s6 =	smul.u32 $0x32, s6;
	v11 =	vld.idx.msk [tilespmem:v13+s3+$0x0], $0xffff;
	v14 =	vor.u32 v31, v2  }
0x4d1: {  	v15 =	vor.u32 v47, v59;
	v8 =	vld.idx.msk [tilespmem:v8+s3+$0x0], $0xffff;
	s16 =	sadd.s32 s14, s12  }
0x4d2: {  	s9 =	sadd.s32 $0x1C580, s0;
	s6 =	sadd.s32 s14, s6;
	v6 =	vld.idx.msk [tilespmem:v6+s3+$0x0], $0xffff;
	[dreg:$0x3] =	wrdreg s14;
	v13 =	vadd.s32 s16, v41  }
0x4d3: {  	s18 =	sor.u32 s1, s9;
	v16 =	vadd.s32 s6, v41;
	v10 =	vld.idx.msk [tilespmem:v10+s17+$0x0], $0xffff  }
0x4d4: {  	s4 =	sadd.s32 $0x1D880, s4;
	s10 =	sor.u32 s29, s7;
	v5 =	vld.idx.msk [tilespmem:v5+s17+$0x0], $0xffff;
	[tilespmem:s18+$0x0] =	vst v9;
	v9 =	vor.u32 v51, v60  }
0x4d5: {  	v17 =	vor.u32 v47, v0;
	s11 =	sor.u32 s23, s4;
	[tilespmem:s10+$0x0] =	vst v7;
	v14 =	vld.idx.msk [tilespmem:v14+s3+$0x0], $0xffff  }
0x4d6: {  	s12 =	sor.u32 s26, s5;
	[tilespmem:s11+$0x0] =	vst v3;
	v7 =	vor.u32 v44, v2;
	v3 =	vld.idx.msk [tilespmem:v15+s3+$0x0], $0xffff  }
0x4d7: {  	s13 =	sor.u32 s30, s7;
	[tilespmem:s12+$0x0] =	vst v4;
	v15 =	vor.u32 v47, v1;
	v4 =	vld.idx.msk [tilespmem:v13+s17+$0x0], $0xffff  }
0x4d8: {  	s8 =	sadd.s32 $0x1C600, s0;
	s14 =	sor.u32 s31, s7;
	[tilespmem:s13+$0x0] =	vst v8;
	v8 =	vld.idx.msk [tilespmem:v16+s17+$0x0], $0xffff;
	v13 =	vor.u32 v51, v63  }
0x4d9: {  	v18 =	vor.u32 v31, v59;
	s15 =	sor.u32 s1, s8;
	[tilespmem:s14+$0x0] =	vst v6;
	v33 =	vshll.u32 v10, $0x8;
	v9 =	vld.idx.msk [tilespmem:v9+s3+$0x0], $0xffff  }
0x4da: {  	s5 =	sor.u32 s25, s5;
	v6 =	vld.idx.msk [tilespmem:v17+s3+$0x0], $0xffff;
	v16 =	vshll.u32 v5, $0x8;
	v5 =	vor.u32 v42, v33;
	[tilespmem:s15+$0x0] =	vst v14  }
0x4db: {  	s16 =	sor.u32 s24, s2;
	[tilespmem:s5+$0x0] =	vst v12;
	v10 =	vor.u32 v42, v16;
	v7 =	vld.idx.msk [tilespmem:v7+s3+$0x0], $0xffff  }
0x4dc: {  	[tilespmem:s16+$0x0] =	vst v11;
	s17 =	sor.u32 s29, s9;
	v12 =	vld.idx.msk [tilespmem:v15+s3+$0x0], $0xffff;
	v23 =	vshll.u32 v4, $0x8;
	v4 =	vor.u32 v46, v2  }
0x4dd: {  	s18 =	sor.u32 s26, s2;
	[tilespmem:s17+$0x0] =	vst v3;
	v24 =	vshll.u32 v8, $0x8;
	v11 =	vld.idx.msk [tilespmem:v13+s3+$0x0], $0xffff;
	v3 =	vor.u32 v42, v23  }
0x4de: {  	s23 =	sor.u32 s30, s9;
	s7 =	sadd.s32 $0x1C680, s0;
	v8 =	vld.idx.msk [tilespmem:v18+s3+$0x0], $0xffff;
	[tilespmem:s18+$0x0] =	vst v9;
	v9 =	vor.u32 v42, v24  }
0x4df: {  	s6 =	sor.u32 s1, s7;
	[tilespmem:s23+$0x0] =	vst v6;
	v13 =	vor.u32 v31, v0;
	v5 =	vld.idx.msk [tilespmem:v5+s3+$0x0], $0xffff  }
0x4e0: {  	s10 =	simm.s32 $0x400;
	s9 =	sor.u32 s31, s9;
	v6 =	vld.idx.msk [tilespmem:v10+s3+$0x0], $0xffff;
	[tilespmem:s6+$0x0] =	vst v7;
	v7 =	vor.u32 v26, v33  }
0x4e1: {  	s2 =	sor.u32 s25, s2;
	s23 =	sand.u32 $0x3FFFFC00, s10;
	[tilespmem:s9+$0x0] =	vst v12;
	v10 =	vor.u32 v26, v16;
	v4 =	vld.idx.msk [tilespmem:v4+s3+$0x0], $0xffff  }
0x4e2: {  	s11 =	sor.u32 s29, s8;
	s5 =	sadd.s32 $0x1A500, s23;
	[tilespmem:s2+$0x0] =	vst v11;
	v11 =	vor.u32 v57, v2;
	v3 =	vld.idx.msk [tilespmem:v3+s3+$0x0], $0xffff  }
0x4e3: {  	s12 =	sor.u32 s21, s5;
	v12 =	vor.u32 v26, v23;
	[tilespmem:s11+$0x0] =	vst v8;
	v8 =	vld.idx.msk [tilespmem:v9+s3+$0x0], $0xffff  }
0x4e4: {  	s13 =	sor.u32 s19, s5;
	s6 =	sadd.s32 $0x1C700, s0;
	v9 =	vld.idx.msk [tilespmem:v13+s3+$0x0], $0xffff;
	v13 =	vor.u32 v26, v24;
	[tilespmem:s12+$0x0] =	vst v5  }
0x4e5: {  	s14 =	sor.u32 s1, s6;
	v5 =	vor.u32 v31, v1;
	[tilespmem:s13+$0x0] =	vst v6;
	v6 =	vld.idx.msk [tilespmem:v7+s3+$0x0], $0xffff  }
0x4e6: {  	s15 =	sor.u32 s20, s5;
	v7 =	vld.idx.msk [tilespmem:v10+s3+$0x0], $0xffff;
	[tilespmem:s14+$0x0] =	vst v4;
	v4 =	vor.u32 v20, v33  }
0x4e7: {  	s16 =	sor.u32 s22, s5;
	v10 =	vor.u32 v20, v16;
	[tilespmem:s15+$0x0] =	vst v3;
	v3 =	vld.idx.msk [tilespmem:v11+s3+$0x0], $0xffff  }
0x4e8: {  	s17 =	sor.u32 s30, s8;
	s18 =	sadd.s32 $0x1A580, s23;
	v11 =	vld.idx.msk [tilespmem:v12+s3+$0x0], $0xffff;
	[tilespmem:s16+$0x0] =	vst v8;
	v8 =	vor.u32 v61, v2  }
0x4e9: {  	s5 =	sor.u32 s21, s18;
	v12 =	vor.u32 v20, v23;
	[tilespmem:s17+$0x0] =	vst v9;
	v9 =	vld.idx.msk [tilespmem:v13+s3+$0x0], $0xffff  }
0x4ea: {  	s10 =	sor.u32 s19, s18;
	s2 =	sadd.s32 $0x1C780, s0;
	v5 =	vld.idx.msk [tilespmem:v5+s3+$0x0], $0xffff;
	v13 =	vor.u32 v20, v24;
	[tilespmem:s5+$0x0] =	vst v6  }
0x4eb: {  	s11 =	sor.u32 s1, s2;
	v6 =	vor.u32 v44, v59;
	[tilespmem:s10+$0x0] =	vst v7;
	v4 =	vld.idx.msk [tilespmem:v4+s3+$0x0], $0xffff  }
0x4ec: {  	s12 =	sor.u32 s20, s18;
	v7 =	vor.u32 v44, v0;
	v10 =	vld.idx.msk [tilespmem:v10+s3+$0x0], $0xffff;
	[tilespmem:s11+$0x0] =	vst v3  }
0x4ed: {  	s13 =	sor.u32 s22, s18;
	[tilespmem:s12+$0x0] =	vst v11;
	v3 =	vor.u32 v19, v33;
	v8 =	vld.idx.msk [tilespmem:v8+s3+$0x0], $0xffff  }
0x4ee: {  	s8 =	sor.u32 s31, s8;
	s14 =	sadd.s32 $0x1A600, s23;
	v11 =	vor.u32 v19, v16;
	v12 =	vld.idx.msk [tilespmem:v12+s3+$0x0], $0xffff;
	[tilespmem:s13+$0x0] =	vst v9  }
0x4ef: {  	s15 =	sor.u32 s21, s14;
	[tilespmem:s8+$0x0] =	vst v5;
	v9 =	vor.u32 v54, v2;
	v5 =	vld.idx.msk [tilespmem:v13+s3+$0x0], $0xffff  }
0x4f0: {  	s16 =	sor.u32 s19, s14;
	s5 =	sadd.s32 $0x1C800, s0;
	v13 =	vor.u32 v19, v23;
	v6 =	vld.idx.msk [tilespmem:v6+s3+$0x0], $0xffff;
	[tilespmem:s15+$0x0] =	vst v4  }
0x4f1: {  	s17 =	sor.u32 s1, s5;
	v7 =	vld.idx.msk [tilespmem:v7+s3+$0x0], $0xffff;
	v4 =	vor.u32 v19, v24;
	[tilespmem:s16+$0x0] =	vst v10  }
0x4f2: {  	s18 =	sor.u32 s20, s14;
	v10 =	vor.u32 v44, v1;
	v3 =	vld.idx.msk [tilespmem:v3+s3+$0x0], $0xffff;
	[tilespmem:s17+$0x0] =	vst v8  }
0x4f3: {  	s11 =	sor.u32 s22, s14;
	v11 =	vld.idx.msk [tilespmem:v11+s3+$0x0], $0xffff;
	v8 =	vor.u32 v46, v59;
	[tilespmem:s18+$0x0] =	vst v12  }
0x4f4: {  	s12 =	sor.u32 s29, s7;
	v12 =	vor.u32 v40, v33;
	v9 =	vld.idx.msk [tilespmem:v9+s3+$0x0], $0xffff;
	[tilespmem:s11+$0x0] =	vst v5  }
0x4f5: {  	s14 =	sadd.s32 $0x1A680, s23;
	s13 =	sor.u32 s30, s7;
	v5 =	vor.u32 v40, v16;
	v13 =	vld.idx.msk [tilespmem:v13+s3+$0x0], $0xffff;
	[tilespmem:s12+$0x0] =	vst v6  }
0x4f6: {  	s15 =	sor.u32 s21, s14;
	v6 =	vor.u32 v62, v2;
	[tilespmem:s13+$0x0] =	vst v7;
	v4 =	vld.idx.msk [tilespmem:v4+s3+$0x0], $0xffff  }
0x4f7: {  	s9 =	sadd.s32 $0x1C880, s0;
	s16 =	sor.u32 s19, s14;
	v7 =	vor.u32 v40, v23;
	v10 =	vld.idx.msk [tilespmem:v10+s3+$0x0], $0xffff;
	[tilespmem:s15+$0x0] =	vst v3  }
0x4f8: {  	s17 =	sor.u32 s1, s9;
	v3 =	vor.u32 v40, v24;
	[tilespmem:s16+$0x0] =	vst v11;
	v8 =	vld.idx.msk [tilespmem:v8+s3+$0x0], $0xffff  }
0x4f9: {  	s18 =	sor.u32 s20, s14;
	v11 =	vor.u32 v46, v0;
	v12 =	vld.idx.msk [tilespmem:v12+s3+$0x0], $0xffff;
	[tilespmem:s17+$0x0] =	vst v9  }
0x4fa: {  	s12 =	sor.u32 s22, s14;
	v9 =	vor.u32 v46, v1;
	v5 =	vld.idx.msk [tilespmem:v5+s3+$0x0], $0xffff;
	[tilespmem:s18+$0x0] =	vst v13  }
0x4fb: {  	s7 =	sor.u32 s31, s7;
	v13 =	vor.u32 v29, v33;
	v6 =	vld.idx.msk [tilespmem:v6+s3+$0x0], $0xffff;
	[tilespmem:s12+$0x0] =	vst v4  }
0x4fc: {  	s13 =	sor.u32 s29, s6;
	s14 =	sadd.s32 $0x1A700, s23;
	v4 =	vor.u32 v29, v16;
	v7 =	vld.idx.msk [tilespmem:v7+s3+$0x0], $0xffff;
	[tilespmem:s7+$0x0] =	vst v10  }
0x4fd: {  	s15 =	sor.u32 s21, s14;
	v10 =	vor.u32 v56, v2;
	v3 =	vld.idx.msk [tilespmem:v3+s3+$0x0], $0xffff;
	[tilespmem:s13+$0x0] =	vst v8  }
0x4fe: {  	s10 =	sadd.s32 $0x1D500, s0;
	s16 =	sor.u32 s19, s14;
	v11 =	vld.idx.msk [tilespmem:v11+s3+$0x0], $0xffff;
	v8 =	vor.u32 v29, v23;
	[tilespmem:s15+$0x0] =	vst v12  }
0x4ff: {  	s17 =	sor.u32 s1, s10;
	v12 =	vor.u32 v29, v24;
	v9 =	vld.idx.msk [tilespmem:v9+s3+$0x0], $0xffff;
	[tilespmem:s16+$0x0] =	vst v5  }
0x500: {  	s18 =	sor.u32 s20, s14;
	v5 =	vor.u32 v57, v59;
	v13 =	vld.idx.msk [tilespmem:v13+s3+$0x0], $0xffff;
	[tilespmem:s17+$0x0] =	vst v6  }
0x501: {  	s12 =	sor.u32 s22, s14;
	v6 =	vor.u32 v57, v0;
	v4 =	vld.idx.msk [tilespmem:v4+s3+$0x0], $0xffff;
	[tilespmem:s18+$0x0] =	vst v7  }
0x502: {  	s13 =	sor.u32 s30, s6;
	v7 =	vor.u32 v22, v33;
	v10 =	vld.idx.msk [tilespmem:v10+s3+$0x0], $0xffff;
	[tilespmem:s12+$0x0] =	vst v3  }
0x503: {  	s14 =	sadd.s32 $0x1A780, s23;
	s6 =	sor.u32 s31, s6;
	v3 =	vor.u32 v22, v16;
	[tilespmem:s13+$0x0] =	vst v11;
	v8 =	vld.idx.msk [tilespmem:v8+s3+$0x0], $0xffff  }
0x504: {  	s15 =	sor.u32 s21, s14;
	v11 =	vld.idx.msk [tilespmem:v12+s3+$0x0], $0xffff;
	v12 =	vor.u32 v43, v2;
	[tilespmem:s6+$0x0] =	vst v9  }
0x505: {  	s16 =	sor.u32 s19, s14;
	v9 =	vor.u32 v22, v23;
	s6 =	sadd.s32 $0x1D580, s0;
	v5 =	vld.idx.msk [tilespmem:v5+s3+$0x0], $0xffff;
	[tilespmem:s15+$0x0] =	vst v13  }
0x506: {  	v13 =	vor.u32 v22, v24;
	v6 =	vld.idx.msk [tilespmem:v6+s3+$0x0], $0xffff;
	s17 =	sor.u32 s1, s6;
	[tilespmem:s16+$0x0] =	vst v4  }
0x507: {  	s18 =	sor.u32 s20, s14;
	v4 =	vor.u32 v57, v1;
	v7 =	vld.idx.msk [tilespmem:v7+s3+$0x0], $0xffff;
	[tilespmem:s17+$0x0] =	vst v10  }
0x508: {  	s7 =	sor.u32 s22, s14;
	v10 =	vor.u32 v61, v59;
	v3 =	vld.idx.msk [tilespmem:v3+s3+$0x0], $0xffff;
	[tilespmem:s18+$0x0] =	vst v8  }
0x509: {  	s12 =	sor.u32 s29, s2;
	v8 =	vor.u32 v58, v33;
	v12 =	vld.idx.msk [tilespmem:v12+s3+$0x0], $0xffff;
	[tilespmem:s7+$0x0] =	vst v11  }
0x50a: {  	s14 =	sadd.s32 $0x1A800, s23;
	s13 =	sor.u32 s30, s2;
	v11 =	vor.u32 v58, v16;
	v9 =	vld.idx.msk [tilespmem:v9+s3+$0x0], $0xffff;
	[tilespmem:s12+$0x0] =	vst v5  }
0x50b: {  	s15 =	sor.u32 s21, s14;
	v5 =	vld.idx.msk [tilespmem:v13+s3+$0x0], $0xffff;
	v13 =	vor.u32 v45, v2;
	[tilespmem:s13+$0x0] =	vst v6  }
0x50c: {  	s16 =	sor.u32 s19, s14;
	s7 =	sadd.s32 $0x1D600, s0;
	v6 =	vor.u32 v58, v23;
	v4 =	vld.idx.msk [tilespmem:v4+s3+$0x0], $0xffff;
	[tilespmem:s15+$0x0] =	vst v7  }
0x50d: {  	s17 =	sor.u32 s1, s7;
	v7 =	vor.u32 v58, v24;
	v10 =	vld.idx.msk [tilespmem:v10+s3+$0x0], $0xffff;
	[tilespmem:s16+$0x0] =	vst v3  }
0x50e: {  	s18 =	sor.u32 s20, s14;
	v3 =	vor.u32 v61, v0;
	v8 =	vld.idx.msk [tilespmem:v8+s3+$0x0], $0xffff;
	[tilespmem:s17+$0x0] =	vst v12  }
0x50f: {  	s11 =	sor.u32 s22, s14;
	v12 =	vor.u32 v61, v1;
	v11 =	vld.idx.msk [tilespmem:v11+s3+$0x0], $0xffff;
	[tilespmem:s18+$0x0] =	vst v9  }
0x510: {  	s2 =	sor.u32 s31, s2;
	v9 =	vor.u32 v39, v33;
	v13 =	vld.idx.msk [tilespmem:v13+s3+$0x0], $0xffff;
	[tilespmem:s11+$0x0] =	vst v5  }
0x511: {  	s14 =	sadd.s32 $0x1A880, s23;
	s13 =	sor.u32 s29, s5;
	v5 =	vor.u32 v39, v16;
	v6 =	vld.idx.msk [tilespmem:v6+s3+$0x0], $0xffff;
	[tilespmem:s2+$0x0] =	vst v4  }
0x512: {  	s15 =	sor.u32 s21, s14;
	v4 =	vld.idx.msk [tilespmem:v7+s3+$0x0], $0xffff;
	v7 =	vor.u32 v52, v2;
	[tilespmem:s13+$0x0] =	vst v10  }
0x513: {  	s16 =	sor.u32 s19, s14;
	v10 =	vor.u32 v39, v23;
	s2 =	sadd.s32 $0x1D680, s0;
	v3 =	vld.idx.msk [tilespmem:v3+s3+$0x0], $0xffff;
	[tilespmem:s15+$0x0] =	vst v8  }
0x514: {  	s17 =	sor.u32 s1, s2;
	v8 =	vor.u32 v39, v24;
	v12 =	vld.idx.msk [tilespmem:v12+s3+$0x0], $0xffff;
	[tilespmem:s16+$0x0] =	vst v11  }
0x515: {  	s18 =	sor.u32 s20, s14;
	v11 =	vor.u32 v54, v59;
	v9 =	vld.idx.msk [tilespmem:v9+s3+$0x0], $0xffff;
	[tilespmem:s17+$0x0] =	vst v13  }
0x516: {  	s11 =	sor.u32 s22, s14;
	v13 =	vor.u32 v54, v0;
	v5 =	vld.idx.msk [tilespmem:v5+s3+$0x0], $0xffff;
	[tilespmem:s18+$0x0] =	vst v6  }
0x517: {  	s13 =	sor.u32 s30, s5;
	v6 =	vor.u32 v53, v33;
	v7 =	vld.idx.msk [tilespmem:v7+s3+$0x0], $0xffff;
	[tilespmem:s11+$0x0] =	vst v4  }
0x518: {  	s14 =	sadd.s32 $0x1B500, s23;
	s5 =	sor.u32 s31, s5;
	v4 =	vor.u32 v53, v16;
	v10 =	vld.idx.msk [tilespmem:v10+s3+$0x0], $0xffff;
	[tilespmem:s13+$0x0] =	vst v3  }
0x519: {  	s15 =	sor.u32 s21, s14;
	v3 =	vld.idx.msk [tilespmem:v8+s3+$0x0], $0xffff;
	v8 =	vor.u32 v30, v2;
	[tilespmem:s5+$0x0] =	vst v12  }
0x51a: {  	s16 =	sor.u32 s19, s14;
	v12 =	vor.u32 v53, v23;
	v11 =	vld.idx.msk [tilespmem:v11+s3+$0x0], $0xffff;
	s5 =	sadd.s32 $0x1D700, s0;
	[tilespmem:s15+$0x0] =	vst v9  }
0x51b: {  	v9 =	vor.u32 v53, v24;
	s17 =	sor.u32 s1, s5;
	v13 =	vld.idx.msk [tilespmem:v13+s3+$0x0], $0xffff;
	[tilespmem:s16+$0x0] =	vst v5  }
0x51c: {  	s18 =	sor.u32 s20, s14;
	v6 =	vld.idx.msk [tilespmem:v6+s3+$0x0], $0xffff;
	[tilespmem:s17+$0x0] =	vst v7  }
0x51d: {  	s8 =	sor.u32 s22, s14;
	v4 =	vld.idx.msk [tilespmem:v4+s3+$0x0], $0xffff;
	[tilespmem:s18+$0x0] =	vst v10  }
0x51e: {  	s13 =	sor.u32 s29, s9;
	v8 =	vld.idx.msk [tilespmem:v8+s3+$0x0], $0xffff;
	[tilespmem:s8+$0x0] =	vst v3  }
0x51f: {  	s14 =	sor.u32 s30, s9;
	s15 =	sadd.s32 $0x1B580, s23;
	v5 =	vor.u32 v54, v1;
	v12 =	vld.idx.msk [tilespmem:v12+s3+$0x0], $0xffff;
	[tilespmem:s13+$0x0] =	vst v11  }
0x520: {  	s16 =	sor.u32 s21, s15;
	v9 =	vld.idx.msk [tilespmem:v9+s3+$0x0], $0xffff;
	[tilespmem:s14+$0x0] =	vst v13  }
0x521: {  	s17 =	sor.u32 s19, s15;
	s8 =	sadd.s32 $0x1D780, s0;
	[tilespmem:s16+$0x0] =	vst v6  }
0x522: {  	v7 =	vor.u32 v62, v59;
	s18 =	sor.u32 s1, s8;
	[tilespmem:s17+$0x0] =	vst v4  }
0x523: {  	v10 =	vor.u32 v25, v33;
	s13 =	sor.u32 s20, s15;
	[tilespmem:s18+$0x0] =	vst v8  }
0x524: {  	s12 =	sor.u32 s22, s15;
	v3 =	vor.u32 v25, v16;
	v5 =	vld.idx.msk [tilespmem:v5+s3+$0x0], $0xffff;
	[tilespmem:s13+$0x0] =	vst v12  }
0x525: {  	v11 =	vor.u32 v51, v2;
	v12 =	vld [tilespmem:$0x1FE70];
	[tilespmem:s12+$0x0] =	vst v9  }
0x526: {  	v13 =	vor.u32 v25, v23;
	v9 =	vld [tilespmem:$0x1FE70]  }
0x527: {  	v6 =	vor.u32 v25, v24;
	v7 =	vld.idx.msk [tilespmem:v7+s3+$0x0], $0xffff  }
0x528: {  	v4 =	vor.u32 v62, v0;
	v8 =	vld.idx.msk [tilespmem:v10+s3+$0x0], $0xffff  }
0x529: {  	v10 =	vor.u32 v62, v1;
	v3 =	vld.idx.msk [tilespmem:v3+s3+$0x0], $0xffff  }
0x52a: {  	s9 =	sor.u32 s31, s9;
	v11 =	vld.idx.msk [tilespmem:v11+s3+$0x0], $0xffff;
	v12 =	vor.u32 v12, v33  }
0x52b: {  	s15 =	sadd.s32 $0x1B600, s23;
	s14 =	sor.u32 s29, s10;
	v13 =	vld.idx.msk [tilespmem:v13+s3+$0x0], $0xffff;
	[tilespmem:s9+$0x0] =	vst v5;
	v9 =	vor.u32 v9, v16  }
0x52c: {  	s16 =	sor.u32 s21, s15;
	v5 =	vld.idx.msk [tilespmem:v6+s3+$0x0], $0xffff;
	[tilespmem:s14+$0x0] =	vst v7  }
0x52d: {  	s17 =	sor.u32 s19, s15;
	s9 =	sadd.s32 $0x1D800, s0;
	v4 =	vld.idx.msk [tilespmem:v4+s3+$0x0], $0xffff;
	[tilespmem:s16+$0x0] =	vst v8  }
0x52e: {  	s18 =	sor.u32 s1, s9;
	v6 =	vld.idx.msk [tilespmem:v10+s3+$0x0], $0xffff;
	[tilespmem:s17+$0x0] =	vst v3  }
0x52f: {  	s13 =	sor.u32 s20, s15;
	[tilespmem:s18+$0x0] =	vst v11;
	v3 =	vld.idx.msk [tilespmem:v12+s3+$0x0], $0xffff  }
0x530: {  	s14 =	sor.u32 s22, s15;
	[tilespmem:s13+$0x0] =	vst v13;
	v7 =	vld.idx.msk [tilespmem:v9+s3+$0x0], $0xffff  }
0x531: {  	s15 =	sor.u32 s30, s10;
	[tilespmem:s14+$0x0] =	vst v5  }
0x532: {  	s10 =	sor.u32 s31, s10;
	s16 =	sadd.s32 $0x1B680, s23;
	[tilespmem:s15+$0x0] =	vst v4  }
0x533: {  	s17 =	sor.u32 s21, s16;
	[tilespmem:s10+$0x0] =	vst v6  }
0x534: {  	s18 =	sor.u32 s19, s16;
	v4 =	vld [tilespmem:$0x1FE70];
	[tilespmem:s17+$0x0] =	vst v3  }
0x535: {  	[tilespmem:s18+$0x0] =	vst v7  }
0x536: {  	v8 =	vor.u32 v55, v35;
	v3 =	vld [tilespmem:$0x1FE70];
	_ =	sdelay $0x4  }
0x537: {  	v9 =	vor.u32 v3, v24;
	v3 =	vld.idx.msk [tilespmem:v8+s3+$0x0], $0xffff  }
0x538: {  	v5 =	vor.u32 v55, v60  }
0x539: {  	v2 =	vor.u32 v55, v2  }
0x53a: {  	v4 =	vor.u32 v4, v23;
	_ =	sdelay $0x1  }
0x53b: {  	v27 =	vor.u32 v52, v0;
	v6 =	vor.u32 v56, v59;
	[tilespmem:$0x1F770] =	vst v3  }
0x53c: {  	v50 =	vor.u32 v51, v0;
	v15 =	vor.u32 v28, v16;
	v7 =	vor.u32 v56, v0;
	v60 =	vld.idx.msk [tilespmem:v5+s3+$0x0], $0xffff  }
0x53d: {  	v20 =	vor.u32 v51, v1;
	v19 =	vor.u32 v51, v59;
	v25 =	vor.u32 v45, v0;
	v14 =	vld.idx.msk [tilespmem:v2+s3+$0x0], $0xffff  }
0x53e: {  	v13 =	vor.u32 v28, v33;
	v17 =	vld.idx.msk [tilespmem:v4+s3+$0x0], $0xffff;
	[tilespmem:$0x1F780] =	vst v19;
	v19 =	vor.u32 v30, v1  }
0x53f: {  	v11 =	vor.u32 v56, v1;
	v12 =	vor.u32 v43, v0;
	v9 =	vld.idx.msk [tilespmem:v9+s3+$0x0], $0xffff;
	[tilespmem:$0x1F790] =	vst v19  }
0x540: {  	s13 =	sadd.s32 $0x1D880, s0;
	v3 =	vor.u32 v30, v0;
	v0 =	vor.u32 v55, v0;
	v6 =	vld.idx.msk [tilespmem:v6+s3+$0x0], $0xffff;
	[tilespmem:$0x1F7A0] =	vst v20  }
0x541: {  	s0 =	sor.u32 s1, s13;
	v19 =	vor.u32 v28, v23;
	v7 =	vld.idx.msk [tilespmem:v7+s3+$0x0], $0xffff;
	[tilespmem:$0x1F7B0] =	vst v0  }
0x542: {  	s11 =	sor.u32 s20, s16;
	v20 =	vor.u32 v28, v24;
	[tilespmem:s0+$0x0] =	vst v14  }
0x543: {  	s12 =	sor.u32 s22, s16;
	v0 =	vld.idx.msk [tilespmem:v13+s3+$0x0], $0xffff;
	[tilespmem:s11+$0x0] =	vst v17  }
0x544: {  	v10 =	vor.u32 v43, v59;
	s14 =	sor.u32 s29, s6;
	v13 =	vld.idx.msk [tilespmem:v15+s3+$0x0], $0xffff;
	[tilespmem:s12+$0x0] =	vst v9  }
0x545: {  	s15 =	sor.u32 s30, s6;
	v11 =	vld.idx.msk [tilespmem:v11+s3+$0x0], $0xffff;
	[tilespmem:s14+$0x0] =	vst v6  }
0x546: {  	s16 =	sadd.s32 $0x1B700, s23;
	v15 =	vld.idx.msk [tilespmem:v19+s3+$0x0], $0xffff;
	v19 =	vor.u32 v48, v16;
	[tilespmem:s15+$0x0] =	vst v7  }
0x547: {  	s17 =	sor.u32 s21, s16;
	v34 =	vld.idx.msk [tilespmem:v20+s3+$0x0], $0xffff;
	[tilespmem:$0x1F7C0] =	vst v19  }
0x548: {  	v14 =	vor.u32 v21, v33;
	v19 =	vor.u32 v48, v23;
	[tilespmem:s17+$0x0] =	vst v0  }
0x549: {  	v26 =	vor.u32 v45, v1;
	s18 =	sor.u32 s19, s16;
	v0 =	vld.idx.msk [tilespmem:v10+s3+$0x0], $0xffff;
	[tilespmem:$0x1F7D0] =	vst v19  }
0x54a: {  	v58 =	vor.u32 v55, v1;
	v35 =	vld.idx.msk [tilespmem:v12+s3+$0x0], $0xffff;
	[tilespmem:s18+$0x0] =	vst v13;
	v12 =	vor.u32 v48, v24  }
0x54b: {  	s6 =	sor.u32 s31, s6;
	v8 =	vor.u32 v43, v1;
	v4 =	vor.u32 v52, v1;
	v1 =	vor.u32 v21, v16;
	[tilespmem:$0x1F7E0] =	vst v12  }
0x54c: {  	[tilespmem:s6+$0x0] =	vst v11;
	v11 =	vor.u32 v47, v23  }
0x54d: {  	v22 =	vor.u32 v55, v63;
	v63 =	vld.idx.msk [tilespmem:v14+s3+$0x0], $0xffff;
	[tilespmem:$0x1F7F0] =	vst v11;
	v11 =	vor.u32 v47, v24  }
0x54e: {  	v37 =	vor.u32 v21, v23;
	s10 =	sor.u32 s20, s16;
	[tilespmem:$0x1F800] =	vst v11  }
0x54f: {  	v11 =	vor.u32 v31, v16;
	[tilespmem:s10+$0x0] =	vst v15  }
0x550: {  	s0 =	sor.u32 s22, s16;
	v1 =	vld.idx.msk [tilespmem:v1+s3+$0x0], $0xffff;
	[tilespmem:$0x1F810] =	vst v11  }
0x551: {  	v12 =	vor.u32 v31, v23;
	[tilespmem:s0+$0x0] =	vst v34  }
0x552: {  	v8 =	vld.idx.msk [tilespmem:v8+s3+$0x0], $0xffff;
	[tilespmem:$0x1F820] =	vst v12  }
0x553: {  	v28 =	vor.u32 v21, v24;
	s11 =	sor.u32 s29, s7;
	v12 =	vld.idx.msk [tilespmem:v37+s3+$0x0], $0xffff  }
0x554: {  	v37 =	vld [tilespmem:$0x1FE70];
	[tilespmem:s11+$0x0] =	vst v0;
	v0 =	vor.u32 v44, v16  }
0x555: {  	[tilespmem:$0x1F830] =	vst v0;
	v0 =	vor.u32 v44, v23  }
0x556: {  	v18 =	vor.u32 v45, v59;
	s12 =	sor.u32 s30, s7;
	[tilespmem:$0x1F840] =	vst v0  }
0x557: {  	v13 =	vor.u32 v46, v16;
	[tilespmem:s12+$0x0] =	vst v35  }
0x558: {  	s14 =	sadd.s32 $0x1B780, s23;
	v0 =	vld.idx.msk [tilespmem:v28+s3+$0x0], $0xffff;
	[tilespmem:$0x1F850] =	vst v13;
	v13 =	vor.u32 v44, v24  }
0x559: {  	s15 =	sor.u32 s21, s14;
	[tilespmem:$0x1F860] =	vst v13  }
0x55a: {  	v13 =	vor.u32 v46, v23;
	[tilespmem:s15+$0x0] =	vst v63  }
0x55b: {  	v18 =	vld.idx.msk [tilespmem:v18+s3+$0x0], $0xffff;
	[tilespmem:$0x1F870] =	vst v13;
	v13 =	vor.u32 v57, v16  }
0x55c: {  	s16 =	sor.u32 s19, s14;
	v11 =	vor.u32 v49, v33;
	[tilespmem:$0x1F880] =	vst v13  }
0x55d: {  	[tilespmem:s16+$0x0] =	vst v1;
	v1 =	vor.u32 v46, v24  }
0x55e: {  	v9 =	vor.u32 v49, v16;
	v25 =	vld.idx.msk [tilespmem:v25+s3+$0x0], $0xffff;
	[tilespmem:$0x1F890] =	vst v1;
	v1 =	vor.u32 v57, v23  }
0x55f: {  	s17 =	sor.u32 s31, s7;
	[tilespmem:$0x1F8A0] =	vst v1  }
0x560: {  	[tilespmem:s17+$0x0] =	vst v8;
	v8 =	vor.u32 v61, v16  }
0x561: {  	v1 =	vld.idx.msk [tilespmem:v11+s3+$0x0], $0xffff;
	[tilespmem:$0x1F8B0] =	vst v8;
	v8 =	vor.u32 v57, v24  }
0x562: {  	s18 =	sor.u32 s20, s14;
	[tilespmem:$0x1F8C0] =	vst v8  }
0x563: {  	v8 =	vld.idx.msk [tilespmem:v9+s3+$0x0], $0xffff;
	[tilespmem:s18+$0x0] =	vst v12;
	v9 =	vor.u32 v61, v23  }
0x564: {  	v17 =	vor.u32 v49, v23;
	s7 =	sor.u32 s22, s14;
	[tilespmem:$0x1F8D0] =	vst v9  }
0x565: {  	[tilespmem:s7+$0x0] =	vst v0;
	v0 =	vor.u32 v61, v24  }
0x566: {  	v11 =	vld.idx.msk [tilespmem:v26+s3+$0x0], $0xffff;
	[tilespmem:$0x1F8E0] =	vst v0;
	v0 =	vor.u32 v54, v16  }
0x567: {  	v32 =	vor.u32 v49, v24;
	s10 =	sor.u32 s29, s2;
	[tilespmem:$0x1F8F0] =	vst v0  }
0x568: {  	v12 =	vor.u32 v54, v23;
	[tilespmem:s10+$0x0] =	vst v18  }
0x569: {  	v5 =	vor.u32 v52, v59;
	v0 =	vld.idx.msk [tilespmem:v17+s3+$0x0], $0xffff;
	[tilespmem:$0x1F900] =	vst v12;
	v12 =	vor.u32 v62, v16  }
0x56a: {  	s11 =	sor.u32 s30, s2;
	[tilespmem:$0x1F910] =	vst v12  }
0x56b: {  	v36 =	vor.u32 v56, v24;
	v2 =	vor.u32 v30, v59;
	s12 =	sadd.s32 $0x1B800, s23;
	v12 =	vor.u32 v54, v24;
	[tilespmem:s11+$0x0] =	vst v25  }
0x56c: {  	v59 =	vor.u32 v55, v59;
	s14 =	sor.u32 s21, s12;
	v9 =	vor.u32 v38, v33;
	v18 =	vld.idx.msk [tilespmem:v32+s3+$0x0], $0xffff;
	[tilespmem:$0x1F920] =	vst v12  }
0x56d: {  	v21 =	vor.u32 v43, v16;
	v6 =	vor.u32 v38, v16;
	[tilespmem:s14+$0x0] =	vst v1;
	v1 =	vor.u32 v62, v24  }
0x56e: {  	v20 =	vor.u32 v47, v16;
	v7 =	vor.u32 v38, v23;
	s15 =	sor.u32 s19, s12;
	v5 =	vld.idx.msk [tilespmem:v5+s3+$0x0], $0xffff;
	[tilespmem:$0x1F930] =	vst v1  }
0x56f: {  	v10 =	vor.u32 v38, v24;
	v19 =	vor.u32 v45, v16;
	v14 =	vor.u32 v52, v23;
	s16 =	sor.u32 s31, s2;
	[tilespmem:s15+$0x0] =	vst v8  }
0x570: {  	v15 =	vor.u32 v52, v24;
	v49 =	vor.u32 v51, v24;
	s17 =	sor.u32 s20, s12;
	v1 =	vld.idx.msk [tilespmem:v27+s3+$0x0], $0xffff;
	[tilespmem:s16+$0x0] =	vst v11  }
0x571: {  	s6 =	sor.u32 s29, s5;
	v34 =	vor.u32 v31, v24;
	v31 =	vor.u32 v43, v24;
	s2 =	sor.u32 s24, s4;
	v8 =	vld.idx.msk [tilespmem:v9+s3+$0x0], $0xffff;
	[tilespmem:s17+$0x0] =	vst v0  }
0x572: {  	s0 =	simm.s32 $0x8;
	v35 =	vor.u32 v56, v23;
	v28 =	vor.u32 v43, v23;
	v43 =	vor.u32 v55, v16;
	s18 =	sor.u32 s22, s12;
	v6 =	vld.idx.msk [tilespmem:v6+s3+$0x0], $0xffff;
	[dreg:$0x7] =	wrdreg s2  }
0x573: {  	v44 =	vor.u32 v62, v23;
	v63 =	vmov v57;
	s24 =	sor.u32 s26, s4;
	s12 =	sor.u32 s30, s8;
	s10 =	sadd.s32 $0x1B880, s23;
	v9 =	vor.u32 v48, v33;
	[tilespmem:s18+$0x0] =	vst v18;
	v0 =	vld.idx.msk [tilespmem:v4+s3+$0x0], $0xffff  }
0x574: {  	v13 =	vor.u32 v52, v16;
	v38 =	vmov v53;
	s7 =	sor.u32 s30, s5;
	v26 =	vor.u32 v51, v23;
	s26 =	sor.u32 s19, s10;
	s1 =	sor.u32 s22, s10;
	[tilespmem:s6+$0x0] =	vst v5;
	v5 =	vld.idx.msk [tilespmem:v7+s3+$0x0], $0xffff  }
0x575: {  	v17 =	vor.u32 v45, v23;
	v32 =	vor.u32 v56, v16;
	s11 =	sor.u32 s31, s5;
	v25 =	vor.u32 v51, v16;
	s5 =	sor.u32 s30, s13;
	s14 =	sor.u32 s25, s4;
	v4 =	vld.idx.msk [tilespmem:v10+s3+$0x0], $0xffff  }
0x576: {  	v51 =	vmov v46;
	v12 =	vor.u32 v30, v23;
	s25 =	sor.u32 s21, s10;
	v11 =	vor.u32 v30, v16;
	s15 =	sor.u32 s30, s9;
	s17 =	sor.u32 s31, s9;
	v2 =	vld.idx.msk [tilespmem:v2+s3+$0x0], $0xffff;
	[tilespmem:s7+$0x0] =	vst v1  }
0x577: {  	v27 =	vor.u32 v30, v24;
	s16 =	sor.u32 s29, s13;
	v16 =	vor.u32 v55, v23;
	v30 =	vmov v45;
	s2 =	sor.u32 s29, s8;
	s18 =	sor.u32 s31, s8;
	[tilespmem:s25+$0x0] =	vst v8;
	v1 =	vld.idx.msk [tilespmem:v3+s3+$0x0], $0xffff  }
0x578: {  	v18 =	vor.u32 v45, v24;
	s8 =	sor.u32 s29, s9;
	v24 =	vor.u32 v55, v24;
	s31 =	sor.u32 s31, s13;
	v55 =	vmov v52;
	s6 =	sor.u32 s20, s10;
	[tilespmem:s26+$0x0] =	vst v6;
	v3 =	vld.idx.msk [tilespmem:v9+s3+$0x0], $0xffff  }
.LBB2_5:
0x579: {  	v6 =	vld [tilespmem:$0x1F7C0];
	_ =	sdelay $0x2  }
0x57a: {  	[tilespmem:s6+$0x0] =	vst v5;
	v5 =	vld [tilespmem:$0x1F790];
	_ =	sdelay $0x4  }
0x57b: {  	[tilespmem:s11+$0x0] =	vst v0;
	v6 =	vld.idx.msk [tilespmem:v6+s3+$0x0], $0xffff  }
0x57c: {  	s0 =	sadd.s32 $0x4, s0;
	v7 =	vmov v27;
	[tilespmem:s2+$0x0] =	vst v2;
	v2 =	vld [tilespmem:$0x1F780]  }
0x57d: {  	s7 =	sshll.u32 s0, $0x4;
	[tilespmem:$0x1F790] =	vst v7;
	v7 =	vld [tilespmem:$0x1F7D0]  }
0x57e: {  	s26 =	sand.u32 $0xFFFFFF80, s7;
	s7 =	sadd.s32 $0x1C500, s23;
	v5 =	vld.idx.msk [tilespmem:v5+s3+$0x0], $0xffff  }
0x57f: {  	s9 =	sor.u32 s21, s7;
	[tilespmem:s1+$0x0] =	vst v4;
	v4 =	vld [tilespmem:$0x1F7E0]  }
0x580: {  	[tilespmem:s9+$0x0] =	vst v3;
	v3 =	vmov v26  }
0x581: {  	s28 =	sadd.s32 $0x40, s28;
	[tilespmem:$0x1F6D0] =	vst v3;
	v3 =	vld [tilespmem:$0x1F770]  }
0x582: {  	[tilespmem:$0x1F5D0] =	vst v28;
	s4 =	sand.u32 $0x40, s28  }
0x583: {  	[tilespmem:$0x1F730] =	vst v11;
	v11 =	vld [tilespmem:$0x1F7F0];
	s30 =	sor.u32 $0x10, s4;
	s25 =	sor.u32 $0x30, s4  }
0x584: {  	[tilespmem:$0x1F6F0] =	vst v15;
	s29 =	sor.u32 $0x20, s4;
	s10 =	sor.u32 s26, s25;
	s11 =	sor.u32 s4, s26;
	v2 =	vld.idx.msk [tilespmem:v2+s3+$0x0], $0xffff  }
0x585: {  	s6 =	sor.u32 s26, s29;
	v7 =	vld.idx.msk [tilespmem:v7+s3+$0x0], $0xffff;
	[tilespmem:s12+$0x0] =	vst v1;
	s12 =	sor.u32 s26, s30;
	s26 =	rddreg [dreg:$0x7]  }
0x586: {  	v15 =	vld [tilespmem:$0x1F800];
	s13 =	sor.u32 s19, s7;
	[tilespmem:s26+$0x0] =	vst v3  }
0x587: {  	v9 =	vmov v58;
	v4 =	vld.idx.msk [tilespmem:v4+s3+$0x0], $0xffff;
	[tilespmem:s13+$0x0] =	vst v6  }
0x588: {  	[tilespmem:$0x1F4B0] =	vst v9;
	s2 =	smul.u32 $0x32, s11;
	v9 =	vld.idx.msk [tilespmem:v20+s3+$0x0], $0xffff  }
0x589: {  	s1 =	smul.u32 $0x32, s10;
	s10 =	rddreg [dreg:$0x3];
	v1 =	vmov v25;
	[tilespmem:s8+$0x0] =	vst v2;
	v2 =	vld [tilespmem:$0x1F7A0]  }
0x58a: {  	v8 =	vmov v24;
	[tilespmem:$0x1F780] =	vst v1;
	v1 =	vld.idx.msk [tilespmem:v50+s3+$0x0], $0xffff;
	s2 =	sadd.s32 s10, s2  }
0x58b: {  	[tilespmem:$0x1F5E0] =	vst v8;
	s11 =	sor.u32 s20, s7;
	v8 =	vadd.s32 s2, v41  }
0x58c: {  	v28 =	vld [tilespmem:$0x1FEC0];
	[tilespmem:s11+$0x0] =	vst v7  }
0x58d: {  	s6 =	smul.u32 $0x32, s6;
	v11 =	vld.idx.msk [tilespmem:v11+s3+$0x0], $0xffff;
	s13 =	sor.u32 s22, s7  }
0x58e: {  	v6 =	vld.idx.msk [tilespmem:v22+s3+$0x0], $0xffff;
	[tilespmem:s13+$0x0] =	vst v4  }
0x58f: {  	v0 =	vor.u32 v47, v33;
	[tilespmem:s15+$0x0] =	vst v1;
	s7 =	sadd.s32 s10, s6;
	s13 =	simm.s32 $0x10100;
	v15 =	vld.idx.msk [tilespmem:v15+s3+$0x0], $0xffff  }
0x590: {  	v4 =	vadd.s32 s7, v41;
	[tilespmem:s18+$0x0] =	vst v5;
	v1 =	vld.idx.msk [tilespmem:v8+s13+$0x0], $0xffff  }
0x591: {  	s9 =	smul.u32 $0x32, s12;
	v2 =	vld.idx.msk [tilespmem:v2+s3+$0x0], $0xffff  }
0x592: {  	v8 =	vld [tilespmem:$0x1F810]  }
0x593: {  	s1 =	sadd.s32 s10, s1;
	s12 =	sadd.s32 s10, s9;
	s9 =	sadd.s32 $0x1C580, s23  }
0x594: {  	v0 =	vld.idx.msk [tilespmem:v0+s3+$0x0], $0xffff;
	v10 =	vadd.s32 s12, v41;
	v3 =	vadd.s32 s1, v41;
	s1 =	sor.u32 s22, s9  }
0x595: {  	v4 =	vld.idx.msk [tilespmem:v4+s13+$0x0], $0xffff;
	[tilespmem:s1+$0x0] =	vst v15  }
0x596: {  	[tilespmem:s17+$0x0] =	vst v2;
	v2 =	vld [tilespmem:$0x1F820]  }
0x597: {  	[tilespmem:$0x1F600] =	vst v31;
	v7 =	vor.u32 v28, v33;
	v5 =	vmov v49  }
0x598: {  	v31 =	vld [tilespmem:$0x1FF00];
	s10 =	sor.u32 s19, s9;
	[tilespmem:$0x1F7A0] =	vst v5  }
0x599: {  	[tilespmem:s10+$0x0] =	vst v9;
	v5 =	vld.idx.msk [tilespmem:v10+s13+$0x0], $0xffff  }
0x59a: {  	s12 =	sor.u32 s21, s9;
	v24 =	vshll.u32 v1, $0x8;
	v8 =	vld.idx.msk [tilespmem:v8+s3+$0x0], $0xffff  }
0x59b: {  	v3 =	vld.idx.msk [tilespmem:v3+s13+$0x0], $0xffff;
	[tilespmem:s12+$0x0] =	vst v0;
	v1 =	vor.u32 v42, v24  }
0x59c: {  	[tilespmem:$0x1F5B0] =	vst v21;
	s11 =	sor.u32 s20, s9;
	v0 =	vld.idx.msk [tilespmem:v7+s3+$0x0], $0xffff  }
0x59d: {  	s15 =	sadd.s32 $0x1C600, s23;
	[tilespmem:s11+$0x0] =	vst v11;
	v7 =	vor.u32 v31, v33  }
0x59e: {  	s26 =	smov.u32 s16;
	s16 =	sor.u32 s19, s15;
	v2 =	vld.idx.msk [tilespmem:v2+s3+$0x0], $0xffff;
	[tilespmem:s24+$0x0] =	vst v60  }
0x59f: {  	v60 =	vshll.u32 v5, $0x8;
	v5 =	vld.idx.msk [tilespmem:v59+s3+$0x0], $0xffff;
	[tilespmem:s16+$0x0] =	vst v8  }
0x5a0: {  	[tilespmem:$0x1F550] =	vst v32;
	s18 =	sor.u32 s21, s15;
	v21 =	vld.idx.msk [tilespmem:v1+s3+$0x0], $0xffff  }
0x5a1: {  	s12 =	sshll.u32 s0, $0x7;
	v32 =	vshll.u32 v3, $0x8;
	[tilespmem:s18+$0x0] =	vst v0  }
0x5a2: {  	[dreg:$0x7] =	wrdreg s26;
	s26 =	smov.u32 s5;
	s5 =	sand.u32 $0x3FFFFC00, s12;
	v0 =	vor.u32 v42, v32;
	v3 =	vld.idx.msk [tilespmem:v7+s3+$0x0], $0xffff  }
0x5a3: {  	[tilespmem:$0x1F670] =	vst v18;
	s2 =	sadd.s32 $0x1A500, s5  }
0x5a4: {  	[tilespmem:$0x1F6A0] =	vst v13;
	s13 =	sor.u32 s4, s2;
	v59 =	vshll.u32 v4, $0x8  }
0x5a5: {  	s9 =	sadd.s32 $0x1C680, s23;
	v9 =	vld.idx.msk [tilespmem:v34+s3+$0x0], $0xffff;
	v13 =	vor.u32 v42, v59;
	[tilespmem:s13+$0x0] =	vst v21;
	v21 =	vor.u32 v37, v24  }
0x5a6: {  	s11 =	sor.u32 s21, s9;
	[tilespmem:$0x1F520] =	vst v21;
	v21 =	vld [tilespmem:$0x1FF30]  }
0x5a7: {  	v20 =	vld.idx.msk [tilespmem:v0+s3+$0x0], $0xffff;
	[tilespmem:s11+$0x0] =	vst v3  }
0x5a8: {  	v18 =	vld [tilespmem:$0x1FDF0];
	[tilespmem:s14+$0x0] =	vst v6  }
0x5a9: {  	s1 =	sor.u32 s22, s15;
	[tilespmem:$0x1F770] =	vst v5;
	v5 =	vld [tilespmem:$0x1F7B0]  }
0x5aa: {  	v13 =	vld.idx.msk [tilespmem:v13+s3+$0x0], $0xffff;
	[tilespmem:s1+$0x0] =	vst v9;
	v9 =	vor.u32 v39, v24  }
0x5ab: {  	[tilespmem:$0x1F470] =	vst v9;
	v23 =	vor.u32 v21, v24  }
0x5ac: {  	v4 =	vor.u32 v51, v33;
	[tilespmem:$0x1F570] =	vst v23;
	v23 =	vor.u32 v21, v60  }
0x5ad: {  	[tilespmem:$0x1F590] =	vst v23;
	v23 =	vor.u32 v21, v59  }
0x5ae: {  	v11 =	vor.u32 v42, v60;
	v9 =	vor.u32 v39, v60;
	[tilespmem:$0x1F5A0] =	vst v23;
	v23 =	vld [tilespmem:$0x1F830]  }
0x5af: {  	v52 =	vld [tilespmem:$0x1FED0];
	v22 =	vor.u32 v18, v32;
	[tilespmem:$0x1F480] =	vst v9;
	v9 =	vor.u32 v39, v59  }
0x5b0: {  	v50 =	vld [tilespmem:$0x1FE00];
	[tilespmem:$0x1F490] =	vst v9;
	v9 =	vor.u32 v38, v24  }
0x5b1: {  	s17 =	sor.u32 s20, s15;
	v26 =	vld.idx.msk [tilespmem:v4+s3+$0x0], $0xffff;
	[tilespmem:$0x1F4A0] =	vst v9  }
0x5b2: {  	v48 =	vld.idx.msk [tilespmem:v5+s3+$0x0], $0xffff;
	[tilespmem:s17+$0x0] =	vst v2;
	s17 =	sor.u32 s25, s2  }
0x5b3: {  	v9 =	vor.u32 v38, v60;
	v11 =	vld.idx.msk [tilespmem:v11+s3+$0x0], $0xffff;
	[tilespmem:s17+$0x0] =	vst v20  }
0x5b4: {  	s24 =	sadd.s32 $0x1C700, s23;
	[tilespmem:$0x1F4C0] =	vst v9;
	v9 =	vld.idx.msk [tilespmem:v22+s3+$0x0], $0xffff  }
0x5b5: {  	[tilespmem:$0x1F750] =	vst v12;
	[dreg:$0xa] =	wrdreg s26;
	s26 =	sor.u32 s21, s24;
	v22 =	vld [tilespmem:$0x1FF40]  }
0x5b6: {  	[tilespmem:s26+$0x0] =	vst v26;
	v26 =	vld.idx.msk [tilespmem:v23+s3+$0x0], $0xffff;
	v23 =	vor.u32 v52, v24  }
0x5b7: {  	[tilespmem:$0x1F5F0] =	vst v23;
	v23 =	vor.u32 v52, v60  }
0x5b8: {  	[tilespmem:$0x1F610] =	vst v23;
	v23 =	vor.u32 v52, v59  }
0x5b9: {  	v27 =	vor.u32 v63, v33;
	s15 =	sor.u32 s30, s2;
	[tilespmem:$0x1F620] =	vst v23;
	v23 =	vld [tilespmem:$0x1FE20]  }
0x5ba: {  	v12 =	vor.u32 v18, v60;
	[tilespmem:s15+$0x0] =	vst v11;
	v11 =	vor.u32 v22, v60  }
0x5bb: {  	v54 =	vld [tilespmem:$0x1FEE0];
	v20 =	vor.u32 v22, v24;
	[tilespmem:$0x1F4F0] =	vst v11;
	v11 =	vor.u32 v50, v32  }
0x5bc: {  	s18 =	sor.u32 s29, s2;
	s2 =	sadd.s32 $0x1A580, s5;
	[tilespmem:$0x1F4E0] =	vst v20;
	v20 =	vor.u32 v38, v59  }
0x5bd: {  	s15 =	sor.u32 s25, s2;
	[tilespmem:$0x1F4D0] =	vst v20  }
0x5be: {  	v20 =	vld.idx.msk [tilespmem:v27+s3+$0x0], $0xffff;
	[tilespmem:s15+$0x0] =	vst v9;
	v9 =	vor.u32 v23, v24  }
0x5bf: {  	v12 =	vld.idx.msk [tilespmem:v12+s3+$0x0], $0xffff;
	[tilespmem:$0x1F660] =	vst v9;
	v9 =	vor.u32 v23, v60  }
0x5c0: {  	[tilespmem:$0x1F680] =	vst v9;
	v9 =	vld.idx.msk [tilespmem:v11+s3+$0x0], $0xffff;
	v11 =	vor.u32 v54, v24  }
0x5c1: {  	[tilespmem:$0x1F6E0] =	vst v11;
	v11 =	vor.u32 v23, v59;
	v23 =	vld [tilespmem:$0x1FE80]  }
0x5c2: {  	[tilespmem:$0x1F650] =	vst v17  }
0x5c3: {  	[tilespmem:$0x1F6C0] =	vst v14  }
0x5c4: {  	[tilespmem:s18+$0x0] =	vst v13;
	v13 =	vor.u32 v22, v59  }
0x5c5: {  	s12 =	sor.u32 s30, s2;
	[tilespmem:$0x1F500] =	vst v13  }
0x5c6: {  	v10 =	vor.u32 v18, v24;
	[tilespmem:s12+$0x0] =	vst v12;
	v12 =	vor.u32 v23, v24  }
0x5c7: {  	[tilespmem:$0x1F7C0] =	vst v12;
	v12 =	vor.u32 v54, v59  }
0x5c8: {  	v14 =	vor.u32 v18, v59;
	[tilespmem:$0x1F720] =	vst v12;
	v12 =	vor.u32 v23, v60  }
0x5c9: {  	[tilespmem:$0x1F7D0] =	vst v12;
	v12 =	vor.u32 v23, v59  }
0x5ca: {  	v49 =	vld [tilespmem:$0x1FE10];
	v17 =	vor.u32 v50, v60;
	[tilespmem:$0x1F7E0] =	vst v12;
	v12 =	vor.u32 v47, v60  }
0x5cb: {  	v10 =	vld.idx.msk [tilespmem:v10+s3+$0x0], $0xffff;
	[tilespmem:$0x1F7F0] =	vst v12;
	v12 =	vor.u32 v47, v59  }
0x5cc: {  	v15 =	vor.u32 v50, v24;
	v13 =	vor.u32 v37, v60;
	[tilespmem:$0x1F800] =	vst v12;
	v12 =	vld [tilespmem:$0x1F840]  }
0x5cd: {  	[tilespmem:$0x1F530] =	vst v13;
	v13 =	vld.idx.msk [tilespmem:v14+s3+$0x0], $0xffff  }
0x5ce: {  	v58 =	vor.u32 v50, v59  }
0x5cf: {  	s8 =	smov.u32 s31;
	s7 =	sor.u32 s4, s2;
	v50 =	vld.idx.msk [tilespmem:v17+s3+$0x0], $0xffff  }
0x5d0: {  	v41 =	vld [tilespmem:$0x1FFF0];
	[dreg:$0xc] =	wrdreg s8;
	s8 =	sor.u32 s22, s9;
	s10 =	sor.u32 s20, s9;
	v7 =	vor.u32 v49, v60;
	[tilespmem:s7+$0x0] =	vst v10  }
0x5d1: {  	s14 =	sor.u32 s19, s9;
	s16 =	sor.u32 s19, s24;
	s17 =	sor.u32 s29, s2;
	v10 =	vld.idx.msk [tilespmem:v15+s3+$0x0], $0xffff  }
0x5d2: {  	s9 =	sor.u32 s20, s24;
	s6 =	sor.u32 s22, s24;
	s24 =	sadd.s32 $0x1A600, s5;
	[tilespmem:s17+$0x0] =	vst v13  }
0x5d3: {  	[tilespmem:$0x1F580] =	vst v36;
	s15 =	sor.u32 s30, s24;
	v36 =	vld.idx.msk [tilespmem:v58+s3+$0x0], $0xffff  }
0x5d4: {  	v14 =	vor.u32 v37, v59;
	v58 =	vld.idx.msk [tilespmem:v12+s3+$0x0], $0xffff;
	[tilespmem:s15+$0x0] =	vst v50  }
0x5d5: {  	v57 =	vmov v43;
	v8 =	vor.u32 v49, v24;
	s13 =	sadd.s32 $0x1C780, s23;
	s26 =	sor.u32 s4, s24;
	[tilespmem:$0x1F540] =	vst v14;
	v43 =	vld.idx.msk [tilespmem:v7+s3+$0x0], $0xffff  }
0x5d6: {  	s18 =	sor.u32 s21, s13;
	v14 =	vor.u32 v41, v33;
	[tilespmem:s26+$0x0] =	vst v10;
	v7 =	vld [tilespmem:$0x1F860]  }
0x5d7: {  	v6 =	vor.u32 v49, v59;
	v13 =	vld [tilespmem:$0x1FFD0];
	s17 =	sor.u32 s29, s24;
	[tilespmem:s18+$0x0] =	vst v20  }
0x5d8: {  	[tilespmem:s17+$0x0] =	vst v36  }
0x5d9: {  	[tilespmem:$0x1F690] =	vst v11;
	v11 =	vor.u32 v54, v60  }
0x5da: {  	v8 =	vld.idx.msk [tilespmem:v8+s3+$0x0], $0xffff;
	s18 =	sor.u32 s25, s24;
	[tilespmem:$0x1F710] =	vst v11  }
0x5db: {  	v27 =	vld.idx.msk [tilespmem:v14+s3+$0x0], $0xffff;
	v11 =	vor.u32 v49, v32;
	[tilespmem:s18+$0x0] =	vst v9;
	v9 =	vor.u32 v31, v24  }
0x5dc: {  	v53 =	vor.u32 v13, v33;
	v6 =	vld.idx.msk [tilespmem:v6+s3+$0x0], $0xffff;
	[tilespmem:$0x1F830] =	vst v9;
	v9 =	vor.u32 v31, v60  }
0x5dd: {  	v10 =	vor.u32 v31, v59;
	v14 =	vld [tilespmem:$0x1FFE0];
	[tilespmem:$0x1F840] =	vst v9  }
0x5de: {  	s11 =	sor.u32 s19, s13;
	s1 =	sor.u32 s20, s13;
	s24 =	sadd.s32 $0x1C800, s23;
	[tilespmem:s10+$0x0] =	vst v58;
	v58 =	vld.idx.msk [tilespmem:v7+s3+$0x0], $0xffff;
	v7 =	vmov v10  }
0x5df: {  	s2 =	sor.u32 s22, s13;
	s13 =	sor.u32 s19, s24;
	s26 =	sor.u32 s21, s24;
	[tilespmem:$0x1F860] =	vst v7;
	v7 =	vld [tilespmem:$0x1F850]  }
0x5e0: {  	s12 =	sor.u32 s20, s24;
	s7 =	sor.u32 s22, s24;
	s24 =	sadd.s32 $0x1A680, s5;
	v9 =	vld.idx.msk [tilespmem:v11+s3+$0x0], $0xffff;
	[tilespmem:s26+$0x0] =	vst v27  }
0x5e1: {  	v34 =	vor.u32 v40, v32;
	[tilespmem:s14+$0x0] =	vst v26;
	s14 =	sor.u32 s4, s24;
	v46 =	vld.idx.msk [tilespmem:v53+s3+$0x0], $0xffff  }
0x5e2: {  	v1 =	vor.u32 v40, v24;
	s17 =	sor.u32 s30, s24;
	v26 =	vor.u32 v14, v33;
	s26 =	sor.u32 s25, s24;
	s24 =	sor.u32 s29, s24  }
0x5e3: {  	v37 =	vor.u32 v14, v24;
	v36 =	vor.u32 v14, v60;
	[tilespmem:s24+$0x0] =	vst v6;
	v6 =	vor.u32 v14, v59;
	v14 =	vld [tilespmem:$0x1FF60]  }
0x5e4: {  	[tilespmem:$0x1F630] =	vst v19;
	s18 =	sadd.s32 $0x1C880, s23  }
0x5e5: {  	[tilespmem:s26+$0x0] =	vst v9;
	s26 =	sor.u32 s21, s18  }
0x5e6: {  	v45 =	vor.u32 v51, v24;
	v25 =	vor.u32 v40, v59;
	v34 =	vld.idx.msk [tilespmem:v34+s3+$0x0], $0xffff;
	[tilespmem:s26+$0x0] =	vst v46  }
0x5e7: {  	v9 =	vor.u32 v13, v24;
	v53 =	vld.idx.msk [tilespmem:v7+s3+$0x0], $0xffff;
	v7 =	vmov v45;
	[tilespmem:s14+$0x0] =	vst v8;
	v8 =	vor.u32 v13, v60  }
0x5e8: {  	[tilespmem:$0x1F850] =	vst v7;
	v45 =	vld.idx.msk [tilespmem:v1+s3+$0x0], $0xffff;
	v7 =	vor.u32 v13, v59;
	v13 =	vor.u32 v14, v24  }
0x5e9: {  	v12 =	vor.u32 v28, v24;
	[tilespmem:$0x1F5C0] =	vst v13;
	v13 =	vld [tilespmem:$0x1F870]  }
0x5ea: {  	v0 =	vor.u32 v29, v24;
	[tilespmem:$0x1F810] =	vst v12;
	v12 =	vor.u32 v28, v60  }
0x5eb: {  	v20 =	vld [tilespmem:$0x1FEB0];
	[tilespmem:$0x1F820] =	vst v12  }
0x5ec: {  	s24 =	sadd.s32 $0x1A700, s5;
	v25 =	vld.idx.msk [tilespmem:v25+s3+$0x0], $0xffff;
	[tilespmem:s8+$0x0] =	vst v58  }
0x5ed: {  	v42 =	vmov v29;
	s8 =	sor.u32 s4, s24;
	[tilespmem:s16+$0x0] =	vst v53  }
0x5ee: {  	v19 =	vmovc v30;
	v30 =	vmov v55;
	v18 =	vor.u32 v42, v60;
	v2 =	vor.u32 v40, v60;
	[tilespmem:s8+$0x0] =	vst v45  }
0x5ef: {  	v5 =	vmov v16;
	v12 =	vor.u32 v28, v59;
	[tilespmem:s17+$0x0] =	vst v43;
	v28 =	vld.idx.msk [tilespmem:v0+s3+$0x0], $0xffff;
	v0 =	vor.u32 v30, v24  }
0x5f0: {  	v16 =	vor.u32 v42, v59;
	v27 =	vor.u32 v51, v60;
	[tilespmem:$0x1F6B0] =	vst v0;
	v0 =	vor.u32 v20, v24  }
0x5f1: {  	v31 =	vmov v30;
	v46 =	vor.u32 v42, v32;
	[tilespmem:$0x1F740] =	vst v0;
	v42 =	vld.idx.msk [tilespmem:v13+s3+$0x0], $0xffff;
	v13 =	vmov v27  }
0x5f2: {  	v0 =	vor.u32 v31, v59;
	[tilespmem:$0x1F870] =	vst v13;
	v13 =	vld [tilespmem:$0x1F890]  }
0x5f3: {  	[tilespmem:$0x1F700] =	vst v0;
	v0 =	vor.u32 v20, v60  }
0x5f4: {  	[tilespmem:$0x1F760] =	vst v0;
	v0 =	vld [tilespmem:$0x1F880]  }
0x5f5: {  	v49 =	vld.idx.msk [tilespmem:v2+s3+$0x0], $0xffff;
	_ =	sdelay $0x2  }
0x5f6: {  	s15 =	sor.u32 s19, s18  }
0x5f7: {  	s10 =	sor.u32 s22, s18;
	s14 =	sor.u32 s20, s18;
	s18 =	sor.u32 s30, s24  }
0x5f8: {  	v40 =	vor.u32 v63, v24;
	v50 =	vor.u32 v51, v59;
	[tilespmem:s18+$0x0] =	vst v49;
	v43 =	vld.idx.msk [tilespmem:v13+s3+$0x0], $0xffff  }
0x5f9: {  	v58 =	vor.u32 v14, v60;
	v13 =	vmov v50;
	v50 =	vor.u32 v30, v60;
	v30 =	vld.idx.msk [tilespmem:v18+s3+$0x0], $0xffff  }
0x5fa: {  	v53 =	vor.u32 v14, v59;
	[tilespmem:s9+$0x0] =	vst v42;
	v42 =	vor.u32 v14, v33;
	v14 =	vld.idx.msk [tilespmem:v0+s3+$0x0], $0xffff;
	v0 =	vmov v40  }
0x5fb: {  	[tilespmem:$0x1F880] =	vst v0;
	v0 =	vld [tilespmem:$0x1F8A0];
	_ =	sdelay $0x4  }
0x5fc: {  	[tilespmem:$0x1F510] =	vst v44;
	v29 =	vld [tilespmem:$0x1FF20];
	s26 =	sor.u32 s25, s24  }
0x5fd: {  	v17 =	vor.u32 v47, v24;
	v47 =	vmov v38;
	v38 =	vor.u32 v41, v60;
	v26 =	vld.idx.msk [tilespmem:v26+s3+$0x0], $0xffff;
	[tilespmem:s26+$0x0] =	vst v34  }
0x5fe: {  	v11 =	vor.u32 v41, v24;
	[tilespmem:$0x1F640] =	vst v12;
	v12 =	vor.u32 v63, v60;
	v44 =	vld.idx.msk [tilespmem:v46+s3+$0x0], $0xffff  }
0x5ff: {  	[tilespmem:$0x1F7B0] =	vst v5;
	v10 =	vor.u32 v41, v59;
	v41 =	vor.u32 v56, v33;
	v40 =	vld.idx.msk [tilespmem:v0+s3+$0x0], $0xffff;
	v0 =	vmov v12  }
0x600: {  	s17 =	sor.u32 s29, s24;
	s24 =	sadd.s32 $0x1D500, s23;
	[tilespmem:$0x1F8A0] =	vst v0;
	v0 =	vld [tilespmem:$0x1F8C0]  }
0x601: {  	s26 =	sor.u32 s21, s24;
	s31 =	sor.u32 s22, s24;
	[tilespmem:s17+$0x0] =	vst v25  }
0x602: {  	v5 =	vor.u32 v29, v24;
	s16 =	sor.u32 s20, s24;
	s8 =	sor.u32 s19, s24;
	s24 =	sadd.s32 $0x1A780, s5;
	[tilespmem:$0x1F890] =	vst v13;
	v13 =	vld.idx.msk [tilespmem:v16+s3+$0x0], $0xffff  }
0x603: {  	[tilespmem:s26+$0x0] =	vst v26;
	s26 =	sor.u32 s25, s24  }
0x604: {  	v41 =	vld.idx.msk [tilespmem:v41+s3+$0x0], $0xffff;
	[tilespmem:s26+$0x0] =	vst v44;
	s9 =	sor.u32 s4, s24  }
0x605: {  	v4 =	vor.u32 v29, v60;
	v3 =	vor.u32 v29, v59;
	v29 =	vor.u32 v29, v32;
	[tilespmem:s9+$0x0] =	vst v28  }
0x606: {  	v55 =	vld [tilespmem:$0x1FF50];
	s17 =	sor.u32 s29, s24;
	[tilespmem:s6+$0x0] =	vst v43  }
0x607: {  	v15 =	vor.u32 v63, v59;
	v5 =	vld.idx.msk [tilespmem:v5+s3+$0x0], $0xffff;
	[tilespmem:s17+$0x0] =	vst v13  }
0x608: {  	[tilespmem:s11+$0x0] =	vst v14;
	v14 =	vld.idx.msk [tilespmem:v0+s3+$0x0], $0xffff;
	v0 =	vmov v15  }
0x609: {  	s18 =	sor.u32 s30, s24;
	[tilespmem:$0x1F8C0] =	vst v0;
	v0 =	vld [tilespmem:$0x1F8B0]  }
0x60a: {  	s24 =	sadd.s32 $0x1D580, s23;
	v12 =	vld.idx.msk [tilespmem:v29+s3+$0x0], $0xffff;
	[tilespmem:s18+$0x0] =	vst v30  }
0x60b: {  	s26 =	sor.u32 s20, s24;
	v4 =	vld.idx.msk [tilespmem:v4+s3+$0x0], $0xffff  }
0x60c: {  	[tilespmem:$0x1F560] =	vst v35;
	[dreg:$0x10] =	wrdreg s26;
	s26 =	sor.u32 s21, s24;
	v3 =	vld.idx.msk [tilespmem:v3+s3+$0x0], $0xffff  }
0x60d: {  	v28 =	vor.u32 v55, v32;
	[tilespmem:s26+$0x0] =	vst v41;
	s18 =	sadd.s32 $0x1A800, s5  }
0x60e: {  	v61 =	vor.u32 v55, v59;
	v29 =	vld.idx.msk [tilespmem:v42+s3+$0x0], $0xffff;
	s6 =	sor.u32 s25, s18;
	[tilespmem:s1+$0x0] =	vst v40  }
0x60f: {  	v35 =	vor.u32 v55, v24;
	s26 =	sor.u32 s30, s18;
	[tilespmem:s6+$0x0] =	vst v12  }
0x610: {  	s9 =	sor.u32 s19, s24;
	s24 =	sor.u32 s22, s24;
	v13 =	vor.u32 v19, v33;
	s1 =	sor.u32 s29, s18;
	[tilespmem:s26+$0x0] =	vst v4  }
0x611: {  	[dreg:$0xe] =	wrdreg s24;
	s24 =	sor.u32 s4, s18;
	s18 =	sadd.s32 $0x1D600, s23;
	[tilespmem:s1+$0x0] =	vst v3;
	v12 =	vld.idx.msk [tilespmem:v0+s3+$0x0], $0xffff  }
0x612: {  	[dreg:$0x5] =	wrdreg s28;
	s28 =	sor.u32 s21, s18;
	[tilespmem:s24+$0x0] =	vst v5;
	v5 =	vld.idx.msk [tilespmem:v28+s3+$0x0], $0xffff  }
0x613: {  	v3 =	vld.idx.msk [tilespmem:v61+s3+$0x0], $0xffff;
	v0 =	vmov v11;
	[tilespmem:s28+$0x0] =	vst v29  }
0x614: {  	v62 =	vor.u32 v55, v60;
	[tilespmem:$0x1F8B0] =	vst v0;
	v0 =	vld.idx.msk [tilespmem:v35+s3+$0x0], $0xffff  }
0x615: {  	s17 =	sadd.s32 $0x1A880, s5;
	v4 =	vor.u32 v39, v32;
	[tilespmem:s2+$0x0] =	vst v14;
	v11 =	vld.idx.msk [tilespmem:v13+s3+$0x0], $0xffff  }
0x616: {  	s26 =	sor.u32 s25, s17;
	[tilespmem:s13+$0x0] =	vst v12;
	v12 =	vld [tilespmem:$0x1F8D0]  }
0x617: {  	v14 =	vor.u32 v31, v33;
	[tilespmem:s26+$0x0] =	vst v5;
	v5 =	vld [tilespmem:$0x1F8E0]  }
0x618: {  	s6 =	sor.u32 s20, s18;
	s24 =	sor.u32 s19, s18;
	s18 =	sor.u32 s22, s18  }
0x619: {  	s11 =	sadd.s32 $0x1D680, s23;
	[dreg:$0xf] =	wrdreg s18;
	v13 =	vld.idx.msk [tilespmem:v62+s3+$0x0], $0xffff;
	s18 =	sor.u32 s4, s17  }
0x61a: {  	s2 =	sor.u32 s21, s11;
	[tilespmem:s18+$0x0] =	vst v0;
	v0 =	vld.idx.msk [tilespmem:v4+s3+$0x0], $0xffff  }
0x61b: {  	v4 =	vld [tilespmem:$0x1F470];
	[tilespmem:s2+$0x0] =	vst v11  }
0x61c: {  	v11 =	vld.idx.msk [tilespmem:v14+s3+$0x0], $0xffff  }
0x61d: {  	v14 =	vld [tilespmem:$0x1F8F0]  }
0x61e: {  	v12 =	vld.idx.msk [tilespmem:v12+s3+$0x0], $0xffff  }
0x61f: {  	s28 =	sor.u32 s30, s17;
	v5 =	vld.idx.msk [tilespmem:v5+s3+$0x0], $0xffff  }
0x620: {  	s13 =	sor.u32 s29, s17;
	[tilespmem:s28+$0x0] =	vst v13;
	v13 =	vld [tilespmem:$0x1F480]  }
0x621: {  	[tilespmem:s13+$0x0] =	vst v3;
	v3 =	vld [tilespmem:$0x1F490]  }
0x622: {  	v15 =	vmov v38  }
0x623: {  	s1 =	sor.u32 s19, s11  }
0x624: {  	s26 =	sor.u32 s20, s11;
	s18 =	sor.u32 s22, s11;
	s11 =	sadd.s32 $0x1B500, s5  }
0x625: {  	[tilespmem:$0x1F8D0] =	vst v15;
	v15 =	vmov v10;
	v10 =	vor.u32 v47, v32;
	s17 =	sor.u32 s25, s11;
	v4 =	vld.idx.msk [tilespmem:v4+s3+$0x0], $0xffff  }
0x626: {  	[tilespmem:s17+$0x0] =	vst v0;
	v0 =	vld [tilespmem:$0x1F900]  }
0x627: {  	v14 =	vld.idx.msk [tilespmem:v14+s3+$0x0], $0xffff  }
0x628: {  	v13 =	vld.idx.msk [tilespmem:v13+s3+$0x0], $0xffff  }
0x629: {  	v3 =	vld.idx.msk [tilespmem:v3+s3+$0x0], $0xffff;
	[tilespmem:s12+$0x0] =	vst v12;
	s12 =	sor.u32 s4, s11  }
0x62a: {  	[tilespmem:s12+$0x0] =	vst v4;
	v4 =	vld.idx.msk [tilespmem:v10+s3+$0x0], $0xffff  }
0x62b: {  	v10 =	vld [tilespmem:$0x1F4C0];
	_ =	sdelay $0x3  }
0x62c: {  	s2 =	sor.u32 s29, s11;
	[tilespmem:s7+$0x0] =	vst v5;
	v0 =	vld.idx.msk [tilespmem:v0+s3+$0x0], $0xffff  }
0x62d: {  	v12 =	vor.u32 v20, v33;
	v5 =	vmov v8;
	[tilespmem:s2+$0x0] =	vst v3;
	v3 =	vld [tilespmem:$0x1F4D0]  }
0x62e: {  	[dreg:$0x14] =	wrdreg s18;
	s18 =	sadd.s32 $0x1D700, s23;
	s13 =	sor.u32 s30, s11;
	[tilespmem:$0x1F900] =	vst v5  }
0x62f: {  	s17 =	sor.u32 s21, s18;
	v5 =	vld [tilespmem:$0x1F4A0];
	[tilespmem:s13+$0x0] =	vst v13  }
0x630: {  	s28 =	sor.u32 s20, s18;
	[tilespmem:s17+$0x0] =	vst v11;
	v10 =	vld.idx.msk [tilespmem:v10+s3+$0x0], $0xffff  }
0x631: {  	v9 =	vmov v9;
	s7 =	sor.u32 s19, s18;
	s11 =	sor.u32 s22, s18;
	s18 =	sadd.s32 $0x1B580, s5;
	[tilespmem:s14+$0x0] =	vst v0;
	v0 =	vld [tilespmem:$0x1F920]  }
0x632: {  	[tilespmem:$0x1F8F0] =	vst v9;
	s17 =	sor.u32 s25, s18;
	v9 =	vld.idx.msk [tilespmem:v12+s3+$0x0], $0xffff  }
0x633: {  	[tilespmem:s17+$0x0] =	vst v4;
	v4 =	vld [tilespmem:$0x1F910]  }
0x634: {  	v18 =	vld [tilespmem:$0x1FF10]  }
0x635: {  	v12 =	vmov v7;
	v7 =	vmov v37;
	v3 =	vld.idx.msk [tilespmem:v3+s3+$0x0], $0xffff  }
0x636: {  	[tilespmem:$0x1F910] =	vst v7;
	v7 =	vld [tilespmem:$0x1F4E0]  }
0x637: {  	v8 =	vor.u32 v22, v32;
	v5 =	vld.idx.msk [tilespmem:v5+s3+$0x0], $0xffff  }
0x638: {  	v37 =	vld [tilespmem:$0x1FE70]  }
0x639: {  	[tilespmem:s15+$0x0] =	vst v14;
	s14 =	sor.u32 s29, s18;
	v0 =	vld.idx.msk [tilespmem:v0+s3+$0x0], $0xffff  }
0x63a: {  	v11 =	vor.u32 v18, v33;
	[tilespmem:s14+$0x0] =	vst v3;
	v3 =	vld [tilespmem:$0x1F500]  }
0x63b: {  	s12 =	sor.u32 s4, s18;
	v4 =	vld.idx.msk [tilespmem:v4+s3+$0x0], $0xffff  }
0x63c: {  	s13 =	sor.u32 s30, s18;
	s18 =	sadd.s32 $0x1D780, s23;
	[tilespmem:s12+$0x0] =	vst v5;
	v5 =	vld.idx.msk [tilespmem:v8+s3+$0x0], $0xffff  }
0x63d: {  	s17 =	sor.u32 s21, s18;
	[tilespmem:s13+$0x0] =	vst v10;
	v10 =	vld [tilespmem:$0x1F4F0]  }
0x63e: {  	[tilespmem:s17+$0x0] =	vst v9;
	v8 =	vor.u32 v37, v32;
	v7 =	vld.idx.msk [tilespmem:v7+s3+$0x0], $0xffff  }
0x63f: {  	s15 =	sadd.s32 $0x1B600, s5;
	v9 =	vld.idx.msk [tilespmem:v11+s3+$0x0], $0xffff  }
0x640: {  	s17 =	sor.u32 s25, s15;
	[tilespmem:s8+$0x0] =	vst v4;
	v4 =	vld [tilespmem:$0x1F510]  }
0x641: {  	[tilespmem:s17+$0x0] =	vst v5  }
0x642: {  	s17 =	sadd.s32 $0x1D800, s23;
	v3 =	vld.idx.msk [tilespmem:v3+s3+$0x0], $0xffff;
	[tilespmem:s10+$0x0] =	vst v0;
	s10 =	sor.u32 s4, s15  }
0x643: {  	v11 =	vmov v6;
	v6 =	vld.idx.msk [tilespmem:v8+s3+$0x0], $0xffff;
	[tilespmem:s10+$0x0] =	vst v7;
	s10 =	sor.u32 s21, s17  }
0x644: {  	[tilespmem:s10+$0x0] =	vst v9;
	v9 =	vld [tilespmem:$0x1F530];
	_ =	sdelay $0x1  }
0x645: {  	v10 =	vld.idx.msk [tilespmem:v10+s3+$0x0], $0xffff  }
0x646: {  	v5 =	vld [tilespmem:$0x1F930]  }
0x647: {  	v4 =	vld.idx.msk [tilespmem:v4+s3+$0x0], $0xffff  }
0x648: {  	v7 =	vld [tilespmem:$0x1F520]  }
0x649: {  	s14 =	sor.u32 s30, s15  }
0x64a: {  	v44 =	vld [tilespmem:$0x1FEF0];
	[tilespmem:s14+$0x0] =	vst v10  }
0x64b: {  	v9 =	vld.idx.msk [tilespmem:v9+s3+$0x0], $0xffff  }
0x64c: {  	[tilespmem:s16+$0x0] =	vst v4;
	v4 =	vld [tilespmem:$0x1F550];
	_ =	sdelay $0x1  }
0x64d: {  	s13 =	sor.u32 s29, s15;
	v5 =	vld.idx.msk [tilespmem:v5+s3+$0x0], $0xffff  }
0x64e: {  	[tilespmem:s13+$0x0] =	vst v3;
	v3 =	vld [tilespmem:$0x1F540]  }
0x64f: {  	v1 =	vor.u32 v56, v24;
	v7 =	vld.idx.msk [tilespmem:v7+s3+$0x0], $0xffff  }
0x650: {  	v0 =	vor.u32 v44, v33;
	v33 =	vmov v32;
	v32 =	vmov v1;
	v1 =	vld [tilespmem:$0x1F560];
	_ =	sdelay $0x1  }
0x651: {  	s10 =	sadd.s32 $0x1B680, s5  }
0x652: {  	s13 =	sor.u32 s4, s10;
	v4 =	vld.idx.msk [tilespmem:v4+s3+$0x0], $0xffff  }
0x653: {  	[tilespmem:s13+$0x0] =	vst v7;
	v7 =	vld [tilespmem:$0x1F590];
	_ =	sdelay $0x1  }
0x654: {  	v3 =	vld.idx.msk [tilespmem:v3+s3+$0x0], $0xffff  }
0x655: {  	s2 =	sor.u32 s19, s18;
	s12 =	sor.u32 s20, s18;
	[tilespmem:s31+$0x0] =	vst v5;
	v5 =	vld [tilespmem:$0x1F570]  }
0x656: {  	s18 =	sor.u32 s22, s18;
	s8 =	sor.u32 s19, s17;
	s15 =	sor.u32 s20, s17;
	v1 =	vld.idx.msk [tilespmem:v1+s3+$0x0], $0xffff  }
0x657: {  	s17 =	sor.u32 s22, s17;
	v8 =	vor.u32 v21, v33;
	s14 =	sor.u32 s30, s10;
	s16 =	sor.u32 s25, s10  }
0x658: {  	v0 =	vld.idx.msk [tilespmem:v0+s3+$0x0], $0xffff;
	s10 =	sor.u32 s29, s10;
	[tilespmem:s16+$0x0] =	vst v6;
	s31 =	sadd.s32 $0x1D880, s23;
	s23 =	smov.u32 s5  }
0x659: {  	v6 =	vld [tilespmem:$0x1F580];
	s16 =	sor.u32 s19, s31;
	s5 =	sor.u32 s20, s31;
	s21 =	sor.u32 s21, s31;
	[tilespmem:s14+$0x0] =	vst v9  }
0x65a: {  	s31 =	sor.u32 s22, s31;
	s22 =	smov.u32 s29;
	s29 =	rddreg [dreg:$0x10];
	v7 =	vld.idx.msk [tilespmem:v7+s3+$0x0], $0xffff  }
0x65b: {  	v2 =	vor.u32 v56, v60;
	[tilespmem:s29+$0x0] =	vst v1;
	v1 =	vld [tilespmem:$0x1F5C0]  }
0x65c: {  	v35 =	vmov v2;
	v2 =	vld.idx.msk [tilespmem:v8+s3+$0x0], $0xffff  }
0x65d: {  	v5 =	vld.idx.msk [tilespmem:v5+s3+$0x0], $0xffff  }
0x65e: {  	[tilespmem:s9+$0x0] =	vst v4;
	v4 =	vld [tilespmem:$0x1F5B0];
	_ =	sdelay $0x1  }
0x65f: {  	[tilespmem:s21+$0x0] =	vst v0;
	s21 =	smov.u32 s25;
	s13 =	sadd.s32 $0x1B700, s23;
	v21 =	vmov v1;
	v1 =	vld [tilespmem:$0x1F5D0]  }
0x660: {  	s20 =	smov.u32 s30;
	s30 =	sor.u32 s21, s13  }
0x661: {  	v0 =	vor.u32 v52, v33;
	[tilespmem:s30+$0x0] =	vst v2;
	v2 =	vld [tilespmem:$0x1F5F0];
	_ =	sdelay $0x1  }
0x662: {  	v6 =	vld.idx.msk [tilespmem:v6+s3+$0x0], $0xffff  }
0x663: {  	[tilespmem:s10+$0x0] =	vst v3;
	v3 =	vld [tilespmem:$0x1F5A0]  }
0x664: {  	s19 =	smov.u32 s4;
	v4 =	vld.idx.msk [tilespmem:v4+s3+$0x0], $0xffff  }
0x665: {  	v0 =	vld.idx.msk [tilespmem:v0+s3+$0x0], $0xffff;
	s9 =	sor.u32 s19, s13  }
0x666: {  	s10 =	sor.u32 s20, s13;
	[tilespmem:s9+$0x0] =	vst v5;
	v1 =	vld.idx.msk [tilespmem:v1+s3+$0x0], $0xffff  }
0x667: {  	[tilespmem:s10+$0x0] =	vst v7;
	v7 =	vld [tilespmem:$0x1F610]  }
0x668: {  	v2 =	vld.idx.msk [tilespmem:v2+s3+$0x0], $0xffff  }
0x669: {  	s4 =	sor.u32 s22, s13;
	s13 =	sadd.s32 $0x1B780, s23;
	[tilespmem:s24+$0x0] =	vst v4;
	v4 =	vld [tilespmem:$0x1F630]  }
0x66a: {  	s25 =	sor.u32 s21, s13  }
0x66b: {  	[tilespmem:s25+$0x0] =	vst v0;
	v0 =	vld [tilespmem:$0x1F650];
	_ =	sdelay $0x2  }
0x66c: {  	v3 =	vld.idx.msk [tilespmem:v3+s3+$0x0], $0xffff  }
0x66d: {  	s30 =	rddreg [dreg:$0xe];
	v7 =	vld.idx.msk [tilespmem:v7+s3+$0x0], $0xffff  }
0x66e: {  	s29 =	sor.u32 s19, s13;
	[tilespmem:s30+$0x0] =	vst v6;
	v6 =	vld [tilespmem:$0x1F600]  }
0x66f: {  	v4 =	vld.idx.msk [tilespmem:v4+s3+$0x0], $0xffff;
	[tilespmem:s29+$0x0] =	vst v2  }
0x670: {  	v2 =	vld [tilespmem:$0x1F660];
	[tilespmem:s6+$0x0] =	vst v1  }
0x671: {  	s30 =	sor.u32 s20, s13;
	v0 =	vld.idx.msk [tilespmem:v0+s3+$0x0], $0xffff  }
0x672: {  	[tilespmem:s30+$0x0] =	vst v7;
	v7 =	vld [tilespmem:$0x1F680];
	_ =	sdelay $0x2  }
0x673: {  	v8 =	vld [tilespmem:$0x1FE20]  }
0x674: {  	v6 =	vld.idx.msk [tilespmem:v6+s3+$0x0], $0xffff  }
0x675: {  	[tilespmem:s4+$0x0] =	vst v3;
	v3 =	vld [tilespmem:$0x1F620]  }
0x676: {  	v2 =	vld.idx.msk [tilespmem:v2+s3+$0x0], $0xffff  }
0x677: {  	[tilespmem:s1+$0x0] =	vst v4;
	v4 =	vld [tilespmem:$0x1F6A0]  }
0x678: {  	v7 =	vld.idx.msk [tilespmem:v7+s3+$0x0], $0xffff  }
0x679: {  	[tilespmem:s26+$0x0] =	vst v0;
	v0 =	vld [tilespmem:$0x1F6B0];
	_ =	sdelay $0x2  }
0x67a: {  	v5 =	vor.u32 v8, v33  }
0x67b: {  	v3 =	vld.idx.msk [tilespmem:v3+s3+$0x0], $0xffff  }
0x67c: {  	s30 =	sadd.s32 $0x1B800, s23;
	v13 =	vmov v0;
	v0 =	vld [tilespmem:$0x1F6C0]  }
0x67d: {  	s6 =	sor.u32 s19, s30;
	v8 =	vld.idx.msk [tilespmem:v4+s3+$0x0], $0xffff  }
0x67e: {  	[tilespmem:s6+$0x0] =	vst v2;
	v2 =	vld [tilespmem:$0x1F700]  }
0x67f: {  	s29 =	rddreg [dreg:$0xf];
	v1 =	vld.idx.msk [tilespmem:v5+s3+$0x0], $0xffff  }
0x680: {  	[tilespmem:s29+$0x0] =	vst v6;
	v6 =	vld [tilespmem:$0x1F670];
	_ =	sdelay $0x2  }
0x681: {  	[tilespmem:$0x1F8E0] =	vst v15;
	s4 =	sor.u32 s22, s13;
	s13 =	sor.u32 s21, s30;
	v15 =	vmov v2;
	v2 =	vld [tilespmem:$0x1F710]  }
0x682: {  	[tilespmem:s13+$0x0] =	vst v1;
	v1 =	vld.idx.msk [tilespmem:v0+s3+$0x0], $0xffff  }
0x683: {  	v0 =	vld [tilespmem:$0x1F6E0]  }
0x684: {  	v34 =	vor.u32 v19, v24;
	v41 =	vld [tilespmem:$0x1FE40];
	v5 =	vor.u32 v54, v33  }
0x685: {  	v46 =	vor.u32 v19, v59;
	v45 =	vor.u32 v19, v60;
	v30 =	vmovc v19;
	v19 =	vmov v34;
	v34 =	vld [tilespmem:$0x1F640]  }
0x686: {  	v6 =	vld.idx.msk [tilespmem:v6+s3+$0x0], $0xffff  }
0x687: {  	[tilespmem:s4+$0x0] =	vst v3;
	v3 =	vld [tilespmem:$0x1F690]  }
0x688: {  	v42 =	vld [tilespmem:$0x1FE30];
	s10 =	sor.u32 s20, s30  }
0x689: {  	v9 =	vld.idx.msk [tilespmem:v5+s3+$0x0], $0xffff;
	[tilespmem:s10+$0x0] =	vst v7  }
0x68a: {  	v5 =	vld.idx.msk [tilespmem:v2+s3+$0x0], $0xffff  }
0x68b: {  	v10 =	vld.idx.msk [tilespmem:v0+s3+$0x0], $0xffff  }
0x68c: {  	v0 =	vld [tilespmem:$0x1F6F0]  }
0x68d: {  	v2 =	vld [tilespmem:$0x1F720]  }
0x68e: {  	[tilespmem:s28+$0x0] =	vst v1;
	v1 =	vld [tilespmem:$0x1F740]  }
0x68f: {  	v3 =	vld.idx.msk [tilespmem:v3+s3+$0x0], $0xffff  }
0x690: {  	v40 =	vld [tilespmem:$0x1FE50]  }
0x691: {  	v28 =	vmov v58;
	v58 =	vld [tilespmem:$0x1F5E0]  }
0x692: {  	v29 =	vld [tilespmem:$0x1FE60];
	[tilespmem:$0x1F930] =	vst v11;
	s25 =	rddreg [dreg:$0x14]  }
0x693: {  	s4 =	sor.u32 s22, s30;
	[tilespmem:s25+$0x0] =	vst v6;
	v11 =	vmov v1;
	v1 =	vld [tilespmem:$0x1F750]  }
0x694: {  	v0 =	vld.idx.msk [tilespmem:v0+s3+$0x0], $0xffff;
	[tilespmem:s4+$0x0] =	vst v3  }
0x695: {  	v4 =	vld.idx.msk [tilespmem:v2+s3+$0x0], $0xffff  }
0x696: {  	v2 =	vld [tilespmem:$0x1F730]  }
0x697: {  	v38 =	vmov v47;
	v47 =	vld [tilespmem:$0x1FE90]  }
0x698: {  	v51 =	vmov v63;
	v63 =	vor.u32 v56, v59;
	v6 =	vor.u32 v23, v33;
	v3 =	vld [tilespmem:$0x1F760]  }
0x699: {  	p0 =	slt.u32 s0, $0x1C;
	v22 =	vld [tilespmem:$0x1F4B0]  }
.Ltmp1:
0x69a: {  	v16 =	vor.u32 v44, v60;
	v25 =	vor.u32 v18, v24;
	v43 =	vor.u32 v44, v24;
	v14 =	vmovc v50;
	v50 =	vld [tilespmem:$0x1F6D0];
	s26 =	sadd.s32 $0x1B880, s23;
	(pc) =	sbr.rel @p0 .LBB2_5-.Ltmp1, $4  }
0x69b: {  	v24 =	vor.u32 v44, v59;
	[tilespmem:$0x1F920] =	vst v12;
	v44 =	vmovc v36;
	v36 =	vmov v63;
	v63 =	vmov v51;
	v51 =	vld [tilespmem:$0x1FEA0];
	s30 =	sor.u32 s21, s26  }
0x69c: {  	v27 =	vor.u32 v20, v59;
	v26 =	vor.u32 v18, v60;
	s14 =	rddreg [dreg:$0xc];
	[tilespmem:s30+$0x0] =	vst v9;
	v1 =	vld.idx.msk [tilespmem:v1+s3+$0x0], $0xffff  }
0x69d: {  	v55 =	vmovc v31;
	v49 =	vor.u32 v18, v59;
	v60 =	vmov v48;
	s24 =	rddreg [dreg:$0xa];
	s29 =	sor.u32 s19, s26;
	[tilespmem:s7+$0x0] =	vst v8;
	v12 =	vmov v3;
	v3 =	vld.idx.msk [tilespmem:v6+s3+$0x0], $0xffff  }
0x69e: {  	v59 =	vmovc v57;
	v31 =	vmovc v53;
	v20 =	vmov v17;
	v17 =	vmov v45;
	v18 =	vmov v46;
	s6 =	sor.u32 s20, s26;
	s1 =	sor.u32 s22, s26;
	s28 =	rddreg [dreg:$0x5];
	v2 =	vld.idx.msk [tilespmem:v2+s3+$0x0], $0xffff;
	[tilespmem:s29+$0x0] =	vst v10  }
0x69f: {  	_ = 	snop  }
0x6a0: {  	s0 =	sadd.s32 $0x1C500, s23  }
0x6a1: {  	[tilespmem:s6+$0x0] =	vst v5;
	s4 =	sor.u32 s21, s0  }
0x6a2: {  	[tilespmem:s4+$0x0] =	vst v3  }
0x6a3: {  	v5 =	vld [tilespmem:$0x1F7C0]  }
0x6a4: {  	v9 =	vld [tilespmem:$0x1FEC0];
	[tilespmem:s1+$0x0] =	vst v4  }
0x6a5: {  	v4 =	vld [tilespmem:$0x1F7D0]  }
0x6a6: {  	v6 =	vor.u32 v47, v33;
	v7 =	vld [tilespmem:$0x1F7E0];
	_ =	sdelay $0x4  }
0x6a7: {  	v3 =	vld.idx.msk [tilespmem:v6+s3+$0x0], $0xffff  }
0x6a8: {  	v6 =	vor.u32 v9, v33;
	v5 =	vld.idx.msk [tilespmem:v5+s3+$0x0], $0xffff  }
0x6a9: {  	v4 =	vld.idx.msk [tilespmem:v4+s3+$0x0], $0xffff  }
0x6aa: {  	s13 =	sadd.s32 $0x1C580, s23;
	v7 =	vld.idx.msk [tilespmem:v7+s3+$0x0], $0xffff  }
0x6ab: {  	s25 =	sor.u32 s21, s13  }
0x6ac: {  	s26 =	sor.u32 s19, s0;
	[tilespmem:s25+$0x0] =	vst v3  }
0x6ad: {  	s28 =	sor.u32 s20, s0;
	v3 =	vld.idx.msk [tilespmem:v6+s3+$0x0], $0xffff;
	[tilespmem:s26+$0x0] =	vst v5  }
0x6ae: {  	s0 =	sor.u32 s22, s0;
	v5 =	vld.idx.msk [tilespmem:v20+s3+$0x0], $0xffff;
	[tilespmem:s28+$0x0] =	vst v4  }
0x6af: {  	v20 =	vld [tilespmem:$0x1FF00];
	[tilespmem:s0+$0x0] =	vst v7  }
0x6b0: {  	v6 =	vld [tilespmem:$0x1F7F0]  }
0x6b1: {  	v7 =	vld [tilespmem:$0x1F800];
	_ =	sdelay $0x6  }
0x6b2: {  	v4 =	vor.u32 v20, v33;
	v6 =	vld.idx.msk [tilespmem:v6+s3+$0x0], $0xffff  }
0x6b3: {  	s29 =	sadd.s32 $0x1C600, s23;
	v7 =	vld.idx.msk [tilespmem:v7+s3+$0x0], $0xffff  }
0x6b4: {  	s30 =	sor.u32 s21, s29  }
0x6b5: {  	s6 =	sor.u32 s19, s13;
	[tilespmem:s30+$0x0] =	vst v3  }
0x6b6: {  	s7 =	sor.u32 s20, s13;
	[tilespmem:s6+$0x0] =	vst v5  }
0x6b7: {  	s1 =	sor.u32 s22, s13;
	v3 =	vld.idx.msk [tilespmem:v4+s3+$0x0], $0xffff;
	[tilespmem:s7+$0x0] =	vst v6  }
0x6b8: {  	v4 =	vld [tilespmem:$0x1F810];
	[tilespmem:s1+$0x0] =	vst v7  }
0x6b9: {  	v6 =	vld [tilespmem:$0x1F820];
	_ =	sdelay $0x6  }
0x6ba: {  	v4 =	vld.idx.msk [tilespmem:v4+s3+$0x0], $0xffff  }
0x6bb: {  	v5 =	vor.u32 v51, v33;
	v6 =	vld.idx.msk [tilespmem:v6+s3+$0x0], $0xffff  }
0x6bc: {  	s9 =	sadd.s32 $0x1C680, s23;
	v7 =	vld.idx.msk [tilespmem:v34+s3+$0x0], $0xffff  }
0x6bd: {  	s10 =	sor.u32 s21, s9  }
0x6be: {  	s13 =	sor.u32 s19, s29;
	[tilespmem:s10+$0x0] =	vst v3  }
0x6bf: {  	s25 =	sor.u32 s20, s29;
	[tilespmem:s13+$0x0] =	vst v4  }
0x6c0: {  	s0 =	sor.u32 s22, s29;
	v3 =	vld.idx.msk [tilespmem:v5+s3+$0x0], $0xffff;
	[tilespmem:s25+$0x0] =	vst v6  }
0x6c1: {  	v5 =	vld [tilespmem:$0x1F830];
	[tilespmem:s0+$0x0] =	vst v7  }
0x6c2: {  	v6 =	vld [tilespmem:$0x1F840];
	_ =	sdelay $0x1  }
0x6c3: {  	v7 =	vld [tilespmem:$0x1F860];
	_ =	sdelay $0x4  }
0x6c4: {  	v5 =	vld.idx.msk [tilespmem:v5+s3+$0x0], $0xffff  }
0x6c5: {  	v6 =	vld.idx.msk [tilespmem:v6+s3+$0x0], $0xffff  }
0x6c6: {  	s26 =	sadd.s32 $0x1C700, s23  }
0x6c7: {  	s28 =	sor.u32 s21, s26;
	v7 =	vld.idx.msk [tilespmem:v7+s3+$0x0], $0xffff  }
0x6c8: {  	s29 =	sor.u32 s19, s9;
	[tilespmem:s28+$0x0] =	vst v3  }
0x6c9: {  	s30 =	sor.u32 s20, s9;
	[tilespmem:s29+$0x0] =	vst v5  }
0x6ca: {  	[tilespmem:s30+$0x0] =	vst v6  }
0x6cb: {  	s1 =	sor.u32 s22, s9;
	v61 =	vld [tilespmem:$0x1FFF0]  }
0x6cc: {  	v5 =	vld [tilespmem:$0x1F850];
	[tilespmem:s1+$0x0] =	vst v7  }
0x6cd: {  	v6 =	vld [tilespmem:$0x1F870]  }
0x6ce: {  	v4 =	vor.u32 v63, v33  }
0x6cf: {  	v7 =	vld [tilespmem:$0x1F890];
	_ =	sdelay $0x3  }
0x6d0: {  	v3 =	vld.idx.msk [tilespmem:v4+s3+$0x0], $0xffff  }
0x6d1: {  	v5 =	vld.idx.msk [tilespmem:v5+s3+$0x0], $0xffff  }
0x6d2: {  	v6 =	vld.idx.msk [tilespmem:v6+s3+$0x0], $0xffff  }
0x6d3: {  	s6 =	sadd.s32 $0x1C780, s23  }
0x6d4: {  	s7 =	sor.u32 s21, s6;
	v7 =	vld.idx.msk [tilespmem:v7+s3+$0x0], $0xffff  }
0x6d5: {  	s9 =	sor.u32 s19, s26;
	[tilespmem:s7+$0x0] =	vst v3  }
0x6d6: {  	s10 =	sor.u32 s20, s26;
	[tilespmem:s9+$0x0] =	vst v5  }
0x6d7: {  	[tilespmem:s10+$0x0] =	vst v6  }
0x6d8: {  	s0 =	sor.u32 s22, s26;
	v54 =	vld [tilespmem:$0x1FFD0]  }
0x6d9: {  	v5 =	vld [tilespmem:$0x1F880];
	[tilespmem:s0+$0x0] =	vst v7  }
0x6da: {  	v6 =	vld [tilespmem:$0x1F8A0]  }
0x6db: {  	v4 =	vor.u32 v61, v33  }
0x6dc: {  	v7 =	vld [tilespmem:$0x1F8C0];
	_ =	sdelay $0x3  }
0x6dd: {  	v3 =	vld.idx.msk [tilespmem:v4+s3+$0x0], $0xffff  }
0x6de: {  	v5 =	vld.idx.msk [tilespmem:v5+s3+$0x0], $0xffff  }
0x6df: {  	v6 =	vld.idx.msk [tilespmem:v6+s3+$0x0], $0xffff  }
0x6e0: {  	s13 =	sadd.s32 $0x1C800, s23  }
0x6e1: {  	s25 =	sor.u32 s21, s13;
	v7 =	vld.idx.msk [tilespmem:v7+s3+$0x0], $0xffff  }
0x6e2: {  	s26 =	sor.u32 s19, s6;
	[tilespmem:s25+$0x0] =	vst v3  }
0x6e3: {  	s28 =	sor.u32 s20, s6;
	[tilespmem:s26+$0x0] =	vst v5  }
0x6e4: {  	[tilespmem:s28+$0x0] =	vst v6  }
0x6e5: {  	s1 =	sor.u32 s22, s6;
	v62 =	vld [tilespmem:$0x1FFE0]  }
0x6e6: {  	v5 =	vld [tilespmem:$0x1F8B0];
	[tilespmem:s1+$0x0] =	vst v7  }
0x6e7: {  	v6 =	vld [tilespmem:$0x1F8D0]  }
0x6e8: {  	v4 =	vor.u32 v54, v33;
	v7 =	vld [tilespmem:$0x1F8E0];
	_ =	sdelay $0x4  }
0x6e9: {  	v3 =	vld.idx.msk [tilespmem:v4+s3+$0x0], $0xffff  }
0x6ea: {  	v5 =	vld.idx.msk [tilespmem:v5+s3+$0x0], $0xffff  }
0x6eb: {  	v6 =	vld.idx.msk [tilespmem:v6+s3+$0x0], $0xffff  }
0x6ec: {  	s29 =	sadd.s32 $0x1C880, s23;
	v7 =	vld.idx.msk [tilespmem:v7+s3+$0x0], $0xffff  }
0x6ed: {  	s30 =	sor.u32 s21, s29  }
0x6ee: {  	s6 =	sor.u32 s19, s13;
	[tilespmem:s30+$0x0] =	vst v3  }
0x6ef: {  	s7 =	sor.u32 s20, s13;
	[tilespmem:s6+$0x0] =	vst v5  }
0x6f0: {  	s0 =	sor.u32 s22, s13;
	[tilespmem:s7+$0x0] =	vst v6  }
0x6f1: {  	v5 =	vld [tilespmem:$0x1F8F0];
	[tilespmem:s0+$0x0] =	vst v7  }
0x6f2: {  	v6 =	vld [tilespmem:$0x1F900]  }
0x6f3: {  	v4 =	vor.u32 v62, v33  }
0x6f4: {  	v7 =	vld [tilespmem:$0x1F920];
	_ =	sdelay $0x3  }
0x6f5: {  	v3 =	vld.idx.msk [tilespmem:v4+s3+$0x0], $0xffff  }
0x6f6: {  	v5 =	vld.idx.msk [tilespmem:v5+s3+$0x0], $0xffff  }
0x6f7: {  	v6 =	vld.idx.msk [tilespmem:v6+s3+$0x0], $0xffff  }
0x6f8: {  	s9 =	sadd.s32 $0x1D500, s23  }
0x6f9: {  	s10 =	sor.u32 s21, s9;
	v7 =	vld.idx.msk [tilespmem:v7+s3+$0x0], $0xffff  }
0x6fa: {  	s13 =	sor.u32 s19, s29;
	[tilespmem:s10+$0x0] =	vst v3  }
0x6fb: {  	s25 =	sor.u32 s20, s29;
	[tilespmem:s13+$0x0] =	vst v5  }
0x6fc: {  	[tilespmem:s25+$0x0] =	vst v6  }
0x6fd: {  	s1 =	sor.u32 s22, s29;
	v10 =	vld [tilespmem:$0x1FF60]  }
0x6fe: {  	v5 =	vld [tilespmem:$0x1F910];
	[tilespmem:s1+$0x0] =	vst v7  }
0x6ff: {  	v7 =	vld [tilespmem:$0x1F930]  }
0x700: {  	v4 =	vor.u32 v56, v33;
	_ =	sdelay $0x3  }
0x701: {  	v6 =	vld.idx.msk [tilespmem:v44+s3+$0x0], $0xffff  }
0x702: {  	v3 =	vld.idx.msk [tilespmem:v4+s3+$0x0], $0xffff  }
0x703: {  	v4 =	vor.u32 v10, v33;
	v5 =	vld.idx.msk [tilespmem:v5+s3+$0x0], $0xffff  }
0x704: {  	v7 =	vld.idx.msk [tilespmem:v7+s3+$0x0], $0xffff  }
0x705: {  	s26 =	sadd.s32 $0x1D580, s23;
	s30 =	sor.u32 s20, s9  }
0x706: {  	s28 =	sor.u32 s21, s26;
	[tilespmem:s30+$0x0] =	vst v6  }
0x707: {  	s29 =	sor.u32 s19, s9;
	[tilespmem:s28+$0x0] =	vst v3;
	v6 =	vld.idx.msk [tilespmem:v35+s3+$0x0], $0xffff  }
0x708: {  	s0 =	sor.u32 s22, s9;
	v3 =	vld.idx.msk [tilespmem:v4+s3+$0x0], $0xffff;
	[tilespmem:s29+$0x0] =	vst v5  }
0x709: {  	v4 =	vor.u32 v30, v33;
	v5 =	vld.idx.msk [tilespmem:v32+s3+$0x0], $0xffff;
	[tilespmem:s0+$0x0] =	vst v7  }
0x70a: {  	v7 =	vld.idx.msk [tilespmem:v36+s3+$0x0], $0xffff  }
0x70b: {  	s6 =	sadd.s32 $0x1D600, s23;
	s10 =	sor.u32 s20, s26  }
0x70c: {  	s7 =	sor.u32 s21, s6;
	[tilespmem:s10+$0x0] =	vst v6  }
0x70d: {  	s9 =	sor.u32 s19, s26;
	v6 =	vld.idx.msk [tilespmem:v28+s3+$0x0], $0xffff;
	[tilespmem:s7+$0x0] =	vst v3  }
0x70e: {  	s1 =	sor.u32 s22, s26;
	v3 =	vld.idx.msk [tilespmem:v4+s3+$0x0], $0xffff;
	[tilespmem:s9+$0x0] =	vst v5  }
0x70f: {  	v5 =	vld.idx.msk [tilespmem:v21+s3+$0x0], $0xffff;
	[tilespmem:s1+$0x0] =	vst v7  }
0x710: {  	[tilespmem:s11+$0x0] =	vst v0;
	v53 =	vld.idx.msk [tilespmem:v31+s3+$0x0], $0xffff  }
0x711: {  	s13 =	sadd.s32 $0x1D680, s23;
	[tilespmem:s2+$0x0] =	vst v2;
	s28 =	sor.u32 s20, s6  }
0x712: {  	s25 =	sor.u32 s21, s13;
	[tilespmem:s28+$0x0] =	vst v6  }
0x713: {  	s26 =	sor.u32 s19, s6;
	v4 =	vor.u32 v55, v33;
	[tilespmem:s25+$0x0] =	vst v3  }
0x714: {  	s0 =	sor.u32 s22, s6;
	[tilespmem:s26+$0x0] =	vst v5  }
0x715: {  	v6 =	vld [tilespmem:$0x1FEB0];
	[tilespmem:s0+$0x0] =	vst v53  }
0x716: {  	[tilespmem:s12+$0x0] =	vst v1  }
0x717: {  	v5 =	vld [tilespmem:$0x1F770]  }
0x718: {  	v57 =	vld.idx.msk [tilespmem:v4+s3+$0x0], $0xffff;
	_ =	sdelay $0x2  }
0x719: {  	s29 =	sadd.s32 $0x1D700, s23;
	v34 =	vld.idx.msk [tilespmem:v17+s3+$0x0], $0xffff;
	s2 =	rddreg [dreg:$0x7]  }
0x71a: {  	s30 =	sor.u32 s21, s29;
	v4 =	vld.idx.msk [tilespmem:v19+s3+$0x0], $0xffff;
	[tilespmem:s2+$0x0] =	vst v5  }
0x71b: {  	v5 =	vld [tilespmem:$0x1F790];
	[tilespmem:s30+$0x0] =	vst v57  }
0x71c: {  	v2 =	vld [tilespmem:$0x1F780];
	_ =	sdelay $0x2  }
0x71d: {  	s4 =	sor.u32 s19, s13  }
0x71e: {  	s6 =	sor.u32 s20, s13;
	v32 =	vor.u32 v6, v33;
	[tilespmem:s4+$0x0] =	vst v4  }
0x71f: {  	v35 =	vld.idx.msk [tilespmem:v18+s3+$0x0], $0xffff;
	[tilespmem:s6+$0x0] =	vst v34  }
0x720: {  	v8 =	vld [tilespmem:$0x1FF10]  }
0x721: {  	v5 =	vld.idx.msk [tilespmem:v5+s3+$0x0], $0xffff  }
0x722: {  	v2 =	vld.idx.msk [tilespmem:v2+s3+$0x0], $0xffff  }
0x723: {  	v3 =	vld.idx.msk [tilespmem:v32+s3+$0x0], $0xffff  }
0x724: {  	s1 =	sor.u32 s22, s13;
	v4 =	vld.idx.msk [tilespmem:v13+s3+$0x0], $0xffff  }
0x725: {  	[tilespmem:s1+$0x0] =	vst v35;
	v44 =	vld.idx.msk [tilespmem:v14+s3+$0x0], $0xffff  }
0x726: {  	s7 =	sadd.s32 $0x1D780, s23;
	[tilespmem:s18+$0x0] =	vst v5  }
0x727: {  	[tilespmem:s8+$0x0] =	vst v2;
	s8 =	sor.u32 s21, s7  }
0x728: {  	s9 =	sor.u32 s19, s29;
	[tilespmem:s8+$0x0] =	vst v3  }
0x729: {  	s10 =	sor.u32 s20, s29;
	v3 =	vld [tilespmem:$0x1F7A0];
	[tilespmem:s9+$0x0] =	vst v4  }
0x72a: {  	v36 =	vor.u32 v8, v33;
	[tilespmem:s10+$0x0] =	vst v44  }
0x72b: {  	v7 =	vld [tilespmem:$0x1FEF0]  }
0x72c: {  	v45 =	vld.idx.msk [tilespmem:v50+s3+$0x0], $0xffff  }
0x72d: {  	v5 =	vld.idx.msk [tilespmem:v15+s3+$0x0], $0xffff;
	_ =	sdelay $0x1  }
0x72e: {  	v0 =	vld.idx.msk [tilespmem:v36+s3+$0x0], $0xffff  }
0x72f: {  	v50 =	vld.idx.msk [tilespmem:v22+s3+$0x0], $0xffff;
	v46 =	vor.u32 v7, v33  }
0x730: {  	s0 =	sor.u32 s22, s29;
	v4 =	vld.idx.msk [tilespmem:v11+s3+$0x0], $0xffff;
	[tilespmem:s15+$0x0] =	vst v45  }
0x731: {  	s11 =	sadd.s32 $0x1D800, s23;
	[tilespmem:s0+$0x0] =	vst v5;
	v5 =	vld.idx.msk [tilespmem:v12+s3+$0x0], $0xffff  }
0x732: {  	s12 =	sor.u32 s21, s11;
	[tilespmem:s24+$0x0] =	vst v60;
	v3 =	vld.idx.msk [tilespmem:v3+s3+$0x0], $0xffff  }
0x733: {  	v48 =	vld.idx.msk [tilespmem:v27+s3+$0x0], $0xffff;
	[tilespmem:s12+$0x0] =	vst v0  }
0x734: {  	s13 =	sor.u32 s19, s7;
	[tilespmem:s14+$0x0] =	vst v50;
	v1 =	vld.idx.msk [tilespmem:v46+s3+$0x0], $0xffff  }
0x735: {  	s15 =	sor.u32 s20, s7;
	[tilespmem:s13+$0x0] =	vst v4  }
0x736: {  	[tilespmem:s15+$0x0] =	vst v5  }
0x737: {  	s1 =	sor.u32 s22, s7;
	[tilespmem:s17+$0x0] =	vst v3;
	s17 =	sadd.s32 $0x1D880, s23  }
0x738: {  	[tilespmem:s1+$0x0] =	vst v48;
	s18 =	sor.u32 s21, s17  }
0x739: {  	[tilespmem:s18+$0x0] =	vst v1  }
0x73a: {  	v1 =	vld [tilespmem:$0x1F7B0];
	_ =	sdelay $0x2  }
0x73b: {  	v52 =	vld.idx.msk [tilespmem:v25+s3+$0x0], $0xffff  }
0x73c: {  	v53 =	vld.idx.msk [tilespmem:v26+s3+$0x0], $0xffff  }
0x73d: {  	v4 =	vld.idx.msk [tilespmem:v49+s3+$0x0], $0xffff  }
0x73e: {  	v57 =	vld.idx.msk [tilespmem:v59+s3+$0x0], $0xffff  }
0x73f: {  	s21 =	sor.u32 s19, s11;
	v58 =	vld.idx.msk [tilespmem:v58+s3+$0x0], $0xffff  }
0x740: {  	s23 =	sor.u32 s20, s11;
	[tilespmem:s21+$0x0] =	vst v52;
	v1 =	vld.idx.msk [tilespmem:v1+s3+$0x0], $0xffff  }
0x741: {  	s0 =	sor.u32 s22, s11;
	[tilespmem:s23+$0x0] =	vst v53;
	v59 =	vld.idx.msk [tilespmem:v43+s3+$0x0], $0xffff  }
0x742: {  	[tilespmem:s0+$0x0] =	vst v4;
	v4 =	vld.idx.msk [tilespmem:v16+s3+$0x0], $0xffff  }
0x743: {  	[tilespmem:s16+$0x0] =	vst v57;
	v60 =	vld.idx.msk [tilespmem:v24+s3+$0x0], $0xffff  }
0x744: {  	[tilespmem:s31+$0x0] =	vst v58  }
0x745: {  	s24 =	sor.u32 s19, s17;
	[tilespmem:s5+$0x0] =	vst v1  }
0x746: {  	s25 =	sor.u32 s20, s17;
	s2 =	rddreg [dreg:$0x3];
	[tilespmem:s24+$0x0] =	vst v59  }
0x747: {  	s1 =	sor.u32 s22, s17;
	s4 =	rddreg [dreg:$0x19];
	[tilespmem:s25+$0x0] =	vst v4  }
0x748: {  	[tilespmem:s1+$0x0] =	vst v60  }
0x749: {  	s5 =	rddreg [dreg:$0x1c]  }
0x74a: {  	v19 =	vld [tilespmem:$0x1FF20];
	s5 =	sadd.s32 $0x1, s5  }
0x74b: {  	v21 =	vld [tilespmem:$0x1FF50];
	p0 =	sne.s32 s5, $0x19  }
.Ltmp2:
0x74c: {  	s2 =	sshll.u32 s2, $0x13;
	v22 =	vld [tilespmem:$0x1FF40];
	(pc) =	sbr.rel @p0 .LBB2_2-.Ltmp2, $4  }
0x74d: {  	s28 =	rddreg [dreg:$0x1];
	s2 =	sor.u32 s4, s2;
	v23 =	vld [tilespmem:$0x1FF30]  }
0x74e: {  	s29 =	simm.s32 $0x1000;
	s30 =	simm.s32 $0x20000;
	v17 =	vld [tilespmem:$0x1FED0];
	s26 =	sshrl.u32 s2, $0x3  }
0x74f: {  	s17 =	simm.s32 $0x10100;
	s31 =	simm.s32 $0x1A500;
	v18 =	vld [tilespmem:$0x1FEE0];
	s0 =	sadd.s32 s28, s26  }
0x750: {  	v25 =	vmov v7;
	v43 =	vmov v10;
	v24 =	vmov v8;
	v48 =	vld [tilespmem:$0x1FE80];
	[hbm4b:s0+s29] =	stream.strided.scatter [tilespmem:s31], [sflag:$0x2], $0x4000, s30, s29, $0x38  }
0x751: {  	s0 =	simm.s32 $0x1  }
0x752: {  	_ =	swait.ge [sflag:s0], $0x4000  }
0x753: {  	[sflag:s0] =	ssyncset.done $0x0  }
0x754: {  	s1 =	simm.s32 $0x2;
	[sflag:s0] =	ssyncadd.s32 $0xFFFFC000  }
0x755: {  	_ =	swait.ge [sflag:s1], $0x4000  }
0x756: {  	s2 =	rddreg [dreg:$0x1b]  }
0x757: {  	s31 =	rddreg [dreg:$0x1a];
	s2 =	sadd.s32 $0x1, s2  }
0x758: {  	p0 =	sne.s32 s2, s31  }
.Ltmp3:
0x759: {  	_ = 	snop;
	(pc) =	sbr.rel @p0 .LBB2_1-.Ltmp3, $3  }
0x75a: {  	_ =	sdelay $0x1  }
0x75b: {  	[sflag:s1] =	ssyncset.done $0x0  }
0x75c: {  	[sflag:s1] =	ssyncadd.s32 $0xFFFFC000  }
0x75d: {  	_ =	sfence.sel $0x180000  }
0x75e: {  	[bflag:$0x0] =	sbarrier.arrive $0xFFFF  }
0x75f: {  	_ =	strace $0x90000047  }
0x760: {  	s0 =	stileid.u32;
	[bflag:$0x2] =	sbarrier.arrive $0xFFFF  }
0x761: {  	p0 =	sne.s32 s0, $0x0;
	s0 =	rddreg [dreg:$0x2]  }
0x762: {  	s0 =	sadd.s32 @!p0 $0x100000, s0  }
0x763: {  	[sflag:s0] =	ssyncadd.tile.s32 @!p0 $0x1;
	_ =	shalt  }
.Lfunc_end2:
_tile_overlayer_lowered:
.L_overlay_start_2:
0x764: {  	(tag) =	ssettag $0x2  }
0x765: {  	s0 =	rddreg [dreg:$0x0];
	s2 =	stileid.u32  }
0x766: {  	s1 =	rddreg [dreg:$0x1];
	p0 =	sne.s32 s2, $0x0  }
0x767: {  	s3 =	rddreg [dreg:$0x2];
	[bflag:$0x3] =	sbarrier.arrive $0xFFFF;
	s2 =	simm.s32 @!p0 $0x1C03  }
0x768: {  	[timem:s3], [sflag:s2] =	dma.local @!p0 [hbm:s0], s1  }
0x769: {  	s0 =	simm.s32 @!p0 $0x3  }
0x76a: {  	_ =	swait.ge @!p0 [sflag:s0], s1  }
0x76b: {  	s1 =	ssub.s32 @!p0 $0x0, s1;
	[sflag:s0] =	ssyncset.done @!p0 $0x0  }
0x76c: {  	[sflag:s0] =	ssyncadd.s32 @!p0 s1  }
0x76d: {  	[bflag:$0x3] =	sbarrier.arrive $0xFFFF  }
0x76e: {  	_ =	shalt  }

</sc_bundles>
